<compile_context>
chip_gen: v7x
topology: tpu7x:2x2x1
jax: 0.10.2.dev20260603
libtpu: 0.0.44.dev20260713+nightly
codegen_flags: <defaults>
</compile_context>

<pallas_src>
import functools

import jax
import jax.numpy as jnp
from jax import lax
from jax.experimental import pallas as pl
from jax.experimental.pallas import tpu as pltpu
from jax.experimental.pallas import tpu_sc as plsc

NC = 2
NS = 16
NW = NC * NS

CS = 128
SB = 16
NGRAPHS = 64


def _sc_mesh():
    return plsc.VectorSubcoreMesh(core_axis_name="c", subcore_axis_name="s")


def _make_deg_kernel(npad, ch, rpt):
    nfull = rpt // CS
    rem = rpt % CS

    @functools.partial(
        pl.kernel,
        out_type=jax.ShapeDtypeStruct((NC, npad, 16), jnp.float32),
        mesh=_sc_mesh(),
        scratch_types=[
            pltpu.VMEM((ch, CS), jnp.int32),
            pltpu.VMEM((CS, 16), jnp.float32),
            pltpu.VMEM((CS, 16), jnp.float32),
            pltpu.VMEM_SHARED((npad, 16), jnp.float32),
        ],
    )
    def deg_kernel(dst_hbm, out_hbm, dst_v, ones_v, zb, dacc):
        c = lax.axis_index("c")
        s = lax.axis_index("s")
        wid = s * NC + c
        base = s * rpt
        pltpu.sync_copy(dst_hbm.at[wid], dst_v)
        ones16 = jnp.ones((16,), jnp.float32)
        zeros16 = jnp.zeros((16,), jnp.float32)

        def _init(i, carry):
            ones_v[i, :] = ones16
            zb[i, :] = zeros16
            return carry

        lax.fori_loop(0, CS, _init, 0)

        def _zero(t, carry):
            pltpu.sync_copy(zb, dacc.at[pl.ds(base + t * CS, CS)])
            return carry

        lax.fori_loop(0, nfull, _zero, 0)
        if rem:
            pltpu.sync_copy(zb.at[pl.ds(0, rem)],
                            dacc.at[pl.ds(base + nfull * CS, rem)])
        plsc.subcore_barrier()

        def _body(j, carry):
            pltpu.sync_copy(ones_v, dacc.at[dst_v.at[j]], add=True)
            return carry

        lax.fori_loop(0, ch, _body, 0)
        plsc.subcore_barrier()

        def _out(t, carry):
            pltpu.sync_copy(dacc.at[pl.ds(base + t * CS, CS)], zb)
            pltpu.sync_copy(zb, out_hbm.at[c, pl.ds(base + t * CS, CS)])
            return carry

        lax.fori_loop(0, nfull, _out, 0)
        if rem:
            pltpu.sync_copy(dacc.at[pl.ds(base + nfull * CS, rem)],
                            zb.at[pl.ds(0, rem)])
            pltpu.sync_copy(zb.at[pl.ds(0, rem)],
                            out_hbm.at[c, pl.ds(base + nfull * CS, rem)])

    return deg_kernel


def _make_scatter_kernel(npad, d, ch, rpt):
    nfull = rpt // CS
    rem = rpt % CS

    @functools.partial(
        pl.kernel,
        out_type=jax.ShapeDtypeStruct((NC, npad, d), jnp.float32),
        mesh=_sc_mesh(),
        scratch_types=[
            pltpu.VMEM((ch, CS), jnp.int32),
            pltpu.VMEM((ch, CS), jnp.int32),
            pltpu.VMEM((CS, d), jnp.float32),
            pltpu.VMEM_SHARED((npad, d), jnp.float32),
            pltpu.SemaphoreType.DMA,
        ],
    )
    def scatter_kernel(y_hbm, src_hbm, dst_hbm, zeros_hbm, out_hbm,
                       src_v, dst_v, rows_v, acc, sem):
        c = lax.axis_index("c")
        s = lax.axis_index("s")
        wid = s * NC + c
        base = s * rpt
        pltpu.sync_copy(src_hbm.at[wid], src_v)
        pltpu.sync_copy(dst_hbm.at[wid], dst_v)
        pltpu.sync_copy(zeros_hbm, rows_v)

        def _zero(t, carry):
            pltpu.sync_copy(rows_v, acc.at[pl.ds(base + t * CS, CS)])
            return carry

        lax.fori_loop(0, nfull, _zero, 0)
        if rem:
            pltpu.sync_copy(rows_v.at[pl.ds(0, rem)],
                            acc.at[pl.ds(base + nfull * CS, rem)])
        plsc.subcore_barrier()

        def _body(j, carry):
            pltpu.async_copy(y_hbm.at[src_v.at[j]], rows_v, sem).wait()
            pltpu.sync_copy(rows_v, acc.at[dst_v.at[j]], add=True)
            return carry

        lax.fori_loop(0, ch, _body, 0)
        plsc.subcore_barrier()

        def _out(t, carry):
            pltpu.sync_copy(acc.at[pl.ds(base + t * CS, CS)], rows_v)
            pltpu.sync_copy(rows_v, out_hbm.at[c, pl.ds(base + t * CS, CS)])
            return carry

        lax.fori_loop(0, nfull, _out, 0)
        if rem:
            pltpu.sync_copy(acc.at[pl.ds(base + nfull * CS, rem)],
                            rows_v.at[pl.ds(0, rem)])
            pltpu.sync_copy(rows_v.at[pl.ds(0, rem)],
                            out_hbm.at[c, pl.ds(base + nfull * CS, rem)])

    return scatter_kernel


def kernel(x, edge_index, batch, W1, b1, W2, b2, W3, b3, W4, b4, W5, b5,
           Wlin, blin):
    n, d = x.shape
    e = edge_index.shape[1]
    nclasses = blin.shape[0]
    f32 = jnp.float32

    ept = -(-e // NW)
    ch = -(-ept // CS)
    epad = NW * ch * CS

    rpt = -(-n // (NS * 8)) * 8
    npad = NS * rpt
    pad_idx = n + 8

    src = edge_index[0]
    dst = edge_index[1]
    epad_fill = jnp.full((epad - e,), pad_idx, jnp.int32)
    src_r = jnp.concatenate([src, epad_fill]).reshape(NW, ch, CS)
    dst_r = jnp.concatenate([dst, epad_fill]).reshape(NW, ch, CS)
    x_pad = jnp.pad(x, ((0, npad - n), (0, 0)))
    zerosd = jnp.zeros((CS, d), f32)
    batch_r = batch.reshape(1, n)
    b1r, b2r, b3r, b4r, b5r = (bb.reshape(1, d) for bb in (b1, b2, b3, b4, b5))
    blin_r = blin.reshape(1, nclasses)

    deg_kernel = _make_deg_kernel(npad, ch, rpt)
    scatter_kernel = _make_scatter_kernel(npad, d, ch, rpt)

    def first_body(x_ref, w_ref, degp_ref, degq_ref, y_out, dinv_out):
        degp = degp_ref[0, :, 0:1] + degp_ref[1, :, 0:1]
        degq = degq_ref[0, :, 0:1] + degq_ref[1, :, 0:1]
        deg = jnp.maximum(degp, degq) + 1.0
        rows = lax.broadcasted_iota(jnp.int32, (npad, 1), 0)
        dinv = jnp.where(rows < n, lax.rsqrt(deg), 0.0)
        dinv_out[...] = dinv
        xw = jnp.dot(x_ref[...], w_ref[...], preferred_element_type=f32)
        y_out[...] = xw * dinv

    def mid_body(accp_ref, y_ref, dinv_ref, b_ref, w_ref, y_out):
        dinv = dinv_ref[...]
        pre = dinv * (accp_ref[0] + accp_ref[1] + y_ref[...]) + b_ref[...]
        h = jnp.maximum(pre, 0.0)
        y_out[...] = jnp.dot(h, w_ref[...], preferred_element_type=f32) * dinv

    def final_body(accp_ref, y_ref, dinv_ref, b_ref, batch_ref, wlin_ref,
                   blin_ref, out_ref):
        dinv = dinv_ref[...]
        h5 = dinv * (accp_ref[0] + accp_ref[1] + y_ref[...]) + b_ref[...]
        h = h5[:n]
        seg = (batch_ref[...] ==
               lax.broadcasted_iota(jnp.int32, (NGRAPHS, n), 0)).astype(f32)
        sums = jnp.dot(seg, h, preferred_element_type=f32)
        cnt = jnp.sum(seg, axis=1, keepdims=True)
        gmean = sums / jnp.maximum(cnt, 1.0)
        out_ref[...] = (jnp.dot(gmean, wlin_ref[...],
                                preferred_element_type=f32) + blin_ref[...])

    first_call = pl.pallas_call(first_body, out_shape=[
        jax.ShapeDtypeStruct((npad, d), f32),
        jax.ShapeDtypeStruct((npad, 1), f32),
    ])
    mid_call = pl.pallas_call(mid_body,
                              out_shape=jax.ShapeDtypeStruct((npad, d), f32))
    final_call = pl.pallas_call(
        final_body, out_shape=jax.ShapeDtypeStruct((NGRAPHS, nclasses), f32))

    degp = deg_kernel(dst_r)
    degq = deg_kernel(jnp.roll(dst_r, 1, axis=0))
    y, dinv = first_call(x_pad, W1, degp, degq)
    for w_next, b_cur in ((W2, b1r), (W3, b2r), (W4, b3r), (W5, b4r)):
        accp = scatter_kernel(y, src_r, dst_r, zerosd)
        y = mid_call(accp, y, dinv, b_cur, w_next)
    accp = scatter_kernel(y, src_r, dst_r, zerosd)
    return final_call(accp, y, dinv, b5r, batch_r, Wlin, blin_r)

# --- scband reference (transcript-rebuilt; emitter-appended) ---
"""Pipeline reference for scband-gcn5-39573828665577 (READ-ONLY COPY).

The authoritative reference and input builder live on the scoring server;
editing this copy changes nothing except your own understanding.
"""

import jax, jax.numpy as jnp
import numpy as np

N_NODES = 10000
N_EDGES = 320000
D_FEAT = 128
HIDDEN = 128
N_CLASSES = 10
N_GRAPHS = 64


def gcn_conv(x, edge_index, W, b):
    # x: [N, d_in] -> linear transform (PyG GCNConv: lin then propagate, bias added after)
    n = x.shape[0]
    xw = x @ W
    src = edge_index[0]
    dst = edge_index[1]
    # add self loops
    loop = jnp.arange(n, dtype=edge_index.dtype)
    src = jnp.concatenate([src, loop])
    dst = jnp.concatenate([dst, loop])
    # symmetric normalization deg^-1/2 A_hat deg^-1/2
    deg = jnp.zeros((n,), dtype=xw.dtype).at[dst].add(1.0)
    dinv = jnp.where(deg > 0, deg ** -0.5, 0.0)
    norm = dinv[src] * dinv[dst]
    msg = xw[src] * norm[:, None]
    out = jnp.zeros((n, xw.shape[1]), dtype=xw.dtype).at[dst].add(msg)
    return out + b


def global_mean_pool(x, batch, num_graphs):
    sums = jax.ops.segment_sum(x, batch, num_segments=num_graphs)
    cnt = jax.ops.segment_sum(jnp.ones((x.shape[0],), dtype=x.dtype), batch, num_segments=num_graphs)
    return sums / jnp.clip(cnt, 1.0)[:, None]


def setup_inputs(seed: int = 0) -> dict:
    key = jax.random.key(seed)
    ks = jax.random.split(key, 16)
    x = jax.random.normal(ks[0], (N_NODES, D_FEAT), dtype=jnp.float32)
    edge_index = jax.random.randint(ks[1], (2, N_EDGES), 0, N_NODES, dtype=jnp.int64 if jax.config.jax_enable_x64 else jnp.int32).astype(jnp.int32)
    batch = jnp.sort(jax.random.randint(ks[2], (N_NODES,), 0, N_GRAPHS)).astype(jnp.int32)
    def glorot(k, fan_in, fan_out):
        s = float(np.sqrt(6.0 / (fan_in + fan_out)))
        return jax.random.uniform(k, (fan_in, fan_out), dtype=jnp.float32, minval=-s, maxval=s)
    params = {
        'W1': glorot(ks[3], D_FEAT, HIDDEN), 'b1': jnp.zeros((HIDDEN,), jnp.float32),
        'W2': glorot(ks[4], HIDDEN, HIDDEN), 'b2': jnp.zeros((HIDDEN,), jnp.float32),
        'W3': glorot(ks[5], HIDDEN, HIDDEN), 'b3': jnp.zeros((HIDDEN,), jnp.float32),
        'W4': glorot(ks[6], HIDDEN, HIDDEN), 'b4': jnp.zeros((HIDDEN,), jnp.float32),
        'W5': glorot(ks[7], HIDDEN, HIDDEN), 'b5': jnp.zeros((HIDDEN,), jnp.float32),
        'Wlin': glorot(ks[8], HIDDEN, N_CLASSES), 'blin': jnp.zeros((N_CLASSES,), jnp.float32),
    }
    return {'x': x, 'edge_index': edge_index, 'batch': batch, **params}


def reference(x, edge_index, batch, W1, b1, W2, b2, W3, b3, W4, b4, W5, b5, Wlin, blin):
    h = jax.nn.relu(gcn_conv(x, edge_index, W1, b1))
    h = jax.nn.relu(gcn_conv(h, edge_index, W2, b2))
    h = jax.nn.relu(gcn_conv(h, edge_index, W3, b3))
    h = jax.nn.relu(gcn_conv(h, edge_index, W4, b4))
    h = gcn_conv(h, edge_index, W5, b5)
    g = global_mean_pool(h, batch, N_GRAPHS)
    # dropout p=0.5 is identity in eval mode
    out = g @ Wlin + blin
    return out

if __name__ == "__main__":
    import jax
    _d = setup_inputs()
    print(jax.jit(kernel)(*tuple(_d.values())))

</pallas_src>

<mosaic_0001>
#map = affine_map<(d0, d1) -> (0, 0, 0)>
module attributes {stable_mosaic.version = 14 : i64} {
  func.func @deg_kernel(%arg0: i32, %arg1: i32, %arg2: memref<32x79x128xi32, #tpu.memory_space<hbm>>, %arg3: memref<2x10112x16xf32, #tpu.memory_space<hbm>>, %arg4: memref<79x128xi32, #tpu.memory_space<vmem>>, %arg5: memref<128x16xf32, #tpu.memory_space<vmem>>, %arg6: memref<128x16xf32, #tpu.memory_space<vmem>>, %arg7: memref<10112x16xf32, #tpu.memory_space<vmem_shared>>) attributes {dimension_semantics = [#tpu.dimension_semantics<core_parallel>, #tpu.dimension_semantics<subcore_parallel>], iteration_bounds = array<i64: 2, 16>, scalar_prefetch = 0 : i64, scratch_operands = 4 : i64, tpu.core_type = #tpu.core_type<sc_vector_subcore>, window_params = [{transform_indices = #map}, {transform_indices = #map}]} {
    %mul3A = arith.constant 2 : i32
    %mul3A_0 = arith.muli %arg1, %mul3A : i32
    %add3A = arith.addi %mul3A_0, %arg0 : i32
    %mul3A_1 = arith.constant 632 : i32
    %mul3A_2 = arith.muli %arg1, %mul3A_1 : i32
    "tpu.region"() ({
      %run_scoped3A = tpu.sem_alloc : memref<!tpu.dma_semaphore, #tpu.memory_space<semaphore_mem>>
      %dma_start3A = arith.constant 0 : i32
      %dma_start3A_36 = arith.constant 0 : i32
      %dma_start3A_37 = tpu.memref_slice %arg2[%add3A, %dma_start3A, %dma_start3A_36] : memref<32x79x128xi32, #tpu.memory_space<hbm>> -> memref<1x79x128xi32, #tpu.memory_space<hbm>>
      %dma_start3A_38 = tpu.memref_squeeze %dma_start3A_37 : memref<1x79x128xi32, #tpu.memory_space<hbm>> -> memref<79x128xi32, #tpu.memory_space<hbm>>
      %dma_start3A_39 = arith.constant 0 : i32
      %dma_start3A_40 = arith.constant 0 : i32
      %dma_start3A_41 = tpu.memref_slice %arg2[%add3A, %dma_start3A_39, %dma_start3A_40] : memref<32x79x128xi32, #tpu.memory_space<hbm>> -> memref<1x79x128xi32, #tpu.memory_space<hbm>>
      %dma_start3A_42 = tpu.memref_squeeze %dma_start3A_41 : memref<1x79x128xi32, #tpu.memory_space<hbm>> -> memref<79x128xi32, #tpu.memory_space<hbm>>
      tpu.enqueue_dma source(%dma_start3A_42 : memref<79x128xi32, #tpu.memory_space<hbm>>) target(%arg4 : memref<79x128xi32, #tpu.memory_space<vmem>>) target_semaphore(%run_scoped3A : memref<!tpu.dma_semaphore, #tpu.memory_space<semaphore_mem>>)
      %dma_wait3A = arith.constant 0 : i32
      %dma_wait3A_43 = arith.constant 0 : i32
      %dma_wait3A_44 = tpu.memref_slice %arg2[%add3A, %dma_wait3A, %dma_wait3A_43] : memref<32x79x128xi32, #tpu.memory_space<hbm>> -> memref<1x79x128xi32, #tpu.memory_space<hbm>>
      %dma_wait3A_45 = tpu.memref_squeeze %dma_wait3A_44 : memref<1x79x128xi32, #tpu.memory_space<hbm>> -> memref<79x128xi32, #tpu.memory_space<hbm>>
      %dma_wait3A_46 = arith.constant 0 : i32
      %dma_wait3A_47 = arith.constant 0 : i32
      %dma_wait3A_48 = tpu.memref_slice %arg2[%add3A, %dma_wait3A_46, %dma_wait3A_47] : memref<32x79x128xi32, #tpu.memory_space<hbm>> -> memref<1x79x128xi32, #tpu.memory_space<hbm>>
      %dma_wait3A_49 = tpu.memref_squeeze %dma_wait3A_48 : memref<1x79x128xi32, #tpu.memory_space<hbm>> -> memref<79x128xi32, #tpu.memory_space<hbm>>
      tpu.wait_dma2 semaphore(%run_scoped3A : memref<!tpu.dma_semaphore, #tpu.memory_space<semaphore_mem>>) src(%dma_wait3A_49 : memref<79x128xi32, #tpu.memory_space<hbm>>) dst(%arg4 : memref<79x128xi32, #tpu.memory_space<vmem>>)
      tpu.yield
    }) : () -> ()
    %broadcast_in_dim3A = arith.constant 1.000000e+00 : f32
    %broadcast_in_dim3A_3 = vector.broadcast %broadcast_in_dim3A : f32 to vector<16xf32>
    %broadcast_in_dim3A_4 = arith.constant 0.000000e+00 : f32
    %broadcast_in_dim3A_5 = vector.broadcast %broadcast_in_dim3A_4 : f32 to vector<16xf32>
    %scan3A = arith.constant 0 : i32
    %scan3A_6 = arith.constant 0 : i32
    %scan3A_7 = arith.constant 128 : i32
    %scan3A_8 = arith.addi %scan3A_6, %scan3A_7 : i32
    %scan3A_9 = arith.constant 1 : i32
    scf.for %scan3A_36 = %scan3A_6 to %scan3A_8 step %scan3A_9  : i32 {
      %swap3A = arith.index_cast %scan3A_36 : i32 to index
      %swap3A_37 = arith.constant 0 : index
      %swap3A_38 = tpu.vector_load %arg5[%swap3A, %swap3A_37] {strides = array<i32>} : memref<128x16xf32, #tpu.memory_space<vmem>>, vector<1x16xf32>,
      %swap3A_39 = vector.shape_cast %swap3A_38 : vector<1x16xf32> to vector<16xf32>
      %swap3A_40 = vector.shape_cast %broadcast_in_dim3A_3 : vector<16xf32> to vector<1x16xf32>
      tpu.vector_store %arg5[%swap3A, %swap3A_37], %swap3A_40 {strides = array<i32>} : memref<128x16xf32, #tpu.memory_space<vmem>>, vector<1x16xf32>,
      %swap3A_41 = arith.index_cast %scan3A_36 : i32 to index
      %swap3A_42 = arith.constant 0 : index
      %swap3A_43 = tpu.vector_load %arg6[%swap3A_41, %swap3A_42] {strides = array<i32>} : memref<128x16xf32, #tpu.memory_space<vmem>>, vector<1x16xf32>,
      %swap3A_44 = vector.shape_cast %swap3A_43 : vector<1x16xf32> to vector<16xf32>
      %swap3A_45 = vector.shape_cast %broadcast_in_dim3A_5 : vector<16xf32> to vector<1x16xf32>
      tpu.vector_store %arg6[%swap3A_41, %swap3A_42], %swap3A_45 {strides = array<i32>} : memref<128x16xf32, #tpu.memory_space<vmem>>, vector<1x16xf32>,
    }
    %scan3A_10 = arith.constant 128 : i32
    %scan3A_11 = arith.constant 0 : i32
    %scan3A_12 = arith.constant 0 : i32
    %scan3A_13 = arith.constant 4 : i32
    %scan3A_14 = arith.addi %scan3A_12, %scan3A_13 : i32
    %scan3A_15 = arith.constant 1 : i32
    scf.for %scan3A_36 = %scan3A_12 to %scan3A_14 step %scan3A_15  : i32 {
      %mul3A_37 = arith.constant 128 : i32
      %mul3A_38 = arith.muli %scan3A_36, %mul3A_37 : i32
      %add3A_39 = arith.addi %mul3A_2, %mul3A_38 : i32
      "tpu.region"() ({
        %run_scoped3A = tpu.sem_alloc : memref<!tpu.dma_semaphore, #tpu.memory_space<semaphore_mem>>
        %dma_start3A = arith.constant 0 : i32
        %dma_start3A_40 = tpu.memref_slice %arg7[%add3A_39, %dma_start3A] : memref<10112x16xf32, #tpu.memory_space<vmem_shared>> -> memref<128x16xf32, #tpu.memory_space<vmem_shared>>
        %dma_start3A_41 = arith.constant 0 : i32
        %dma_start3A_42 = tpu.memref_slice %arg7[%add3A_39, %dma_start3A_41] : memref<10112x16xf32, #tpu.memory_space<vmem_shared>> -> memref<128x16xf32, #tpu.memory_space<vmem_shared>>
        tpu.enqueue_dma source(%arg6 : memref<128x16xf32, #tpu.memory_space<vmem>>) target(%dma_start3A_42 : memref<128x16xf32, #tpu.memory_space<vmem_shared>>) target_semaphore(%run_scoped3A : memref<!tpu.dma_semaphore, #tpu.memory_space<semaphore_mem>>)
        %dma_wait3A = arith.constant 0 : i32
        %dma_wait3A_43 = tpu.memref_slice %arg7[%add3A_39, %dma_wait3A] : memref<10112x16xf32, #tpu.memory_space<vmem_shared>> -> memref<128x16xf32, #tpu.memory_space<vmem_shared>>
        %dma_wait3A_44 = arith.constant 0 : i32
        %dma_wait3A_45 = tpu.memref_slice %arg7[%add3A_39, %dma_wait3A_44] : memref<10112x16xf32, #tpu.memory_space<vmem_shared>> -> memref<128x16xf32, #tpu.memory_space<vmem_shared>>
        tpu.wait_dma2 semaphore(%run_scoped3A : memref<!tpu.dma_semaphore, #tpu.memory_space<semaphore_mem>>) src(%arg6 : memref<128x16xf32, #tpu.memory_space<vmem>>) dst(%dma_wait3A_45 : memref<128x16xf32, #tpu.memory_space<vmem_shared>>)
        tpu.yield
      }) : () -> ()
    }
    %scan3A_16 = arith.constant 4 : i32
    %add3A_17 = arith.constant 512 : i32
    %add3A_18 = arith.addi %mul3A_2, %add3A_17 : i32
    "tpu.region"() ({
      %run_scoped3A = tpu.sem_alloc : memref<!tpu.dma_semaphore, #tpu.memory_space<semaphore_mem>>
      %dma_start3A = arith.constant 0 : i32
      %dma_start3A_36 = arith.constant 0 : i32
      %dma_start3A_37 = tpu.memref_slice %arg6[%dma_start3A, %dma_start3A_36] : memref<128x16xf32, #tpu.memory_space<vmem>> -> memref<120x16xf32, #tpu.memory_space<vmem>>
      %dma_start3A_38 = arith.constant 0 : i32
      %dma_start3A_39 = tpu.memref_slice %arg7[%add3A_18, %dma_start3A_38] : memref<10112x16xf32, #tpu.memory_space<vmem_shared>> -> memref<120x16xf32, #tpu.memory_space<vmem_shared>>
      %dma_start3A_40 = arith.constant 0 : i32
      %dma_start3A_41 = tpu.memref_slice %arg7[%add3A_18, %dma_start3A_40] : memref<10112x16xf32, #tpu.memory_space<vmem_shared>> -> memref<120x16xf32, #tpu.memory_space<vmem_shared>>
      %dma_start3A_42 = arith.constant 0 : i32
      %dma_start3A_43 = arith.constant 0 : i32
      %dma_start3A_44 = tpu.memref_slice %arg6[%dma_start3A_42, %dma_start3A_43] : memref<128x16xf32, #tpu.memory_space<vmem>> -> memref<120x16xf32, #tpu.memory_space<vmem>>
      tpu.enqueue_dma source(%dma_start3A_44 : memref<120x16xf32, #tpu.memory_space<vmem>>) target(%dma_start3A_41 : memref<120x16xf32, #tpu.memory_space<vmem_shared>>) target_semaphore(%run_scoped3A : memref<!tpu.dma_semaphore, #tpu.memory_space<semaphore_mem>>)
      %dma_wait3A = arith.constant 0 : i32
      %dma_wait3A_45 = arith.constant 0 : i32
      %dma_wait3A_46 = tpu.memref_slice %arg6[%dma_wait3A, %dma_wait3A_45] : memref<128x16xf32, #tpu.memory_space<vmem>> -> memref<120x16xf32, #tpu.memory_space<vmem>>
      %dma_wait3A_47 = arith.constant 0 : i32
      %dma_wait3A_48 = tpu.memref_slice %arg7[%add3A_18, %dma_wait3A_47] : memref<10112x16xf32, #tpu.memory_space<vmem_shared>> -> memref<120x16xf32, #tpu.memory_space<vmem_shared>>
      %dma_wait3A_49 = arith.constant 0 : i32
      %dma_wait3A_50 = tpu.memref_slice %arg7[%add3A_18, %dma_wait3A_49] : memref<10112x16xf32, #tpu.memory_space<vmem_shared>> -> memref<120x16xf32, #tpu.memory_space<vmem_shared>>
      %dma_wait3A_51 = arith.constant 0 : i32
      %dma_wait3A_52 = arith.constant 0 : i32
      %dma_wait3A_53 = tpu.memref_slice %arg6[%dma_wait3A_51, %dma_wait3A_52] : memref<128x16xf32, #tpu.memory_space<vmem>> -> memref<120x16xf32, #tpu.memory_space<vmem>>
      tpu.wait_dma2 semaphore(%run_scoped3A : memref<!tpu.dma_semaphore, #tpu.memory_space<semaphore_mem>>) src(%dma_wait3A_53 : memref<120x16xf32, #tpu.memory_space<vmem>>) dst(%dma_wait3A_50 : memref<120x16xf32, #tpu.memory_space<vmem_shared>>)
      tpu.yield
    }) : () -> ()
    %barrier3A = arith.constant 0 : index
    tpu.barrier barrier_id(%barrier3A)
    %scan3A_19 = arith.constant 0 : i32
    %scan3A_20 = arith.constant 0 : i32
    %scan3A_21 = arith.constant 79 : i32
    %scan3A_22 = arith.addi %scan3A_20, %scan3A_21 : i32
    %scan3A_23 = arith.constant 1 : i32
    scf.for %scan3A_36 = %scan3A_20 to %scan3A_22 step %scan3A_23  : i32 {
      "tpu.region"() ({
        %run_scoped3A = tpu.sem_alloc : memref<!tpu.dma_semaphore, #tpu.memory_space<semaphore_mem>>
        %dma_start3A = arith.constant 0 : i32
        %dma_start3A_37 = tpu.memref_slice %arg4[%scan3A_36, %dma_start3A] : memref<79x128xi32, #tpu.memory_space<vmem>> -> memref<1x128xi32, #tpu.memory_space<vmem>>
        %dma_start3A_38 = tpu.memref_squeeze %dma_start3A_37 : memref<1x128xi32, #tpu.memory_space<vmem>> -> memref<128xi32, #tpu.memory_space<vmem>>
        %dma_start3A_39 = arith.constant 0 : i32
        %dma_start3A_40 = arith.constant 0 : i32
        %dma_start3A_41 = tpu.memref_slice %arg7[%dma_start3A_39, %dma_start3A_40] : memref<10112x16xf32, #tpu.memory_space<vmem_shared>> -> memref<10112x16xf32, #tpu.memory_space<vmem_shared>>
        tpu.enqueue_indirect_dma source(%arg5 : memref<128x16xf32, #tpu.memory_space<vmem>>) target(%dma_start3A_41 : memref<10112x16xf32, #tpu.memory_space<vmem_shared>>) offsets(%dma_start3A_38 : memref<128xi32, #tpu.memory_space<vmem>>) semaphore(%run_scoped3A : memref<!tpu.dma_semaphore, #tpu.memory_space<semaphore_mem>>) {add = true}
        %dma_wait3A = arith.constant 0 : i32
        %dma_wait3A_42 = tpu.memref_slice %arg4[%scan3A_36, %dma_wait3A] : memref<79x128xi32, #tpu.memory_space<vmem>> -> memref<1x128xi32, #tpu.memory_space<vmem>>
        %dma_wait3A_43 = tpu.memref_squeeze %dma_wait3A_42 : memref<1x128xi32, #tpu.memory_space<vmem>> -> memref<128xi32, #tpu.memory_space<vmem>>
        %dma_wait3A_44 = arith.constant 0 : i32
        %dma_wait3A_45 = arith.constant 0 : i32
        %dma_wait3A_46 = tpu.memref_slice %arg7[%dma_wait3A_44, %dma_wait3A_45] : memref<10112x16xf32, #tpu.memory_space<vmem_shared>> -> memref<10112x16xf32, #tpu.memory_space<vmem_shared>>
        tpu.wait_indirect_dma semaphore(%run_scoped3A : memref<!tpu.dma_semaphore, #tpu.memory_space<semaphore_mem>>) src(%arg5 : memref<128x16xf32, #tpu.memory_space<vmem>>) dst(%dma_wait3A_46 : memref<10112x16xf32, #tpu.memory_space<vmem_shared>>)
        tpu.yield
      }) : () -> ()
    }
    %scan3A_24 = arith.constant 79 : i32
    %barrier3A_25 = arith.constant 0 : index
    tpu.barrier barrier_id(%barrier3A_25)
    %scan3A_26 = arith.constant 0 : i32
    %scan3A_27 = arith.constant 0 : i32
    %scan3A_28 = arith.constant 4 : i32
    %scan3A_29 = arith.addi %scan3A_27, %scan3A_28 : i32
    %scan3A_30 = arith.constant 1 : i32
    scf.for %scan3A_36 = %scan3A_27 to %scan3A_29 step %scan3A_30  : i32 {
      %mul3A_37 = arith.constant 128 : i32
      %mul3A_38 = arith.muli %scan3A_36, %mul3A_37 : i32
      %add3A_39 = arith.addi %mul3A_2, %mul3A_38 : i32
      "tpu.region"() ({
        %run_scoped3A = tpu.sem_alloc : memref<!tpu.dma_semaphore, #tpu.memory_space<semaphore_mem>>
        %dma_start3A = arith.constant 0 : i32
        %dma_start3A_43 = tpu.memref_slice %arg7[%add3A_39, %dma_start3A] : memref<10112x16xf32, #tpu.memory_space<vmem_shared>> -> memref<128x16xf32, #tpu.memory_space<vmem_shared>>
        %dma_start3A_44 = arith.constant 0 : i32
        %dma_start3A_45 = tpu.memref_slice %arg7[%add3A_39, %dma_start3A_44] : memref<10112x16xf32, #tpu.memory_space<vmem_shared>> -> memref<128x16xf32, #tpu.memory_space<vmem_shared>>
        tpu.enqueue_dma source(%dma_start3A_45 : memref<128x16xf32, #tpu.memory_space<vmem_shared>>) target(%arg6 : memref<128x16xf32, #tpu.memory_space<vmem>>) target_semaphore(%run_scoped3A : memref<!tpu.dma_semaphore, #tpu.memory_space<semaphore_mem>>)
        %dma_wait3A = arith.constant 0 : i32
        %dma_wait3A_46 = tpu.memref_slice %arg7[%add3A_39, %dma_wait3A] : memref<10112x16xf32, #tpu.memory_space<vmem_shared>> -> memref<128x16xf32, #tpu.memory_space<vmem_shared>>
        %dma_wait3A_47 = arith.constant 0 : i32
        %dma_wait3A_48 = tpu.memref_slice %arg7[%add3A_39, %dma_wait3A_47] : memref<10112x16xf32, #tpu.memory_space<vmem_shared>> -> memref<128x16xf32, #tpu.memory_space<vmem_shared>>
        tpu.wait_dma2 semaphore(%run_scoped3A : memref<!tpu.dma_semaphore, #tpu.memory_space<semaphore_mem>>) src(%dma_wait3A_48 : memref<128x16xf32, #tpu.memory_space<vmem_shared>>) dst(%arg6 : memref<128x16xf32, #tpu.memory_space<vmem>>)
        tpu.yield
      }) : () -> ()
      %mul3A_40 = arith.constant 128 : i32
      %mul3A_41 = arith.muli %scan3A_36, %mul3A_40 : i32
      %add3A_42 = arith.addi %mul3A_2, %mul3A_41 : i32
      "tpu.region"() ({
        %run_scoped3A = tpu.sem_alloc : memref<!tpu.dma_semaphore, #tpu.memory_space<semaphore_mem>>
        %dma_start3A = arith.constant 0 : i32
        %dma_start3A_43 = tpu.memref_slice %arg3[%arg0, %add3A_42, %dma_start3A] : memref<2x10112x16xf32, #tpu.memory_space<hbm>> -> memref<1x128x16xf32, #tpu.memory_space<hbm>>
        %dma_start3A_44 = tpu.memref_squeeze %dma_start3A_43 : memref<1x128x16xf32, #tpu.memory_space<hbm>> -> memref<128x16xf32, #tpu.memory_space<hbm>>
        %dma_start3A_45 = arith.constant 0 : i32
        %dma_start3A_46 = tpu.memref_slice %arg3[%arg0, %add3A_42, %dma_start3A_45] : memref<2x10112x16xf32, #tpu.memory_space<hbm>> -> memref<1x128x16xf32, #tpu.memory_space<hbm>>
        %dma_start3A_47 = tpu.memref_squeeze %dma_start3A_46 : memref<1x128x16xf32, #tpu.memory_space<hbm>> -> memref<128x16xf32, #tpu.memory_space<hbm>>
        tpu.enqueue_dma source(%arg6 : memref<128x16xf32, #tpu.memory_space<vmem>>) target(%dma_start3A_47 : memref<128x16xf32, #tpu.memory_space<hbm>>) target_semaphore(%run_scoped3A : memref<!tpu.dma_semaphore, #tpu.memory_space<semaphore_mem>>)
        %dma_wait3A = arith.constant 0 : i32
        %dma_wait3A_48 = tpu.memref_slice %arg3[%arg0, %add3A_42, %dma_wait3A] : memref<2x10112x16xf32, #tpu.memory_space<hbm>> -> memref<1x128x16xf32, #tpu.memory_space<hbm>>
        %dma_wait3A_49 = tpu.memref_squeeze %dma_wait3A_48 : memref<1x128x16xf32, #tpu.memory_space<hbm>> -> memref<128x16xf32, #tpu.memory_space<hbm>>
        %dma_wait3A_50 = arith.constant 0 : i32
        %dma_wait3A_51 = tpu.memref_slice %arg3[%arg0, %add3A_42, %dma_wait3A_50] : memref<2x10112x16xf32, #tpu.memory_space<hbm>> -> memref<1x128x16xf32, #tpu.memory_space<hbm>>
        %dma_wait3A_52 = tpu.memref_squeeze %dma_wait3A_51 : memref<1x128x16xf32, #tpu.memory_space<hbm>> -> memref<128x16xf32, #tpu.memory_space<hbm>>
        tpu.wait_dma2 semaphore(%run_scoped3A : memref<!tpu.dma_semaphore, #tpu.memory_space<semaphore_mem>>) src(%arg6 : memref<128x16xf32, #tpu.memory_space<vmem>>) dst(%dma_wait3A_52 : memref<128x16xf32, #tpu.memory_space<hbm>>)
        tpu.yield
      }) : () -> ()
    }
    %scan3A_31 = arith.constant 4 : i32
    %add3A_32 = arith.constant 512 : i32
    %add3A_33 = arith.addi %mul3A_2, %add3A_32 : i32
    "tpu.region"() ({
      %run_scoped3A = tpu.sem_alloc : memref<!tpu.dma_semaphore, #tpu.memory_space<semaphore_mem>>
      %dma_start3A = arith.constant 0 : i32
      %dma_start3A_36 = arith.constant 0 : i32
      %dma_start3A_37 = tpu.memref_slice %arg6[%dma_start3A, %dma_start3A_36] : memref<128x16xf32, #tpu.memory_space<vmem>> -> memref<120x16xf32, #tpu.memory_space<vmem>>
      %dma_start3A_38 = arith.constant 0 : i32
      %dma_start3A_39 = tpu.memref_slice %arg7[%add3A_33, %dma_start3A_38] : memref<10112x16xf32, #tpu.memory_space<vmem_shared>> -> memref<120x16xf32, #tpu.memory_space<vmem_shared>>
      %dma_start3A_40 = arith.constant 0 : i32
      %dma_start3A_41 = arith.constant 0 : i32
      %dma_start3A_42 = tpu.memref_slice %arg6[%dma_start3A_40, %dma_start3A_41] : memref<128x16xf32, #tpu.memory_space<vmem>> -> memref<120x16xf32, #tpu.memory_space<vmem>>
      %dma_start3A_43 = arith.constant 0 : i32
      %dma_start3A_44 = tpu.memref_slice %arg7[%add3A_33, %dma_start3A_43] : memref<10112x16xf32, #tpu.memory_space<vmem_shared>> -> memref<120x16xf32, #tpu.memory_space<vmem_shared>>
      tpu.enqueue_dma source(%dma_start3A_44 : memref<120x16xf32, #tpu.memory_space<vmem_shared>>) target(%dma_start3A_42 : memref<120x16xf32, #tpu.memory_space<vmem>>) target_semaphore(%run_scoped3A : memref<!tpu.dma_semaphore, #tpu.memory_space<semaphore_mem>>)
      %dma_wait3A = arith.constant 0 : i32
      %dma_wait3A_45 = arith.constant 0 : i32
      %dma_wait3A_46 = tpu.memref_slice %arg6[%dma_wait3A, %dma_wait3A_45] : memref<128x16xf32, #tpu.memory_space<vmem>> -> memref<120x16xf32, #tpu.memory_space<vmem>>
      %dma_wait3A_47 = arith.constant 0 : i32
      %dma_wait3A_48 = tpu.memref_slice %arg7[%add3A_33, %dma_wait3A_47] : memref<10112x16xf32, #tpu.memory_space<vmem_shared>> -> memref<120x16xf32, #tpu.memory_space<vmem_shared>>
      %dma_wait3A_49 = arith.constant 0 : i32
      %dma_wait3A_50 = arith.constant 0 : i32
      %dma_wait3A_51 = tpu.memref_slice %arg6[%dma_wait3A_49, %dma_wait3A_50] : memref<128x16xf32, #tpu.memory_space<vmem>> -> memref<120x16xf32, #tpu.memory_space<vmem>>
      %dma_wait3A_52 = arith.constant 0 : i32
      %dma_wait3A_53 = tpu.memref_slice %arg7[%add3A_33, %dma_wait3A_52] : memref<10112x16xf32, #tpu.memory_space<vmem_shared>> -> memref<120x16xf32, #tpu.memory_space<vmem_shared>>
      tpu.wait_dma2 semaphore(%run_scoped3A : memref<!tpu.dma_semaphore, #tpu.memory_space<semaphore_mem>>) src(%dma_wait3A_53 : memref<120x16xf32, #tpu.memory_space<vmem_shared>>) dst(%dma_wait3A_51 : memref<120x16xf32, #tpu.memory_space<vmem>>)
      tpu.yield
    }) : () -> ()
    %add3A_34 = arith.constant 512 : i32
    %add3A_35 = arith.addi %mul3A_2, %add3A_34 : i32
    "tpu.region"() ({
      %run_scoped3A = tpu.sem_alloc : memref<!tpu.dma_semaphore, #tpu.memory_space<semaphore_mem>>
      %dma_start3A = arith.constant 0 : i32
      %dma_start3A_36 = arith.constant 0 : i32
      %dma_start3A_37 = tpu.memref_slice %arg6[%dma_start3A, %dma_start3A_36] : memref<128x16xf32, #tpu.memory_space<vmem>> -> memref<120x16xf32, #tpu.memory_space<vmem>>
      %dma_start3A_38 = arith.constant 0 : i32
      %dma_start3A_39 = tpu.memref_slice %arg3[%arg0, %add3A_35, %dma_start3A_38] : memref<2x10112x16xf32, #tpu.memory_space<hbm>> -> memref<1x120x16xf32, #tpu.memory_space<hbm>>
      %dma_start3A_40 = tpu.memref_squeeze %dma_start3A_39 : memref<1x120x16xf32, #tpu.memory_space<hbm>> -> memref<120x16xf32, #tpu.memory_space<hbm>>
      %dma_start3A_41 = arith.constant 0 : i32
      %dma_start3A_42 = tpu.memref_slice %arg3[%arg0, %add3A_35, %dma_start3A_41] : memref<2x10112x16xf32, #tpu.memory_space<hbm>> -> memref<1x120x16xf32, #tpu.memory_space<hbm>>
      %dma_start3A_43 = tpu.memref_squeeze %dma_start3A_42 : memref<1x120x16xf32, #tpu.memory_space<hbm>> -> memref<120x16xf32, #tpu.memory_space<hbm>>
      %dma_start3A_44 = arith.constant 0 : i32
      %dma_start3A_45 = arith.constant 0 : i32
      %dma_start3A_46 = tpu.memref_slice %arg6[%dma_start3A_44, %dma_start3A_45] : memref<128x16xf32, #tpu.memory_space<vmem>> -> memref<120x16xf32, #tpu.memory_space<vmem>>
      tpu.enqueue_dma source(%dma_start3A_46 : memref<120x16xf32, #tpu.memory_space<vmem>>) target(%dma_start3A_43 : memref<120x16xf32, #tpu.memory_space<hbm>>) target_semaphore(%run_scoped3A : memref<!tpu.dma_semaphore, #tpu.memory_space<semaphore_mem>>)
      %dma_wait3A = arith.constant 0 : i32
      %dma_wait3A_47 = arith.constant 0 : i32
      %dma_wait3A_48 = tpu.memref_slice %arg6[%dma_wait3A, %dma_wait3A_47] : memref<128x16xf32, #tpu.memory_space<vmem>> -> memref<120x16xf32, #tpu.memory_space<vmem>>
      %dma_wait3A_49 = arith.constant 0 : i32
      %dma_wait3A_50 = tpu.memref_slice %arg3[%arg0, %add3A_35, %dma_wait3A_49] : memref<2x10112x16xf32, #tpu.memory_space<hbm>> -> memref<1x120x16xf32, #tpu.memory_space<hbm>>
      %dma_wait3A_51 = tpu.memref_squeeze %dma_wait3A_50 : memref<1x120x16xf32, #tpu.memory_space<hbm>> -> memref<120x16xf32, #tpu.memory_space<hbm>>
      %dma_wait3A_52 = arith.constant 0 : i32
      %dma_wait3A_53 = tpu.memref_slice %arg3[%arg0, %add3A_35, %dma_wait3A_52] : memref<2x10112x16xf32, #tpu.memory_space<hbm>> -> memref<1x120x16xf32, #tpu.memory_space<hbm>>
      %dma_wait3A_54 = tpu.memref_squeeze %dma_wait3A_53 : memref<1x120x16xf32, #tpu.memory_space<hbm>> -> memref<120x16xf32, #tpu.memory_space<hbm>>
      %dma_wait3A_55 = arith.constant 0 : i32
      %dma_wait3A_56 = arith.constant 0 : i32
      %dma_wait3A_57 = tpu.memref_slice %arg6[%dma_wait3A_55, %dma_wait3A_56] : memref<128x16xf32, #tpu.memory_space<vmem>> -> memref<120x16xf32, #tpu.memory_space<vmem>>
      tpu.wait_dma2 semaphore(%run_scoped3A : memref<!tpu.dma_semaphore, #tpu.memory_space<semaphore_mem>>) src(%dma_wait3A_57 : memref<120x16xf32, #tpu.memory_space<vmem>>) dst(%dma_wait3A_54 : memref<120x16xf32, #tpu.memory_space<hbm>>)
      tpu.yield
    }) : () -> ()
    return
  }
}

#map = affine_map<(d0, d1) -> (0, 0)>
#map1 = affine_map<(d0, d1) -> (0, 0, 0)>
module attributes {stable_mosaic.version = 14 : i64} {
  func.func @scatter_kernel(%arg0: i32, %arg1: i32, %arg2: memref<10112x128xf32, #tpu.memory_space<hbm>>, %arg3: memref<32x79x128xi32, #tpu.memory_space<hbm>>, %arg4: memref<32x79x128xi32, #tpu.memory_space<hbm>>, %arg5: memref<128x128xf32, #tpu.memory_space<hbm>>, %arg6: memref<2x10112x128xf32, #tpu.memory_space<hbm>>, %arg7: memref<79x128xi32, #tpu.memory_space<vmem>>, %arg8: memref<79x128xi32, #tpu.memory_space<vmem>>, %arg9: memref<128x128xf32, #tpu.memory_space<vmem>>, %arg10: memref<10112x128xf32, #tpu.memory_space<vmem_shared>>, %arg11: memref<!tpu.dma_semaphore, #tpu.memory_space<semaphore_mem>>) attributes {dimension_semantics = [#tpu.dimension_semantics<core_parallel>, #tpu.dimension_semantics<subcore_parallel>], iteration_bounds = array<i64: 2, 16>, scalar_prefetch = 0 : i64, scratch_operands = 5 : i64, tpu.core_type = #tpu.core_type<sc_vector_subcore>, window_params = [{transform_indices = #map}, {transform_indices = #map1}, {transform_indices = #map1}, {transform_indices = #map}, {transform_indices = #map1}]} {
    %mul3A = arith.constant 2 : i32
    %mul3A_0 = arith.muli %arg1, %mul3A : i32
    %add3A = arith.addi %mul3A_0, %arg0 : i32
    %mul3A_1 = arith.constant 632 : i32
    %mul3A_2 = arith.muli %arg1, %mul3A_1 : i32
    "tpu.region"() ({
      %run_scoped3A = tpu.sem_alloc : memref<!tpu.dma_semaphore, #tpu.memory_space<semaphore_mem>>
      %dma_start3A = arith.constant 0 : i32
      %dma_start3A_27 = arith.constant 0 : i32
      %dma_start3A_28 = tpu.memref_slice %arg3[%add3A, %dma_start3A, %dma_start3A_27] : memref<32x79x128xi32, #tpu.memory_space<hbm>> -> memref<1x79x128xi32, #tpu.memory_space<hbm>>
      %dma_start3A_29 = tpu.memref_squeeze %dma_start3A_28 : memref<1x79x128xi32, #tpu.memory_space<hbm>> -> memref<79x128xi32, #tpu.memory_space<hbm>>
      %dma_start3A_30 = arith.constant 0 : i32
      %dma_start3A_31 = arith.constant 0 : i32
      %dma_start3A_32 = tpu.memref_slice %arg3[%add3A, %dma_start3A_30, %dma_start3A_31] : memref<32x79x128xi32, #tpu.memory_space<hbm>> -> memref<1x79x128xi32, #tpu.memory_space<hbm>>
      %dma_start3A_33 = tpu.memref_squeeze %dma_start3A_32 : memref<1x79x128xi32, #tpu.memory_space<hbm>> -> memref<79x128xi32, #tpu.memory_space<hbm>>
      tpu.enqueue_dma source(%dma_start3A_33 : memref<79x128xi32, #tpu.memory_space<hbm>>) target(%arg7 : memref<79x128xi32, #tpu.memory_space<vmem>>) target_semaphore(%run_scoped3A : memref<!tpu.dma_semaphore, #tpu.memory_space<semaphore_mem>>)
      %dma_wait3A = arith.constant 0 : i32
      %dma_wait3A_34 = arith.constant 0 : i32
      %dma_wait3A_35 = tpu.memref_slice %arg3[%add3A, %dma_wait3A, %dma_wait3A_34] : memref<32x79x128xi32, #tpu.memory_space<hbm>> -> memref<1x79x128xi32, #tpu.memory_space<hbm>>
      %dma_wait3A_36 = tpu.memref_squeeze %dma_wait3A_35 : memref<1x79x128xi32, #tpu.memory_space<hbm>> -> memref<79x128xi32, #tpu.memory_space<hbm>>
      %dma_wait3A_37 = arith.constant 0 : i32
      %dma_wait3A_38 = arith.constant 0 : i32
      %dma_wait3A_39 = tpu.memref_slice %arg3[%add3A, %dma_wait3A_37, %dma_wait3A_38] : memref<32x79x128xi32, #tpu.memory_space<hbm>> -> memref<1x79x128xi32, #tpu.memory_space<hbm>>
      %dma_wait3A_40 = tpu.memref_squeeze %dma_wait3A_39 : memref<1x79x128xi32, #tpu.memory_space<hbm>> -> memref<79x128xi32, #tpu.memory_space<hbm>>
      tpu.wait_dma2 semaphore(%run_scoped3A : memref<!tpu.dma_semaphore, #tpu.memory_space<semaphore_mem>>) src(%dma_wait3A_40 : memref<79x128xi32, #tpu.memory_space<hbm>>) dst(%arg7 : memref<79x128xi32, #tpu.memory_space<vmem>>)
      tpu.yield
    }) : () -> ()
    "tpu.region"() ({
      %run_scoped3A = tpu.sem_alloc : memref<!tpu.dma_semaphore, #tpu.memory_space<semaphore_mem>>
      %dma_start3A = arith.constant 0 : i32
      %dma_start3A_27 = arith.constant 0 : i32
      %dma_start3A_28 = tpu.memref_slice %arg4[%add3A, %dma_start3A, %dma_start3A_27] : memref<32x79x128xi32, #tpu.memory_space<hbm>> -> memref<1x79x128xi32, #tpu.memory_space<hbm>>
      %dma_start3A_29 = tpu.memref_squeeze %dma_start3A_28 : memref<1x79x128xi32, #tpu.memory_space<hbm>> -> memref<79x128xi32, #tpu.memory_space<hbm>>
      %dma_start3A_30 = arith.constant 0 : i32
      %dma_start3A_31 = arith.constant 0 : i32
      %dma_start3A_32 = tpu.memref_slice %arg4[%add3A, %dma_start3A_30, %dma_start3A_31] : memref<32x79x128xi32, #tpu.memory_space<hbm>> -> memref<1x79x128xi32, #tpu.memory_space<hbm>>
      %dma_start3A_33 = tpu.memref_squeeze %dma_start3A_32 : memref<1x79x128xi32, #tpu.memory_space<hbm>> -> memref<79x128xi32, #tpu.memory_space<hbm>>
      tpu.enqueue_dma source(%dma_start3A_33 : memref<79x128xi32, #tpu.memory_space<hbm>>) target(%arg8 : memref<79x128xi32, #tpu.memory_space<vmem>>) target_semaphore(%run_scoped3A : memref<!tpu.dma_semaphore, #tpu.memory_space<semaphore_mem>>)
      %dma_wait3A = arith.constant 0 : i32
      %dma_wait3A_34 = arith.constant 0 : i32
      %dma_wait3A_35 = tpu.memref_slice %arg4[%add3A, %dma_wait3A, %dma_wait3A_34] : memref<32x79x128xi32, #tpu.memory_space<hbm>> -> memref<1x79x128xi32, #tpu.memory_space<hbm>>
      %dma_wait3A_36 = tpu.memref_squeeze %dma_wait3A_35 : memref<1x79x128xi32, #tpu.memory_space<hbm>> -> memref<79x128xi32, #tpu.memory_space<hbm>>
      %dma_wait3A_37 = arith.constant 0 : i32
      %dma_wait3A_38 = arith.constant 0 : i32
      %dma_wait3A_39 = tpu.memref_slice %arg4[%add3A, %dma_wait3A_37, %dma_wait3A_38] : memref<32x79x128xi32, #tpu.memory_space<hbm>> -> memref<1x79x128xi32, #tpu.memory_space<hbm>>
      %dma_wait3A_40 = tpu.memref_squeeze %dma_wait3A_39 : memref<1x79x128xi32, #tpu.memory_space<hbm>> -> memref<79x128xi32, #tpu.memory_space<hbm>>
      tpu.wait_dma2 semaphore(%run_scoped3A : memref<!tpu.dma_semaphore, #tpu.memory_space<semaphore_mem>>) src(%dma_wait3A_40 : memref<79x128xi32, #tpu.memory_space<hbm>>) dst(%arg8 : memref<79x128xi32, #tpu.memory_space<vmem>>)
      tpu.yield
    }) : () -> ()
    "tpu.region"() ({
      %run_scoped3A = tpu.sem_alloc : memref<!tpu.dma_semaphore, #tpu.memory_space<semaphore_mem>>
      tpu.enqueue_dma source(%arg5 : memref<128x128xf32, #tpu.memory_space<hbm>>) target(%arg9 : memref<128x128xf32, #tpu.memory_space<vmem>>) target_semaphore(%run_scoped3A : memref<!tpu.dma_semaphore, #tpu.memory_space<semaphore_mem>>)
      tpu.wait_dma2 semaphore(%run_scoped3A : memref<!tpu.dma_semaphore, #tpu.memory_space<semaphore_mem>>) src(%arg5 : memref<128x128xf32, #tpu.memory_space<hbm>>) dst(%arg9 : memref<128x128xf32, #tpu.memory_space<vmem>>)
      tpu.yield
    }) : () -> ()
    %scan3A = arith.constant 0 : i32
    %scan3A_3 = arith.constant 0 : i32
    %scan3A_4 = arith.constant 4 : i32
    %scan3A_5 = arith.addi %scan3A_3, %scan3A_4 : i32
    %scan3A_6 = arith.constant 1 : i32
    scf.for %scan3A_27 = %scan3A_3 to %scan3A_5 step %scan3A_6  : i32 {
      %mul3A_28 = arith.constant 128 : i32
      %mul3A_29 = arith.muli %scan3A_27, %mul3A_28 : i32
      %add3A_30 = arith.addi %mul3A_2, %mul3A_29 : i32
      "tpu.region"() ({
        %run_scoped3A = tpu.sem_alloc : memref<!tpu.dma_semaphore, #tpu.memory_space<semaphore_mem>>
        %dma_start3A = arith.constant 0 : i32
        %dma_start3A_31 = tpu.memref_slice %arg10[%add3A_30, %dma_start3A] : memref<10112x128xf32, #tpu.memory_space<vmem_shared>> -> memref<128x128xf32, #tpu.memory_space<vmem_shared>>
        %dma_start3A_32 = arith.constant 0 : i32
        %dma_start3A_33 = tpu.memref_slice %arg10[%add3A_30, %dma_start3A_32] : memref<10112x128xf32, #tpu.memory_space<vmem_shared>> -> memref<128x128xf32, #tpu.memory_space<vmem_shared>>
        tpu.enqueue_dma source(%arg9 : memref<128x128xf32, #tpu.memory_space<vmem>>) target(%dma_start3A_33 : memref<128x128xf32, #tpu.memory_space<vmem_shared>>) target_semaphore(%run_scoped3A : memref<!tpu.dma_semaphore, #tpu.memory_space<semaphore_mem>>)
        %dma_wait3A = arith.constant 0 : i32
        %dma_wait3A_34 = tpu.memref_slice %arg10[%add3A_30, %dma_wait3A] : memref<10112x128xf32, #tpu.memory_space<vmem_shared>> -> memref<128x128xf32, #tpu.memory_space<vmem_shared>>
        %dma_wait3A_35 = arith.constant 0 : i32
        %dma_wait3A_36 = tpu.memref_slice %arg10[%add3A_30, %dma_wait3A_35] : memref<10112x128xf32, #tpu.memory_space<vmem_shared>> -> memref<128x128xf32, #tpu.memory_space<vmem_shared>>
        tpu.wait_dma2 semaphore(%run_scoped3A : memref<!tpu.dma_semaphore, #tpu.memory_space<semaphore_mem>>) src(%arg9 : memref<128x128xf32, #tpu.memory_space<vmem>>) dst(%dma_wait3A_36 : memref<128x128xf32, #tpu.memory_space<vmem_shared>>)
        tpu.yield
      }) : () -> ()
    }
    %scan3A_7 = arith.constant 4 : i32
    %add3A_8 = arith.constant 512 : i32
    %add3A_9 = arith.addi %mul3A_2, %add3A_8 : i32
    "tpu.region"() ({
      %run_scoped3A = tpu.sem_alloc : memref<!tpu.dma_semaphore, #tpu.memory_space<semaphore_mem>>
      %dma_start3A = arith.constant 0 : i32
      %dma_start3A_27 = arith.constant 0 : i32
      %dma_start3A_28 = tpu.memref_slice %arg9[%dma_start3A, %dma_start3A_27] : memref<128x128xf32, #tpu.memory_space<vmem>> -> memref<120x128xf32, #tpu.memory_space<vmem>>
      %dma_start3A_29 = arith.constant 0 : i32
      %dma_start3A_30 = tpu.memref_slice %arg10[%add3A_9, %dma_start3A_29] : memref<10112x128xf32, #tpu.memory_space<vmem_shared>> -> memref<120x128xf32, #tpu.memory_space<vmem_shared>>
      %dma_start3A_31 = arith.constant 0 : i32
      %dma_start3A_32 = tpu.memref_slice %arg10[%add3A_9, %dma_start3A_31] : memref<10112x128xf32, #tpu.memory_space<vmem_shared>> -> memref<120x128xf32, #tpu.memory_space<vmem_shared>>
      %dma_start3A_33 = arith.constant 0 : i32
      %dma_start3A_34 = arith.constant 0 : i32
      %dma_start3A_35 = tpu.memref_slice %arg9[%dma_start3A_33, %dma_start3A_34] : memref<128x128xf32, #tpu.memory_space<vmem>> -> memref<120x128xf32, #tpu.memory_space<vmem>>
      tpu.enqueue_dma source(%dma_start3A_35 : memref<120x128xf32, #tpu.memory_space<vmem>>) target(%dma_start3A_32 : memref<120x128xf32, #tpu.memory_space<vmem_shared>>) target_semaphore(%run_scoped3A : memref<!tpu.dma_semaphore, #tpu.memory_space<semaphore_mem>>)
      %dma_wait3A = arith.constant 0 : i32
      %dma_wait3A_36 = arith.constant 0 : i32
      %dma_wait3A_37 = tpu.memref_slice %arg9[%dma_wait3A, %dma_wait3A_36] : memref<128x128xf32, #tpu.memory_space<vmem>> -> memref<120x128xf32, #tpu.memory_space<vmem>>
      %dma_wait3A_38 = arith.constant 0 : i32
      %dma_wait3A_39 = tpu.memref_slice %arg10[%add3A_9, %dma_wait3A_38] : memref<10112x128xf32, #tpu.memory_space<vmem_shared>> -> memref<120x128xf32, #tpu.memory_space<vmem_shared>>
      %dma_wait3A_40 = arith.constant 0 : i32
      %dma_wait3A_41 = tpu.memref_slice %arg10[%add3A_9, %dma_wait3A_40] : memref<10112x128xf32, #tpu.memory_space<vmem_shared>> -> memref<120x128xf32, #tpu.memory_space<vmem_shared>>
      %dma_wait3A_42 = arith.constant 0 : i32
      %dma_wait3A_43 = arith.constant 0 : i32
      %dma_wait3A_44 = tpu.memref_slice %arg9[%dma_wait3A_42, %dma_wait3A_43] : memref<128x128xf32, #tpu.memory_space<vmem>> -> memref<120x128xf32, #tpu.memory_space<vmem>>
      tpu.wait_dma2 semaphore(%run_scoped3A : memref<!tpu.dma_semaphore, #tpu.memory_space<semaphore_mem>>) src(%dma_wait3A_44 : memref<120x128xf32, #tpu.memory_space<vmem>>) dst(%dma_wait3A_41 : memref<120x128xf32, #tpu.memory_space<vmem_shared>>)
      tpu.yield
    }) : () -> ()
    %barrier3A = arith.constant 0 : index
    tpu.barrier barrier_id(%barrier3A)
    %scan3A_10 = arith.constant 0 : i32
    %scan3A_11 = arith.constant 0 : i32
    %scan3A_12 = arith.constant 79 : i32
    %scan3A_13 = arith.addi %scan3A_11, %scan3A_12 : i32
    %scan3A_14 = arith.constant 1 : i32
    scf.for %scan3A_27 = %scan3A_11 to %scan3A_13 step %scan3A_14  : i32 {
      %dma_start3A = arith.constant 0 : i32
      %dma_start3A_28 = tpu.memref_slice %arg7[%scan3A_27, %dma_start3A] : memref<79x128xi32, #tpu.memory_space<vmem>> -> memref<1x128xi32, #tpu.memory_space<vmem>>
      %dma_start3A_29 = tpu.memref_squeeze %dma_start3A_28 : memref<1x128xi32, #tpu.memory_space<vmem>> -> memref<128xi32, #tpu.memory_space<vmem>>
      %dma_start3A_30 = arith.constant 0 : i32
      %dma_start3A_31 = arith.constant 0 : i32
      %dma_start3A_32 = tpu.memref_slice %arg2[%dma_start3A_30, %dma_start3A_31] : memref<10112x128xf32, #tpu.memory_space<hbm>> -> memref<10112x128xf32, #tpu.memory_space<hbm>>
      tpu.enqueue_indirect_dma source(%dma_start3A_32 : memref<10112x128xf32, #tpu.memory_space<hbm>>) target(%arg9 : memref<128x128xf32, #tpu.memory_space<vmem>>) offsets(%dma_start3A_29 : memref<128xi32, #tpu.memory_space<vmem>>) semaphore(%arg11 : memref<!tpu.dma_semaphore, #tpu.memory_space<semaphore_mem>>)
      %dma_wait3A = arith.constant 0 : i32
      %dma_wait3A_33 = tpu.memref_slice %arg7[%scan3A_27, %dma_wait3A] : memref<79x128xi32, #tpu.memory_space<vmem>> -> memref<1x128xi32, #tpu.memory_space<vmem>>
      %dma_wait3A_34 = tpu.memref_squeeze %dma_wait3A_33 : memref<1x128xi32, #tpu.memory_space<vmem>> -> memref<128xi32, #tpu.memory_space<vmem>>
      %dma_wait3A_35 = arith.constant 0 : i32
      %dma_wait3A_36 = arith.constant 0 : i32
      %dma_wait3A_37 = tpu.memref_slice %arg2[%dma_wait3A_35, %dma_wait3A_36] : memref<10112x128xf32, #tpu.memory_space<hbm>> -> memref<10112x128xf32, #tpu.memory_space<hbm>>
      tpu.wait_indirect_dma semaphore(%arg11 : memref<!tpu.dma_semaphore, #tpu.memory_space<semaphore_mem>>) src(%dma_wait3A_37 : memref<10112x128xf32, #tpu.memory_space<hbm>>) dst(%arg9 : memref<128x128xf32, #tpu.memory_space<vmem>>)
      "tpu.region"() ({
        %run_scoped3A = tpu.sem_alloc : memref<!tpu.dma_semaphore, #tpu.memory_space<semaphore_mem>>
        %dma_start3A_38 = arith.constant 0 : i32
        %dma_start3A_39 = tpu.memref_slice %arg8[%scan3A_27, %dma_start3A_38] : memref<79x128xi32, #tpu.memory_space<vmem>> -> memref<1x128xi32, #tpu.memory_space<vmem>>
        %dma_start3A_40 = tpu.memref_squeeze %dma_start3A_39 : memref<1x128xi32, #tpu.memory_space<vmem>> -> memref<128xi32, #tpu.memory_space<vmem>>
        %dma_start3A_41 = arith.constant 0 : i32
        %dma_start3A_42 = arith.constant 0 : i32
        %dma_start3A_43 = tpu.memref_slice %arg10[%dma_start3A_41, %dma_start3A_42] : memref<10112x128xf32, #tpu.memory_space<vmem_shared>> -> memref<10112x128xf32, #tpu.memory_space<vmem_shared>>
        tpu.enqueue_indirect_dma source(%arg9 : memref<128x128xf32, #tpu.memory_space<vmem>>) target(%dma_start3A_43 : memref<10112x128xf32, #tpu.memory_space<vmem_shared>>) offsets(%dma_start3A_40 : memref<128xi32, #tpu.memory_space<vmem>>) semaphore(%run_scoped3A : memref<!tpu.dma_semaphore, #tpu.memory_space<semaphore_mem>>) {add = true}
        %dma_wait3A_44 = arith.constant 0 : i32
        %dma_wait3A_45 = tpu.memref_slice %arg8[%scan3A_27, %dma_wait3A_44] : memref<79x128xi32, #tpu.memory_space<vmem>> -> memref<1x128xi32, #tpu.memory_space<vmem>>
        %dma_wait3A_46 = tpu.memref_squeeze %dma_wait3A_45 : memref<1x128xi32, #tpu.memory_space<vmem>> -> memref<128xi32, #tpu.memory_space<vmem>>
        %dma_wait3A_47 = arith.constant 0 : i32
        %dma_wait3A_48 = arith.constant 0 : i32
        %dma_wait3A_49 = tpu.memref_slice %arg10[%dma_wait3A_47, %dma_wait3A_48] : memref<10112x128xf32, #tpu.memory_space<vmem_shared>> -> memref<10112x128xf32, #tpu.memory_space<vmem_shared>>
        tpu.wait_indirect_dma semaphore(%run_scoped3A : memref<!tpu.dma_semaphore, #tpu.memory_space<semaphore_mem>>) src(%arg9 : memref<128x128xf32, #tpu.memory_space<vmem>>) dst(%dma_wait3A_49 : memref<10112x128xf32, #tpu.memory_space<vmem_shared>>)
        tpu.yield
      }) : () -> ()
    }
    %scan3A_15 = arith.constant 79 : i32
    %barrier3A_16 = arith.constant 0 : index
    tpu.barrier barrier_id(%barrier3A_16)
    %scan3A_17 = arith.constant 0 : i32
    %scan3A_18 = arith.constant 0 : i32
    %scan3A_19 = arith.constant 4 : i32
    %scan3A_20 = arith.addi %scan3A_18, %scan3A_19 : i32
    %scan3A_21 = arith.constant 1 : i32
    scf.for %scan3A_27 = %scan3A_18 to %scan3A_20 step %scan3A_21  : i32 {
      %mul3A_28 = arith.constant 128 : i32
      %mul3A_29 = arith.muli %scan3A_27, %mul3A_28 : i32
      %add3A_30 = arith.addi %mul3A_2, %mul3A_29 : i32
      "tpu.region"() ({
        %run_scoped3A = tpu.sem_alloc : memref<!tpu.dma_semaphore, #tpu.memory_space<semaphore_mem>>
        %dma_start3A = arith.constant 0 : i32
        %dma_start3A_34 = tpu.memref_slice %arg10[%add3A_30, %dma_start3A] : memref<10112x128xf32, #tpu.memory_space<vmem_shared>> -> memref<128x128xf32, #tpu.memory_space<vmem_shared>>
        %dma_start3A_35 = arith.constant 0 : i32
        %dma_start3A_36 = tpu.memref_slice %arg10[%add3A_30, %dma_start3A_35] : memref<10112x128xf32, #tpu.memory_space<vmem_shared>> -> memref<128x128xf32, #tpu.memory_space<vmem_shared>>
        tpu.enqueue_dma source(%dma_start3A_36 : memref<128x128xf32, #tpu.memory_space<vmem_shared>>) target(%arg9 : memref<128x128xf32, #tpu.memory_space<vmem>>) target_semaphore(%run_scoped3A : memref<!tpu.dma_semaphore, #tpu.memory_space<semaphore_mem>>)
        %dma_wait3A = arith.constant 0 : i32
        %dma_wait3A_37 = tpu.memref_slice %arg10[%add3A_30, %dma_wait3A] : memref<10112x128xf32, #tpu.memory_space<vmem_shared>> -> memref<128x128xf32, #tpu.memory_space<vmem_shared>>
        %dma_wait3A_38 = arith.constant 0 : i32
        %dma_wait3A_39 = tpu.memref_slice %arg10[%add3A_30, %dma_wait3A_38] : memref<10112x128xf32, #tpu.memory_space<vmem_shared>> -> memref<128x128xf32, #tpu.memory_space<vmem_shared>>
        tpu.wait_dma2 semaphore(%run_scoped3A : memref<!tpu.dma_semaphore, #tpu.memory_space<semaphore_mem>>) src(%dma_wait3A_39 : memref<128x128xf32, #tpu.memory_space<vmem_shared>>) dst(%arg9 : memref<128x128xf32, #tpu.memory_space<vmem>>)
        tpu.yield
      }) : () -> ()
      %mul3A_31 = arith.constant 128 : i32
      %mul3A_32 = arith.muli %scan3A_27, %mul3A_31 : i32
      %add3A_33 = arith.addi %mul3A_2, %mul3A_32 : i32
      "tpu.region"() ({
        %run_scoped3A = tpu.sem_alloc : memref<!tpu.dma_semaphore, #tpu.memory_space<semaphore_mem>>
        %dma_start3A = arith.constant 0 : i32
        %dma_start3A_34 = tpu.memref_slice %arg6[%arg0, %add3A_33, %dma_start3A] : memref<2x10112x128xf32, #tpu.memory_space<hbm>> -> memref<1x128x128xf32, #tpu.memory_space<hbm>>
        %dma_start3A_35 = tpu.memref_squeeze %dma_start3A_34 : memref<1x128x128xf32, #tpu.memory_space<hbm>> -> memref<128x128xf32, #tpu.memory_space<hbm>>
        %dma_start3A_36 = arith.constant 0 : i32
        %dma_start3A_37 = tpu.memref_slice %arg6[%arg0, %add3A_33, %dma_start3A_36] : memref<2x10112x128xf32, #tpu.memory_space<hbm>> -> memref<1x128x128xf32, #tpu.memory_space<hbm>>
        %dma_start3A_38 = tpu.memref_squeeze %dma_start3A_37 : memref<1x128x128xf32, #tpu.memory_space<hbm>> -> memref<128x128xf32, #tpu.memory_space<hbm>>
        tpu.enqueue_dma source(%arg9 : memref<128x128xf32, #tpu.memory_space<vmem>>) target(%dma_start3A_38 : memref<128x128xf32, #tpu.memory_space<hbm>>) target_semaphore(%run_scoped3A : memref<!tpu.dma_semaphore, #tpu.memory_space<semaphore_mem>>)
        %dma_wait3A = arith.constant 0 : i32
        %dma_wait3A_39 = tpu.memref_slice %arg6[%arg0, %add3A_33, %dma_wait3A] : memref<2x10112x128xf32, #tpu.memory_space<hbm>> -> memref<1x128x128xf32, #tpu.memory_space<hbm>>
        %dma_wait3A_40 = tpu.memref_squeeze %dma_wait3A_39 : memref<1x128x128xf32, #tpu.memory_space<hbm>> -> memref<128x128xf32, #tpu.memory_space<hbm>>
        %dma_wait3A_41 = arith.constant 0 : i32
        %dma_wait3A_42 = tpu.memref_slice %arg6[%arg0, %add3A_33, %dma_wait3A_41] : memref<2x10112x128xf32, #tpu.memory_space<hbm>> -> memref<1x128x128xf32, #tpu.memory_space<hbm>>
        %dma_wait3A_43 = tpu.memref_squeeze %dma_wait3A_42 : memref<1x128x128xf32, #tpu.memory_space<hbm>> -> memref<128x128xf32, #tpu.memory_space<hbm>>
        tpu.wait_dma2 semaphore(%run_scoped3A : memref<!tpu.dma_semaphore, #tpu.memory_space<semaphore_mem>>) src(%arg9 : memref<128x128xf32, #tpu.memory_space<vmem>>) dst(%dma_wait3A_43 : memref<128x128xf32, #tpu.memory_space<hbm>>)
        tpu.yield
      }) : () -> ()
    }
    %scan3A_22 = arith.constant 4 : i32
    %add3A_23 = arith.constant 512 : i32
    %add3A_24 = arith.addi %mul3A_2, %add3A_23 : i32
    "tpu.region"() ({
      %run_scoped3A = tpu.sem_alloc : memref<!tpu.dma_semaphore, #tpu.memory_space<semaphore_mem>>
      %dma_start3A = arith.constant 0 : i32
      %dma_start3A_27 = arith.constant 0 : i32
      %dma_start3A_28 = tpu.memref_slice %arg9[%dma_start3A, %dma_start3A_27] : memref<128x128xf32, #tpu.memory_space<vmem>> -> memref<120x128xf32, #tpu.memory_space<vmem>>
      %dma_start3A_29 = arith.constant 0 : i32
      %dma_start3A_30 = tpu.memref_slice %arg10[%add3A_24, %dma_start3A_29] : memref<10112x128xf32, #tpu.memory_space<vmem_shared>> -> memref<120x128xf32, #tpu.memory_space<vmem_shared>>
      %dma_start3A_31 = arith.constant 0 : i32
      %dma_start3A_32 = arith.constant 0 : i32
      %dma_start3A_33 = tpu.memref_slice %arg9[%dma_start3A_31, %dma_start3A_32] : memref<128x128xf32, #tpu.memory_space<vmem>> -> memref<120x128xf32, #tpu.memory_space<vmem>>
      %dma_start3A_34 = arith.constant 0 : i32
      %dma_start3A_35 = tpu.memref_slice %arg10[%add3A_24, %dma_start3A_34] : memref<10112x128xf32, #tpu.memory_space<vmem_shared>> -> memref<120x128xf32, #tpu.memory_space<vmem_shared>>
      tpu.enqueue_dma source(%dma_start3A_35 : memref<120x128xf32, #tpu.memory_space<vmem_shared>>) target(%dma_start3A_33 : memref<120x128xf32, #tpu.memory_space<vmem>>) target_semaphore(%run_scoped3A : memref<!tpu.dma_semaphore, #tpu.memory_space<semaphore_mem>>)
      %dma_wait3A = arith.constant 0 : i32
      %dma_wait3A_36 = arith.constant 0 : i32
      %dma_wait3A_37 = tpu.memref_slice %arg9[%dma_wait3A, %dma_wait3A_36] : memref<128x128xf32, #tpu.memory_space<vmem>> -> memref<120x128xf32, #tpu.memory_space<vmem>>
      %dma_wait3A_38 = arith.constant 0 : i32
      %dma_wait3A_39 = tpu.memref_slice %arg10[%add3A_24, %dma_wait3A_38] : memref<10112x128xf32, #tpu.memory_space<vmem_shared>> -> memref<120x128xf32, #tpu.memory_space<vmem_shared>>
      %dma_wait3A_40 = arith.constant 0 : i32
      %dma_wait3A_41 = arith.constant 0 : i32
      %dma_wait3A_42 = tpu.memref_slice %arg9[%dma_wait3A_40, %dma_wait3A_41] : memref<128x128xf32, #tpu.memory_space<vmem>> -> memref<120x128xf32, #tpu.memory_space<vmem>>
      %dma_wait3A_43 = arith.constant 0 : i32
      %dma_wait3A_44 = tpu.memref_slice %arg10[%add3A_24, %dma_wait3A_43] : memref<10112x128xf32, #tpu.memory_space<vmem_shared>> -> memref<120x128xf32, #tpu.memory_space<vmem_shared>>
      tpu.wait_dma2 semaphore(%run_scoped3A : memref<!tpu.dma_semaphore, #tpu.memory_space<semaphore_mem>>) src(%dma_wait3A_44 : memref<120x128xf32, #tpu.memory_space<vmem_shared>>) dst(%dma_wait3A_42 : memref<120x128xf32, #tpu.memory_space<vmem>>)
      tpu.yield
    }) : () -> ()
    %add3A_25 = arith.constant 512 : i32
    %add3A_26 = arith.addi %mul3A_2, %add3A_25 : i32
    "tpu.region"() ({
      %run_scoped3A = tpu.sem_alloc : memref<!tpu.dma_semaphore, #tpu.memory_space<semaphore_mem>>
      %dma_start3A = arith.constant 0 : i32
      %dma_start3A_27 = arith.constant 0 : i32
      %dma_start3A_28 = tpu.memref_slice %arg9[%dma_start3A, %dma_start3A_27] : memref<128x128xf32, #tpu.memory_space<vmem>> -> memref<120x128xf32, #tpu.memory_space<vmem>>
      %dma_start3A_29 = arith.constant 0 : i32
      %dma_start3A_30 = tpu.memref_slice %arg6[%arg0, %add3A_26, %dma_start3A_29] : memref<2x10112x128xf32, #tpu.memory_space<hbm>> -> memref<1x120x128xf32, #tpu.memory_space<hbm>>
      %dma_start3A_31 = tpu.memref_squeeze %dma_start3A_30 : memref<1x120x128xf32, #tpu.memory_space<hbm>> -> memref<120x128xf32, #tpu.memory_space<hbm>>
      %dma_start3A_32 = arith.constant 0 : i32
      %dma_start3A_33 = tpu.memref_slice %arg6[%arg0, %add3A_26, %dma_start3A_32] : memref<2x10112x128xf32, #tpu.memory_space<hbm>> -> memref<1x120x128xf32, #tpu.memory_space<hbm>>
      %dma_start3A_34 = tpu.memref_squeeze %dma_start3A_33 : memref<1x120x128xf32, #tpu.memory_space<hbm>> -> memref<120x128xf32, #tpu.memory_space<hbm>>
      %dma_start3A_35 = arith.constant 0 : i32
      %dma_start3A_36 = arith.constant 0 : i32
      %dma_start3A_37 = tpu.memref_slice %arg9[%dma_start3A_35, %dma_start3A_36] : memref<128x128xf32, #tpu.memory_space<vmem>> -> memref<120x128xf32, #tpu.memory_space<vmem>>
      tpu.enqueue_dma source(%dma_start3A_37 : memref<120x128xf32, #tpu.memory_space<vmem>>) target(%dma_start3A_34 : memref<120x128xf32, #tpu.memory_space<hbm>>) target_semaphore(%run_scoped3A : memref<!tpu.dma_semaphore, #tpu.memory_space<semaphore_mem>>)
      %dma_wait3A = arith.constant 0 : i32
      %dma_wait3A_38 = arith.constant 0 : i32
      %dma_wait3A_39 = tpu.memref_slice %arg9[%dma_wait3A, %dma_wait3A_38] : memref<128x128xf32, #tpu.memory_space<vmem>> -> memref<120x128xf32, #tpu.memory_space<vmem>>
      %dma_wait3A_40 = arith.constant 0 : i32
      %dma_wait3A_41 = tpu.memref_slice %arg6[%arg0, %add3A_26, %dma_wait3A_40] : memref<2x10112x128xf32, #tpu.memory_space<hbm>> -> memref<1x120x128xf32, #tpu.memory_space<hbm>>
      %dma_wait3A_42 = tpu.memref_squeeze %dma_wait3A_41 : memref<1x120x128xf32, #tpu.memory_space<hbm>> -> memref<120x128xf32, #tpu.memory_space<hbm>>
      %dma_wait3A_43 = arith.constant 0 : i32
      %dma_wait3A_44 = tpu.memref_slice %arg6[%arg0, %add3A_26, %dma_wait3A_43] : memref<2x10112x128xf32, #tpu.memory_space<hbm>> -> memref<1x120x128xf32, #tpu.memory_space<hbm>>
      %dma_wait3A_45 = tpu.memref_squeeze %dma_wait3A_44 : memref<1x120x128xf32, #tpu.memory_space<hbm>> -> memref<120x128xf32, #tpu.memory_space<hbm>>
      %dma_wait3A_46 = arith.constant 0 : i32
      %dma_wait3A_47 = arith.constant 0 : i32
      %dma_wait3A_48 = tpu.memref_slice %arg9[%dma_wait3A_46, %dma_wait3A_47] : memref<128x128xf32, #tpu.memory_space<vmem>> -> memref<120x128xf32, #tpu.memory_space<vmem>>
      tpu.wait_dma2 semaphore(%run_scoped3A : memref<!tpu.dma_semaphore, #tpu.memory_space<semaphore_mem>>) src(%dma_wait3A_48 : memref<120x128xf32, #tpu.memory_space<vmem>>) dst(%dma_wait3A_45 : memref<120x128xf32, #tpu.memory_space<hbm>>)
      tpu.yield
    }) : () -> ()
    return
  }
}

#map = affine_map<(d0, d1) -> (0, 0, 0)>
module attributes {stable_mosaic.version = 14 : i64} {
  func.func @deg_kernel(%arg0: i32, %arg1: i32, %arg2: memref<32x79x128xi32, #tpu.memory_space<hbm>>, %arg3: memref<2x10112x16xf32, #tpu.memory_space<hbm>>, %arg4: memref<79x128xi32, #tpu.memory_space<vmem>>, %arg5: memref<128x16xf32, #tpu.memory_space<vmem>>, %arg6: memref<128x16xf32, #tpu.memory_space<vmem>>, %arg7: memref<10112x16xf32, #tpu.memory_space<vmem_shared>>) attributes {dimension_semantics = [#tpu.dimension_semantics<core_parallel>, #tpu.dimension_semantics<subcore_parallel>], iteration_bounds = array<i64: 2, 16>, scalar_prefetch = 0 : i64, scratch_operands = 4 : i64, tpu.core_type = #tpu.core_type<sc_vector_subcore>, window_params = [{transform_indices = #map}, {transform_indices = #map}]} {
    %mul3A = arith.constant 2 : i32
    %mul3A_0 = arith.muli %arg1, %mul3A : i32
    %add3A = arith.addi %mul3A_0, %arg0 : i32
    %mul3A_1 = arith.constant 632 : i32
    %mul3A_2 = arith.muli %arg1, %mul3A_1 : i32
    "tpu.region"() ({
      %run_scoped3A = tpu.sem_alloc : memref<!tpu.dma_semaphore, #tpu.memory_space<semaphore_mem>>
      %dma_start3A = arith.constant 0 : i32
      %dma_start3A_36 = arith.constant 0 : i32
      %dma_start3A_37 = tpu.memref_slice %arg2[%add3A, %dma_start3A, %dma_start3A_36] : memref<32x79x128xi32, #tpu.memory_space<hbm>> -> memref<1x79x128xi32, #tpu.memory_space<hbm>>
      %dma_start3A_38 = tpu.memref_squeeze %dma_start3A_37 : memref<1x79x128xi32, #tpu.memory_space<hbm>> -> memref<79x128xi32, #tpu.memory_space<hbm>>
      %dma_start3A_39 = arith.constant 0 : i32
      %dma_start3A_40 = arith.constant 0 : i32
      %dma_start3A_41 = tpu.memref_slice %arg2[%add3A, %dma_start3A_39, %dma_start3A_40] : memref<32x79x128xi32, #tpu.memory_space<hbm>> -> memref<1x79x128xi32, #tpu.memory_space<hbm>>
      %dma_start3A_42 = tpu.memref_squeeze %dma_start3A_41 : memref<1x79x128xi32, #tpu.memory_space<hbm>> -> memref<79x128xi32, #tpu.memory_space<hbm>>
      tpu.enqueue_dma source(%dma_start3A_42 : memref<79x128xi32, #tpu.memory_space<hbm>>) target(%arg4 : memref<79x128xi32, #tpu.memory_space<vmem>>) target_semaphore(%run_scoped3A : memref<!tpu.dma_semaphore, #tpu.memory_space<semaphore_mem>>)
      %dma_wait3A = arith.constant 0 : i32
      %dma_wait3A_43 = arith.constant 0 : i32
      %dma_wait3A_44 = tpu.memref_slice %arg2[%add3A, %dma_wait3A, %dma_wait3A_43] : memref<32x79x128xi32, #tpu.memory_space<hbm>> -> memref<1x79x128xi32, #tpu.memory_space<hbm>>
      %dma_wait3A_45 = tpu.memref_squeeze %dma_wait3A_44 : memref<1x79x128xi32, #tpu.memory_space<hbm>> -> memref<79x128xi32, #tpu.memory_space<hbm>>
      %dma_wait3A_46 = arith.constant 0 : i32
      %dma_wait3A_47 = arith.constant 0 : i32
      %dma_wait3A_48 = tpu.memref_slice %arg2[%add3A, %dma_wait3A_46, %dma_wait3A_47] : memref<32x79x128xi32, #tpu.memory_space<hbm>> -> memref<1x79x128xi32, #tpu.memory_space<hbm>>
      %dma_wait3A_49 = tpu.memref_squeeze %dma_wait3A_48 : memref<1x79x128xi32, #tpu.memory_space<hbm>> -> memref<79x128xi32, #tpu.memory_space<hbm>>
      tpu.wait_dma2 semaphore(%run_scoped3A : memref<!tpu.dma_semaphore, #tpu.memory_space<semaphore_mem>>) src(%dma_wait3A_49 : memref<79x128xi32, #tpu.memory_space<hbm>>) dst(%arg4 : memref<79x128xi32, #tpu.memory_space<vmem>>)
      tpu.yield
    }) : () -> ()
    %broadcast_in_dim3A = arith.constant 1.000000e+00 : f32
    %broadcast_in_dim3A_3 = vector.broadcast %broadcast_in_dim3A : f32 to vector<16xf32>
    %broadcast_in_dim3A_4 = arith.constant 0.000000e+00 : f32
    %broadcast_in_dim3A_5 = vector.broadcast %broadcast_in_dim3A_4 : f32 to vector<16xf32>
    %scan3A = arith.constant 0 : i32
    %scan3A_6 = arith.constant 0 : i32
    %scan3A_7 = arith.constant 128 : i32
    %scan3A_8 = arith.addi %scan3A_6, %scan3A_7 : i32
    %scan3A_9 = arith.constant 1 : i32
    scf.for %scan3A_36 = %scan3A_6 to %scan3A_8 step %scan3A_9  : i32 {
      %swap3A = arith.index_cast %scan3A_36 : i32 to index
      %swap3A_37 = arith.constant 0 : index
      %swap3A_38 = tpu.vector_load %arg5[%swap3A, %swap3A_37] {strides = array<i32>} : memref<128x16xf32, #tpu.memory_space<vmem>>, vector<1x16xf32>,
      %swap3A_39 = vector.shape_cast %swap3A_38 : vector<1x16xf32> to vector<16xf32>
      %swap3A_40 = vector.shape_cast %broadcast_in_dim3A_3 : vector<16xf32> to vector<1x16xf32>
      tpu.vector_store %arg5[%swap3A, %swap3A_37], %swap3A_40 {strides = array<i32>} : memref<128x16xf32, #tpu.memory_space<vmem>>, vector<1x16xf32>,
      %swap3A_41 = arith.index_cast %scan3A_36 : i32 to index
      %swap3A_42 = arith.constant 0 : index
      %swap3A_43 = tpu.vector_load %arg6[%swap3A_41, %swap3A_42] {strides = array<i32>} : memref<128x16xf32, #tpu.memory_space<vmem>>, vector<1x16xf32>,
      %swap3A_44 = vector.shape_cast %swap3A_43 : vector<1x16xf32> to vector<16xf32>
      %swap3A_45 = vector.shape_cast %broadcast_in_dim3A_5 : vector<16xf32> to vector<1x16xf32>
      tpu.vector_store %arg6[%swap3A_41, %swap3A_42], %swap3A_45 {strides = array<i32>} : memref<128x16xf32, #tpu.memory_space<vmem>>, vector<1x16xf32>,
    }
    %scan3A_10 = arith.constant 128 : i32
    %scan3A_11 = arith.constant 0 : i32
    %scan3A_12 = arith.constant 0 : i32
    %scan3A_13 = arith.constant 4 : i32
    %scan3A_14 = arith.addi %scan3A_12, %scan3A_13 : i32
    %scan3A_15 = arith.constant 1 : i32
    scf.for %scan3A_36 = %scan3A_12 to %scan3A_14 step %scan3A_15  : i32 {
      %mul3A_37 = arith.constant 128 : i32
      %mul3A_38 = arith.muli %scan3A_36, %mul3A_37 : i32
      %add3A_39 = arith.addi %mul3A_2, %mul3A_38 : i32
      "tpu.region"() ({
        %run_scoped3A = tpu.sem_alloc : memref<!tpu.dma_semaphore, #tpu.memory_space<semaphore_mem>>
        %dma_start3A = arith.constant 0 : i32
        %dma_start3A_40 = tpu.memref_slice %arg7[%add3A_39, %dma_start3A] : memref<10112x16xf32, #tpu.memory_space<vmem_shared>> -> memref<128x16xf32, #tpu.memory_space<vmem_shared>>
        %dma_start3A_41 = arith.constant 0 : i32
        %dma_start3A_42 = tpu.memref_slice %arg7[%add3A_39, %dma_start3A_41] : memref<10112x16xf32, #tpu.memory_space<vmem_shared>> -> memref<128x16xf32, #tpu.memory_space<vmem_shared>>
        tpu.enqueue_dma source(%arg6 : memref<128x16xf32, #tpu.memory_space<vmem>>) target(%dma_start3A_42 : memref<128x16xf32, #tpu.memory_space<vmem_shared>>) target_semaphore(%run_scoped3A : memref<!tpu.dma_semaphore, #tpu.memory_space<semaphore_mem>>)
        %dma_wait3A = arith.constant 0 : i32
        %dma_wait3A_43 = tpu.memref_slice %arg7[%add3A_39, %dma_wait3A] : memref<10112x16xf32, #tpu.memory_space<vmem_shared>> -> memref<128x16xf32, #tpu.memory_space<vmem_shared>>
        %dma_wait3A_44 = arith.constant 0 : i32
        %dma_wait3A_45 = tpu.memref_slice %arg7[%add3A_39, %dma_wait3A_44] : memref<10112x16xf32, #tpu.memory_space<vmem_shared>> -> memref<128x16xf32, #tpu.memory_space<vmem_shared>>
        tpu.wait_dma2 semaphore(%run_scoped3A : memref<!tpu.dma_semaphore, #tpu.memory_space<semaphore_mem>>) src(%arg6 : memref<128x16xf32, #tpu.memory_space<vmem>>) dst(%dma_wait3A_45 : memref<128x16xf32, #tpu.memory_space<vmem_shared>>)
        tpu.yield
      }) : () -> ()
    }
    %scan3A_16 = arith.constant 4 : i32
    %add3A_17 = arith.constant 512 : i32
    %add3A_18 = arith.addi %mul3A_2, %add3A_17 : i32
    "tpu.region"() ({
      %run_scoped3A = tpu.sem_alloc : memref<!tpu.dma_semaphore, #tpu.memory_space<semaphore_mem>>
      %dma_start3A = arith.constant 0 : i32
      %dma_start3A_36 = arith.constant 0 : i32
      %dma_start3A_37 = tpu.memref_slice %arg6[%dma_start3A, %dma_start3A_36] : memref<128x16xf32, #tpu.memory_space<vmem>> -> memref<120x16xf32, #tpu.memory_space<vmem>>
      %dma_start3A_38 = arith.constant 0 : i32
      %dma_start3A_39 = tpu.memref_slice %arg7[%add3A_18, %dma_start3A_38] : memref<10112x16xf32, #tpu.memory_space<vmem_shared>> -> memref<120x16xf32, #tpu.memory_space<vmem_shared>>
      %dma_start3A_40 = arith.constant 0 : i32
      %dma_start3A_41 = tpu.memref_slice %arg7[%add3A_18, %dma_start3A_40] : memref<10112x16xf32, #tpu.memory_space<vmem_shared>> -> memref<120x16xf32, #tpu.memory_space<vmem_shared>>
      %dma_start3A_42 = arith.constant 0 : i32
      %dma_start3A_43 = arith.constant 0 : i32
      %dma_start3A_44 = tpu.memref_slice %arg6[%dma_start3A_42, %dma_start3A_43] : memref<128x16xf32, #tpu.memory_space<vmem>> -> memref<120x16xf32, #tpu.memory_space<vmem>>
      tpu.enqueue_dma source(%dma_start3A_44 : memref<120x16xf32, #tpu.memory_space<vmem>>) target(%dma_start3A_41 : memref<120x16xf32, #tpu.memory_space<vmem_shared>>) target_semaphore(%run_scoped3A : memref<!tpu.dma_semaphore, #tpu.memory_space<semaphore_mem>>)
      %dma_wait3A = arith.constant 0 : i32
      %dma_wait3A_45 = arith.constant 0 : i32
      %dma_wait3A_46 = tpu.memref_slice %arg6[%dma_wait3A, %dma_wait3A_45] : memref<128x16xf32, #tpu.memory_space<vmem>> -> memref<120x16xf32, #tpu.memory_space<vmem>>
      %dma_wait3A_47 = arith.constant 0 : i32
      %dma_wait3A_48 = tpu.memref_slice %arg7[%add3A_18, %dma_wait3A_47] : memref<10112x16xf32, #tpu.memory_space<vmem_shared>> -> memref<120x16xf32, #tpu.memory_space<vmem_shared>>
      %dma_wait3A_49 = arith.constant 0 : i32
      %dma_wait3A_50 = tpu.memref_slice %arg7[%add3A_18, %dma_wait3A_49] : memref<10112x16xf32, #tpu.memory_space<vmem_shared>> -> memref<120x16xf32, #tpu.memory_space<vmem_shared>>
      %dma_wait3A_51 = arith.constant 0 : i32
      %dma_wait3A_52 = arith.constant 0 : i32
      %dma_wait3A_53 = tpu.memref_slice %arg6[%dma_wait3A_51, %dma_wait3A_52] : memref<128x16xf32, #tpu.memory_space<vmem>> -> memref<120x16xf32, #tpu.memory_space<vmem>>
      tpu.wait_dma2 semaphore(%run_scoped3A : memref<!tpu.dma_semaphore, #tpu.memory_space<semaphore_mem>>) src(%dma_wait3A_53 : memref<120x16xf32, #tpu.memory_space<vmem>>) dst(%dma_wait3A_50 : memref<120x16xf32, #tpu.memory_space<vmem_shared>>)
      tpu.yield
    }) : () -> ()
    %barrier3A = arith.constant 0 : index
    tpu.barrier barrier_id(%barrier3A)
    %scan3A_19 = arith.constant 0 : i32
    %scan3A_20 = arith.constant 0 : i32
    %scan3A_21 = arith.constant 79 : i32
    %scan3A_22 = arith.addi %scan3A_20, %scan3A_21 : i32
    %scan3A_23 = arith.constant 1 : i32
    scf.for %scan3A_36 = %scan3A_20 to %scan3A_22 step %scan3A_23  : i32 {
      "tpu.region"() ({
        %run_scoped3A = tpu.sem_alloc : memref<!tpu.dma_semaphore, #tpu.memory_space<semaphore_mem>>
        %dma_start3A = arith.constant 0 : i32
        %dma_start3A_37 = tpu.memref_slice %arg4[%scan3A_36, %dma_start3A] : memref<79x128xi32, #tpu.memory_space<vmem>> -> memref<1x128xi32, #tpu.memory_space<vmem>>
        %dma_start3A_38 = tpu.memref_squeeze %dma_start3A_37 : memref<1x128xi32, #tpu.memory_space<vmem>> -> memref<128xi32, #tpu.memory_space<vmem>>
        %dma_start3A_39 = arith.constant 0 : i32
        %dma_start3A_40 = arith.constant 0 : i32
        %dma_start3A_41 = tpu.memref_slice %arg7[%dma_start3A_39, %dma_start3A_40] : memref<10112x16xf32, #tpu.memory_space<vmem_shared>> -> memref<10112x16xf32, #tpu.memory_space<vmem_shared>>
        tpu.enqueue_indirect_dma source(%arg5 : memref<128x16xf32, #tpu.memory_space<vmem>>) target(%dma_start3A_41 : memref<10112x16xf32, #tpu.memory_space<vmem_shared>>) offsets(%dma_start3A_38 : memref<128xi32, #tpu.memory_space<vmem>>) semaphore(%run_scoped3A : memref<!tpu.dma_semaphore, #tpu.memory_space<semaphore_mem>>) {add = true}
        %dma_wait3A = arith.constant 0 : i32
        %dma_wait3A_42 = tpu.memref_slice %arg4[%scan3A_36, %dma_wait3A] : memref<79x128xi32, #tpu.memory_space<vmem>> -> memref<1x128xi32, #tpu.memory_space<vmem>>
        %dma_wait3A_43 = tpu.memref_squeeze %dma_wait3A_42 : memref<1x128xi32, #tpu.memory_space<vmem>> -> memref<128xi32, #tpu.memory_space<vmem>>
        %dma_wait3A_44 = arith.constant 0 : i32
        %dma_wait3A_45 = arith.constant 0 : i32
        %dma_wait3A_46 = tpu.memref_slice %arg7[%dma_wait3A_44, %dma_wait3A_45] : memref<10112x16xf32, #tpu.memory_space<vmem_shared>> -> memref<10112x16xf32, #tpu.memory_space<vmem_shared>>
        tpu.wait_indirect_dma semaphore(%run_scoped3A : memref<!tpu.dma_semaphore, #tpu.memory_space<semaphore_mem>>) src(%arg5 : memref<128x16xf32, #tpu.memory_space<vmem>>) dst(%dma_wait3A_46 : memref<10112x16xf32, #tpu.memory_space<vmem_shared>>)
        tpu.yield
      }) : () -> ()
    }
    %scan3A_24 = arith.constant 79 : i32
    %barrier3A_25 = arith.constant 0 : index
    tpu.barrier barrier_id(%barrier3A_25)
    %scan3A_26 = arith.constant 0 : i32
    %scan3A_27 = arith.constant 0 : i32
    %scan3A_28 = arith.constant 4 : i32
    %scan3A_29 = arith.addi %scan3A_27, %scan3A_28 : i32
    %scan3A_30 = arith.constant 1 : i32
    scf.for %scan3A_36 = %scan3A_27 to %scan3A_29 step %scan3A_30  : i32 {
      %mul3A_37 = arith.constant 128 : i32
      %mul3A_38 = arith.muli %scan3A_36, %mul3A_37 : i32
      %add3A_39 = arith.addi %mul3A_2, %mul3A_38 : i32
      "tpu.region"() ({
        %run_scoped3A = tpu.sem_alloc : memref<!tpu.dma_semaphore, #tpu.memory_space<semaphore_mem>>
        %dma_start3A = arith.constant 0 : i32
        %dma_start3A_43 = tpu.memref_slice %arg7[%add3A_39, %dma_start3A] : memref<10112x16xf32, #tpu.memory_space<vmem_shared>> -> memref<128x16xf32, #tpu.memory_space<vmem_shared>>
        %dma_start3A_44 = arith.constant 0 : i32
        %dma_start3A_45 = tpu.memref_slice %arg7[%add3A_39, %dma_start3A_44] : memref<10112x16xf32, #tpu.memory_space<vmem_shared>> -> memref<128x16xf32, #tpu.memory_space<vmem_shared>>
        tpu.enqueue_dma source(%dma_start3A_45 : memref<128x16xf32, #tpu.memory_space<vmem_shared>>) target(%arg6 : memref<128x16xf32, #tpu.memory_space<vmem>>) target_semaphore(%run_scoped3A : memref<!tpu.dma_semaphore, #tpu.memory_space<semaphore_mem>>)
        %dma_wait3A = arith.constant 0 : i32
        %dma_wait3A_46 = tpu.memref_slice %arg7[%add3A_39, %dma_wait3A] : memref<10112x16xf32, #tpu.memory_space<vmem_shared>> -> memref<128x16xf32, #tpu.memory_space<vmem_shared>>
        %dma_wait3A_47 = arith.constant 0 : i32
        %dma_wait3A_48 = tpu.memref_slice %arg7[%add3A_39, %dma_wait3A_47] : memref<10112x16xf32, #tpu.memory_space<vmem_shared>> -> memref<128x16xf32, #tpu.memory_space<vmem_shared>>
        tpu.wait_dma2 semaphore(%run_scoped3A : memref<!tpu.dma_semaphore, #tpu.memory_space<semaphore_mem>>) src(%dma_wait3A_48 : memref<128x16xf32, #tpu.memory_space<vmem_shared>>) dst(%arg6 : memref<128x16xf32, #tpu.memory_space<vmem>>)
        tpu.yield
      }) : () -> ()
      %mul3A_40 = arith.constant 128 : i32
      %mul3A_41 = arith.muli %scan3A_36, %mul3A_40 : i32
      %add3A_42 = arith.addi %mul3A_2, %mul3A_41 : i32
      "tpu.region"() ({
        %run_scoped3A = tpu.sem_alloc : memref<!tpu.dma_semaphore, #tpu.memory_space<semaphore_mem>>
        %dma_start3A = arith.constant 0 : i32
        %dma_start3A_43 = tpu.memref_slice %arg3[%arg0, %add3A_42, %dma_start3A] : memref<2x10112x16xf32, #tpu.memory_space<hbm>> -> memref<1x128x16xf32, #tpu.memory_space<hbm>>
        %dma_start3A_44 = tpu.memref_squeeze %dma_start3A_43 : memref<1x128x16xf32, #tpu.memory_space<hbm>> -> memref<128x16xf32, #tpu.memory_space<hbm>>
        %dma_start3A_45 = arith.constant 0 : i32
        %dma_start3A_46 = tpu.memref_slice %arg3[%arg0, %add3A_42, %dma_start3A_45] : memref<2x10112x16xf32, #tpu.memory_space<hbm>> -> memref<1x128x16xf32, #tpu.memory_space<hbm>>
        %dma_start3A_47 = tpu.memref_squeeze %dma_start3A_46 : memref<1x128x16xf32, #tpu.memory_space<hbm>> -> memref<128x16xf32, #tpu.memory_space<hbm>>
        tpu.enqueue_dma source(%arg6 : memref<128x16xf32, #tpu.memory_space<vmem>>) target(%dma_start3A_47 : memref<128x16xf32, #tpu.memory_space<hbm>>) target_semaphore(%run_scoped3A : memref<!tpu.dma_semaphore, #tpu.memory_space<semaphore_mem>>)
        %dma_wait3A = arith.constant 0 : i32
        %dma_wait3A_48 = tpu.memref_slice %arg3[%arg0, %add3A_42, %dma_wait3A] : memref<2x10112x16xf32, #tpu.memory_space<hbm>> -> memref<1x128x16xf32, #tpu.memory_space<hbm>>
        %dma_wait3A_49 = tpu.memref_squeeze %dma_wait3A_48 : memref<1x128x16xf32, #tpu.memory_space<hbm>> -> memref<128x16xf32, #tpu.memory_space<hbm>>
        %dma_wait3A_50 = arith.constant 0 : i32
        %dma_wait3A_51 = tpu.memref_slice %arg3[%arg0, %add3A_42, %dma_wait3A_50] : memref<2x10112x16xf32, #tpu.memory_space<hbm>> -> memref<1x128x16xf32, #tpu.memory_space<hbm>>
        %dma_wait3A_52 = tpu.memref_squeeze %dma_wait3A_51 : memref<1x128x16xf32, #tpu.memory_space<hbm>> -> memref<128x16xf32, #tpu.memory_space<hbm>>
        tpu.wait_dma2 semaphore(%run_scoped3A : memref<!tpu.dma_semaphore, #tpu.memory_space<semaphore_mem>>) src(%arg6 : memref<128x16xf32, #tpu.memory_space<vmem>>) dst(%dma_wait3A_52 : memref<128x16xf32, #tpu.memory_space<hbm>>)
        tpu.yield
      }) : () -> ()
    }
    %scan3A_31 = arith.constant 4 : i32
    %add3A_32 = arith.constant 512 : i32
    %add3A_33 = arith.addi %mul3A_2, %add3A_32 : i32
    "tpu.region"() ({
      %run_scoped3A = tpu.sem_alloc : memref<!tpu.dma_semaphore, #tpu.memory_space<semaphore_mem>>
      %dma_start3A = arith.constant 0 : i32
      %dma_start3A_36 = arith.constant 0 : i32
      %dma_start3A_37 = tpu.memref_slice %arg6[%dma_start3A, %dma_start3A_36] : memref<128x16xf32, #tpu.memory_space<vmem>> -> memref<120x16xf32, #tpu.memory_space<vmem>>
      %dma_start3A_38 = arith.constant 0 : i32
      %dma_start3A_39 = tpu.memref_slice %arg7[%add3A_33, %dma_start3A_38] : memref<10112x16xf32, #tpu.memory_space<vmem_shared>> -> memref<120x16xf32, #tpu.memory_space<vmem_shared>>
      %dma_start3A_40 = arith.constant 0 : i32
      %dma_start3A_41 = arith.constant 0 : i32
      %dma_start3A_42 = tpu.memref_slice %arg6[%dma_start3A_40, %dma_start3A_41] : memref<128x16xf32, #tpu.memory_space<vmem>> -> memref<120x16xf32, #tpu.memory_space<vmem>>
      %dma_start3A_43 = arith.constant 0 : i32
      %dma_start3A_44 = tpu.memref_slice %arg7[%add3A_33, %dma_start3A_43] : memref<10112x16xf32, #tpu.memory_space<vmem_shared>> -> memref<120x16xf32, #tpu.memory_space<vmem_shared>>
      tpu.enqueue_dma source(%dma_start3A_44 : memref<120x16xf32, #tpu.memory_space<vmem_shared>>) target(%dma_start3A_42 : memref<120x16xf32, #tpu.memory_space<vmem>>) target_semaphore(%run_scoped3A : memref<!tpu.dma_semaphore, #tpu.memory_space<semaphore_mem>>)
      %dma_wait3A = arith.constant 0 : i32
      %dma_wait3A_45 = arith.constant 0 : i32
      %dma_wait3A_46 = tpu.memref_slice %arg6[%dma_wait3A, %dma_wait3A_45] : memref<128x16xf32, #tpu.memory_space<vmem>> -> memref<120x16xf32, #tpu.memory_space<vmem>>
      %dma_wait3A_47 = arith.constant 0 : i32
      %dma_wait3A_48 = tpu.memref_slice %arg7[%add3A_33, %dma_wait3A_47] : memref<10112x16xf32, #tpu.memory_space<vmem_shared>> -> memref<120x16xf32, #tpu.memory_space<vmem_shared>>
      %dma_wait3A_49 = arith.constant 0 : i32
      %dma_wait3A_50 = arith.constant 0 : i32
      %dma_wait3A_51 = tpu.memref_slice %arg6[%dma_wait3A_49, %dma_wait3A_50] : memref<128x16xf32, #tpu.memory_space<vmem>> -> memref<120x16xf32, #tpu.memory_space<vmem>>
      %dma_wait3A_52 = arith.constant 0 : i32
      %dma_wait3A_53 = tpu.memref_slice %arg7[%add3A_33, %dma_wait3A_52] : memref<10112x16xf32, #tpu.memory_space<vmem_shared>> -> memref<120x16xf32, #tpu.memory_space<vmem_shared>>
      tpu.wait_dma2 semaphore(%run_scoped3A : memref<!tpu.dma_semaphore, #tpu.memory_space<semaphore_mem>>) src(%dma_wait3A_53 : memref<120x16xf32, #tpu.memory_space<vmem_shared>>) dst(%dma_wait3A_51 : memref<120x16xf32, #tpu.memory_space<vmem>>)
      tpu.yield
    }) : () -> ()
    %add3A_34 = arith.constant 512 : i32
    %add3A_35 = arith.addi %mul3A_2, %add3A_34 : i32
    "tpu.region"() ({
      %run_scoped3A = tpu.sem_alloc : memref<!tpu.dma_semaphore, #tpu.memory_space<semaphore_mem>>
      %dma_start3A = arith.constant 0 : i32
      %dma_start3A_36 = arith.constant 0 : i32
      %dma_start3A_37 = tpu.memref_slice %arg6[%dma_start3A, %dma_start3A_36] : memref<128x16xf32, #tpu.memory_space<vmem>> -> memref<120x16xf32, #tpu.memory_space<vmem>>
      %dma_start3A_38 = arith.constant 0 : i32
      %dma_start3A_39 = tpu.memref_slice %arg3[%arg0, %add3A_35, %dma_start3A_38] : memref<2x10112x16xf32, #tpu.memory_space<hbm>> -> memref<1x120x16xf32, #tpu.memory_space<hbm>>
      %dma_start3A_40 = tpu.memref_squeeze %dma_start3A_39 : memref<1x120x16xf32, #tpu.memory_space<hbm>> -> memref<120x16xf32, #tpu.memory_space<hbm>>
      %dma_start3A_41 = arith.constant 0 : i32
      %dma_start3A_42 = tpu.memref_slice %arg3[%arg0, %add3A_35, %dma_start3A_41] : memref<2x10112x16xf32, #tpu.memory_space<hbm>> -> memref<1x120x16xf32, #tpu.memory_space<hbm>>
      %dma_start3A_43 = tpu.memref_squeeze %dma_start3A_42 : memref<1x120x16xf32, #tpu.memory_space<hbm>> -> memref<120x16xf32, #tpu.memory_space<hbm>>
      %dma_start3A_44 = arith.constant 0 : i32
      %dma_start3A_45 = arith.constant 0 : i32
      %dma_start3A_46 = tpu.memref_slice %arg6[%dma_start3A_44, %dma_start3A_45] : memref<128x16xf32, #tpu.memory_space<vmem>> -> memref<120x16xf32, #tpu.memory_space<vmem>>
      tpu.enqueue_dma source(%dma_start3A_46 : memref<120x16xf32, #tpu.memory_space<vmem>>) target(%dma_start3A_43 : memref<120x16xf32, #tpu.memory_space<hbm>>) target_semaphore(%run_scoped3A : memref<!tpu.dma_semaphore, #tpu.memory_space<semaphore_mem>>)
      %dma_wait3A = arith.constant 0 : i32
      %dma_wait3A_47 = arith.constant 0 : i32
      %dma_wait3A_48 = tpu.memref_slice %arg6[%dma_wait3A, %dma_wait3A_47] : memref<128x16xf32, #tpu.memory_space<vmem>> -> memref<120x16xf32, #tpu.memory_space<vmem>>
      %dma_wait3A_49 = arith.constant 0 : i32
      %dma_wait3A_50 = tpu.memref_slice %arg3[%arg0, %add3A_35, %dma_wait3A_49] : memref<2x10112x16xf32, #tpu.memory_space<hbm>> -> memref<1x120x16xf32, #tpu.memory_space<hbm>>
      %dma_wait3A_51 = tpu.memref_squeeze %dma_wait3A_50 : memref<1x120x16xf32, #tpu.memory_space<hbm>> -> memref<120x16xf32, #tpu.memory_space<hbm>>
      %dma_wait3A_52 = arith.constant 0 : i32
      %dma_wait3A_53 = tpu.memref_slice %arg3[%arg0, %add3A_35, %dma_wait3A_52] : memref<2x10112x16xf32, #tpu.memory_space<hbm>> -> memref<1x120x16xf32, #tpu.memory_space<hbm>>
      %dma_wait3A_54 = tpu.memref_squeeze %dma_wait3A_53 : memref<1x120x16xf32, #tpu.memory_space<hbm>> -> memref<120x16xf32, #tpu.memory_space<hbm>>
      %dma_wait3A_55 = arith.constant 0 : i32
      %dma_wait3A_56 = arith.constant 0 : i32
      %dma_wait3A_57 = tpu.memref_slice %arg6[%dma_wait3A_55, %dma_wait3A_56] : memref<128x16xf32, #tpu.memory_space<vmem>> -> memref<120x16xf32, #tpu.memory_space<vmem>>
      tpu.wait_dma2 semaphore(%run_scoped3A : memref<!tpu.dma_semaphore, #tpu.memory_space<semaphore_mem>>) src(%dma_wait3A_57 : memref<120x16xf32, #tpu.memory_space<vmem>>) dst(%dma_wait3A_54 : memref<120x16xf32, #tpu.memory_space<hbm>>)
      tpu.yield
    }) : () -> ()
    return
  }
}

#map = affine_map<(d0, d1) -> (0, 0)>
#map1 = affine_map<(d0, d1) -> (0, 0, 0)>
module attributes {stable_mosaic.version = 14 : i64} {
  func.func @scatter_kernel(%arg0: i32, %arg1: i32, %arg2: memref<10112x128xf32, #tpu.memory_space<hbm>>, %arg3: memref<32x79x128xi32, #tpu.memory_space<hbm>>, %arg4: memref<32x79x128xi32, #tpu.memory_space<hbm>>, %arg5: memref<128x128xf32, #tpu.memory_space<hbm>>, %arg6: memref<2x10112x128xf32, #tpu.memory_space<hbm>>, %arg7: memref<79x128xi32, #tpu.memory_space<vmem>>, %arg8: memref<79x128xi32, #tpu.memory_space<vmem>>, %arg9: memref<128x128xf32, #tpu.memory_space<vmem>>, %arg10: memref<10112x128xf32, #tpu.memory_space<vmem_shared>>, %arg11: memref<!tpu.dma_semaphore, #tpu.memory_space<semaphore_mem>>) attributes {dimension_semantics = [#tpu.dimension_semantics<core_parallel>, #tpu.dimension_semantics<subcore_parallel>], iteration_bounds = array<i64: 2, 16>, scalar_prefetch = 0 : i64, scratch_operands = 5 : i64, tpu.core_type = #tpu.core_type<sc_vector_subcore>, window_params = [{transform_indices = #map}, {transform_indices = #map1}, {transform_indices = #map1}, {transform_indices = #map}, {transform_indices = #map1}]} {
    %mul3A = arith.constant 2 : i32
    %mul3A_0 = arith.muli %arg1, %mul3A : i32
    %add3A = arith.addi %mul3A_0, %arg0 : i32
    %mul3A_1 = arith.constant 632 : i32
    %mul3A_2 = arith.muli %arg1, %mul3A_1 : i32
    "tpu.region"() ({
      %run_scoped3A = tpu.sem_alloc : memref<!tpu.dma_semaphore, #tpu.memory_space<semaphore_mem>>
      %dma_start3A = arith.constant 0 : i32
      %dma_start3A_27 = arith.constant 0 : i32
      %dma_start3A_28 = tpu.memref_slice %arg3[%add3A, %dma_start3A, %dma_start3A_27] : memref<32x79x128xi32, #tpu.memory_space<hbm>> -> memref<1x79x128xi32, #tpu.memory_space<hbm>>
      %dma_start3A_29 = tpu.memref_squeeze %dma_start3A_28 : memref<1x79x128xi32, #tpu.memory_space<hbm>> -> memref<79x128xi32, #tpu.memory_space<hbm>>
      %dma_start3A_30 = arith.constant 0 : i32
      %dma_start3A_31 = arith.constant 0 : i32
      %dma_start3A_32 = tpu.memref_slice %arg3[%add3A, %dma_start3A_30, %dma_start3A_31] : memref<32x79x128xi32, #tpu.memory_space<hbm>> -> memref<1x79x128xi32, #tpu.memory_space<hbm>>
      %dma_start3A_33 = tpu.memref_squeeze %dma_start3A_32 : memref<1x79x128xi32, #tpu.memory_space<hbm>> -> memref<79x128xi32, #tpu.memory_space<hbm>>
      tpu.enqueue_dma source(%dma_start3A_33 : memref<79x128xi32, #tpu.memory_space<hbm>>) target(%arg7 : memref<79x128xi32, #tpu.memory_space<vmem>>) target_semaphore(%run_scoped3A : memref<!tpu.dma_semaphore, #tpu.memory_space<semaphore_mem>>)
      %dma_wait3A = arith.constant 0 : i32
      %dma_wait3A_34 = arith.constant 0 : i32
      %dma_wait3A_35 = tpu.memref_slice %arg3[%add3A, %dma_wait3A, %dma_wait3A_34] : memref<32x79x128xi32, #tpu.memory_space<hbm>> -> memref<1x79x128xi32, #tpu.memory_space<hbm>>
      %dma_wait3A_36 = tpu.memref_squeeze %dma_wait3A_35 : memref<1x79x128xi32, #tpu.memory_space<hbm>> -> memref<79x128xi32, #tpu.memory_space<hbm>>
      %dma_wait3A_37 = arith.constant 0 : i32
      %dma_wait3A_38 = arith.constant 0 : i32
      %dma_wait3A_39 = tpu.memref_slice %arg3[%add3A, %dma_wait3A_37, %dma_wait3A_38] : memref<32x79x128xi32, #tpu.memory_space<hbm>> -> memref<1x79x128xi32, #tpu.memory_space<hbm>>
      %dma_wait3A_40 = tpu.memref_squeeze %dma_wait3A_39 : memref<1x79x128xi32, #tpu.memory_space<hbm>> -> memref<79x128xi32, #tpu.memory_space<hbm>>
      tpu.wait_dma2 semaphore(%run_scoped3A : memref<!tpu.dma_semaphore, #tpu.memory_space<semaphore_mem>>) src(%dma_wait3A_40 : memref<79x128xi32, #tpu.memory_space<hbm>>) dst(%arg7 : memref<79x128xi32, #tpu.memory_space<vmem>>)
      tpu.yield
    }) : () -> ()
    "tpu.region"() ({
      %run_scoped3A = tpu.sem_alloc : memref<!tpu.dma_semaphore, #tpu.memory_space<semaphore_mem>>
      %dma_start3A = arith.constant 0 : i32
      %dma_start3A_27 = arith.constant 0 : i32
      %dma_start3A_28 = tpu.memref_slice %arg4[%add3A, %dma_start3A, %dma_start3A_27] : memref<32x79x128xi32, #tpu.memory_space<hbm>> -> memref<1x79x128xi32, #tpu.memory_space<hbm>>
      %dma_start3A_29 = tpu.memref_squeeze %dma_start3A_28 : memref<1x79x128xi32, #tpu.memory_space<hbm>> -> memref<79x128xi32, #tpu.memory_space<hbm>>
      %dma_start3A_30 = arith.constant 0 : i32
      %dma_start3A_31 = arith.constant 0 : i32
      %dma_start3A_32 = tpu.memref_slice %arg4[%add3A, %dma_start3A_30, %dma_start3A_31] : memref<32x79x128xi32, #tpu.memory_space<hbm>> -> memref<1x79x128xi32, #tpu.memory_space<hbm>>
      %dma_start3A_33 = tpu.memref_squeeze %dma_start3A_32 : memref<1x79x128xi32, #tpu.memory_space<hbm>> -> memref<79x128xi32, #tpu.memory_space<hbm>>
      tpu.enqueue_dma source(%dma_start3A_33 : memref<79x128xi32, #tpu.memory_space<hbm>>) target(%arg8 : memref<79x128xi32, #tpu.memory_space<vmem>>) target_semaphore(%run_scoped3A : memref<!tpu.dma_semaphore, #tpu.memory_space<semaphore_mem>>)
      %dma_wait3A = arith.constant 0 : i32
      %dma_wait3A_34 = arith.constant 0 : i32
      %dma_wait3A_35 = tpu.memref_slice %arg4[%add3A, %dma_wait3A, %dma_wait3A_34] : memref<32x79x128xi32, #tpu.memory_space<hbm>> -> memref<1x79x128xi32, #tpu.memory_space<hbm>>
      %dma_wait3A_36 = tpu.memref_squeeze %dma_wait3A_35 : memref<1x79x128xi32, #tpu.memory_space<hbm>> -> memref<79x128xi32, #tpu.memory_space<hbm>>
      %dma_wait3A_37 = arith.constant 0 : i32
      %dma_wait3A_38 = arith.constant 0 : i32
      %dma_wait3A_39 = tpu.memref_slice %arg4[%add3A, %dma_wait3A_37, %dma_wait3A_38] : memref<32x79x128xi32, #tpu.memory_space<hbm>> -> memref<1x79x128xi32, #tpu.memory_space<hbm>>
      %dma_wait3A_40 = tpu.memref_squeeze %dma_wait3A_39 : memref<1x79x128xi32, #tpu.memory_space<hbm>> -> memref<79x128xi32, #tpu.memory_space<hbm>>
      tpu.wait_dma2 semaphore(%run_scoped3A : memref<!tpu.dma_semaphore, #tpu.memory_space<semaphore_mem>>) src(%dma_wait3A_40 : memref<79x128xi32, #tpu.memory_space<hbm>>) dst(%arg8 : memref<79x128xi32, #tpu.memory_space<vmem>>)
      tpu.yield
    }) : () -> ()
    "tpu.region"() ({
      %run_scoped3A = tpu.sem_alloc : memref<!tpu.dma_semaphore, #tpu.memory_space<semaphore_mem>>
      tpu.enqueue_dma source(%arg5 : memref<128x128xf32, #tpu.memory_space<hbm>>) target(%arg9 : memref<128x128xf32, #tpu.memory_space<vmem>>) target_semaphore(%run_scoped3A : memref<!tpu.dma_semaphore, #tpu.memory_space<semaphore_mem>>)
      tpu.wait_dma2 semaphore(%run_scoped3A : memref<!tpu.dma_semaphore, #tpu.memory_space<semaphore_mem>>) src(%arg5 : memref<128x128xf32, #tpu.memory_space<hbm>>) dst(%arg9 : memref<128x128xf32, #tpu.memory_space<vmem>>)
      tpu.yield
    }) : () -> ()
    %scan3A = arith.constant 0 : i32
    %scan3A_3 = arith.constant 0 : i32
    %scan3A_4 = arith.constant 4 : i32
    %scan3A_5 = arith.addi %scan3A_3, %scan3A_4 : i32
    %scan3A_6 = arith.constant 1 : i32
    scf.for %scan3A_27 = %scan3A_3 to %scan3A_5 step %scan3A_6  : i32 {
      %mul3A_28 = arith.constant 128 : i32
      %mul3A_29 = arith.muli %scan3A_27, %mul3A_28 : i32
      %add3A_30 = arith.addi %mul3A_2, %mul3A_29 : i32
      "tpu.region"() ({
        %run_scoped3A = tpu.sem_alloc : memref<!tpu.dma_semaphore, #tpu.memory_space<semaphore_mem>>
        %dma_start3A = arith.constant 0 : i32
        %dma_start3A_31 = tpu.memref_slice %arg10[%add3A_30, %dma_start3A] : memref<10112x128xf32, #tpu.memory_space<vmem_shared>> -> memref<128x128xf32, #tpu.memory_space<vmem_shared>>
        %dma_start3A_32 = arith.constant 0 : i32
        %dma_start3A_33 = tpu.memref_slice %arg10[%add3A_30, %dma_start3A_32] : memref<10112x128xf32, #tpu.memory_space<vmem_shared>> -> memref<128x128xf32, #tpu.memory_space<vmem_shared>>
        tpu.enqueue_dma source(%arg9 : memref<128x128xf32, #tpu.memory_space<vmem>>) target(%dma_start3A_33 : memref<128x128xf32, #tpu.memory_space<vmem_shared>>) target_semaphore(%run_scoped3A : memref<!tpu.dma_semaphore, #tpu.memory_space<semaphore_mem>>)
        %dma_wait3A = arith.constant 0 : i32
        %dma_wait3A_34 = tpu.memref_slice %arg10[%add3A_30, %dma_wait3A] : memref<10112x128xf32, #tpu.memory_space<vmem_shared>> -> memref<128x128xf32, #tpu.memory_space<vmem_shared>>
        %dma_wait3A_35 = arith.constant 0 : i32
        %dma_wait3A_36 = tpu.memref_slice %arg10[%add3A_30, %dma_wait3A_35] : memref<10112x128xf32, #tpu.memory_space<vmem_shared>> -> memref<128x128xf32, #tpu.memory_space<vmem_shared>>
        tpu.wait_dma2 semaphore(%run_scoped3A : memref<!tpu.dma_semaphore, #tpu.memory_space<semaphore_mem>>) src(%arg9 : memref<128x128xf32, #tpu.memory_space<vmem>>) dst(%dma_wait3A_36 : memref<128x128xf32, #tpu.memory_space<vmem_shared>>)
        tpu.yield
      }) : () -> ()
    }
    %scan3A_7 = arith.constant 4 : i32
    %add3A_8 = arith.constant 512 : i32
    %add3A_9 = arith.addi %mul3A_2, %add3A_8 : i32
    "tpu.region"() ({
      %run_scoped3A = tpu.sem_alloc : memref<!tpu.dma_semaphore, #tpu.memory_space<semaphore_mem>>
      %dma_start3A = arith.constant 0 : i32
      %dma_start3A_27 = arith.constant 0 : i32
      %dma_start3A_28 = tpu.memref_slice %arg9[%dma_start3A, %dma_start3A_27] : memref<128x128xf32, #tpu.memory_space<vmem>> -> memref<120x128xf32, #tpu.memory_space<vmem>>
      %dma_start3A_29 = arith.constant 0 : i32
      %dma_start3A_30 = tpu.memref_slice %arg10[%add3A_9, %dma_start3A_29] : memref<10112x128xf32, #tpu.memory_space<vmem_shared>> -> memref<120x128xf32, #tpu.memory_space<vmem_shared>>
      %dma_start3A_31 = arith.constant 0 : i32
      %dma_start3A_32 = tpu.memref_slice %arg10[%add3A_9, %dma_start3A_31] : memref<10112x128xf32, #tpu.memory_space<vmem_shared>> -> memref<120x128xf32, #tpu.memory_space<vmem_shared>>
      %dma_start3A_33 = arith.constant 0 : i32
      %dma_start3A_34 = arith.constant 0 : i32
      %dma_start3A_35 = tpu.memref_slice %arg9[%dma_start3A_33, %dma_start3A_34] : memref<128x128xf32, #tpu.memory_space<vmem>> -> memref<120x128xf32, #tpu.memory_space<vmem>>
      tpu.enqueue_dma source(%dma_start3A_35 : memref<120x128xf32, #tpu.memory_space<vmem>>) target(%dma_start3A_32 : memref<120x128xf32, #tpu.memory_space<vmem_shared>>) target_semaphore(%run_scoped3A : memref<!tpu.dma_semaphore, #tpu.memory_space<semaphore_mem>>)
      %dma_wait3A = arith.constant 0 : i32
      %dma_wait3A_36 = arith.constant 0 : i32
      %dma_wait3A_37 = tpu.memref_slice %arg9[%dma_wait3A, %dma_wait3A_36] : memref<128x128xf32, #tpu.memory_space<vmem>> -> memref<120x128xf32, #tpu.memory_space<vmem>>
      %dma_wait3A_38 = arith.constant 0 : i32
      %dma_wait3A_39 = tpu.memref_slice %arg10[%add3A_9, %dma_wait3A_38] : memref<10112x128xf32, #tpu.memory_space<vmem_shared>> -> memref<120x128xf32, #tpu.memory_space<vmem_shared>>
      %dma_wait3A_40 = arith.constant 0 : i32
      %dma_wait3A_41 = tpu.memref_slice %arg10[%add3A_9, %dma_wait3A_40] : memref<10112x128xf32, #tpu.memory_space<vmem_shared>> -> memref<120x128xf32, #tpu.memory_space<vmem_shared>>
      %dma_wait3A_42 = arith.constant 0 : i32
      %dma_wait3A_43 = arith.constant 0 : i32
      %dma_wait3A_44 = tpu.memref_slice %arg9[%dma_wait3A_42, %dma_wait3A_43] : memref<128x128xf32, #tpu.memory_space<vmem>> -> memref<120x128xf32, #tpu.memory_space<vmem>>
      tpu.wait_dma2 semaphore(%run_scoped3A : memref<!tpu.dma_semaphore, #tpu.memory_space<semaphore_mem>>) src(%dma_wait3A_44 : memref<120x128xf32, #tpu.memory_space<vmem>>) dst(%dma_wait3A_41 : memref<120x128xf32, #tpu.memory_space<vmem_shared>>)
      tpu.yield
    }) : () -> ()
    %barrier3A = arith.constant 0 : index
    tpu.barrier barrier_id(%barrier3A)
    %scan3A_10 = arith.constant 0 : i32
    %scan3A_11 = arith.constant 0 : i32
    %scan3A_12 = arith.constant 79 : i32
    %scan3A_13 = arith.addi %scan3A_11, %scan3A_12 : i32
    %scan3A_14 = arith.constant 1 : i32
    scf.for %scan3A_27 = %scan3A_11 to %scan3A_13 step %scan3A_14  : i32 {
      %dma_start3A = arith.constant 0 : i32
      %dma_start3A_28 = tpu.memref_slice %arg7[%scan3A_27, %dma_start3A] : memref<79x128xi32, #tpu.memory_space<vmem>> -> memref<1x128xi32, #tpu.memory_space<vmem>>
      %dma_start3A_29 = tpu.memref_squeeze %dma_start3A_28 : memref<1x128xi32, #tpu.memory_space<vmem>> -> memref<128xi32, #tpu.memory_space<vmem>>
      %dma_start3A_30 = arith.constant 0 : i32
      %dma_start3A_31 = arith.constant 0 : i32
      %dma_start3A_32 = tpu.memref_slice %arg2[%dma_start3A_30, %dma_start3A_31] : memref<10112x128xf32, #tpu.memory_space<hbm>> -> memref<10112x128xf32, #tpu.memory_space<hbm>>
      tpu.enqueue_indirect_dma source(%dma_start3A_32 : memref<10112x128xf32, #tpu.memory_space<hbm>>) target(%arg9 : memref<128x128xf32, #tpu.memory_space<vmem>>) offsets(%dma_start3A_29 : memref<128xi32, #tpu.memory_space<vmem>>) semaphore(%arg11 : memref<!tpu.dma_semaphore, #tpu.memory_space<semaphore_mem>>)
      %dma_wait3A = arith.constant 0 : i32
      %dma_wait3A_33 = tpu.memref_slice %arg7[%scan3A_27, %dma_wait3A] : memref<79x128xi32, #tpu.memory_space<vmem>> -> memref<1x128xi32, #tpu.memory_space<vmem>>
      %dma_wait3A_34 = tpu.memref_squeeze %dma_wait3A_33 : memref<1x128xi32, #tpu.memory_space<vmem>> -> memref<128xi32, #tpu.memory_space<vmem>>
      %dma_wait3A_35 = arith.constant 0 : i32
      %dma_wait3A_36 = arith.constant 0 : i32
      %dma_wait3A_37 = tpu.memref_slice %arg2[%dma_wait3A_35, %dma_wait3A_36] : memref<10112x128xf32, #tpu.memory_space<hbm>> -> memref<10112x128xf32, #tpu.memory_space<hbm>>
      tpu.wait_indirect_dma semaphore(%arg11 : memref<!tpu.dma_semaphore, #tpu.memory_space<semaphore_mem>>) src(%dma_wait3A_37 : memref<10112x128xf32, #tpu.memory_space<hbm>>) dst(%arg9 : memref<128x128xf32, #tpu.memory_space<vmem>>)
      "tpu.region"() ({
        %run_scoped3A = tpu.sem_alloc : memref<!tpu.dma_semaphore, #tpu.memory_space<semaphore_mem>>
        %dma_start3A_38 = arith.constant 0 : i32
        %dma_start3A_39 = tpu.memref_slice %arg8[%scan3A_27, %dma_start3A_38] : memref<79x128xi32, #tpu.memory_space<vmem>> -> memref<1x128xi32, #tpu.memory_space<vmem>>
        %dma_start3A_40 = tpu.memref_squeeze %dma_start3A_39 : memref<1x128xi32, #tpu.memory_space<vmem>> -> memref<128xi32, #tpu.memory_space<vmem>>
        %dma_start3A_41 = arith.constant 0 : i32
        %dma_start3A_42 = arith.constant 0 : i32
        %dma_start3A_43 = tpu.memref_slice %arg10[%dma_start3A_41, %dma_start3A_42] : memref<10112x128xf32, #tpu.memory_space<vmem_shared>> -> memref<10112x128xf32, #tpu.memory_space<vmem_shared>>
        tpu.enqueue_indirect_dma source(%arg9 : memref<128x128xf32, #tpu.memory_space<vmem>>) target(%dma_start3A_43 : memref<10112x128xf32, #tpu.memory_space<vmem_shared>>) offsets(%dma_start3A_40 : memref<128xi32, #tpu.memory_space<vmem>>) semaphore(%run_scoped3A : memref<!tpu.dma_semaphore, #tpu.memory_space<semaphore_mem>>) {add = true}
        %dma_wait3A_44 = arith.constant 0 : i32
        %dma_wait3A_45 = tpu.memref_slice %arg8[%scan3A_27, %dma_wait3A_44] : memref<79x128xi32, #tpu.memory_space<vmem>> -> memref<1x128xi32, #tpu.memory_space<vmem>>
        %dma_wait3A_46 = tpu.memref_squeeze %dma_wait3A_45 : memref<1x128xi32, #tpu.memory_space<vmem>> -> memref<128xi32, #tpu.memory_space<vmem>>
        %dma_wait3A_47 = arith.constant 0 : i32
        %dma_wait3A_48 = arith.constant 0 : i32
        %dma_wait3A_49 = tpu.memref_slice %arg10[%dma_wait3A_47, %dma_wait3A_48] : memref<10112x128xf32, #tpu.memory_space<vmem_shared>> -> memref<10112x128xf32, #tpu.memory_space<vmem_shared>>
        tpu.wait_indirect_dma semaphore(%run_scoped3A : memref<!tpu.dma_semaphore, #tpu.memory_space<semaphore_mem>>) src(%arg9 : memref<128x128xf32, #tpu.memory_space<vmem>>) dst(%dma_wait3A_49 : memref<10112x128xf32, #tpu.memory_space<vmem_shared>>)
        tpu.yield
      }) : () -> ()
    }
    %scan3A_15 = arith.constant 79 : i32
    %barrier3A_16 = arith.constant 0 : index
    tpu.barrier barrier_id(%barrier3A_16)
    %scan3A_17 = arith.constant 0 : i32
    %scan3A_18 = arith.constant 0 : i32
    %scan3A_19 = arith.constant 4 : i32
    %scan3A_20 = arith.addi %scan3A_18, %scan3A_19 : i32
    %scan3A_21 = arith.constant 1 : i32
    scf.for %scan3A_27 = %scan3A_18 to %scan3A_20 step %scan3A_21  : i32 {
      %mul3A_28 = arith.constant 128 : i32
      %mul3A_29 = arith.muli %scan3A_27, %mul3A_28 : i32
      %add3A_30 = arith.addi %mul3A_2, %mul3A_29 : i32
      "tpu.region"() ({
        %run_scoped3A = tpu.sem_alloc : memref<!tpu.dma_semaphore, #tpu.memory_space<semaphore_mem>>
        %dma_start3A = arith.constant 0 : i32
        %dma_start3A_34 = tpu.memref_slice %arg10[%add3A_30, %dma_start3A] : memref<10112x128xf32, #tpu.memory_space<vmem_shared>> -> memref<128x128xf32, #tpu.memory_space<vmem_shared>>
        %dma_start3A_35 = arith.constant 0 : i32
        %dma_start3A_36 = tpu.memref_slice %arg10[%add3A_30, %dma_start3A_35] : memref<10112x128xf32, #tpu.memory_space<vmem_shared>> -> memref<128x128xf32, #tpu.memory_space<vmem_shared>>
        tpu.enqueue_dma source(%dma_start3A_36 : memref<128x128xf32, #tpu.memory_space<vmem_shared>>) target(%arg9 : memref<128x128xf32, #tpu.memory_space<vmem>>) target_semaphore(%run_scoped3A : memref<!tpu.dma_semaphore, #tpu.memory_space<semaphore_mem>>)
        %dma_wait3A = arith.constant 0 : i32
        %dma_wait3A_37 = tpu.memref_slice %arg10[%add3A_30, %dma_wait3A] : memref<10112x128xf32, #tpu.memory_space<vmem_shared>> -> memref<128x128xf32, #tpu.memory_space<vmem_shared>>
        %dma_wait3A_38 = arith.constant 0 : i32
        %dma_wait3A_39 = tpu.memref_slice %arg10[%add3A_30, %dma_wait3A_38] : memref<10112x128xf32, #tpu.memory_space<vmem_shared>> -> memref<128x128xf32, #tpu.memory_space<vmem_shared>>
        tpu.wait_dma2 semaphore(%run_scoped3A : memref<!tpu.dma_semaphore, #tpu.memory_space<semaphore_mem>>) src(%dma_wait3A_39 : memref<128x128xf32, #tpu.memory_space<vmem_shared>>) dst(%arg9 : memref<128x128xf32, #tpu.memory_space<vmem>>)
        tpu.yield
      }) : () -> ()
      %mul3A_31 = arith.constant 128 : i32
      %mul3A_32 = arith.muli %scan3A_27, %mul3A_31 : i32
      %add3A_33 = arith.addi %mul3A_2, %mul3A_32 : i32
      "tpu.region"() ({
        %run_scoped3A = tpu.sem_alloc : memref<!tpu.dma_semaphore, #tpu.memory_space<semaphore_mem>>
        %dma_start3A = arith.constant 0 : i32
        %dma_start3A_34 = tpu.memref_slice %arg6[%arg0, %add3A_33, %dma_start3A] : memref<2x10112x128xf32, #tpu.memory_space<hbm>> -> memref<1x128x128xf32, #tpu.memory_space<hbm>>
        %dma_start3A_35 = tpu.memref_squeeze %dma_start3A_34 : memref<1x128x128xf32, #tpu.memory_space<hbm>> -> memref<128x128xf32, #tpu.memory_space<hbm>>
        %dma_start3A_36 = arith.constant 0 : i32
        %dma_start3A_37 = tpu.memref_slice %arg6[%arg0, %add3A_33, %dma_start3A_36] : memref<2x10112x128xf32, #tpu.memory_space<hbm>> -> memref<1x128x128xf32, #tpu.memory_space<hbm>>
        %dma_start3A_38 = tpu.memref_squeeze %dma_start3A_37 : memref<1x128x128xf32, #tpu.memory_space<hbm>> -> memref<128x128xf32, #tpu.memory_space<hbm>>
        tpu.enqueue_dma source(%arg9 : memref<128x128xf32, #tpu.memory_space<vmem>>) target(%dma_start3A_38 : memref<128x128xf32, #tpu.memory_space<hbm>>) target_semaphore(%run_scoped3A : memref<!tpu.dma_semaphore, #tpu.memory_space<semaphore_mem>>)
        %dma_wait3A = arith.constant 0 : i32
        %dma_wait3A_39 = tpu.memref_slice %arg6[%arg0, %add3A_33, %dma_wait3A] : memref<2x10112x128xf32, #tpu.memory_space<hbm>> -> memref<1x128x128xf32, #tpu.memory_space<hbm>>
        %dma_wait3A_40 = tpu.memref_squeeze %dma_wait3A_39 : memref<1x128x128xf32, #tpu.memory_space<hbm>> -> memref<128x128xf32, #tpu.memory_space<hbm>>
        %dma_wait3A_41 = arith.constant 0 : i32
        %dma_wait3A_42 = tpu.memref_slice %arg6[%arg0, %add3A_33, %dma_wait3A_41] : memref<2x10112x128xf32, #tpu.memory_space<hbm>> -> memref<1x128x128xf32, #tpu.memory_space<hbm>>
        %dma_wait3A_43 = tpu.memref_squeeze %dma_wait3A_42 : memref<1x128x128xf32, #tpu.memory_space<hbm>> -> memref<128x128xf32, #tpu.memory_space<hbm>>
        tpu.wait_dma2 semaphore(%run_scoped3A : memref<!tpu.dma_semaphore, #tpu.memory_space<semaphore_mem>>) src(%arg9 : memref<128x128xf32, #tpu.memory_space<vmem>>) dst(%dma_wait3A_43 : memref<128x128xf32, #tpu.memory_space<hbm>>)
        tpu.yield
      }) : () -> ()
    }
    %scan3A_22 = arith.constant 4 : i32
    %add3A_23 = arith.constant 512 : i32
    %add3A_24 = arith.addi %mul3A_2, %add3A_23 : i32
    "tpu.region"() ({
      %run_scoped3A = tpu.sem_alloc : memref<!tpu.dma_semaphore, #tpu.memory_space<semaphore_mem>>
      %dma_start3A = arith.constant 0 : i32
      %dma_start3A_27 = arith.constant 0 : i32
      %dma_start3A_28 = tpu.memref_slice %arg9[%dma_start3A, %dma_start3A_27] : memref<128x128xf32, #tpu.memory_space<vmem>> -> memref<120x128xf32, #tpu.memory_space<vmem>>
      %dma_start3A_29 = arith.constant 0 : i32
      %dma_start3A_30 = tpu.memref_slice %arg10[%add3A_24, %dma_start3A_29] : memref<10112x128xf32, #tpu.memory_space<vmem_shared>> -> memref<120x128xf32, #tpu.memory_space<vmem_shared>>
      %dma_start3A_31 = arith.constant 0 : i32
      %dma_start3A_32 = arith.constant 0 : i32
      %dma_start3A_33 = tpu.memref_slice %arg9[%dma_start3A_31, %dma_start3A_32] : memref<128x128xf32, #tpu.memory_space<vmem>> -> memref<120x128xf32, #tpu.memory_space<vmem>>
      %dma_start3A_34 = arith.constant 0 : i32
      %dma_start3A_35 = tpu.memref_slice %arg10[%add3A_24, %dma_start3A_34] : memref<10112x128xf32, #tpu.memory_space<vmem_shared>> -> memref<120x128xf32, #tpu.memory_space<vmem_shared>>
      tpu.enqueue_dma source(%dma_start3A_35 : memref<120x128xf32, #tpu.memory_space<vmem_shared>>) target(%dma_start3A_33 : memref<120x128xf32, #tpu.memory_space<vmem>>) target_semaphore(%run_scoped3A : memref<!tpu.dma_semaphore, #tpu.memory_space<semaphore_mem>>)
      %dma_wait3A = arith.constant 0 : i32
      %dma_wait3A_36 = arith.constant 0 : i32
      %dma_wait3A_37 = tpu.memref_slice %arg9[%dma_wait3A, %dma_wait3A_36] : memref<128x128xf32, #tpu.memory_space<vmem>> -> memref<120x128xf32, #tpu.memory_space<vmem>>
      %dma_wait3A_38 = arith.constant 0 : i32
      %dma_wait3A_39 = tpu.memref_slice %arg10[%add3A_24, %dma_wait3A_38] : memref<10112x128xf32, #tpu.memory_space<vmem_shared>> -> memref<120x128xf32, #tpu.memory_space<vmem_shared>>
      %dma_wait3A_40 = arith.constant 0 : i32
      %dma_wait3A_41 = arith.constant 0 : i32
      %dma_wait3A_42 = tpu.memref_slice %arg9[%dma_wait3A_40, %dma_wait3A_41] : memref<128x128xf32, #tpu.memory_space<vmem>> -> memref<120x128xf32, #tpu.memory_space<vmem>>
      %dma_wait3A_43 = arith.constant 0 : i32
      %dma_wait3A_44 = tpu.memref_slice %arg10[%add3A_24, %dma_wait3A_43] : memref<10112x128xf32, #tpu.memory_space<vmem_shared>> -> memref<120x128xf32, #tpu.memory_space<vmem_shared>>
      tpu.wait_dma2 semaphore(%run_scoped3A : memref<!tpu.dma_semaphore, #tpu.memory_space<semaphore_mem>>) src(%dma_wait3A_44 : memref<120x128xf32, #tpu.memory_space<vmem_shared>>) dst(%dma_wait3A_42 : memref<120x128xf32, #tpu.memory_space<vmem>>)
      tpu.yield
    }) : () -> ()
    %add3A_25 = arith.constant 512 : i32
    %add3A_26 = arith.addi %mul3A_2, %add3A_25 : i32
    "tpu.region"() ({
      %run_scoped3A = tpu.sem_alloc : memref<!tpu.dma_semaphore, #tpu.memory_space<semaphore_mem>>
      %dma_start3A = arith.constant 0 : i32
      %dma_start3A_27 = arith.constant 0 : i32
      %dma_start3A_28 = tpu.memref_slice %arg9[%dma_start3A, %dma_start3A_27] : memref<128x128xf32, #tpu.memory_space<vmem>> -> memref<120x128xf32, #tpu.memory_space<vmem>>
      %dma_start3A_29 = arith.constant 0 : i32
      %dma_start3A_30 = tpu.memref_slice %arg6[%arg0, %add3A_26, %dma_start3A_29] : memref<2x10112x128xf32, #tpu.memory_space<hbm>> -> memref<1x120x128xf32, #tpu.memory_space<hbm>>
      %dma_start3A_31 = tpu.memref_squeeze %dma_start3A_30 : memref<1x120x128xf32, #tpu.memory_space<hbm>> -> memref<120x128xf32, #tpu.memory_space<hbm>>
      %dma_start3A_32 = arith.constant 0 : i32
      %dma_start3A_33 = tpu.memref_slice %arg6[%arg0, %add3A_26, %dma_start3A_32] : memref<2x10112x128xf32, #tpu.memory_space<hbm>> -> memref<1x120x128xf32, #tpu.memory_space<hbm>>
      %dma_start3A_34 = tpu.memref_squeeze %dma_start3A_33 : memref<1x120x128xf32, #tpu.memory_space<hbm>> -> memref<120x128xf32, #tpu.memory_space<hbm>>
      %dma_start3A_35 = arith.constant 0 : i32
      %dma_start3A_36 = arith.constant 0 : i32
      %dma_start3A_37 = tpu.memref_slice %arg9[%dma_start3A_35, %dma_start3A_36] : memref<128x128xf32, #tpu.memory_space<vmem>> -> memref<120x128xf32, #tpu.memory_space<vmem>>
      tpu.enqueue_dma source(%dma_start3A_37 : memref<120x128xf32, #tpu.memory_space<vmem>>) target(%dma_start3A_34 : memref<120x128xf32, #tpu.memory_space<hbm>>) target_semaphore(%run_scoped3A : memref<!tpu.dma_semaphore, #tpu.memory_space<semaphore_mem>>)
      %dma_wait3A = arith.constant 0 : i32
      %dma_wait3A_38 = arith.constant 0 : i32
      %dma_wait3A_39 = tpu.memref_slice %arg9[%dma_wait3A, %dma_wait3A_38] : memref<128x128xf32, #tpu.memory_space<vmem>> -> memref<120x128xf32, #tpu.memory_space<vmem>>
      %dma_wait3A_40 = arith.constant 0 : i32
      %dma_wait3A_41 = tpu.memref_slice %arg6[%arg0, %add3A_26, %dma_wait3A_40] : memref<2x10112x128xf32, #tpu.memory_space<hbm>> -> memref<1x120x128xf32, #tpu.memory_space<hbm>>
      %dma_wait3A_42 = tpu.memref_squeeze %dma_wait3A_41 : memref<1x120x128xf32, #tpu.memory_space<hbm>> -> memref<120x128xf32, #tpu.memory_space<hbm>>
      %dma_wait3A_43 = arith.constant 0 : i32
      %dma_wait3A_44 = tpu.memref_slice %arg6[%arg0, %add3A_26, %dma_wait3A_43] : memref<2x10112x128xf32, #tpu.memory_space<hbm>> -> memref<1x120x128xf32, #tpu.memory_space<hbm>>
      %dma_wait3A_45 = tpu.memref_squeeze %dma_wait3A_44 : memref<1x120x128xf32, #tpu.memory_space<hbm>> -> memref<120x128xf32, #tpu.memory_space<hbm>>
      %dma_wait3A_46 = arith.constant 0 : i32
      %dma_wait3A_47 = arith.constant 0 : i32
      %dma_wait3A_48 = tpu.memref_slice %arg9[%dma_wait3A_46, %dma_wait3A_47] : memref<128x128xf32, #tpu.memory_space<vmem>> -> memref<120x128xf32, #tpu.memory_space<vmem>>
      tpu.wait_dma2 semaphore(%run_scoped3A : memref<!tpu.dma_semaphore, #tpu.memory_space<semaphore_mem>>) src(%dma_wait3A_48 : memref<120x128xf32, #tpu.memory_space<vmem>>) dst(%dma_wait3A_45 : memref<120x128xf32, #tpu.memory_space<hbm>>)
      tpu.yield
    }) : () -> ()
    return
  }
}

#map = affine_map<(d0, d1) -> (0, 0)>
#map1 = affine_map<(d0, d1) -> (0, 0, 0)>
module attributes {stable_mosaic.version = 14 : i64} {
  func.func @scatter_kernel(%arg0: i32, %arg1: i32, %arg2: memref<10112x128xf32, #tpu.memory_space<hbm>>, %arg3: memref<32x79x128xi32, #tpu.memory_space<hbm>>, %arg4: memref<32x79x128xi32, #tpu.memory_space<hbm>>, %arg5: memref<128x128xf32, #tpu.memory_space<hbm>>, %arg6: memref<2x10112x128xf32, #tpu.memory_space<hbm>>, %arg7: memref<79x128xi32, #tpu.memory_space<vmem>>, %arg8: memref<79x128xi32, #tpu.memory_space<vmem>>, %arg9: memref<128x128xf32, #tpu.memory_space<vmem>>, %arg10: memref<10112x128xf32, #tpu.memory_space<vmem_shared>>, %arg11: memref<!tpu.dma_semaphore, #tpu.memory_space<semaphore_mem>>) attributes {dimension_semantics = [#tpu.dimension_semantics<core_parallel>, #tpu.dimension_semantics<subcore_parallel>], iteration_bounds = array<i64: 2, 16>, scalar_prefetch = 0 : i64, scratch_operands = 5 : i64, tpu.core_type = #tpu.core_type<sc_vector_subcore>, window_params = [{transform_indices = #map}, {transform_indices = #map1}, {transform_indices = #map1}, {transform_indices = #map}, {transform_indices = #map1}]} {
    %mul3A = arith.constant 2 : i32
    %mul3A_0 = arith.muli %arg1, %mul3A : i32
    %add3A = arith.addi %mul3A_0, %arg0 : i32
    %mul3A_1 = arith.constant 632 : i32
    %mul3A_2 = arith.muli %arg1, %mul3A_1 : i32
    "tpu.region"() ({
      %run_scoped3A = tpu.sem_alloc : memref<!tpu.dma_semaphore, #tpu.memory_space<semaphore_mem>>
      %dma_start3A = arith.constant 0 : i32
      %dma_start3A_27 = arith.constant 0 : i32
      %dma_start3A_28 = tpu.memref_slice %arg3[%add3A, %dma_start3A, %dma_start3A_27] : memref<32x79x128xi32, #tpu.memory_space<hbm>> -> memref<1x79x128xi32, #tpu.memory_space<hbm>>
      %dma_start3A_29 = tpu.memref_squeeze %dma_start3A_28 : memref<1x79x128xi32, #tpu.memory_space<hbm>> -> memref<79x128xi32, #tpu.memory_space<hbm>>
      %dma_start3A_30 = arith.constant 0 : i32
      %dma_start3A_31 = arith.constant 0 : i32
      %dma_start3A_32 = tpu.memref_slice %arg3[%add3A, %dma_start3A_30, %dma_start3A_31] : memref<32x79x128xi32, #tpu.memory_space<hbm>> -> memref<1x79x128xi32, #tpu.memory_space<hbm>>
      %dma_start3A_33 = tpu.memref_squeeze %dma_start3A_32 : memref<1x79x128xi32, #tpu.memory_space<hbm>> -> memref<79x128xi32, #tpu.memory_space<hbm>>
      tpu.enqueue_dma source(%dma_start3A_33 : memref<79x128xi32, #tpu.memory_space<hbm>>) target(%arg7 : memref<79x128xi32, #tpu.memory_space<vmem>>) target_semaphore(%run_scoped3A : memref<!tpu.dma_semaphore, #tpu.memory_space<semaphore_mem>>)
      %dma_wait3A = arith.constant 0 : i32
      %dma_wait3A_34 = arith.constant 0 : i32
      %dma_wait3A_35 = tpu.memref_slice %arg3[%add3A, %dma_wait3A, %dma_wait3A_34] : memref<32x79x128xi32, #tpu.memory_space<hbm>> -> memref<1x79x128xi32, #tpu.memory_space<hbm>>
      %dma_wait3A_36 = tpu.memref_squeeze %dma_wait3A_35 : memref<1x79x128xi32, #tpu.memory_space<hbm>> -> memref<79x128xi32, #tpu.memory_space<hbm>>
      %dma_wait3A_37 = arith.constant 0 : i32
      %dma_wait3A_38 = arith.constant 0 : i32
      %dma_wait3A_39 = tpu.memref_slice %arg3[%add3A, %dma_wait3A_37, %dma_wait3A_38] : memref<32x79x128xi32, #tpu.memory_space<hbm>> -> memref<1x79x128xi32, #tpu.memory_space<hbm>>
      %dma_wait3A_40 = tpu.memref_squeeze %dma_wait3A_39 : memref<1x79x128xi32, #tpu.memory_space<hbm>> -> memref<79x128xi32, #tpu.memory_space<hbm>>
      tpu.wait_dma2 semaphore(%run_scoped3A : memref<!tpu.dma_semaphore, #tpu.memory_space<semaphore_mem>>) src(%dma_wait3A_40 : memref<79x128xi32, #tpu.memory_space<hbm>>) dst(%arg7 : memref<79x128xi32, #tpu.memory_space<vmem>>)
      tpu.yield
    }) : () -> ()
    "tpu.region"() ({
      %run_scoped3A = tpu.sem_alloc : memref<!tpu.dma_semaphore, #tpu.memory_space<semaphore_mem>>
      %dma_start3A = arith.constant 0 : i32
      %dma_start3A_27 = arith.constant 0 : i32
      %dma_start3A_28 = tpu.memref_slice %arg4[%add3A, %dma_start3A, %dma_start3A_27] : memref<32x79x128xi32, #tpu.memory_space<hbm>> -> memref<1x79x128xi32, #tpu.memory_space<hbm>>
      %dma_start3A_29 = tpu.memref_squeeze %dma_start3A_28 : memref<1x79x128xi32, #tpu.memory_space<hbm>> -> memref<79x128xi32, #tpu.memory_space<hbm>>
      %dma_start3A_30 = arith.constant 0 : i32
      %dma_start3A_31 = arith.constant 0 : i32
      %dma_start3A_32 = tpu.memref_slice %arg4[%add3A, %dma_start3A_30, %dma_start3A_31] : memref<32x79x128xi32, #tpu.memory_space<hbm>> -> memref<1x79x128xi32, #tpu.memory_space<hbm>>
      %dma_start3A_33 = tpu.memref_squeeze %dma_start3A_32 : memref<1x79x128xi32, #tpu.memory_space<hbm>> -> memref<79x128xi32, #tpu.memory_space<hbm>>
      tpu.enqueue_dma source(%dma_start3A_33 : memref<79x128xi32, #tpu.memory_space<hbm>>) target(%arg8 : memref<79x128xi32, #tpu.memory_space<vmem>>) target_semaphore(%run_scoped3A : memref<!tpu.dma_semaphore, #tpu.memory_space<semaphore_mem>>)
      %dma_wait3A = arith.constant 0 : i32
      %dma_wait3A_34 = arith.constant 0 : i32
      %dma_wait3A_35 = tpu.memref_slice %arg4[%add3A, %dma_wait3A, %dma_wait3A_34] : memref<32x79x128xi32, #tpu.memory_space<hbm>> -> memref<1x79x128xi32, #tpu.memory_space<hbm>>
      %dma_wait3A_36 = tpu.memref_squeeze %dma_wait3A_35 : memref<1x79x128xi32, #tpu.memory_space<hbm>> -> memref<79x128xi32, #tpu.memory_space<hbm>>
      %dma_wait3A_37 = arith.constant 0 : i32
      %dma_wait3A_38 = arith.constant 0 : i32
      %dma_wait3A_39 = tpu.memref_slice %arg4[%add3A, %dma_wait3A_37, %dma_wait3A_38] : memref<32x79x128xi32, #tpu.memory_space<hbm>> -> memref<1x79x128xi32, #tpu.memory_space<hbm>>
      %dma_wait3A_40 = tpu.memref_squeeze %dma_wait3A_39 : memref<1x79x128xi32, #tpu.memory_space<hbm>> -> memref<79x128xi32, #tpu.memory_space<hbm>>
      tpu.wait_dma2 semaphore(%run_scoped3A : memref<!tpu.dma_semaphore, #tpu.memory_space<semaphore_mem>>) src(%dma_wait3A_40 : memref<79x128xi32, #tpu.memory_space<hbm>>) dst(%arg8 : memref<79x128xi32, #tpu.memory_space<vmem>>)
      tpu.yield
    }) : () -> ()
    "tpu.region"() ({
      %run_scoped3A = tpu.sem_alloc : memref<!tpu.dma_semaphore, #tpu.memory_space<semaphore_mem>>
      tpu.enqueue_dma source(%arg5 : memref<128x128xf32, #tpu.memory_space<hbm>>) target(%arg9 : memref<128x128xf32, #tpu.memory_space<vmem>>) target_semaphore(%run_scoped3A : memref<!tpu.dma_semaphore, #tpu.memory_space<semaphore_mem>>)
      tpu.wait_dma2 semaphore(%run_scoped3A : memref<!tpu.dma_semaphore, #tpu.memory_space<semaphore_mem>>) src(%arg5 : memref<128x128xf32, #tpu.memory_space<hbm>>) dst(%arg9 : memref<128x128xf32, #tpu.memory_space<vmem>>)
      tpu.yield
    }) : () -> ()
    %scan3A = arith.constant 0 : i32
    %scan3A_3 = arith.constant 0 : i32
    %scan3A_4 = arith.constant 4 : i32
    %scan3A_5 = arith.addi %scan3A_3, %scan3A_4 : i32
    %scan3A_6 = arith.constant 1 : i32
    scf.for %scan3A_27 = %scan3A_3 to %scan3A_5 step %scan3A_6  : i32 {
      %mul3A_28 = arith.constant 128 : i32
      %mul3A_29 = arith.muli %scan3A_27, %mul3A_28 : i32
      %add3A_30 = arith.addi %mul3A_2, %mul3A_29 : i32
      "tpu.region"() ({
        %run_scoped3A = tpu.sem_alloc : memref<!tpu.dma_semaphore, #tpu.memory_space<semaphore_mem>>
        %dma_start3A = arith.constant 0 : i32
        %dma_start3A_31 = tpu.memref_slice %arg10[%add3A_30, %dma_start3A] : memref<10112x128xf32, #tpu.memory_space<vmem_shared>> -> memref<128x128xf32, #tpu.memory_space<vmem_shared>>
        %dma_start3A_32 = arith.constant 0 : i32
        %dma_start3A_33 = tpu.memref_slice %arg10[%add3A_30, %dma_start3A_32] : memref<10112x128xf32, #tpu.memory_space<vmem_shared>> -> memref<128x128xf32, #tpu.memory_space<vmem_shared>>
        tpu.enqueue_dma source(%arg9 : memref<128x128xf32, #tpu.memory_space<vmem>>) target(%dma_start3A_33 : memref<128x128xf32, #tpu.memory_space<vmem_shared>>) target_semaphore(%run_scoped3A : memref<!tpu.dma_semaphore, #tpu.memory_space<semaphore_mem>>)
        %dma_wait3A = arith.constant 0 : i32
        %dma_wait3A_34 = tpu.memref_slice %arg10[%add3A_30, %dma_wait3A] : memref<10112x128xf32, #tpu.memory_space<vmem_shared>> -> memref<128x128xf32, #tpu.memory_space<vmem_shared>>
        %dma_wait3A_35 = arith.constant 0 : i32
        %dma_wait3A_36 = tpu.memref_slice %arg10[%add3A_30, %dma_wait3A_35] : memref<10112x128xf32, #tpu.memory_space<vmem_shared>> -> memref<128x128xf32, #tpu.memory_space<vmem_shared>>
        tpu.wait_dma2 semaphore(%run_scoped3A : memref<!tpu.dma_semaphore, #tpu.memory_space<semaphore_mem>>) src(%arg9 : memref<128x128xf32, #tpu.memory_space<vmem>>) dst(%dma_wait3A_36 : memref<128x128xf32, #tpu.memory_space<vmem_shared>>)
        tpu.yield
      }) : () -> ()
    }
    %scan3A_7 = arith.constant 4 : i32
    %add3A_8 = arith.constant 512 : i32
    %add3A_9 = arith.addi %mul3A_2, %add3A_8 : i32
    "tpu.region"() ({
      %run_scoped3A = tpu.sem_alloc : memref<!tpu.dma_semaphore, #tpu.memory_space<semaphore_mem>>
      %dma_start3A = arith.constant 0 : i32
      %dma_start3A_27 = arith.constant 0 : i32
      %dma_start3A_28 = tpu.memref_slice %arg9[%dma_start3A, %dma_start3A_27] : memref<128x128xf32, #tpu.memory_space<vmem>> -> memref<120x128xf32, #tpu.memory_space<vmem>>
      %dma_start3A_29 = arith.constant 0 : i32
      %dma_start3A_30 = tpu.memref_slice %arg10[%add3A_9, %dma_start3A_29] : memref<10112x128xf32, #tpu.memory_space<vmem_shared>> -> memref<120x128xf32, #tpu.memory_space<vmem_shared>>
      %dma_start3A_31 = arith.constant 0 : i32
      %dma_start3A_32 = tpu.memref_slice %arg10[%add3A_9, %dma_start3A_31] : memref<10112x128xf32, #tpu.memory_space<vmem_shared>> -> memref<120x128xf32, #tpu.memory_space<vmem_shared>>
      %dma_start3A_33 = arith.constant 0 : i32
      %dma_start3A_34 = arith.constant 0 : i32
      %dma_start3A_35 = tpu.memref_slice %arg9[%dma_start3A_33, %dma_start3A_34] : memref<128x128xf32, #tpu.memory_space<vmem>> -> memref<120x128xf32, #tpu.memory_space<vmem>>
      tpu.enqueue_dma source(%dma_start3A_35 : memref<120x128xf32, #tpu.memory_space<vmem>>) target(%dma_start3A_32 : memref<120x128xf32, #tpu.memory_space<vmem_shared>>) target_semaphore(%run_scoped3A : memref<!tpu.dma_semaphore, #tpu.memory_space<semaphore_mem>>)
      %dma_wait3A = arith.constant 0 : i32
      %dma_wait3A_36 = arith.constant 0 : i32
      %dma_wait3A_37 = tpu.memref_slice %arg9[%dma_wait3A, %dma_wait3A_36] : memref<128x128xf32, #tpu.memory_space<vmem>> -> memref<120x128xf32, #tpu.memory_space<vmem>>
      %dma_wait3A_38 = arith.constant 0 : i32
      %dma_wait3A_39 = tpu.memref_slice %arg10[%add3A_9, %dma_wait3A_38] : memref<10112x128xf32, #tpu.memory_space<vmem_shared>> -> memref<120x128xf32, #tpu.memory_space<vmem_shared>>
      %dma_wait3A_40 = arith.constant 0 : i32
      %dma_wait3A_41 = tpu.memref_slice %arg10[%add3A_9, %dma_wait3A_40] : memref<10112x128xf32, #tpu.memory_space<vmem_shared>> -> memref<120x128xf32, #tpu.memory_space<vmem_shared>>
      %dma_wait3A_42 = arith.constant 0 : i32
      %dma_wait3A_43 = arith.constant 0 : i32
      %dma_wait3A_44 = tpu.memref_slice %arg9[%dma_wait3A_42, %dma_wait3A_43] : memref<128x128xf32, #tpu.memory_space<vmem>> -> memref<120x128xf32, #tpu.memory_space<vmem>>
      tpu.wait_dma2 semaphore(%run_scoped3A : memref<!tpu.dma_semaphore, #tpu.memory_space<semaphore_mem>>) src(%dma_wait3A_44 : memref<120x128xf32, #tpu.memory_space<vmem>>) dst(%dma_wait3A_41 : memref<120x128xf32, #tpu.memory_space<vmem_shared>>)
      tpu.yield
    }) : () -> ()
    %barrier3A = arith.constant 0 : index
    tpu.barrier barrier_id(%barrier3A)
    %scan3A_10 = arith.constant 0 : i32
    %scan3A_11 = arith.constant 0 : i32
    %scan3A_12 = arith.constant 79 : i32
    %scan3A_13 = arith.addi %scan3A_11, %scan3A_12 : i32
    %scan3A_14 = arith.constant 1 : i32
    scf.for %scan3A_27 = %scan3A_11 to %scan3A_13 step %scan3A_14  : i32 {
      %dma_start3A = arith.constant 0 : i32
      %dma_start3A_28 = tpu.memref_slice %arg7[%scan3A_27, %dma_start3A] : memref<79x128xi32, #tpu.memory_space<vmem>> -> memref<1x128xi32, #tpu.memory_space<vmem>>
      %dma_start3A_29 = tpu.memref_squeeze %dma_start3A_28 : memref<1x128xi32, #tpu.memory_space<vmem>> -> memref<128xi32, #tpu.memory_space<vmem>>
      %dma_start3A_30 = arith.constant 0 : i32
      %dma_start3A_31 = arith.constant 0 : i32
      %dma_start3A_32 = tpu.memref_slice %arg2[%dma_start3A_30, %dma_start3A_31] : memref<10112x128xf32, #tpu.memory_space<hbm>> -> memref<10112x128xf32, #tpu.memory_space<hbm>>
      tpu.enqueue_indirect_dma source(%dma_start3A_32 : memref<10112x128xf32, #tpu.memory_space<hbm>>) target(%arg9 : memref<128x128xf32, #tpu.memory_space<vmem>>) offsets(%dma_start3A_29 : memref<128xi32, #tpu.memory_space<vmem>>) semaphore(%arg11 : memref<!tpu.dma_semaphore, #tpu.memory_space<semaphore_mem>>)
      %dma_wait3A = arith.constant 0 : i32
      %dma_wait3A_33 = tpu.memref_slice %arg7[%scan3A_27, %dma_wait3A] : memref<79x128xi32, #tpu.memory_space<vmem>> -> memref<1x128xi32, #tpu.memory_space<vmem>>
      %dma_wait3A_34 = tpu.memref_squeeze %dma_wait3A_33 : memref<1x128xi32, #tpu.memory_space<vmem>> -> memref<128xi32, #tpu.memory_space<vmem>>
      %dma_wait3A_35 = arith.constant 0 : i32
      %dma_wait3A_36 = arith.constant 0 : i32
      %dma_wait3A_37 = tpu.memref_slice %arg2[%dma_wait3A_35, %dma_wait3A_36] : memref<10112x128xf32, #tpu.memory_space<hbm>> -> memref<10112x128xf32, #tpu.memory_space<hbm>>
      tpu.wait_indirect_dma semaphore(%arg11 : memref<!tpu.dma_semaphore, #tpu.memory_space<semaphore_mem>>) src(%dma_wait3A_37 : memref<10112x128xf32, #tpu.memory_space<hbm>>) dst(%arg9 : memref<128x128xf32, #tpu.memory_space<vmem>>)
      "tpu.region"() ({
        %run_scoped3A = tpu.sem_alloc : memref<!tpu.dma_semaphore, #tpu.memory_space<semaphore_mem>>
        %dma_start3A_38 = arith.constant 0 : i32
        %dma_start3A_39 = tpu.memref_slice %arg8[%scan3A_27, %dma_start3A_38] : memref<79x128xi32, #tpu.memory_space<vmem>> -> memref<1x128xi32, #tpu.memory_space<vmem>>
        %dma_start3A_40 = tpu.memref_squeeze %dma_start3A_39 : memref<1x128xi32, #tpu.memory_space<vmem>> -> memref<128xi32, #tpu.memory_space<vmem>>
        %dma_start3A_41 = arith.constant 0 : i32
        %dma_start3A_42 = arith.constant 0 : i32
        %dma_start3A_43 = tpu.memref_slice %arg10[%dma_start3A_41, %dma_start3A_42] : memref<10112x128xf32, #tpu.memory_space<vmem_shared>> -> memref<10112x128xf32, #tpu.memory_space<vmem_shared>>
        tpu.enqueue_indirect_dma source(%arg9 : memref<128x128xf32, #tpu.memory_space<vmem>>) target(%dma_start3A_43 : memref<10112x128xf32, #tpu.memory_space<vmem_shared>>) offsets(%dma_start3A_40 : memref<128xi32, #tpu.memory_space<vmem>>) semaphore(%run_scoped3A : memref<!tpu.dma_semaphore, #tpu.memory_space<semaphore_mem>>) {add = true}
        %dma_wait3A_44 = arith.constant 0 : i32
        %dma_wait3A_45 = tpu.memref_slice %arg8[%scan3A_27, %dma_wait3A_44] : memref<79x128xi32, #tpu.memory_space<vmem>> -> memref<1x128xi32, #tpu.memory_space<vmem>>
        %dma_wait3A_46 = tpu.memref_squeeze %dma_wait3A_45 : memref<1x128xi32, #tpu.memory_space<vmem>> -> memref<128xi32, #tpu.memory_space<vmem>>
        %dma_wait3A_47 = arith.constant 0 : i32
        %dma_wait3A_48 = arith.constant 0 : i32
        %dma_wait3A_49 = tpu.memref_slice %arg10[%dma_wait3A_47, %dma_wait3A_48] : memref<10112x128xf32, #tpu.memory_space<vmem_shared>> -> memref<10112x128xf32, #tpu.memory_space<vmem_shared>>
        tpu.wait_indirect_dma semaphore(%run_scoped3A : memref<!tpu.dma_semaphore, #tpu.memory_space<semaphore_mem>>) src(%arg9 : memref<128x128xf32, #tpu.memory_space<vmem>>) dst(%dma_wait3A_49 : memref<10112x128xf32, #tpu.memory_space<vmem_shared>>)
        tpu.yield
      }) : () -> ()
    }
    %scan3A_15 = arith.constant 79 : i32
    %barrier3A_16 = arith.constant 0 : index
    tpu.barrier barrier_id(%barrier3A_16)
    %scan3A_17 = arith.constant 0 : i32
    %scan3A_18 = arith.constant 0 : i32
    %scan3A_19 = arith.constant 4 : i32
    %scan3A_20 = arith.addi %scan3A_18, %scan3A_19 : i32
    %scan3A_21 = arith.constant 1 : i32
    scf.for %scan3A_27 = %scan3A_18 to %scan3A_20 step %scan3A_21  : i32 {
      %mul3A_28 = arith.constant 128 : i32
      %mul3A_29 = arith.muli %scan3A_27, %mul3A_28 : i32
      %add3A_30 = arith.addi %mul3A_2, %mul3A_29 : i32
      "tpu.region"() ({
        %run_scoped3A = tpu.sem_alloc : memref<!tpu.dma_semaphore, #tpu.memory_space<semaphore_mem>>
        %dma_start3A = arith.constant 0 : i32
        %dma_start3A_34 = tpu.memref_slice %arg10[%add3A_30, %dma_start3A] : memref<10112x128xf32, #tpu.memory_space<vmem_shared>> -> memref<128x128xf32, #tpu.memory_space<vmem_shared>>
        %dma_start3A_35 = arith.constant 0 : i32
        %dma_start3A_36 = tpu.memref_slice %arg10[%add3A_30, %dma_start3A_35] : memref<10112x128xf32, #tpu.memory_space<vmem_shared>> -> memref<128x128xf32, #tpu.memory_space<vmem_shared>>
        tpu.enqueue_dma source(%dma_start3A_36 : memref<128x128xf32, #tpu.memory_space<vmem_shared>>) target(%arg9 : memref<128x128xf32, #tpu.memory_space<vmem>>) target_semaphore(%run_scoped3A : memref<!tpu.dma_semaphore, #tpu.memory_space<semaphore_mem>>)
        %dma_wait3A = arith.constant 0 : i32
        %dma_wait3A_37 = tpu.memref_slice %arg10[%add3A_30, %dma_wait3A] : memref<10112x128xf32, #tpu.memory_space<vmem_shared>> -> memref<128x128xf32, #tpu.memory_space<vmem_shared>>
        %dma_wait3A_38 = arith.constant 0 : i32
        %dma_wait3A_39 = tpu.memref_slice %arg10[%add3A_30, %dma_wait3A_38] : memref<10112x128xf32, #tpu.memory_space<vmem_shared>> -> memref<128x128xf32, #tpu.memory_space<vmem_shared>>
        tpu.wait_dma2 semaphore(%run_scoped3A : memref<!tpu.dma_semaphore, #tpu.memory_space<semaphore_mem>>) src(%dma_wait3A_39 : memref<128x128xf32, #tpu.memory_space<vmem_shared>>) dst(%arg9 : memref<128x128xf32, #tpu.memory_space<vmem>>)
        tpu.yield
      }) : () -> ()
      %mul3A_31 = arith.constant 128 : i32
      %mul3A_32 = arith.muli %scan3A_27, %mul3A_31 : i32
      %add3A_33 = arith.addi %mul3A_2, %mul3A_32 : i32
      "tpu.region"() ({
        %run_scoped3A = tpu.sem_alloc : memref<!tpu.dma_semaphore, #tpu.memory_space<semaphore_mem>>
        %dma_start3A = arith.constant 0 : i32
        %dma_start3A_34 = tpu.memref_slice %arg6[%arg0, %add3A_33, %dma_start3A] : memref<2x10112x128xf32, #tpu.memory_space<hbm>> -> memref<1x128x128xf32, #tpu.memory_space<hbm>>
        %dma_start3A_35 = tpu.memref_squeeze %dma_start3A_34 : memref<1x128x128xf32, #tpu.memory_space<hbm>> -> memref<128x128xf32, #tpu.memory_space<hbm>>
        %dma_start3A_36 = arith.constant 0 : i32
        %dma_start3A_37 = tpu.memref_slice %arg6[%arg0, %add3A_33, %dma_start3A_36] : memref<2x10112x128xf32, #tpu.memory_space<hbm>> -> memref<1x128x128xf32, #tpu.memory_space<hbm>>
        %dma_start3A_38 = tpu.memref_squeeze %dma_start3A_37 : memref<1x128x128xf32, #tpu.memory_space<hbm>> -> memref<128x128xf32, #tpu.memory_space<hbm>>
        tpu.enqueue_dma source(%arg9 : memref<128x128xf32, #tpu.memory_space<vmem>>) target(%dma_start3A_38 : memref<128x128xf32, #tpu.memory_space<hbm>>) target_semaphore(%run_scoped3A : memref<!tpu.dma_semaphore, #tpu.memory_space<semaphore_mem>>)
        %dma_wait3A = arith.constant 0 : i32
        %dma_wait3A_39 = tpu.memref_slice %arg6[%arg0, %add3A_33, %dma_wait3A] : memref<2x10112x128xf32, #tpu.memory_space<hbm>> -> memref<1x128x128xf32, #tpu.memory_space<hbm>>
        %dma_wait3A_40 = tpu.memref_squeeze %dma_wait3A_39 : memref<1x128x128xf32, #tpu.memory_space<hbm>> -> memref<128x128xf32, #tpu.memory_space<hbm>>
        %dma_wait3A_41 = arith.constant 0 : i32
        %dma_wait3A_42 = tpu.memref_slice %arg6[%arg0, %add3A_33, %dma_wait3A_41] : memref<2x10112x128xf32, #tpu.memory_space<hbm>> -> memref<1x128x128xf32, #tpu.memory_space<hbm>>
        %dma_wait3A_43 = tpu.memref_squeeze %dma_wait3A_42 : memref<1x128x128xf32, #tpu.memory_space<hbm>> -> memref<128x128xf32, #tpu.memory_space<hbm>>
        tpu.wait_dma2 semaphore(%run_scoped3A : memref<!tpu.dma_semaphore, #tpu.memory_space<semaphore_mem>>) src(%arg9 : memref<128x128xf32, #tpu.memory_space<vmem>>) dst(%dma_wait3A_43 : memref<128x128xf32, #tpu.memory_space<hbm>>)
        tpu.yield
      }) : () -> ()
    }
    %scan3A_22 = arith.constant 4 : i32
    %add3A_23 = arith.constant 512 : i32
    %add3A_24 = arith.addi %mul3A_2, %add3A_23 : i32
    "tpu.region"() ({
      %run_scoped3A = tpu.sem_alloc : memref<!tpu.dma_semaphore, #tpu.memory_space<semaphore_mem>>
      %dma_start3A = arith.constant 0 : i32
      %dma_start3A_27 = arith.constant 0 : i32
      %dma_start3A_28 = tpu.memref_slice %arg9[%dma_start3A, %dma_start3A_27] : memref<128x128xf32, #tpu.memory_space<vmem>> -> memref<120x128xf32, #tpu.memory_space<vmem>>
      %dma_start3A_29 = arith.constant 0 : i32
      %dma_start3A_30 = tpu.memref_slice %arg10[%add3A_24, %dma_start3A_29] : memref<10112x128xf32, #tpu.memory_space<vmem_shared>> -> memref<120x128xf32, #tpu.memory_space<vmem_shared>>
      %dma_start3A_31 = arith.constant 0 : i32
      %dma_start3A_32 = arith.constant 0 : i32
      %dma_start3A_33 = tpu.memref_slice %arg9[%dma_start3A_31, %dma_start3A_32] : memref<128x128xf32, #tpu.memory_space<vmem>> -> memref<120x128xf32, #tpu.memory_space<vmem>>
      %dma_start3A_34 = arith.constant 0 : i32
      %dma_start3A_35 = tpu.memref_slice %arg10[%add3A_24, %dma_start3A_34] : memref<10112x128xf32, #tpu.memory_space<vmem_shared>> -> memref<120x128xf32, #tpu.memory_space<vmem_shared>>
      tpu.enqueue_dma source(%dma_start3A_35 : memref<120x128xf32, #tpu.memory_space<vmem_shared>>) target(%dma_start3A_33 : memref<120x128xf32, #tpu.memory_space<vmem>>) target_semaphore(%run_scoped3A : memref<!tpu.dma_semaphore, #tpu.memory_space<semaphore_mem>>)
      %dma_wait3A = arith.constant 0 : i32
      %dma_wait3A_36 = arith.constant 0 : i32
      %dma_wait3A_37 = tpu.memref_slice %arg9[%dma_wait3A, %dma_wait3A_36] : memref<128x128xf32, #tpu.memory_space<vmem>> -> memref<120x128xf32, #tpu.memory_space<vmem>>
      %dma_wait3A_38 = arith.constant 0 : i32
      %dma_wait3A_39 = tpu.memref_slice %arg10[%add3A_24, %dma_wait3A_38] : memref<10112x128xf32, #tpu.memory_space<vmem_shared>> -> memref<120x128xf32, #tpu.memory_space<vmem_shared>>
      %dma_wait3A_40 = arith.constant 0 : i32
      %dma_wait3A_41 = arith.constant 0 : i32
      %dma_wait3A_42 = tpu.memref_slice %arg9[%dma_wait3A_40, %dma_wait3A_41] : memref<128x128xf32, #tpu.memory_space<vmem>> -> memref<120x128xf32, #tpu.memory_space<vmem>>
      %dma_wait3A_43 = arith.constant 0 : i32
      %dma_wait3A_44 = tpu.memref_slice %arg10[%add3A_24, %dma_wait3A_43] : memref<10112x128xf32, #tpu.memory_space<vmem_shared>> -> memref<120x128xf32, #tpu.memory_space<vmem_shared>>
      tpu.wait_dma2 semaphore(%run_scoped3A : memref<!tpu.dma_semaphore, #tpu.memory_space<semaphore_mem>>) src(%dma_wait3A_44 : memref<120x128xf32, #tpu.memory_space<vmem_shared>>) dst(%dma_wait3A_42 : memref<120x128xf32, #tpu.memory_space<vmem>>)
      tpu.yield
    }) : () -> ()
    %add3A_25 = arith.constant 512 : i32
    %add3A_26 = arith.addi %mul3A_2, %add3A_25 : i32
    "tpu.region"() ({
      %run_scoped3A = tpu.sem_alloc : memref<!tpu.dma_semaphore, #tpu.memory_space<semaphore_mem>>
      %dma_start3A = arith.constant 0 : i32
      %dma_start3A_27 = arith.constant 0 : i32
      %dma_start3A_28 = tpu.memref_slice %arg9[%dma_start3A, %dma_start3A_27] : memref<128x128xf32, #tpu.memory_space<vmem>> -> memref<120x128xf32, #tpu.memory_space<vmem>>
      %dma_start3A_29 = arith.constant 0 : i32
      %dma_start3A_30 = tpu.memref_slice %arg6[%arg0, %add3A_26, %dma_start3A_29] : memref<2x10112x128xf32, #tpu.memory_space<hbm>> -> memref<1x120x128xf32, #tpu.memory_space<hbm>>
      %dma_start3A_31 = tpu.memref_squeeze %dma_start3A_30 : memref<1x120x128xf32, #tpu.memory_space<hbm>> -> memref<120x128xf32, #tpu.memory_space<hbm>>
      %dma_start3A_32 = arith.constant 0 : i32
      %dma_start3A_33 = tpu.memref_slice %arg6[%arg0, %add3A_26, %dma_start3A_32] : memref<2x10112x128xf32, #tpu.memory_space<hbm>> -> memref<1x120x128xf32, #tpu.memory_space<hbm>>
      %dma_start3A_34 = tpu.memref_squeeze %dma_start3A_33 : memref<1x120x128xf32, #tpu.memory_space<hbm>> -> memref<120x128xf32, #tpu.memory_space<hbm>>
      %dma_start3A_35 = arith.constant 0 : i32
      %dma_start3A_36 = arith.constant 0 : i32
      %dma_start3A_37 = tpu.memref_slice %arg9[%dma_start3A_35, %dma_start3A_36] : memref<128x128xf32, #tpu.memory_space<vmem>> -> memref<120x128xf32, #tpu.memory_space<vmem>>
      tpu.enqueue_dma source(%dma_start3A_37 : memref<120x128xf32, #tpu.memory_space<vmem>>) target(%dma_start3A_34 : memref<120x128xf32, #tpu.memory_space<hbm>>) target_semaphore(%run_scoped3A : memref<!tpu.dma_semaphore, #tpu.memory_space<semaphore_mem>>)
      %dma_wait3A = arith.constant 0 : i32
      %dma_wait3A_38 = arith.constant 0 : i32
      %dma_wait3A_39 = tpu.memref_slice %arg9[%dma_wait3A, %dma_wait3A_38] : memref<128x128xf32, #tpu.memory_space<vmem>> -> memref<120x128xf32, #tpu.memory_space<vmem>>
      %dma_wait3A_40 = arith.constant 0 : i32
      %dma_wait3A_41 = tpu.memref_slice %arg6[%arg0, %add3A_26, %dma_wait3A_40] : memref<2x10112x128xf32, #tpu.memory_space<hbm>> -> memref<1x120x128xf32, #tpu.memory_space<hbm>>
      %dma_wait3A_42 = tpu.memref_squeeze %dma_wait3A_41 : memref<1x120x128xf32, #tpu.memory_space<hbm>> -> memref<120x128xf32, #tpu.memory_space<hbm>>
      %dma_wait3A_43 = arith.constant 0 : i32
      %dma_wait3A_44 = tpu.memref_slice %arg6[%arg0, %add3A_26, %dma_wait3A_43] : memref<2x10112x128xf32, #tpu.memory_space<hbm>> -> memref<1x120x128xf32, #tpu.memory_space<hbm>>
      %dma_wait3A_45 = tpu.memref_squeeze %dma_wait3A_44 : memref<1x120x128xf32, #tpu.memory_space<hbm>> -> memref<120x128xf32, #tpu.memory_space<hbm>>
      %dma_wait3A_46 = arith.constant 0 : i32
      %dma_wait3A_47 = arith.constant 0 : i32
      %dma_wait3A_48 = tpu.memref_slice %arg9[%dma_wait3A_46, %dma_wait3A_47] : memref<128x128xf32, #tpu.memory_space<vmem>> -> memref<120x128xf32, #tpu.memory_space<vmem>>
      tpu.wait_dma2 semaphore(%run_scoped3A : memref<!tpu.dma_semaphore, #tpu.memory_space<semaphore_mem>>) src(%dma_wait3A_48 : memref<120x128xf32, #tpu.memory_space<vmem>>) dst(%dma_wait3A_45 : memref<120x128xf32, #tpu.memory_space<hbm>>)
      tpu.yield
    }) : () -> ()
    return
  }
}

#map = affine_map<(d0, d1) -> (0, 0)>
#map1 = affine_map<(d0, d1) -> (0, 0, 0)>
module attributes {stable_mosaic.version = 14 : i64} {
  func.func @scatter_kernel(%arg0: i32, %arg1: i32, %arg2: memref<10112x128xf32, #tpu.memory_space<hbm>>, %arg3: memref<32x79x128xi32, #tpu.memory_space<hbm>>, %arg4: memref<32x79x128xi32, #tpu.memory_space<hbm>>, %arg5: memref<128x128xf32, #tpu.memory_space<hbm>>, %arg6: memref<2x10112x128xf32, #tpu.memory_space<hbm>>, %arg7: memref<79x128xi32, #tpu.memory_space<vmem>>, %arg8: memref<79x128xi32, #tpu.memory_space<vmem>>, %arg9: memref<128x128xf32, #tpu.memory_space<vmem>>, %arg10: memref<10112x128xf32, #tpu.memory_space<vmem_shared>>, %arg11: memref<!tpu.dma_semaphore, #tpu.memory_space<semaphore_mem>>) attributes {dimension_semantics = [#tpu.dimension_semantics<core_parallel>, #tpu.dimension_semantics<subcore_parallel>], iteration_bounds = array<i64: 2, 16>, scalar_prefetch = 0 : i64, scratch_operands = 5 : i64, tpu.core_type = #tpu.core_type<sc_vector_subcore>, window_params = [{transform_indices = #map}, {transform_indices = #map1}, {transform_indices = #map1}, {transform_indices = #map}, {transform_indices = #map1}]} {
    %mul3A = arith.constant 2 : i32
    %mul3A_0 = arith.muli %arg1, %mul3A : i32
    %add3A = arith.addi %mul3A_0, %arg0 : i32
    %mul3A_1 = arith.constant 632 : i32
    %mul3A_2 = arith.muli %arg1, %mul3A_1 : i32
    "tpu.region"() ({
      %run_scoped3A = tpu.sem_alloc : memref<!tpu.dma_semaphore, #tpu.memory_space<semaphore_mem>>
      %dma_start3A = arith.constant 0 : i32
      %dma_start3A_27 = arith.constant 0 : i32
      %dma_start3A_28 = tpu.memref_slice %arg3[%add3A, %dma_start3A, %dma_start3A_27] : memref<32x79x128xi32, #tpu.memory_space<hbm>> -> memref<1x79x128xi32, #tpu.memory_space<hbm>>
      %dma_start3A_29 = tpu.memref_squeeze %dma_start3A_28 : memref<1x79x128xi32, #tpu.memory_space<hbm>> -> memref<79x128xi32, #tpu.memory_space<hbm>>
      %dma_start3A_30 = arith.constant 0 : i32
      %dma_start3A_31 = arith.constant 0 : i32
      %dma_start3A_32 = tpu.memref_slice %arg3[%add3A, %dma_start3A_30, %dma_start3A_31] : memref<32x79x128xi32, #tpu.memory_space<hbm>> -> memref<1x79x128xi32, #tpu.memory_space<hbm>>
      %dma_start3A_33 = tpu.memref_squeeze %dma_start3A_32 : memref<1x79x128xi32, #tpu.memory_space<hbm>> -> memref<79x128xi32, #tpu.memory_space<hbm>>
      tpu.enqueue_dma source(%dma_start3A_33 : memref<79x128xi32, #tpu.memory_space<hbm>>) target(%arg7 : memref<79x128xi32, #tpu.memory_space<vmem>>) target_semaphore(%run_scoped3A : memref<!tpu.dma_semaphore, #tpu.memory_space<semaphore_mem>>)
      %dma_wait3A = arith.constant 0 : i32
      %dma_wait3A_34 = arith.constant 0 : i32
      %dma_wait3A_35 = tpu.memref_slice %arg3[%add3A, %dma_wait3A, %dma_wait3A_34] : memref<32x79x128xi32, #tpu.memory_space<hbm>> -> memref<1x79x128xi32, #tpu.memory_space<hbm>>
      %dma_wait3A_36 = tpu.memref_squeeze %dma_wait3A_35 : memref<1x79x128xi32, #tpu.memory_space<hbm>> -> memref<79x128xi32, #tpu.memory_space<hbm>>
      %dma_wait3A_37 = arith.constant 0 : i32
      %dma_wait3A_38 = arith.constant 0 : i32
      %dma_wait3A_39 = tpu.memref_slice %arg3[%add3A, %dma_wait3A_37, %dma_wait3A_38] : memref<32x79x128xi32, #tpu.memory_space<hbm>> -> memref<1x79x128xi32, #tpu.memory_space<hbm>>
      %dma_wait3A_40 = tpu.memref_squeeze %dma_wait3A_39 : memref<1x79x128xi32, #tpu.memory_space<hbm>> -> memref<79x128xi32, #tpu.memory_space<hbm>>
      tpu.wait_dma2 semaphore(%run_scoped3A : memref<!tpu.dma_semaphore, #tpu.memory_space<semaphore_mem>>) src(%dma_wait3A_40 : memref<79x128xi32, #tpu.memory_space<hbm>>) dst(%arg7 : memref<79x128xi32, #tpu.memory_space<vmem>>)
      tpu.yield
    }) : () -> ()
    "tpu.region"() ({
      %run_scoped3A = tpu.sem_alloc : memref<!tpu.dma_semaphore, #tpu.memory_space<semaphore_mem>>
      %dma_start3A = arith.constant 0 : i32
      %dma_start3A_27 = arith.constant 0 : i32
      %dma_start3A_28 = tpu.memref_slice %arg4[%add3A, %dma_start3A, %dma_start3A_27] : memref<32x79x128xi32, #tpu.memory_space<hbm>> -> memref<1x79x128xi32, #tpu.memory_space<hbm>>
      %dma_start3A_29 = tpu.memref_squeeze %dma_start3A_28 : memref<1x79x128xi32, #tpu.memory_space<hbm>> -> memref<79x128xi32, #tpu.memory_space<hbm>>
      %dma_start3A_30 = arith.constant 0 : i32
      %dma_start3A_31 = arith.constant 0 : i32
      %dma_start3A_32 = tpu.memref_slice %arg4[%add3A, %dma_start3A_30, %dma_start3A_31] : memref<32x79x128xi32, #tpu.memory_space<hbm>> -> memref<1x79x128xi32, #tpu.memory_space<hbm>>
      %dma_start3A_33 = tpu.memref_squeeze %dma_start3A_32 : memref<1x79x128xi32, #tpu.memory_space<hbm>> -> memref<79x128xi32, #tpu.memory_space<hbm>>
      tpu.enqueue_dma source(%dma_start3A_33 : memref<79x128xi32, #tpu.memory_space<hbm>>) target(%arg8 : memref<79x128xi32, #tpu.memory_space<vmem>>) target_semaphore(%run_scoped3A : memref<!tpu.dma_semaphore, #tpu.memory_space<semaphore_mem>>)
      %dma_wait3A = arith.constant 0 : i32
      %dma_wait3A_34 = arith.constant 0 : i32
      %dma_wait3A_35 = tpu.memref_slice %arg4[%add3A, %dma_wait3A, %dma_wait3A_34] : memref<32x79x128xi32, #tpu.memory_space<hbm>> -> memref<1x79x128xi32, #tpu.memory_space<hbm>>
      %dma_wait3A_36 = tpu.memref_squeeze %dma_wait3A_35 : memref<1x79x128xi32, #tpu.memory_space<hbm>> -> memref<79x128xi32, #tpu.memory_space<hbm>>
      %dma_wait3A_37 = arith.constant 0 : i32
      %dma_wait3A_38 = arith.constant 0 : i32
      %dma_wait3A_39 = tpu.memref_slice %arg4[%add3A, %dma_wait3A_37, %dma_wait3A_38] : memref<32x79x128xi32, #tpu.memory_space<hbm>> -> memref<1x79x128xi32, #tpu.memory_space<hbm>>
      %dma_wait3A_40 = tpu.memref_squeeze %dma_wait3A_39 : memref<1x79x128xi32, #tpu.memory_space<hbm>> -> memref<79x128xi32, #tpu.memory_space<hbm>>
      tpu.wait_dma2 semaphore(%run_scoped3A : memref<!tpu.dma_semaphore, #tpu.memory_space<semaphore_mem>>) src(%dma_wait3A_40 : memref<79x128xi32, #tpu.memory_space<hbm>>) dst(%arg8 : memref<79x128xi32, #tpu.memory_space<vmem>>)
      tpu.yield
    }) : () -> ()
    "tpu.region"() ({
      %run_scoped3A = tpu.sem_alloc : memref<!tpu.dma_semaphore, #tpu.memory_space<semaphore_mem>>
      tpu.enqueue_dma source(%arg5 : memref<128x128xf32, #tpu.memory_space<hbm>>) target(%arg9 : memref<128x128xf32, #tpu.memory_space<vmem>>) target_semaphore(%run_scoped3A : memref<!tpu.dma_semaphore, #tpu.memory_space<semaphore_mem>>)
      tpu.wait_dma2 semaphore(%run_scoped3A : memref<!tpu.dma_semaphore, #tpu.memory_space<semaphore_mem>>) src(%arg5 : memref<128x128xf32, #tpu.memory_space<hbm>>) dst(%arg9 : memref<128x128xf32, #tpu.memory_space<vmem>>)
      tpu.yield
    }) : () -> ()
    %scan3A = arith.constant 0 : i32
    %scan3A_3 = arith.constant 0 : i32
    %scan3A_4 = arith.constant 4 : i32
    %scan3A_5 = arith.addi %scan3A_3, %scan3A_4 : i32
    %scan3A_6 = arith.constant 1 : i32
    scf.for %scan3A_27 = %scan3A_3 to %scan3A_5 step %scan3A_6  : i32 {
      %mul3A_28 = arith.constant 128 : i32
      %mul3A_29 = arith.muli %scan3A_27, %mul3A_28 : i32
      %add3A_30 = arith.addi %mul3A_2, %mul3A_29 : i32
      "tpu.region"() ({
        %run_scoped3A = tpu.sem_alloc : memref<!tpu.dma_semaphore, #tpu.memory_space<semaphore_mem>>
        %dma_start3A = arith.constant 0 : i32
        %dma_start3A_31 = tpu.memref_slice %arg10[%add3A_30, %dma_start3A] : memref<10112x128xf32, #tpu.memory_space<vmem_shared>> -> memref<128x128xf32, #tpu.memory_space<vmem_shared>>
        %dma_start3A_32 = arith.constant 0 : i32
        %dma_start3A_33 = tpu.memref_slice %arg10[%add3A_30, %dma_start3A_32] : memref<10112x128xf32, #tpu.memory_space<vmem_shared>> -> memref<128x128xf32, #tpu.memory_space<vmem_shared>>
        tpu.enqueue_dma source(%arg9 : memref<128x128xf32, #tpu.memory_space<vmem>>) target(%dma_start3A_33 : memref<128x128xf32, #tpu.memory_space<vmem_shared>>) target_semaphore(%run_scoped3A : memref<!tpu.dma_semaphore, #tpu.memory_space<semaphore_mem>>)
        %dma_wait3A = arith.constant 0 : i32
        %dma_wait3A_34 = tpu.memref_slice %arg10[%add3A_30, %dma_wait3A] : memref<10112x128xf32, #tpu.memory_space<vmem_shared>> -> memref<128x128xf32, #tpu.memory_space<vmem_shared>>
        %dma_wait3A_35 = arith.constant 0 : i32
        %dma_wait3A_36 = tpu.memref_slice %arg10[%add3A_30, %dma_wait3A_35] : memref<10112x128xf32, #tpu.memory_space<vmem_shared>> -> memref<128x128xf32, #tpu.memory_space<vmem_shared>>
        tpu.wait_dma2 semaphore(%run_scoped3A : memref<!tpu.dma_semaphore, #tpu.memory_space<semaphore_mem>>) src(%arg9 : memref<128x128xf32, #tpu.memory_space<vmem>>) dst(%dma_wait3A_36 : memref<128x128xf32, #tpu.memory_space<vmem_shared>>)
        tpu.yield
      }) : () -> ()
    }
    %scan3A_7 = arith.constant 4 : i32
    %add3A_8 = arith.constant 512 : i32
    %add3A_9 = arith.addi %mul3A_2, %add3A_8 : i32
    "tpu.region"() ({
      %run_scoped3A = tpu.sem_alloc : memref<!tpu.dma_semaphore, #tpu.memory_space<semaphore_mem>>
      %dma_start3A = arith.constant 0 : i32
      %dma_start3A_27 = arith.constant 0 : i32
      %dma_start3A_28 = tpu.memref_slice %arg9[%dma_start3A, %dma_start3A_27] : memref<128x128xf32, #tpu.memory_space<vmem>> -> memref<120x128xf32, #tpu.memory_space<vmem>>
      %dma_start3A_29 = arith.constant 0 : i32
      %dma_start3A_30 = tpu.memref_slice %arg10[%add3A_9, %dma_start3A_29] : memref<10112x128xf32, #tpu.memory_space<vmem_shared>> -> memref<120x128xf32, #tpu.memory_space<vmem_shared>>
      %dma_start3A_31 = arith.constant 0 : i32
      %dma_start3A_32 = tpu.memref_slice %arg10[%add3A_9, %dma_start3A_31] : memref<10112x128xf32, #tpu.memory_space<vmem_shared>> -> memref<120x128xf32, #tpu.memory_space<vmem_shared>>
      %dma_start3A_33 = arith.constant 0 : i32
      %dma_start3A_34 = arith.constant 0 : i32
      %dma_start3A_35 = tpu.memref_slice %arg9[%dma_start3A_33, %dma_start3A_34] : memref<128x128xf32, #tpu.memory_space<vmem>> -> memref<120x128xf32, #tpu.memory_space<vmem>>
      tpu.enqueue_dma source(%dma_start3A_35 : memref<120x128xf32, #tpu.memory_space<vmem>>) target(%dma_start3A_32 : memref<120x128xf32, #tpu.memory_space<vmem_shared>>) target_semaphore(%run_scoped3A : memref<!tpu.dma_semaphore, #tpu.memory_space<semaphore_mem>>)
      %dma_wait3A = arith.constant 0 : i32
      %dma_wait3A_36 = arith.constant 0 : i32
      %dma_wait3A_37 = tpu.memref_slice %arg9[%dma_wait3A, %dma_wait3A_36] : memref<128x128xf32, #tpu.memory_space<vmem>> -> memref<120x128xf32, #tpu.memory_space<vmem>>
      %dma_wait3A_38 = arith.constant 0 : i32
      %dma_wait3A_39 = tpu.memref_slice %arg10[%add3A_9, %dma_wait3A_38] : memref<10112x128xf32, #tpu.memory_space<vmem_shared>> -> memref<120x128xf32, #tpu.memory_space<vmem_shared>>
      %dma_wait3A_40 = arith.constant 0 : i32
      %dma_wait3A_41 = tpu.memref_slice %arg10[%add3A_9, %dma_wait3A_40] : memref<10112x128xf32, #tpu.memory_space<vmem_shared>> -> memref<120x128xf32, #tpu.memory_space<vmem_shared>>
      %dma_wait3A_42 = arith.constant 0 : i32
      %dma_wait3A_43 = arith.constant 0 : i32
      %dma_wait3A_44 = tpu.memref_slice %arg9[%dma_wait3A_42, %dma_wait3A_43] : memref<128x128xf32, #tpu.memory_space<vmem>> -> memref<120x128xf32, #tpu.memory_space<vmem>>
      tpu.wait_dma2 semaphore(%run_scoped3A : memref<!tpu.dma_semaphore, #tpu.memory_space<semaphore_mem>>) src(%dma_wait3A_44 : memref<120x128xf32, #tpu.memory_space<vmem>>) dst(%dma_wait3A_41 : memref<120x128xf32, #tpu.memory_space<vmem_shared>>)
      tpu.yield
    }) : () -> ()
    %barrier3A = arith.constant 0 : index
    tpu.barrier barrier_id(%barrier3A)
    %scan3A_10 = arith.constant 0 : i32
    %scan3A_11 = arith.constant 0 : i32
    %scan3A_12 = arith.constant 79 : i32
    %scan3A_13 = arith.addi %scan3A_11, %scan3A_12 : i32
    %scan3A_14 = arith.constant 1 : i32
    scf.for %scan3A_27 = %scan3A_11 to %scan3A_13 step %scan3A_14  : i32 {
      %dma_start3A = arith.constant 0 : i32
      %dma_start3A_28 = tpu.memref_slice %arg7[%scan3A_27, %dma_start3A] : memref<79x128xi32, #tpu.memory_space<vmem>> -> memref<1x128xi32, #tpu.memory_space<vmem>>
      %dma_start3A_29 = tpu.memref_squeeze %dma_start3A_28 : memref<1x128xi32, #tpu.memory_space<vmem>> -> memref<128xi32, #tpu.memory_space<vmem>>
      %dma_start3A_30 = arith.constant 0 : i32
      %dma_start3A_31 = arith.constant 0 : i32
      %dma_start3A_32 = tpu.memref_slice %arg2[%dma_start3A_30, %dma_start3A_31] : memref<10112x128xf32, #tpu.memory_space<hbm>> -> memref<10112x128xf32, #tpu.memory_space<hbm>>
      tpu.enqueue_indirect_dma source(%dma_start3A_32 : memref<10112x128xf32, #tpu.memory_space<hbm>>) target(%arg9 : memref<128x128xf32, #tpu.memory_space<vmem>>) offsets(%dma_start3A_29 : memref<128xi32, #tpu.memory_space<vmem>>) semaphore(%arg11 : memref<!tpu.dma_semaphore, #tpu.memory_space<semaphore_mem>>)
      %dma_wait3A = arith.constant 0 : i32
      %dma_wait3A_33 = tpu.memref_slice %arg7[%scan3A_27, %dma_wait3A] : memref<79x128xi32, #tpu.memory_space<vmem>> -> memref<1x128xi32, #tpu.memory_space<vmem>>
      %dma_wait3A_34 = tpu.memref_squeeze %dma_wait3A_33 : memref<1x128xi32, #tpu.memory_space<vmem>> -> memref<128xi32, #tpu.memory_space<vmem>>
      %dma_wait3A_35 = arith.constant 0 : i32
      %dma_wait3A_36 = arith.constant 0 : i32
      %dma_wait3A_37 = tpu.memref_slice %arg2[%dma_wait3A_35, %dma_wait3A_36] : memref<10112x128xf32, #tpu.memory_space<hbm>> -> memref<10112x128xf32, #tpu.memory_space<hbm>>
      tpu.wait_indirect_dma semaphore(%arg11 : memref<!tpu.dma_semaphore, #tpu.memory_space<semaphore_mem>>) src(%dma_wait3A_37 : memref<10112x128xf32, #tpu.memory_space<hbm>>) dst(%arg9 : memref<128x128xf32, #tpu.memory_space<vmem>>)
      "tpu.region"() ({
        %run_scoped3A = tpu.sem_alloc : memref<!tpu.dma_semaphore, #tpu.memory_space<semaphore_mem>>
        %dma_start3A_38 = arith.constant 0 : i32
        %dma_start3A_39 = tpu.memref_slice %arg8[%scan3A_27, %dma_start3A_38] : memref<79x128xi32, #tpu.memory_space<vmem>> -> memref<1x128xi32, #tpu.memory_space<vmem>>
        %dma_start3A_40 = tpu.memref_squeeze %dma_start3A_39 : memref<1x128xi32, #tpu.memory_space<vmem>> -> memref<128xi32, #tpu.memory_space<vmem>>
        %dma_start3A_41 = arith.constant 0 : i32
        %dma_start3A_42 = arith.constant 0 : i32
        %dma_start3A_43 = tpu.memref_slice %arg10[%dma_start3A_41, %dma_start3A_42] : memref<10112x128xf32, #tpu.memory_space<vmem_shared>> -> memref<10112x128xf32, #tpu.memory_space<vmem_shared>>
        tpu.enqueue_indirect_dma source(%arg9 : memref<128x128xf32, #tpu.memory_space<vmem>>) target(%dma_start3A_43 : memref<10112x128xf32, #tpu.memory_space<vmem_shared>>) offsets(%dma_start3A_40 : memref<128xi32, #tpu.memory_space<vmem>>) semaphore(%run_scoped3A : memref<!tpu.dma_semaphore, #tpu.memory_space<semaphore_mem>>) {add = true}
        %dma_wait3A_44 = arith.constant 0 : i32
        %dma_wait3A_45 = tpu.memref_slice %arg8[%scan3A_27, %dma_wait3A_44] : memref<79x128xi32, #tpu.memory_space<vmem>> -> memref<1x128xi32, #tpu.memory_space<vmem>>
        %dma_wait3A_46 = tpu.memref_squeeze %dma_wait3A_45 : memref<1x128xi32, #tpu.memory_space<vmem>> -> memref<128xi32, #tpu.memory_space<vmem>>
        %dma_wait3A_47 = arith.constant 0 : i32
        %dma_wait3A_48 = arith.constant 0 : i32
        %dma_wait3A_49 = tpu.memref_slice %arg10[%dma_wait3A_47, %dma_wait3A_48] : memref<10112x128xf32, #tpu.memory_space<vmem_shared>> -> memref<10112x128xf32, #tpu.memory_space<vmem_shared>>
        tpu.wait_indirect_dma semaphore(%run_scoped3A : memref<!tpu.dma_semaphore, #tpu.memory_space<semaphore_mem>>) src(%arg9 : memref<128x128xf32, #tpu.memory_space<vmem>>) dst(%dma_wait3A_49 : memref<10112x128xf32, #tpu.memory_space<vmem_shared>>)
        tpu.yield
      }) : () -> ()
    }
    %scan3A_15 = arith.constant 79 : i32
    %barrier3A_16 = arith.constant 0 : index
    tpu.barrier barrier_id(%barrier3A_16)
    %scan3A_17 = arith.constant 0 : i32
    %scan3A_18 = arith.constant 0 : i32
    %scan3A_19 = arith.constant 4 : i32
    %scan3A_20 = arith.addi %scan3A_18, %scan3A_19 : i32
    %scan3A_21 = arith.constant 1 : i32
    scf.for %scan3A_27 = %scan3A_18 to %scan3A_20 step %scan3A_21  : i32 {
      %mul3A_28 = arith.constant 128 : i32
      %mul3A_29 = arith.muli %scan3A_27, %mul3A_28 : i32
      %add3A_30 = arith.addi %mul3A_2, %mul3A_29 : i32
      "tpu.region"() ({
        %run_scoped3A = tpu.sem_alloc : memref<!tpu.dma_semaphore, #tpu.memory_space<semaphore_mem>>
        %dma_start3A = arith.constant 0 : i32
        %dma_start3A_34 = tpu.memref_slice %arg10[%add3A_30, %dma_start3A] : memref<10112x128xf32, #tpu.memory_space<vmem_shared>> -> memref<128x128xf32, #tpu.memory_space<vmem_shared>>
        %dma_start3A_35 = arith.constant 0 : i32
        %dma_start3A_36 = tpu.memref_slice %arg10[%add3A_30, %dma_start3A_35] : memref<10112x128xf32, #tpu.memory_space<vmem_shared>> -> memref<128x128xf32, #tpu.memory_space<vmem_shared>>
        tpu.enqueue_dma source(%dma_start3A_36 : memref<128x128xf32, #tpu.memory_space<vmem_shared>>) target(%arg9 : memref<128x128xf32, #tpu.memory_space<vmem>>) target_semaphore(%run_scoped3A : memref<!tpu.dma_semaphore, #tpu.memory_space<semaphore_mem>>)
        %dma_wait3A = arith.constant 0 : i32
        %dma_wait3A_37 = tpu.memref_slice %arg10[%add3A_30, %dma_wait3A] : memref<10112x128xf32, #tpu.memory_space<vmem_shared>> -> memref<128x128xf32, #tpu.memory_space<vmem_shared>>
        %dma_wait3A_38 = arith.constant 0 : i32
        %dma_wait3A_39 = tpu.memref_slice %arg10[%add3A_30, %dma_wait3A_38] : memref<10112x128xf32, #tpu.memory_space<vmem_shared>> -> memref<128x128xf32, #tpu.memory_space<vmem_shared>>
        tpu.wait_dma2 semaphore(%run_scoped3A : memref<!tpu.dma_semaphore, #tpu.memory_space<semaphore_mem>>) src(%dma_wait3A_39 : memref<128x128xf32, #tpu.memory_space<vmem_shared>>) dst(%arg9 : memref<128x128xf32, #tpu.memory_space<vmem>>)
        tpu.yield
      }) : () -> ()
      %mul3A_31 = arith.constant 128 : i32
      %mul3A_32 = arith.muli %scan3A_27, %mul3A_31 : i32
      %add3A_33 = arith.addi %mul3A_2, %mul3A_32 : i32
      "tpu.region"() ({
        %run_scoped3A = tpu.sem_alloc : memref<!tpu.dma_semaphore, #tpu.memory_space<semaphore_mem>>
        %dma_start3A = arith.constant 0 : i32
        %dma_start3A_34 = tpu.memref_slice %arg6[%arg0, %add3A_33, %dma_start3A] : memref<2x10112x128xf32, #tpu.memory_space<hbm>> -> memref<1x128x128xf32, #tpu.memory_space<hbm>>
        %dma_start3A_35 = tpu.memref_squeeze %dma_start3A_34 : memref<1x128x128xf32, #tpu.memory_space<hbm>> -> memref<128x128xf32, #tpu.memory_space<hbm>>
        %dma_start3A_36 = arith.constant 0 : i32
        %dma_start3A_37 = tpu.memref_slice %arg6[%arg0, %add3A_33, %dma_start3A_36] : memref<2x10112x128xf32, #tpu.memory_space<hbm>> -> memref<1x128x128xf32, #tpu.memory_space<hbm>>
        %dma_start3A_38 = tpu.memref_squeeze %dma_start3A_37 : memref<1x128x128xf32, #tpu.memory_space<hbm>> -> memref<128x128xf32, #tpu.memory_space<hbm>>
        tpu.enqueue_dma source(%arg9 : memref<128x128xf32, #tpu.memory_space<vmem>>) target(%dma_start3A_38 : memref<128x128xf32, #tpu.memory_space<hbm>>) target_semaphore(%run_scoped3A : memref<!tpu.dma_semaphore, #tpu.memory_space<semaphore_mem>>)
        %dma_wait3A = arith.constant 0 : i32
        %dma_wait3A_39 = tpu.memref_slice %arg6[%arg0, %add3A_33, %dma_wait3A] : memref<2x10112x128xf32, #tpu.memory_space<hbm>> -> memref<1x128x128xf32, #tpu.memory_space<hbm>>
        %dma_wait3A_40 = tpu.memref_squeeze %dma_wait3A_39 : memref<1x128x128xf32, #tpu.memory_space<hbm>> -> memref<128x128xf32, #tpu.memory_space<hbm>>
        %dma_wait3A_41 = arith.constant 0 : i32
        %dma_wait3A_42 = tpu.memref_slice %arg6[%arg0, %add3A_33, %dma_wait3A_41] : memref<2x10112x128xf32, #tpu.memory_space<hbm>> -> memref<1x128x128xf32, #tpu.memory_space<hbm>>
        %dma_wait3A_43 = tpu.memref_squeeze %dma_wait3A_42 : memref<1x128x128xf32, #tpu.memory_space<hbm>> -> memref<128x128xf32, #tpu.memory_space<hbm>>
        tpu.wait_dma2 semaphore(%run_scoped3A : memref<!tpu.dma_semaphore, #tpu.memory_space<semaphore_mem>>) src(%arg9 : memref<128x128xf32, #tpu.memory_space<vmem>>) dst(%dma_wait3A_43 : memref<128x128xf32, #tpu.memory_space<hbm>>)
        tpu.yield
      }) : () -> ()
    }
    %scan3A_22 = arith.constant 4 : i32
    %add3A_23 = arith.constant 512 : i32
    %add3A_24 = arith.addi %mul3A_2, %add3A_23 : i32
    "tpu.region"() ({
      %run_scoped3A = tpu.sem_alloc : memref<!tpu.dma_semaphore, #tpu.memory_space<semaphore_mem>>
      %dma_start3A = arith.constant 0 : i32
      %dma_start3A_27 = arith.constant 0 : i32
      %dma_start3A_28 = tpu.memref_slice %arg9[%dma_start3A, %dma_start3A_27] : memref<128x128xf32, #tpu.memory_space<vmem>> -> memref<120x128xf32, #tpu.memory_space<vmem>>
      %dma_start3A_29 = arith.constant 0 : i32
      %dma_start3A_30 = tpu.memref_slice %arg10[%add3A_24, %dma_start3A_29] : memref<10112x128xf32, #tpu.memory_space<vmem_shared>> -> memref<120x128xf32, #tpu.memory_space<vmem_shared>>
      %dma_start3A_31 = arith.constant 0 : i32
      %dma_start3A_32 = arith.constant 0 : i32
      %dma_start3A_33 = tpu.memref_slice %arg9[%dma_start3A_31, %dma_start3A_32] : memref<128x128xf32, #tpu.memory_space<vmem>> -> memref<120x128xf32, #tpu.memory_space<vmem>>
      %dma_start3A_34 = arith.constant 0 : i32
      %dma_start3A_35 = tpu.memref_slice %arg10[%add3A_24, %dma_start3A_34] : memref<10112x128xf32, #tpu.memory_space<vmem_shared>> -> memref<120x128xf32, #tpu.memory_space<vmem_shared>>
      tpu.enqueue_dma source(%dma_start3A_35 : memref<120x128xf32, #tpu.memory_space<vmem_shared>>) target(%dma_start3A_33 : memref<120x128xf32, #tpu.memory_space<vmem>>) target_semaphore(%run_scoped3A : memref<!tpu.dma_semaphore, #tpu.memory_space<semaphore_mem>>)
      %dma_wait3A = arith.constant 0 : i32
      %dma_wait3A_36 = arith.constant 0 : i32
      %dma_wait3A_37 = tpu.memref_slice %arg9[%dma_wait3A, %dma_wait3A_36] : memref<128x128xf32, #tpu.memory_space<vmem>> -> memref<120x128xf32, #tpu.memory_space<vmem>>
      %dma_wait3A_38 = arith.constant 0 : i32
      %dma_wait3A_39 = tpu.memref_slice %arg10[%add3A_24, %dma_wait3A_38] : memref<10112x128xf32, #tpu.memory_space<vmem_shared>> -> memref<120x128xf32, #tpu.memory_space<vmem_shared>>
      %dma_wait3A_40 = arith.constant 0 : i32
      %dma_wait3A_41 = arith.constant 0 : i32
      %dma_wait3A_42 = tpu.memref_slice %arg9[%dma_wait3A_40, %dma_wait3A_41] : memref<128x128xf32, #tpu.memory_space<vmem>> -> memref<120x128xf32, #tpu.memory_space<vmem>>
      %dma_wait3A_43 = arith.constant 0 : i32
      %dma_wait3A_44 = tpu.memref_slice %arg10[%add3A_24, %dma_wait3A_43] : memref<10112x128xf32, #tpu.memory_space<vmem_shared>> -> memref<120x128xf32, #tpu.memory_space<vmem_shared>>
      tpu.wait_dma2 semaphore(%run_scoped3A : memref<!tpu.dma_semaphore, #tpu.memory_space<semaphore_mem>>) src(%dma_wait3A_44 : memref<120x128xf32, #tpu.memory_space<vmem_shared>>) dst(%dma_wait3A_42 : memref<120x128xf32, #tpu.memory_space<vmem>>)
      tpu.yield
    }) : () -> ()
    %add3A_25 = arith.constant 512 : i32
    %add3A_26 = arith.addi %mul3A_2, %add3A_25 : i32
    "tpu.region"() ({
      %run_scoped3A = tpu.sem_alloc : memref<!tpu.dma_semaphore, #tpu.memory_space<semaphore_mem>>
      %dma_start3A = arith.constant 0 : i32
      %dma_start3A_27 = arith.constant 0 : i32
      %dma_start3A_28 = tpu.memref_slice %arg9[%dma_start3A, %dma_start3A_27] : memref<128x128xf32, #tpu.memory_space<vmem>> -> memref<120x128xf32, #tpu.memory_space<vmem>>
      %dma_start3A_29 = arith.constant 0 : i32
      %dma_start3A_30 = tpu.memref_slice %arg6[%arg0, %add3A_26, %dma_start3A_29] : memref<2x10112x128xf32, #tpu.memory_space<hbm>> -> memref<1x120x128xf32, #tpu.memory_space<hbm>>
      %dma_start3A_31 = tpu.memref_squeeze %dma_start3A_30 : memref<1x120x128xf32, #tpu.memory_space<hbm>> -> memref<120x128xf32, #tpu.memory_space<hbm>>
      %dma_start3A_32 = arith.constant 0 : i32
      %dma_start3A_33 = tpu.memref_slice %arg6[%arg0, %add3A_26, %dma_start3A_32] : memref<2x10112x128xf32, #tpu.memory_space<hbm>> -> memref<1x120x128xf32, #tpu.memory_space<hbm>>
      %dma_start3A_34 = tpu.memref_squeeze %dma_start3A_33 : memref<1x120x128xf32, #tpu.memory_space<hbm>> -> memref<120x128xf32, #tpu.memory_space<hbm>>
      %dma_start3A_35 = arith.constant 0 : i32
      %dma_start3A_36 = arith.constant 0 : i32
      %dma_start3A_37 = tpu.memref_slice %arg9[%dma_start3A_35, %dma_start3A_36] : memref<128x128xf32, #tpu.memory_space<vmem>> -> memref<120x128xf32, #tpu.memory_space<vmem>>
      tpu.enqueue_dma source(%dma_start3A_37 : memref<120x128xf32, #tpu.memory_space<vmem>>) target(%dma_start3A_34 : memref<120x128xf32, #tpu.memory_space<hbm>>) target_semaphore(%run_scoped3A : memref<!tpu.dma_semaphore, #tpu.memory_space<semaphore_mem>>)
      %dma_wait3A = arith.constant 0 : i32
      %dma_wait3A_38 = arith.constant 0 : i32
      %dma_wait3A_39 = tpu.memref_slice %arg9[%dma_wait3A, %dma_wait3A_38] : memref<128x128xf32, #tpu.memory_space<vmem>> -> memref<120x128xf32, #tpu.memory_space<vmem>>
      %dma_wait3A_40 = arith.constant 0 : i32
      %dma_wait3A_41 = tpu.memref_slice %arg6[%arg0, %add3A_26, %dma_wait3A_40] : memref<2x10112x128xf32, #tpu.memory_space<hbm>> -> memref<1x120x128xf32, #tpu.memory_space<hbm>>
      %dma_wait3A_42 = tpu.memref_squeeze %dma_wait3A_41 : memref<1x120x128xf32, #tpu.memory_space<hbm>> -> memref<120x128xf32, #tpu.memory_space<hbm>>
      %dma_wait3A_43 = arith.constant 0 : i32
      %dma_wait3A_44 = tpu.memref_slice %arg6[%arg0, %add3A_26, %dma_wait3A_43] : memref<2x10112x128xf32, #tpu.memory_space<hbm>> -> memref<1x120x128xf32, #tpu.memory_space<hbm>>
      %dma_wait3A_45 = tpu.memref_squeeze %dma_wait3A_44 : memref<1x120x128xf32, #tpu.memory_space<hbm>> -> memref<120x128xf32, #tpu.memory_space<hbm>>
      %dma_wait3A_46 = arith.constant 0 : i32
      %dma_wait3A_47 = arith.constant 0 : i32
      %dma_wait3A_48 = tpu.memref_slice %arg9[%dma_wait3A_46, %dma_wait3A_47] : memref<128x128xf32, #tpu.memory_space<vmem>> -> memref<120x128xf32, #tpu.memory_space<vmem>>
      tpu.wait_dma2 semaphore(%run_scoped3A : memref<!tpu.dma_semaphore, #tpu.memory_space<semaphore_mem>>) src(%dma_wait3A_48 : memref<120x128xf32, #tpu.memory_space<vmem>>) dst(%dma_wait3A_45 : memref<120x128xf32, #tpu.memory_space<hbm>>)
      tpu.yield
    }) : () -> ()
    return
  }
}

#map = affine_map<(d0, d1) -> (0, 0)>
#map1 = affine_map<(d0, d1) -> (0, 0, 0)>
module attributes {stable_mosaic.version = 14 : i64} {
  func.func @scatter_kernel(%arg0: i32, %arg1: i32, %arg2: memref<10112x128xf32, #tpu.memory_space<hbm>>, %arg3: memref<32x79x128xi32, #tpu.memory_space<hbm>>, %arg4: memref<32x79x128xi32, #tpu.memory_space<hbm>>, %arg5: memref<128x128xf32, #tpu.memory_space<hbm>>, %arg6: memref<2x10112x128xf32, #tpu.memory_space<hbm>>, %arg7: memref<79x128xi32, #tpu.memory_space<vmem>>, %arg8: memref<79x128xi32, #tpu.memory_space<vmem>>, %arg9: memref<128x128xf32, #tpu.memory_space<vmem>>, %arg10: memref<10112x128xf32, #tpu.memory_space<vmem_shared>>, %arg11: memref<!tpu.dma_semaphore, #tpu.memory_space<semaphore_mem>>) attributes {dimension_semantics = [#tpu.dimension_semantics<core_parallel>, #tpu.dimension_semantics<subcore_parallel>], iteration_bounds = array<i64: 2, 16>, scalar_prefetch = 0 : i64, scratch_operands = 5 : i64, tpu.core_type = #tpu.core_type<sc_vector_subcore>, window_params = [{transform_indices = #map}, {transform_indices = #map1}, {transform_indices = #map1}, {transform_indices = #map}, {transform_indices = #map1}]} {
    %mul3A = arith.constant 2 : i32
    %mul3A_0 = arith.muli %arg1, %mul3A : i32
    %add3A = arith.addi %mul3A_0, %arg0 : i32
    %mul3A_1 = arith.constant 632 : i32
    %mul3A_2 = arith.muli %arg1, %mul3A_1 : i32
    "tpu.region"() ({
      %run_scoped3A = tpu.sem_alloc : memref<!tpu.dma_semaphore, #tpu.memory_space<semaphore_mem>>
      %dma_start3A = arith.constant 0 : i32
      %dma_start3A_27 = arith.constant 0 : i32
      %dma_start3A_28 = tpu.memref_slice %arg3[%add3A, %dma_start3A, %dma_start3A_27] : memref<32x79x128xi32, #tpu.memory_space<hbm>> -> memref<1x79x128xi32, #tpu.memory_space<hbm>>
      %dma_start3A_29 = tpu.memref_squeeze %dma_start3A_28 : memref<1x79x128xi32, #tpu.memory_space<hbm>> -> memref<79x128xi32, #tpu.memory_space<hbm>>
      %dma_start3A_30 = arith.constant 0 : i32
      %dma_start3A_31 = arith.constant 0 : i32
      %dma_start3A_32 = tpu.memref_slice %arg3[%add3A, %dma_start3A_30, %dma_start3A_31] : memref<32x79x128xi32, #tpu.memory_space<hbm>> -> memref<1x79x128xi32, #tpu.memory_space<hbm>>
      %dma_start3A_33 = tpu.memref_squeeze %dma_start3A_32 : memref<1x79x128xi32, #tpu.memory_space<hbm>> -> memref<79x128xi32, #tpu.memory_space<hbm>>
      tpu.enqueue_dma source(%dma_start3A_33 : memref<79x128xi32, #tpu.memory_space<hbm>>) target(%arg7 : memref<79x128xi32, #tpu.memory_space<vmem>>) target_semaphore(%run_scoped3A : memref<!tpu.dma_semaphore, #tpu.memory_space<semaphore_mem>>)
      %dma_wait3A = arith.constant 0 : i32
      %dma_wait3A_34 = arith.constant 0 : i32
      %dma_wait3A_35 = tpu.memref_slice %arg3[%add3A, %dma_wait3A, %dma_wait3A_34] : memref<32x79x128xi32, #tpu.memory_space<hbm>> -> memref<1x79x128xi32, #tpu.memory_space<hbm>>
      %dma_wait3A_36 = tpu.memref_squeeze %dma_wait3A_35 : memref<1x79x128xi32, #tpu.memory_space<hbm>> -> memref<79x128xi32, #tpu.memory_space<hbm>>
      %dma_wait3A_37 = arith.constant 0 : i32
      %dma_wait3A_38 = arith.constant 0 : i32
      %dma_wait3A_39 = tpu.memref_slice %arg3[%add3A, %dma_wait3A_37, %dma_wait3A_38] : memref<32x79x128xi32, #tpu.memory_space<hbm>> -> memref<1x79x128xi32, #tpu.memory_space<hbm>>
      %dma_wait3A_40 = tpu.memref_squeeze %dma_wait3A_39 : memref<1x79x128xi32, #tpu.memory_space<hbm>> -> memref<79x128xi32, #tpu.memory_space<hbm>>
      tpu.wait_dma2 semaphore(%run_scoped3A : memref<!tpu.dma_semaphore, #tpu.memory_space<semaphore_mem>>) src(%dma_wait3A_40 : memref<79x128xi32, #tpu.memory_space<hbm>>) dst(%arg7 : memref<79x128xi32, #tpu.memory_space<vmem>>)
      tpu.yield
    }) : () -> ()
    "tpu.region"() ({
      %run_scoped3A = tpu.sem_alloc : memref<!tpu.dma_semaphore, #tpu.memory_space<semaphore_mem>>
      %dma_start3A = arith.constant 0 : i32
      %dma_start3A_27 = arith.constant 0 : i32
      %dma_start3A_28 = tpu.memref_slice %arg4[%add3A, %dma_start3A, %dma_start3A_27] : memref<32x79x128xi32, #tpu.memory_space<hbm>> -> memref<1x79x128xi32, #tpu.memory_space<hbm>>
      %dma_start3A_29 = tpu.memref_squeeze %dma_start3A_28 : memref<1x79x128xi32, #tpu.memory_space<hbm>> -> memref<79x128xi32, #tpu.memory_space<hbm>>
      %dma_start3A_30 = arith.constant 0 : i32
      %dma_start3A_31 = arith.constant 0 : i32
      %dma_start3A_32 = tpu.memref_slice %arg4[%add3A, %dma_start3A_30, %dma_start3A_31] : memref<32x79x128xi32, #tpu.memory_space<hbm>> -> memref<1x79x128xi32, #tpu.memory_space<hbm>>
      %dma_start3A_33 = tpu.memref_squeeze %dma_start3A_32 : memref<1x79x128xi32, #tpu.memory_space<hbm>> -> memref<79x128xi32, #tpu.memory_space<hbm>>
      tpu.enqueue_dma source(%dma_start3A_33 : memref<79x128xi32, #tpu.memory_space<hbm>>) target(%arg8 : memref<79x128xi32, #tpu.memory_space<vmem>>) target_semaphore(%run_scoped3A : memref<!tpu.dma_semaphore, #tpu.memory_space<semaphore_mem>>)
      %dma_wait3A = arith.constant 0 : i32
      %dma_wait3A_34 = arith.constant 0 : i32
      %dma_wait3A_35 = tpu.memref_slice %arg4[%add3A, %dma_wait3A, %dma_wait3A_34] : memref<32x79x128xi32, #tpu.memory_space<hbm>> -> memref<1x79x128xi32, #tpu.memory_space<hbm>>
      %dma_wait3A_36 = tpu.memref_squeeze %dma_wait3A_35 : memref<1x79x128xi32, #tpu.memory_space<hbm>> -> memref<79x128xi32, #tpu.memory_space<hbm>>
      %dma_wait3A_37 = arith.constant 0 : i32
      %dma_wait3A_38 = arith.constant 0 : i32
      %dma_wait3A_39 = tpu.memref_slice %arg4[%add3A, %dma_wait3A_37, %dma_wait3A_38] : memref<32x79x128xi32, #tpu.memory_space<hbm>> -> memref<1x79x128xi32, #tpu.memory_space<hbm>>
      %dma_wait3A_40 = tpu.memref_squeeze %dma_wait3A_39 : memref<1x79x128xi32, #tpu.memory_space<hbm>> -> memref<79x128xi32, #tpu.memory_space<hbm>>
      tpu.wait_dma2 semaphore(%run_scoped3A : memref<!tpu.dma_semaphore, #tpu.memory_space<semaphore_mem>>) src(%dma_wait3A_40 : memref<79x128xi32, #tpu.memory_space<hbm>>) dst(%arg8 : memref<79x128xi32, #tpu.memory_space<vmem>>)
      tpu.yield
    }) : () -> ()
    "tpu.region"() ({
      %run_scoped3A = tpu.sem_alloc : memref<!tpu.dma_semaphore, #tpu.memory_space<semaphore_mem>>
      tpu.enqueue_dma source(%arg5 : memref<128x128xf32, #tpu.memory_space<hbm>>) target(%arg9 : memref<128x128xf32, #tpu.memory_space<vmem>>) target_semaphore(%run_scoped3A : memref<!tpu.dma_semaphore, #tpu.memory_space<semaphore_mem>>)
      tpu.wait_dma2 semaphore(%run_scoped3A : memref<!tpu.dma_semaphore, #tpu.memory_space<semaphore_mem>>) src(%arg5 : memref<128x128xf32, #tpu.memory_space<hbm>>) dst(%arg9 : memref<128x128xf32, #tpu.memory_space<vmem>>)
      tpu.yield
    }) : () -> ()
    %scan3A = arith.constant 0 : i32
    %scan3A_3 = arith.constant 0 : i32
    %scan3A_4 = arith.constant 4 : i32
    %scan3A_5 = arith.addi %scan3A_3, %scan3A_4 : i32
    %scan3A_6 = arith.constant 1 : i32
    scf.for %scan3A_27 = %scan3A_3 to %scan3A_5 step %scan3A_6  : i32 {
      %mul3A_28 = arith.constant 128 : i32
      %mul3A_29 = arith.muli %scan3A_27, %mul3A_28 : i32
      %add3A_30 = arith.addi %mul3A_2, %mul3A_29 : i32
      "tpu.region"() ({
        %run_scoped3A = tpu.sem_alloc : memref<!tpu.dma_semaphore, #tpu.memory_space<semaphore_mem>>
        %dma_start3A = arith.constant 0 : i32
        %dma_start3A_31 = tpu.memref_slice %arg10[%add3A_30, %dma_start3A] : memref<10112x128xf32, #tpu.memory_space<vmem_shared>> -> memref<128x128xf32, #tpu.memory_space<vmem_shared>>
        %dma_start3A_32 = arith.constant 0 : i32
        %dma_start3A_33 = tpu.memref_slice %arg10[%add3A_30, %dma_start3A_32] : memref<10112x128xf32, #tpu.memory_space<vmem_shared>> -> memref<128x128xf32, #tpu.memory_space<vmem_shared>>
        tpu.enqueue_dma source(%arg9 : memref<128x128xf32, #tpu.memory_space<vmem>>) target(%dma_start3A_33 : memref<128x128xf32, #tpu.memory_space<vmem_shared>>) target_semaphore(%run_scoped3A : memref<!tpu.dma_semaphore, #tpu.memory_space<semaphore_mem>>)
        %dma_wait3A = arith.constant 0 : i32
        %dma_wait3A_34 = tpu.memref_slice %arg10[%add3A_30, %dma_wait3A] : memref<10112x128xf32, #tpu.memory_space<vmem_shared>> -> memref<128x128xf32, #tpu.memory_space<vmem_shared>>
        %dma_wait3A_35 = arith.constant 0 : i32
        %dma_wait3A_36 = tpu.memref_slice %arg10[%add3A_30, %dma_wait3A_35] : memref<10112x128xf32, #tpu.memory_space<vmem_shared>> -> memref<128x128xf32, #tpu.memory_space<vmem_shared>>
        tpu.wait_dma2 semaphore(%run_scoped3A : memref<!tpu.dma_semaphore, #tpu.memory_space<semaphore_mem>>) src(%arg9 : memref<128x128xf32, #tpu.memory_space<vmem>>) dst(%dma_wait3A_36 : memref<128x128xf32, #tpu.memory_space<vmem_shared>>)
        tpu.yield
      }) : () -> ()
    }
    %scan3A_7 = arith.constant 4 : i32
    %add3A_8 = arith.constant 512 : i32
    %add3A_9 = arith.addi %mul3A_2, %add3A_8 : i32
    "tpu.region"() ({
      %run_scoped3A = tpu.sem_alloc : memref<!tpu.dma_semaphore, #tpu.memory_space<semaphore_mem>>
      %dma_start3A = arith.constant 0 : i32
      %dma_start3A_27 = arith.constant 0 : i32
      %dma_start3A_28 = tpu.memref_slice %arg9[%dma_start3A, %dma_start3A_27] : memref<128x128xf32, #tpu.memory_space<vmem>> -> memref<120x128xf32, #tpu.memory_space<vmem>>
      %dma_start3A_29 = arith.constant 0 : i32
      %dma_start3A_30 = tpu.memref_slice %arg10[%add3A_9, %dma_start3A_29] : memref<10112x128xf32, #tpu.memory_space<vmem_shared>> -> memref<120x128xf32, #tpu.memory_space<vmem_shared>>
      %dma_start3A_31 = arith.constant 0 : i32
      %dma_start3A_32 = tpu.memref_slice %arg10[%add3A_9, %dma_start3A_31] : memref<10112x128xf32, #tpu.memory_space<vmem_shared>> -> memref<120x128xf32, #tpu.memory_space<vmem_shared>>
      %dma_start3A_33 = arith.constant 0 : i32
      %dma_start3A_34 = arith.constant 0 : i32
      %dma_start3A_35 = tpu.memref_slice %arg9[%dma_start3A_33, %dma_start3A_34] : memref<128x128xf32, #tpu.memory_space<vmem>> -> memref<120x128xf32, #tpu.memory_space<vmem>>
      tpu.enqueue_dma source(%dma_start3A_35 : memref<120x128xf32, #tpu.memory_space<vmem>>) target(%dma_start3A_32 : memref<120x128xf32, #tpu.memory_space<vmem_shared>>) target_semaphore(%run_scoped3A : memref<!tpu.dma_semaphore, #tpu.memory_space<semaphore_mem>>)
      %dma_wait3A = arith.constant 0 : i32
      %dma_wait3A_36 = arith.constant 0 : i32
      %dma_wait3A_37 = tpu.memref_slice %arg9[%dma_wait3A, %dma_wait3A_36] : memref<128x128xf32, #tpu.memory_space<vmem>> -> memref<120x128xf32, #tpu.memory_space<vmem>>
      %dma_wait3A_38 = arith.constant 0 : i32
      %dma_wait3A_39 = tpu.memref_slice %arg10[%add3A_9, %dma_wait3A_38] : memref<10112x128xf32, #tpu.memory_space<vmem_shared>> -> memref<120x128xf32, #tpu.memory_space<vmem_shared>>
      %dma_wait3A_40 = arith.constant 0 : i32
      %dma_wait3A_41 = tpu.memref_slice %arg10[%add3A_9, %dma_wait3A_40] : memref<10112x128xf32, #tpu.memory_space<vmem_shared>> -> memref<120x128xf32, #tpu.memory_space<vmem_shared>>
      %dma_wait3A_42 = arith.constant 0 : i32
      %dma_wait3A_43 = arith.constant 0 : i32
      %dma_wait3A_44 = tpu.memref_slice %arg9[%dma_wait3A_42, %dma_wait3A_43] : memref<128x128xf32, #tpu.memory_space<vmem>> -> memref<120x128xf32, #tpu.memory_space<vmem>>
      tpu.wait_dma2 semaphore(%run_scoped3A : memref<!tpu.dma_semaphore, #tpu.memory_space<semaphore_mem>>) src(%dma_wait3A_44 : memref<120x128xf32, #tpu.memory_space<vmem>>) dst(%dma_wait3A_41 : memref<120x128xf32, #tpu.memory_space<vmem_shared>>)
      tpu.yield
    }) : () -> ()
    %barrier3A = arith.constant 0 : index
    tpu.barrier barrier_id(%barrier3A)
    %scan3A_10 = arith.constant 0 : i32
    %scan3A_11 = arith.constant 0 : i32
    %scan3A_12 = arith.constant 79 : i32
    %scan3A_13 = arith.addi %scan3A_11, %scan3A_12 : i32
    %scan3A_14 = arith.constant 1 : i32
    scf.for %scan3A_27 = %scan3A_11 to %scan3A_13 step %scan3A_14  : i32 {
      %dma_start3A = arith.constant 0 : i32
      %dma_start3A_28 = tpu.memref_slice %arg7[%scan3A_27, %dma_start3A] : memref<79x128xi32, #tpu.memory_space<vmem>> -> memref<1x128xi32, #tpu.memory_space<vmem>>
      %dma_start3A_29 = tpu.memref_squeeze %dma_start3A_28 : memref<1x128xi32, #tpu.memory_space<vmem>> -> memref<128xi32, #tpu.memory_space<vmem>>
      %dma_start3A_30 = arith.constant 0 : i32
      %dma_start3A_31 = arith.constant 0 : i32
      %dma_start3A_32 = tpu.memref_slice %arg2[%dma_start3A_30, %dma_start3A_31] : memref<10112x128xf32, #tpu.memory_space<hbm>> -> memref<10112x128xf32, #tpu.memory_space<hbm>>
      tpu.enqueue_indirect_dma source(%dma_start3A_32 : memref<10112x128xf32, #tpu.memory_space<hbm>>) target(%arg9 : memref<128x128xf32, #tpu.memory_space<vmem>>) offsets(%dma_start3A_29 : memref<128xi32, #tpu.memory_space<vmem>>) semaphore(%arg11 : memref<!tpu.dma_semaphore, #tpu.memory_space<semaphore_mem>>)
      %dma_wait3A = arith.constant 0 : i32
      %dma_wait3A_33 = tpu.memref_slice %arg7[%scan3A_27, %dma_wait3A] : memref<79x128xi32, #tpu.memory_space<vmem>> -> memref<1x128xi32, #tpu.memory_space<vmem>>
      %dma_wait3A_34 = tpu.memref_squeeze %dma_wait3A_33 : memref<1x128xi32, #tpu.memory_space<vmem>> -> memref<128xi32, #tpu.memory_space<vmem>>
      %dma_wait3A_35 = arith.constant 0 : i32
      %dma_wait3A_36 = arith.constant 0 : i32
      %dma_wait3A_37 = tpu.memref_slice %arg2[%dma_wait3A_35, %dma_wait3A_36] : memref<10112x128xf32, #tpu.memory_space<hbm>> -> memref<10112x128xf32, #tpu.memory_space<hbm>>
      tpu.wait_indirect_dma semaphore(%arg11 : memref<!tpu.dma_semaphore, #tpu.memory_space<semaphore_mem>>) src(%dma_wait3A_37 : memref<10112x128xf32, #tpu.memory_space<hbm>>) dst(%arg9 : memref<128x128xf32, #tpu.memory_space<vmem>>)
      "tpu.region"() ({
        %run_scoped3A = tpu.sem_alloc : memref<!tpu.dma_semaphore, #tpu.memory_space<semaphore_mem>>
        %dma_start3A_38 = arith.constant 0 : i32
        %dma_start3A_39 = tpu.memref_slice %arg8[%scan3A_27, %dma_start3A_38] : memref<79x128xi32, #tpu.memory_space<vmem>> -> memref<1x128xi32, #tpu.memory_space<vmem>>
        %dma_start3A_40 = tpu.memref_squeeze %dma_start3A_39 : memref<1x128xi32, #tpu.memory_space<vmem>> -> memref<128xi32, #tpu.memory_space<vmem>>
        %dma_start3A_41 = arith.constant 0 : i32
        %dma_start3A_42 = arith.constant 0 : i32
        %dma_start3A_43 = tpu.memref_slice %arg10[%dma_start3A_41, %dma_start3A_42] : memref<10112x128xf32, #tpu.memory_space<vmem_shared>> -> memref<10112x128xf32, #tpu.memory_space<vmem_shared>>
        tpu.enqueue_indirect_dma source(%arg9 : memref<128x128xf32, #tpu.memory_space<vmem>>) target(%dma_start3A_43 : memref<10112x128xf32, #tpu.memory_space<vmem_shared>>) offsets(%dma_start3A_40 : memref<128xi32, #tpu.memory_space<vmem>>) semaphore(%run_scoped3A : memref<!tpu.dma_semaphore, #tpu.memory_space<semaphore_mem>>) {add = true}
        %dma_wait3A_44 = arith.constant 0 : i32
        %dma_wait3A_45 = tpu.memref_slice %arg8[%scan3A_27, %dma_wait3A_44] : memref<79x128xi32, #tpu.memory_space<vmem>> -> memref<1x128xi32, #tpu.memory_space<vmem>>
        %dma_wait3A_46 = tpu.memref_squeeze %dma_wait3A_45 : memref<1x128xi32, #tpu.memory_space<vmem>> -> memref<128xi32, #tpu.memory_space<vmem>>
        %dma_wait3A_47 = arith.constant 0 : i32
        %dma_wait3A_48 = arith.constant 0 : i32
        %dma_wait3A_49 = tpu.memref_slice %arg10[%dma_wait3A_47, %dma_wait3A_48] : memref<10112x128xf32, #tpu.memory_space<vmem_shared>> -> memref<10112x128xf32, #tpu.memory_space<vmem_shared>>
        tpu.wait_indirect_dma semaphore(%run_scoped3A : memref<!tpu.dma_semaphore, #tpu.memory_space<semaphore_mem>>) src(%arg9 : memref<128x128xf32, #tpu.memory_space<vmem>>) dst(%dma_wait3A_49 : memref<10112x128xf32, #tpu.memory_space<vmem_shared>>)
        tpu.yield
      }) : () -> ()
    }
    %scan3A_15 = arith.constant 79 : i32
    %barrier3A_16 = arith.constant 0 : index
    tpu.barrier barrier_id(%barrier3A_16)
    %scan3A_17 = arith.constant 0 : i32
    %scan3A_18 = arith.constant 0 : i32
    %scan3A_19 = arith.constant 4 : i32
    %scan3A_20 = arith.addi %scan3A_18, %scan3A_19 : i32
    %scan3A_21 = arith.constant 1 : i32
    scf.for %scan3A_27 = %scan3A_18 to %scan3A_20 step %scan3A_21  : i32 {
      %mul3A_28 = arith.constant 128 : i32
      %mul3A_29 = arith.muli %scan3A_27, %mul3A_28 : i32
      %add3A_30 = arith.addi %mul3A_2, %mul3A_29 : i32
      "tpu.region"() ({
        %run_scoped3A = tpu.sem_alloc : memref<!tpu.dma_semaphore, #tpu.memory_space<semaphore_mem>>
        %dma_start3A = arith.constant 0 : i32
        %dma_start3A_34 = tpu.memref_slice %arg10[%add3A_30, %dma_start3A] : memref<10112x128xf32, #tpu.memory_space<vmem_shared>> -> memref<128x128xf32, #tpu.memory_space<vmem_shared>>
        %dma_start3A_35 = arith.constant 0 : i32
        %dma_start3A_36 = tpu.memref_slice %arg10[%add3A_30, %dma_start3A_35] : memref<10112x128xf32, #tpu.memory_space<vmem_shared>> -> memref<128x128xf32, #tpu.memory_space<vmem_shared>>
        tpu.enqueue_dma source(%dma_start3A_36 : memref<128x128xf32, #tpu.memory_space<vmem_shared>>) target(%arg9 : memref<128x128xf32, #tpu.memory_space<vmem>>) target_semaphore(%run_scoped3A : memref<!tpu.dma_semaphore, #tpu.memory_space<semaphore_mem>>)
        %dma_wait3A = arith.constant 0 : i32
        %dma_wait3A_37 = tpu.memref_slice %arg10[%add3A_30, %dma_wait3A] : memref<10112x128xf32, #tpu.memory_space<vmem_shared>> -> memref<128x128xf32, #tpu.memory_space<vmem_shared>>
        %dma_wait3A_38 = arith.constant 0 : i32
        %dma_wait3A_39 = tpu.memref_slice %arg10[%add3A_30, %dma_wait3A_38] : memref<10112x128xf32, #tpu.memory_space<vmem_shared>> -> memref<128x128xf32, #tpu.memory_space<vmem_shared>>
        tpu.wait_dma2 semaphore(%run_scoped3A : memref<!tpu.dma_semaphore, #tpu.memory_space<semaphore_mem>>) src(%dma_wait3A_39 : memref<128x128xf32, #tpu.memory_space<vmem_shared>>) dst(%arg9 : memref<128x128xf32, #tpu.memory_space<vmem>>)
        tpu.yield
      }) : () -> ()
      %mul3A_31 = arith.constant 128 : i32
      %mul3A_32 = arith.muli %scan3A_27, %mul3A_31 : i32
      %add3A_33 = arith.addi %mul3A_2, %mul3A_32 : i32
      "tpu.region"() ({
        %run_scoped3A = tpu.sem_alloc : memref<!tpu.dma_semaphore, #tpu.memory_space<semaphore_mem>>
        %dma_start3A = arith.constant 0 : i32
        %dma_start3A_34 = tpu.memref_slice %arg6[%arg0, %add3A_33, %dma_start3A] : memref<2x10112x128xf32, #tpu.memory_space<hbm>> -> memref<1x128x128xf32, #tpu.memory_space<hbm>>
        %dma_start3A_35 = tpu.memref_squeeze %dma_start3A_34 : memref<1x128x128xf32, #tpu.memory_space<hbm>> -> memref<128x128xf32, #tpu.memory_space<hbm>>
        %dma_start3A_36 = arith.constant 0 : i32
        %dma_start3A_37 = tpu.memref_slice %arg6[%arg0, %add3A_33, %dma_start3A_36] : memref<2x10112x128xf32, #tpu.memory_space<hbm>> -> memref<1x128x128xf32, #tpu.memory_space<hbm>>
        %dma_start3A_38 = tpu.memref_squeeze %dma_start3A_37 : memref<1x128x128xf32, #tpu.memory_space<hbm>> -> memref<128x128xf32, #tpu.memory_space<hbm>>
        tpu.enqueue_dma source(%arg9 : memref<128x128xf32, #tpu.memory_space<vmem>>) target(%dma_start3A_38 : memref<128x128xf32, #tpu.memory_space<hbm>>) target_semaphore(%run_scoped3A : memref<!tpu.dma_semaphore, #tpu.memory_space<semaphore_mem>>)
        %dma_wait3A = arith.constant 0 : i32
        %dma_wait3A_39 = tpu.memref_slice %arg6[%arg0, %add3A_33, %dma_wait3A] : memref<2x10112x128xf32, #tpu.memory_space<hbm>> -> memref<1x128x128xf32, #tpu.memory_space<hbm>>
        %dma_wait3A_40 = tpu.memref_squeeze %dma_wait3A_39 : memref<1x128x128xf32, #tpu.memory_space<hbm>> -> memref<128x128xf32, #tpu.memory_space<hbm>>
        %dma_wait3A_41 = arith.constant 0 : i32
        %dma_wait3A_42 = tpu.memref_slice %arg6[%arg0, %add3A_33, %dma_wait3A_41] : memref<2x10112x128xf32, #tpu.memory_space<hbm>> -> memref<1x128x128xf32, #tpu.memory_space<hbm>>
        %dma_wait3A_43 = tpu.memref_squeeze %dma_wait3A_42 : memref<1x128x128xf32, #tpu.memory_space<hbm>> -> memref<128x128xf32, #tpu.memory_space<hbm>>
        tpu.wait_dma2 semaphore(%run_scoped3A : memref<!tpu.dma_semaphore, #tpu.memory_space<semaphore_mem>>) src(%arg9 : memref<128x128xf32, #tpu.memory_space<vmem>>) dst(%dma_wait3A_43 : memref<128x128xf32, #tpu.memory_space<hbm>>)
        tpu.yield
      }) : () -> ()
    }
    %scan3A_22 = arith.constant 4 : i32
    %add3A_23 = arith.constant 512 : i32
    %add3A_24 = arith.addi %mul3A_2, %add3A_23 : i32
    "tpu.region"() ({
      %run_scoped3A = tpu.sem_alloc : memref<!tpu.dma_semaphore, #tpu.memory_space<semaphore_mem>>
      %dma_start3A = arith.constant 0 : i32
      %dma_start3A_27 = arith.constant 0 : i32
      %dma_start3A_28 = tpu.memref_slice %arg9[%dma_start3A, %dma_start3A_27] : memref<128x128xf32, #tpu.memory_space<vmem>> -> memref<120x128xf32, #tpu.memory_space<vmem>>
      %dma_start3A_29 = arith.constant 0 : i32
      %dma_start3A_30 = tpu.memref_slice %arg10[%add3A_24, %dma_start3A_29] : memref<10112x128xf32, #tpu.memory_space<vmem_shared>> -> memref<120x128xf32, #tpu.memory_space<vmem_shared>>
      %dma_start3A_31 = arith.constant 0 : i32
      %dma_start3A_32 = arith.constant 0 : i32
      %dma_start3A_33 = tpu.memref_slice %arg9[%dma_start3A_31, %dma_start3A_32] : memref<128x128xf32, #tpu.memory_space<vmem>> -> memref<120x128xf32, #tpu.memory_space<vmem>>
      %dma_start3A_34 = arith.constant 0 : i32
      %dma_start3A_35 = tpu.memref_slice %arg10[%add3A_24, %dma_start3A_34] : memref<10112x128xf32, #tpu.memory_space<vmem_shared>> -> memref<120x128xf32, #tpu.memory_space<vmem_shared>>
      tpu.enqueue_dma source(%dma_start3A_35 : memref<120x128xf32, #tpu.memory_space<vmem_shared>>) target(%dma_start3A_33 : memref<120x128xf32, #tpu.memory_space<vmem>>) target_semaphore(%run_scoped3A : memref<!tpu.dma_semaphore, #tpu.memory_space<semaphore_mem>>)
      %dma_wait3A = arith.constant 0 : i32
      %dma_wait3A_36 = arith.constant 0 : i32
      %dma_wait3A_37 = tpu.memref_slice %arg9[%dma_wait3A, %dma_wait3A_36] : memref<128x128xf32, #tpu.memory_space<vmem>> -> memref<120x128xf32, #tpu.memory_space<vmem>>
      %dma_wait3A_38 = arith.constant 0 : i32
      %dma_wait3A_39 = tpu.memref_slice %arg10[%add3A_24, %dma_wait3A_38] : memref<10112x128xf32, #tpu.memory_space<vmem_shared>> -> memref<120x128xf32, #tpu.memory_space<vmem_shared>>
      %dma_wait3A_40 = arith.constant 0 : i32
      %dma_wait3A_41 = arith.constant 0 : i32
      %dma_wait3A_42 = tpu.memref_slice %arg9[%dma_wait3A_40, %dma_wait3A_41] : memref<128x128xf32, #tpu.memory_space<vmem>> -> memref<120x128xf32, #tpu.memory_space<vmem>>
      %dma_wait3A_43 = arith.constant 0 : i32
      %dma_wait3A_44 = tpu.memref_slice %arg10[%add3A_24, %dma_wait3A_43] : memref<10112x128xf32, #tpu.memory_space<vmem_shared>> -> memref<120x128xf32, #tpu.memory_space<vmem_shared>>
      tpu.wait_dma2 semaphore(%run_scoped3A : memref<!tpu.dma_semaphore, #tpu.memory_space<semaphore_mem>>) src(%dma_wait3A_44 : memref<120x128xf32, #tpu.memory_space<vmem_shared>>) dst(%dma_wait3A_42 : memref<120x128xf32, #tpu.memory_space<vmem>>)
      tpu.yield
    }) : () -> ()
    %add3A_25 = arith.constant 512 : i32
    %add3A_26 = arith.addi %mul3A_2, %add3A_25 : i32
    "tpu.region"() ({
      %run_scoped3A = tpu.sem_alloc : memref<!tpu.dma_semaphore, #tpu.memory_space<semaphore_mem>>
      %dma_start3A = arith.constant 0 : i32
      %dma_start3A_27 = arith.constant 0 : i32
      %dma_start3A_28 = tpu.memref_slice %arg9[%dma_start3A, %dma_start3A_27] : memref<128x128xf32, #tpu.memory_space<vmem>> -> memref<120x128xf32, #tpu.memory_space<vmem>>
      %dma_start3A_29 = arith.constant 0 : i32
      %dma_start3A_30 = tpu.memref_slice %arg6[%arg0, %add3A_26, %dma_start3A_29] : memref<2x10112x128xf32, #tpu.memory_space<hbm>> -> memref<1x120x128xf32, #tpu.memory_space<hbm>>
      %dma_start3A_31 = tpu.memref_squeeze %dma_start3A_30 : memref<1x120x128xf32, #tpu.memory_space<hbm>> -> memref<120x128xf32, #tpu.memory_space<hbm>>
      %dma_start3A_32 = arith.constant 0 : i32
      %dma_start3A_33 = tpu.memref_slice %arg6[%arg0, %add3A_26, %dma_start3A_32] : memref<2x10112x128xf32, #tpu.memory_space<hbm>> -> memref<1x120x128xf32, #tpu.memory_space<hbm>>
      %dma_start3A_34 = tpu.memref_squeeze %dma_start3A_33 : memref<1x120x128xf32, #tpu.memory_space<hbm>> -> memref<120x128xf32, #tpu.memory_space<hbm>>
      %dma_start3A_35 = arith.constant 0 : i32
      %dma_start3A_36 = arith.constant 0 : i32
      %dma_start3A_37 = tpu.memref_slice %arg9[%dma_start3A_35, %dma_start3A_36] : memref<128x128xf32, #tpu.memory_space<vmem>> -> memref<120x128xf32, #tpu.memory_space<vmem>>
      tpu.enqueue_dma source(%dma_start3A_37 : memref<120x128xf32, #tpu.memory_space<vmem>>) target(%dma_start3A_34 : memref<120x128xf32, #tpu.memory_space<hbm>>) target_semaphore(%run_scoped3A : memref<!tpu.dma_semaphore, #tpu.memory_space<semaphore_mem>>)
      %dma_wait3A = arith.constant 0 : i32
      %dma_wait3A_38 = arith.constant 0 : i32
      %dma_wait3A_39 = tpu.memref_slice %arg9[%dma_wait3A, %dma_wait3A_38] : memref<128x128xf32, #tpu.memory_space<vmem>> -> memref<120x128xf32, #tpu.memory_space<vmem>>
      %dma_wait3A_40 = arith.constant 0 : i32
      %dma_wait3A_41 = tpu.memref_slice %arg6[%arg0, %add3A_26, %dma_wait3A_40] : memref<2x10112x128xf32, #tpu.memory_space<hbm>> -> memref<1x120x128xf32, #tpu.memory_space<hbm>>
      %dma_wait3A_42 = tpu.memref_squeeze %dma_wait3A_41 : memref<1x120x128xf32, #tpu.memory_space<hbm>> -> memref<120x128xf32, #tpu.memory_space<hbm>>
      %dma_wait3A_43 = arith.constant 0 : i32
      %dma_wait3A_44 = tpu.memref_slice %arg6[%arg0, %add3A_26, %dma_wait3A_43] : memref<2x10112x128xf32, #tpu.memory_space<hbm>> -> memref<1x120x128xf32, #tpu.memory_space<hbm>>
      %dma_wait3A_45 = tpu.memref_squeeze %dma_wait3A_44 : memref<1x120x128xf32, #tpu.memory_space<hbm>> -> memref<120x128xf32, #tpu.memory_space<hbm>>
      %dma_wait3A_46 = arith.constant 0 : i32
      %dma_wait3A_47 = arith.constant 0 : i32
      %dma_wait3A_48 = tpu.memref_slice %arg9[%dma_wait3A_46, %dma_wait3A_47] : memref<128x128xf32, #tpu.memory_space<vmem>> -> memref<120x128xf32, #tpu.memory_space<vmem>>
      tpu.wait_dma2 semaphore(%run_scoped3A : memref<!tpu.dma_semaphore, #tpu.memory_space<semaphore_mem>>) src(%dma_wait3A_48 : memref<120x128xf32, #tpu.memory_space<vmem>>) dst(%dma_wait3A_45 : memref<120x128xf32, #tpu.memory_space<hbm>>)
      tpu.yield
    }) : () -> ()
    return
  }
}

module attributes {stable_mosaic.version = 14 : i64} {
  func.func @first_body(%arg0: memref<10112x128xf32, #tpu.memory_space<vmem>>, %arg1: memref<128x128xf32, #tpu.memory_space<vmem>>, %arg2: memref<2x10112x16xf32, #tpu.memory_space<vmem>>, %arg3: memref<2x10112x16xf32, #tpu.memory_space<vmem>>, %arg4: memref<10112x128xf32, #tpu.memory_space<vmem>>, %arg5: memref<10112x1xf32, #tpu.memory_space<vmem>>) attributes {dimension_semantics = [], scalar_prefetch = 0 : i64, scratch_operands = 0 : i64, tpu.core_type = #tpu.core_type<tc>} {
    %get3A = arith.constant 0 : index
    %get3A_0 = arith.constant 0 : index
    %get3A_1 = arith.constant 0 : index
    %get3A_2 = vector.load %arg2[%get3A, %get3A_0, %get3A_1] : memref<2x10112x16xf32, #tpu.memory_space<vmem>>, vector<1x10112x1xf32>
    %get3A_3 = vector.shape_cast %get3A_2 : vector<1x10112x1xf32> to vector<10112x1xf32>
    %get3A_4 = arith.constant 1 : index
    %get3A_5 = arith.constant 0 : index
    %get3A_6 = arith.constant 0 : index
    %get3A_7 = vector.load %arg2[%get3A_4, %get3A_5, %get3A_6] : memref<2x10112x16xf32, #tpu.memory_space<vmem>>, vector<1x10112x1xf32>
    %get3A_8 = vector.shape_cast %get3A_7 : vector<1x10112x1xf32> to vector<10112x1xf32>
    %add3A = arith.addf %get3A_3, %get3A_8 : vector<10112x1xf32>
    %get3A_9 = arith.constant 0 : index
    %get3A_10 = arith.constant 0 : index
    %get3A_11 = arith.constant 0 : index
    %get3A_12 = vector.load %arg3[%get3A_9, %get3A_10, %get3A_11] : memref<2x10112x16xf32, #tpu.memory_space<vmem>>, vector<1x10112x1xf32>
    %get3A_13 = vector.shape_cast %get3A_12 : vector<1x10112x1xf32> to vector<10112x1xf32>
    %get3A_14 = arith.constant 1 : index
    %get3A_15 = arith.constant 0 : index
    %get3A_16 = arith.constant 0 : index
    %get3A_17 = vector.load %arg3[%get3A_14, %get3A_15, %get3A_16] : memref<2x10112x16xf32, #tpu.memory_space<vmem>>, vector<1x10112x1xf32>
    %get3A_18 = vector.shape_cast %get3A_17 : vector<1x10112x1xf32> to vector<10112x1xf32>
    %add3A_19 = arith.addf %get3A_13, %get3A_18 : vector<10112x1xf32>
    %max3A = arith.maximumf %add3A, %add3A_19 : vector<10112x1xf32>
    %add3A_20 = arith.constant 1.000000e+00 : f32
    %add3A_21 = vector.broadcast %add3A_20 : f32 to vector<10112x1xf32>
    %add3A_22 = arith.addf %max3A, %add3A_21 : vector<10112x1xf32>
    %iota3A = tpu.iota {dimensions = array<i32: 0>} : vector<10112x1xi32>
    %lt3A = arith.constant 10000 : i32
    %lt3A_23 = vector.broadcast %lt3A : i32 to vector<10112x1xi32>
    %lt3A_24 = arith.cmpi slt, %iota3A, %lt3A_23 : vector<10112x1xi32>
    %rsqrt3A = math.rsqrt %add3A_22 : vector<10112x1xf32>
    %jit3A = arith.constant 0.000000e+00 : f32
    %broadcast_in_dim3A = vector.broadcast %jit3A : f32 to vector<10112x1xf32>
    %select_n3A = arith.select %lt3A_24, %rsqrt3A, %broadcast_in_dim3A : vector<10112x1xi1>, vector<10112x1xf32>
    %swap3A = arith.constant 0 : index
    %swap3A_25 = arith.constant 0 : index
    %swap3A_26 = vector.load %arg5[%swap3A, %swap3A_25] : memref<10112x1xf32, #tpu.memory_space<vmem>>, vector<10112x1xf32>
    tpu.vector_store %arg5[%swap3A, %swap3A_25], %select_n3A {strides = array<i32>} : memref<10112x1xf32, #tpu.memory_space<vmem>>, vector<10112x1xf32>,
    %get3A_27 = arith.constant 0 : index
    %get3A_28 = arith.constant 0 : index
    %get3A_29 = vector.load %arg0[%get3A_27, %get3A_28] : memref<10112x128xf32, #tpu.memory_space<vmem>>, vector<10112x128xf32>
    %get3A_30 = arith.constant 0 : index
    %get3A_31 = arith.constant 0 : index
    %get3A_32 = vector.load %arg1[%get3A_30, %get3A_31] : memref<128x128xf32, #tpu.memory_space<vmem>>, vector<128x128xf32>
    %dot_general3A = arith.constant dense<0.000000e+00> : vector<10112x128xf32>
    %dot_general3A_33 = tpu.matmul %get3A_29, %get3A_32, %dot_general3A {dimension_numbers = #tpu.dot_dimension_numbers<[1], [0], [0], [1], [0, 0, 1, 1], [], []>, transpose_lhs_hint = false} : vector<10112x128xf32>, vector<128x128xf32>, vector<10112x128xf32> -> vector<10112x128xf32>
    %mul3A = vector.broadcast %select_n3A : vector<10112x1xf32> to vector<10112x128xf32>
    %mul3A_34 = arith.mulf %dot_general3A_33, %mul3A : vector<10112x128xf32>
    %swap3A_35 = arith.constant 0 : index
    %swap3A_36 = arith.constant 0 : index
    %swap3A_37 = vector.load %arg4[%swap3A_35, %swap3A_36] : memref<10112x128xf32, #tpu.memory_space<vmem>>, vector<10112x128xf32>
    tpu.vector_store %arg4[%swap3A_35, %swap3A_36], %mul3A_34 {strides = array<i32>} : memref<10112x128xf32, #tpu.memory_space<vmem>>, vector<10112x128xf32>,
    return
  }
}

module attributes {stable_mosaic.version = 14 : i64} {
  func.func @mid_body(%arg0: memref<2x10112x128xf32, #tpu.memory_space<vmem>>, %arg1: memref<10112x128xf32, #tpu.memory_space<vmem>>, %arg2: memref<10112x1xf32, #tpu.memory_space<vmem>>, %arg3: memref<1x128xf32, #tpu.memory_space<vmem>>, %arg4: memref<128x128xf32, #tpu.memory_space<vmem>>, %arg5: memref<10112x128xf32, #tpu.memory_space<vmem>>) attributes {dimension_semantics = [], scalar_prefetch = 0 : i64, scratch_operands = 0 : i64, tpu.core_type = #tpu.core_type<tc>} {
    %get3A = arith.constant 0 : index
    %get3A_0 = arith.constant 0 : index
    %get3A_1 = vector.load %arg2[%get3A, %get3A_0] : memref<10112x1xf32, #tpu.memory_space<vmem>>, vector<10112x1xf32>
    %get3A_2 = arith.constant 0 : index
    %get3A_3 = arith.constant 0 : index
    %get3A_4 = arith.constant 0 : index
    %get3A_5 = vector.load %arg0[%get3A_2, %get3A_3, %get3A_4] : memref<2x10112x128xf32, #tpu.memory_space<vmem>>, vector<1x10112x128xf32>
    %get3A_6 = vector.shape_cast %get3A_5 : vector<1x10112x128xf32> to vector<10112x128xf32>
    %get3A_7 = arith.constant 1 : index
    %get3A_8 = arith.constant 0 : index
    %get3A_9 = arith.constant 0 : index
    %get3A_10 = vector.load %arg0[%get3A_7, %get3A_8, %get3A_9] : memref<2x10112x128xf32, #tpu.memory_space<vmem>>, vector<1x10112x128xf32>
    %get3A_11 = vector.shape_cast %get3A_10 : vector<1x10112x128xf32> to vector<10112x128xf32>
    %add3A = arith.addf %get3A_6, %get3A_11 : vector<10112x128xf32>
    %get3A_12 = arith.constant 0 : index
    %get3A_13 = arith.constant 0 : index
    %get3A_14 = vector.load %arg1[%get3A_12, %get3A_13] : memref<10112x128xf32, #tpu.memory_space<vmem>>, vector<10112x128xf32>
    %add3A_15 = arith.addf %add3A, %get3A_14 : vector<10112x128xf32>
    %mul3A = vector.broadcast %get3A_1 : vector<10112x1xf32> to vector<10112x128xf32>
    %mul3A_16 = arith.mulf %mul3A, %add3A_15 : vector<10112x128xf32>
    %get3A_17 = arith.constant 0 : index
    %get3A_18 = arith.constant 0 : index
    %get3A_19 = vector.load %arg3[%get3A_17, %get3A_18] : memref<1x128xf32, #tpu.memory_space<vmem>>, vector<1x128xf32>
    %add3A_20 = vector.broadcast %get3A_19 : vector<1x128xf32> to vector<10112x128xf32>
    %add3A_21 = arith.addf %mul3A_16, %add3A_20 : vector<10112x128xf32>
    %max3A = arith.constant 0.000000e+00 : f32
    %max3A_22 = vector.broadcast %max3A : f32 to vector<10112x128xf32>
    %max3A_23 = arith.maximumf %add3A_21, %max3A_22 : vector<10112x128xf32>
    %get3A_24 = arith.constant 0 : index
    %get3A_25 = arith.constant 0 : index
    %get3A_26 = vector.load %arg4[%get3A_24, %get3A_25] : memref<128x128xf32, #tpu.memory_space<vmem>>, vector<128x128xf32>
    %dot_general3A = arith.constant dense<0.000000e+00> : vector<10112x128xf32>
    %dot_general3A_27 = tpu.matmul %max3A_23, %get3A_26, %dot_general3A {dimension_numbers = #tpu.dot_dimension_numbers<[1], [0], [0], [1], [0, 0, 1, 1], [], []>, transpose_lhs_hint = false} : vector<10112x128xf32>, vector<128x128xf32>, vector<10112x128xf32> -> vector<10112x128xf32>
    %mul3A_28 = vector.broadcast %get3A_1 : vector<10112x1xf32> to vector<10112x128xf32>
    %mul3A_29 = arith.mulf %dot_general3A_27, %mul3A_28 : vector<10112x128xf32>
    %swap3A = arith.constant 0 : index
    %swap3A_30 = arith.constant 0 : index
    %swap3A_31 = vector.load %arg5[%swap3A, %swap3A_30] : memref<10112x128xf32, #tpu.memory_space<vmem>>, vector<10112x128xf32>
    tpu.vector_store %arg5[%swap3A, %swap3A_30], %mul3A_29 {strides = array<i32>} : memref<10112x128xf32, #tpu.memory_space<vmem>>, vector<10112x128xf32>,
    return
  }
}

module attributes {stable_mosaic.version = 14 : i64} {
  func.func @final_body(%arg0: memref<2x10112x128xf32, #tpu.memory_space<vmem>>, %arg1: memref<10112x128xf32, #tpu.memory_space<vmem>>, %arg2: memref<10112x1xf32, #tpu.memory_space<vmem>>, %arg3: memref<1x128xf32, #tpu.memory_space<vmem>>, %arg4: memref<1x10000xi32, #tpu.memory_space<vmem>>, %arg5: memref<128x10xf32, #tpu.memory_space<vmem>>, %arg6: memref<1x10xf32, #tpu.memory_space<vmem>>, %arg7: memref<64x10xf32, #tpu.memory_space<vmem>>) attributes {dimension_semantics = [], scalar_prefetch = 0 : i64, scratch_operands = 0 : i64, tpu.core_type = #tpu.core_type<tc>} {
    %get3A = arith.constant 0 : index
    %get3A_0 = arith.constant 0 : index
    %get3A_1 = vector.load %arg2[%get3A, %get3A_0] : memref<10112x1xf32, #tpu.memory_space<vmem>>, vector<10112x1xf32>
    %get3A_2 = arith.constant 0 : index
    %get3A_3 = arith.constant 0 : index
    %get3A_4 = arith.constant 0 : index
    %get3A_5 = vector.load %arg0[%get3A_2, %get3A_3, %get3A_4] : memref<2x10112x128xf32, #tpu.memory_space<vmem>>, vector<1x10112x128xf32>
    %get3A_6 = vector.shape_cast %get3A_5 : vector<1x10112x128xf32> to vector<10112x128xf32>
    %get3A_7 = arith.constant 1 : index
    %get3A_8 = arith.constant 0 : index
    %get3A_9 = arith.constant 0 : index
    %get3A_10 = vector.load %arg0[%get3A_7, %get3A_8, %get3A_9] : memref<2x10112x128xf32, #tpu.memory_space<vmem>>, vector<1x10112x128xf32>
    %get3A_11 = vector.shape_cast %get3A_10 : vector<1x10112x128xf32> to vector<10112x128xf32>
    %add3A = arith.addf %get3A_6, %get3A_11 : vector<10112x128xf32>
    %get3A_12 = arith.constant 0 : index
    %get3A_13 = arith.constant 0 : index
    %get3A_14 = vector.load %arg1[%get3A_12, %get3A_13] : memref<10112x128xf32, #tpu.memory_space<vmem>>, vector<10112x128xf32>
    %add3A_15 = arith.addf %add3A, %get3A_14 : vector<10112x128xf32>
    %mul3A = vector.broadcast %get3A_1 : vector<10112x1xf32> to vector<10112x128xf32>
    %mul3A_16 = arith.mulf %mul3A, %add3A_15 : vector<10112x128xf32>
    %get3A_17 = arith.constant 0 : index
    %get3A_18 = arith.constant 0 : index
    %get3A_19 = vector.load %arg3[%get3A_17, %get3A_18] : memref<1x128xf32, #tpu.memory_space<vmem>>, vector<1x128xf32>
    %add3A_20 = vector.broadcast %get3A_19 : vector<1x128xf32> to vector<10112x128xf32>
    %add3A_21 = arith.addf %mul3A_16, %add3A_20 : vector<10112x128xf32>
    %slice3A = vector.extract_strided_slice %add3A_21 {offsets = [0, 0], sizes = [10000, 128], strides = [1, 1]} : vector<10112x128xf32> to vector<10000x128xf32>
    %get3A_22 = arith.constant 0 : index
    %get3A_23 = arith.constant 0 : index
    %get3A_24 = vector.load %arg4[%get3A_22, %get3A_23] : memref<1x10000xi32, #tpu.memory_space<vmem>>, vector<1x10000xi32>
    %iota3A = tpu.iota {dimensions = array<i32: 0>} : vector<64x10000xi32>
    %eq3A = vector.broadcast %get3A_24 : vector<1x10000xi32> to vector<64x10000xi32>
    %eq3A_25 = arith.cmpi eq, %eq3A, %iota3A : vector<64x10000xi32>
    %convert_element_type3A = arith.extui %eq3A_25 : vector<64x10000xi1> to vector<64x10000xi32>
    %convert_element_type3A_26 = arith.sitofp %convert_element_type3A : vector<64x10000xi32> to vector<64x10000xf32>
    %dot_general3A = arith.constant dense<0.000000e+00> : vector<64x128xf32>
    %dot_general3A_27 = tpu.matmul %convert_element_type3A_26, %slice3A, %dot_general3A {dimension_numbers = #tpu.dot_dimension_numbers<[1], [0], [0], [1], [0, 0, 1, 1], [], []>, transpose_lhs_hint = false} : vector<64x10000xf32>, vector<10000x128xf32>, vector<64x128xf32> -> vector<64x128xf32>
    %reduce_sum3A = arith.constant dense<0.000000e+00> : vector<64xf32>
    %reduce_sum3A_28 = vector.multi_reduction <add>, %convert_element_type3A_26, %reduce_sum3A [1] : vector<64x10000xf32> to vector<64xf32>
    %broadcast_in_dim3A = vector.shape_cast %reduce_sum3A_28 : vector<64xf32> to vector<64x1xf32>
    %max3A = arith.constant 1.000000e+00 : f32
    %max3A_29 = vector.broadcast %max3A : f32 to vector<64x1xf32>
    %max3A_30 = arith.maximumf %broadcast_in_dim3A, %max3A_29 : vector<64x1xf32>
    %div3A = vector.broadcast %max3A_30 : vector<64x1xf32> to vector<64x128xf32>
    %div3A_31 = arith.divf %dot_general3A_27, %div3A : vector<64x128xf32>
    %get3A_32 = arith.constant 0 : index
    %get3A_33 = arith.constant 0 : index
    %get3A_34 = vector.load %arg5[%get3A_32, %get3A_33] : memref<128x10xf32, #tpu.memory_space<vmem>>, vector<128x10xf32>
    %dot_general3A_35 = arith.constant dense<0.000000e+00> : vector<64x10xf32>
    %dot_general3A_36 = tpu.matmul %div3A_31, %get3A_34, %dot_general3A_35 {dimension_numbers = #tpu.dot_dimension_numbers<[1], [0], [0], [1], [0, 0, 1, 1], [], []>, transpose_lhs_hint = false} : vector<64x128xf32>, vector<128x10xf32>, vector<64x10xf32> -> vector<64x10xf32>
    %get3A_37 = arith.constant 0 : index
    %get3A_38 = arith.constant 0 : index
    %get3A_39 = vector.load %arg6[%get3A_37, %get3A_38] : memref<1x10xf32, #tpu.memory_space<vmem>>, vector<1x10xf32>
    %add3A_40 = vector.broadcast %get3A_39 : vector<1x10xf32> to vector<64x10xf32>
    %add3A_41 = arith.addf %dot_general3A_36, %add3A_40 : vector<64x10xf32>
    %swap3A = arith.constant 0 : index
    %swap3A_42 = arith.constant 0 : index
    %swap3A_43 = vector.load %arg7[%swap3A, %swap3A_42] : memref<64x10xf32, #tpu.memory_space<vmem>>, vector<64x10xf32>
    tpu.vector_store %arg7[%swap3A, %swap3A_42], %add3A_41 {strides = array<i32>} : memref<64x10xf32, #tpu.memory_space<vmem>>, vector<64x10xf32>,
    return
  }
}

</mosaic_0001>

<sc_bundles>
// kernel: kernel.15.cloned.1.call-start
scs
__scs_entry_jumppad:
0x0: {  	(pc) =	sbr.rel $0x88, $3  }
0x1: {  	(tag) =	ssettag $0x0;
	lr =	simm.s32 $0x1  }
0x2: {  	[smem:$0x3F92] =	sst lr;
	_ =	strace $0xD0000000  }
0x3: {  	_ = 	snop  }
0x4: {  	_ = 	snop  }
0x5: {  	_ = 	snop  }
0x6: {  	_ = 	snop  }
0x7: {  	_ = 	snop  }
__scs_overlays_trampoline_lowered:
0x8: {  	[smem:$0x3FA1] =	sst s0  }
0x9: {  	[smem:$0x3FA2] =	sst s1  }
0xa: {  	[smem:$0x3FA3] =	sst s2  }
0xb: {  	[smem:$0x3FA4] =	sst s3  }
0xc: {  	[smem:$0x3FA5] =	sst s4  }
0xd: {  	[smem:$0x3FA6] =	sst s5  }
0xe: {  	[smem:$0x3FA7] =	sst s6  }
0xf: {  	[smem:$0x3FA8] =	sst s7  }
0x10: {  	[smem:$0x3FA9] =	sst s8  }
0x11: {  	[smem:$0x3FAA] =	sst s9;
	s0 =	simm.s32 @!p0 $0x0  }
0x12: {  	s1 =	sld [smem:$0x3F90];
	s0 =	simm.s32 @p0 $0x1  }
0x13: {  	[smem:$0x3FAB] =	sst s0;
	s0 =	simm.s32 @!p1 $0x0  }
0x14: {  	s2 =	sld [smem:$0x3F8F];
	s0 =	simm.s32 @p1 $0x1  }
0x15: {  	[smem:$0x3FAC] =	sst s0;
	s0 =	simm.s32 @!p2 $0x0  }
0x16: {  	s3 =	sld [smem:$0x3FDB];
	s0 =	simm.s32 @p2 $0x1  }
0x17: {  	s4 =	simm.s32 $0x1BF5;
	[smem:$0x3FAE] =	sst s0  }
0x18: {  	s0 =	sld [smem:$0x3F91];
	_ =	swait.ge [sflag:s4], $0x0  }
0x19: {  	s7 =	sld [smem:$0x3F92]  }
0x1a: {  	s8 =	sadd.s32 $0xFFFFE003, lr  }
0x1b: {  	s9 =	sadd.s32 $0xFFFFFEF7, lr;
	s5 =	simm.s32 $0xFFFFFFFF;
	p2 =	slt.u32 s8, $0xFFFFF086  }
0x1c: {  	p1 =	slt.u32 s9, $0xF7A;
	s5 =	simm.s32 @!p2 $0x0  }
0x1d: {  	s5 =	simm.s32 @p1 $0x1;
	p0 =	seq.s32 s7, s2  }
0x1e: {  	s7 =	smul.u32 @!p0 $0xF7A, s2;
	p2 =	seq.s32 @!p0 s5, $0x0  }
0x1f: {  	s9 =	smul.u32 $0xF7A, s1;
	s8 =	simm.s32 @!p0 $0x1BF5;
	p2 =	por !p2, p0  }
0x20: {  	[sflag:s8] =	ssyncset.s32 @!p0 $0xFFFFF086;
	s6 =	sadd.s32 @!p0 s3, s7;
	s7 =	simm.s32 @!p0 $0x108  }
0x21: {  	s3 =	sadd.s32 s3, s9;
	s6 =	sadd.s32 @!p0 $0x88, s6;
	s7 =	simm.s32 @p2 $0x1082  }
0x22: {  	[simem:s7], [sflag:s8] =	dma.local @!p0 [hbm:s6], $0xF7A  }
0x23: {  	s9 =	sor.u32 $0xD0000000, s2;
	s6 =	simm.s32 $0x108;
	_ =	swait.ge @!p0 [sflag:s8], $0x0  }
0x24: {  	s3 =	sadd.s32 $0x88, s3;
	s6 =	simm.s32 @!p1 $0x1082;
	[sflag:s4] =	ssyncset.s32 $0xFFFFF086  }
0x25: {  	[simem:s6], [sflag:s4] =	dma.local [hbm:s3], $0xF7A  }
0x26: {  	[smem:$0x3F92] =	sst s1;
	(tag) =	ssettag s2;
	_ =	strace s9  }
0x27: {  	s1 =	sld [smem:$0x3FA2]  }
0x28: {  	s2 =	sld [smem:$0x3FA3]  }
0x29: {  	s4 =	sld [smem:$0x3FA5]  }
0x2a: {  	p0 =	seq.s32 s5, $0x0;
	s5 =	sld [smem:$0x3FA6]  }
0x2b: {  	s6 =	sld [smem:$0x3FA7]  }
0x2c: {  	s7 =	sld [smem:$0x3FA8]  }
0x2d: {  	s3 =	simm.s32 $0x108;
	s8 =	sld [smem:$0x3FA9]  }
0x2e: {  	s3 =	simm.s32 @!p0 $0x1082;
	s9 =	sld [smem:$0x3FAA]  }
0x2f: {  	lr =	sadd.s32 s0, s3;
	s0 =	sld [smem:$0x3FA1]  }
0x30: {  	s3 =	sld [smem:$0x3FA4]  }
0x31: {  	[smem:$0x3FAD] =	sst s10  }
0x32: {  	s10 =	sld [smem:$0x3FAB];
	_ =	sdelay $0x3  }
0x33: {  	p0 =	seq.s32 s10, $0x1;
	s10 =	sld [smem:$0x3FAD];
	_ =	sdelay $0x3  }
0x34: {  	[smem:$0x3FAD] =	sst s10  }
0x35: {  	s10 =	sld [smem:$0x3FAC];
	_ =	sdelay $0x3  }
0x36: {  	p1 =	seq.s32 s10, $0x1;
	s10 =	sld [smem:$0x3FAD];
	_ =	sdelay $0x3  }
0x37: {  	[smem:$0x3FAD] =	sst s10  }
0x38: {  	s10 =	sld [smem:$0x3FAE]  }
0x39: {  	_ = 	snop;
	(pc) =	sbr.ind lr, $3  }
0x3a: {  	_ = 	snop  }
0x3b: {  	_ = 	snop  }
0x3c: {  	p2 =	seq.s32 s10, $0x1;
	s10 =	sld [smem:$0x3FAD]  }
0x3d: {  	_ =	shalt  }
0x3e: {  	_ =	shalt  }
0x3f: {  	_ =	shalt  }
0x40: {  	_ =	shalt  }
0x41: {  	_ =	shalt  }
0x42: {  	_ =	shalt  }
0x43: {  	_ =	shalt  }
0x44: {  	_ =	shalt  }
0x45: {  	_ =	shalt  }
0x46: {  	_ =	shalt  }
0x47: {  	_ =	shalt  }
0x48: {  	_ =	shalt  }
0x49: {  	_ =	shalt  }
0x4a: {  	_ =	shalt  }
0x4b: {  	_ =	shalt  }
0x4c: {  	_ =	shalt  }
0x4d: {  	_ =	shalt  }
0x4e: {  	_ =	shalt  }
0x4f: {  	_ =	shalt  }
0x50: {  	_ =	shalt  }
0x51: {  	_ =	shalt  }
0x52: {  	_ =	shalt  }
0x53: {  	_ =	shalt  }
0x54: {  	_ =	shalt  }
0x55: {  	_ =	shalt  }
0x56: {  	_ =	shalt  }
0x57: {  	_ =	shalt  }
0x58: {  	_ =	shalt  }
0x59: {  	_ =	shalt  }
0x5a: {  	_ =	shalt  }
0x5b: {  	_ =	shalt  }
0x5c: {  	_ =	shalt  }
0x5d: {  	_ =	shalt  }
0x5e: {  	_ =	shalt  }
0x5f: {  	_ =	shalt  }
0x60: {  	_ =	shalt  }
0x61: {  	_ =	shalt  }
0x62: {  	_ =	shalt  }
0x63: {  	_ =	shalt  }
0x64: {  	_ =	shalt  }
0x65: {  	_ =	shalt  }
0x66: {  	_ =	shalt  }
0x67: {  	_ =	shalt  }
0x68: {  	_ =	shalt  }
0x69: {  	_ =	shalt  }
0x6a: {  	_ =	shalt  }
0x6b: {  	_ =	shalt  }
0x6c: {  	_ =	shalt  }
0x6d: {  	_ =	shalt  }
0x6e: {  	_ =	shalt  }
0x6f: {  	_ =	shalt  }
0x70: {  	_ =	shalt  }
0x71: {  	_ =	shalt  }
0x72: {  	_ =	shalt  }
0x73: {  	_ =	shalt  }
0x74: {  	_ =	shalt  }
0x75: {  	_ =	shalt  }
0x76: {  	_ =	shalt  }
0x77: {  	_ =	shalt  }
0x78: {  	_ =	shalt  }
0x79: {  	_ =	shalt  }
0x7a: {  	_ =	shalt  }
0x7b: {  	_ =	shalt  }
0x7c: {  	_ =	shalt  }
0x7d: {  	_ =	shalt  }
0x7e: {  	_ =	shalt  }
0x7f: {  	_ =	shalt  }
0x80: {  	_ =	shalt  }
0x81: {  	_ =	shalt  }
0x82: {  	_ =	shalt  }
0x83: {  	_ =	shalt  }
0x84: {  	_ =	shalt  }
0x85: {  	_ =	shalt  }
0x86: {  	_ =	shalt  }
0x87: {  	_ =	shalt  }
.Lfunc_end0:
.L_simem_size_0:
called_computation_lowered:
.L_overlay_start_0:
0x88: {  	s2 =	sld [smem:$0x3FD9]  }
0x89: {  	s3 =	sld [smem:$0x3FFE];
	_ =	sdelay $0x1  }
0x8a: {  	s1 =	srdreg.scid  }
0x8b: {  	s0 =	sand.u32 $0x1, s1  }
0x8c: {  	s17 =	sshll.u32 s0, $0xA;
	s2 =	sadd.s32 s3, s2  }
0x8d: {  	s2 =	sadd.s32 s2, s17  }
0x8e: {  	[smem:$0x3FB9] =	sst s2  }
0x8f: {  	_ = 	snop  }
0x90: {  	(tm) =	ssettm $0x1  }
0x91: {  	s18 =	sld [smem:$0x3FFB];
	_ =	sdelay $0x3  }
0x92: {  	_ =	strace s18  }
0x93: {  	s2 =	sld [smem:$0x3FFC];
	_ =	sdelay $0x3  }
0x94: {  	_ =	strace s2  }
0x95: {  	s2 =	sld [smem:$0x3FFD];
	_ =	sdelay $0x3  }
0x96: {  	_ =	strace s2  }
0x97: {  	_ =	strace $0x8FFFFFFF  }
0x98: {  	s19 =	sld [smem:$0x3FDB];
	_ =	sdelay $0x1  }
0x99: {  	s20 =	simm.s32 $_scs_section_size  }
0x9a: {  	s4 =	simm.s32 $_size__tile_overlayer_lowered;
	s5 =	simm.s32 $_tile_overlayer_lowered  }
0x9b: {  	s6 =	simm.s32 $0x1BFF;
	s21 =	sshll.u32 s5, $0x1;
	s3 =	sadd.s32 s20, s19  }
0x9c: {  	s22 =	simm.s32 $0x0;
	s4 =	sshll.u32 s4, $0x1;
	s5 =	sadd.s32 s21, s3  }
0x9d: {  	[timem:s22], [sflag:s6] =	dma.local [hbm:s5], s4  }
0x9e: {  	_ =	swait.ge [sflag:s6], s4  }
0x9f: {  	s4 =	ssub.s32 $0x0, s4;
	[sflag:s6] =	ssyncset.done $0x0  }
0xa0: {  	[sflag:s6] =	ssyncadd.s32 s4;
	_ =	sdelay $0x1  }
0xa1: {  	s23 =	simm.s32 $0x1B8B  }
0xa2: {  	_ =	swait.ge [sflag:s23], $0x1  }
0xa3: {  	[sflag:s23] =	ssyncset.done $0x0  }
0xa4: {  	[sflag:s23] =	ssyncadd.s32 $0xFFFFFFFF  }
0xa5: {  	s4 =	sld [smem:$0x0]  }
0xa6: {  	s5 =	sand.u32 $0xFFFFFFFE, s1  }
0xa7: {  	p0 =	sne.s32 s1, s5  }
0xa8: {  	s5 =	sshll.u32 @p0 s5, $0xE  }
0xa9: {  	s5 =	sadd.s32 @p0 $0x11B8D, s5;
	s6 =	sshll.u32 @p0 s4, $0x11  }
0xaa: {  	s5 =	sor.u32 @p0 s6, s5  }
0xab: {  	[sflag:s5] =	ssyncadd.remote.s32 @p0 $0x1;
	_ =	sdelay $0x1  }
0xac: {  	s5 =	simm.s32 @p0 $0x1B8D  }
0xad: {  	_ =	swait.eq @p0 [sflag:s5], $0x1  }
0xae: {  	[sflag:s5] =	ssyncadd.s32 @p0 $0xFFFFFFFF  }
0xaf: {  	s6 =	sshll.u32 @!p0 s1, $0xE  }
0xb0: {  	s6 =	sor.u32 @!p0 $0x4000, s6;
	s5 =	simm.s32 @!p0 $0x1B8D  }
0xb1: {  	s4 =	sshll.u32 @!p0 s4, $0x11;
	s6 =	sadd.s32 @!p0 $0x11B8D, s6;
	_ =	swait.eq @!p0 [sflag:s5], $0x1  }
0xb2: {  	s4 =	sor.u32 @!p0 s4, s6;
	[sflag:s5] =	ssyncadd.s32 @!p0 $0xFFFFFFFF  }
0xb3: {  	s25 =	simm.s32 $0x1B8E;
	s24 =	sld [smem:$0x3FFE];
	[sflag:s4] =	ssyncadd.remote.s32 @!p0 $0x1  }
0xb4: {  	s26 =	simm.s32 $execute0_lowered;
	[smem:$0x3FD2] =	sst s25  }
0xb5: {  	s5 =	sshll.u32 s26, $0x1;
	_ =	strace $0x80000049;
	[dreg:$0x1] =	wrdreg $0xFFFFFFFF  }
0xb6: {  	s28 =	simm.s32 $_size_execute0_lowered;
	s3 =	sadd.s32 s3, s5;
	[dreg:$0x0] =	wrdreg $0x0  }
0xb7: {  	s5 =	sshll.u32 s28, $0x1;
	[dreg:$0x2] =	wrdreg s3  }
0xb8: {  	[dreg:$0x3] =	wrdreg s5  }
0xb9: {  	[dreg:$0x4] =	wrdreg $0xC0  }
0xba: {  	_ =	task [dreg:s22], $0x5FFFF  }
0xbb: {  	[dreg:$0x1] =	wrdreg $0xFFFFFFFF  }
0xbc: {  	[dreg:$0x0] =	wrdreg $0x60  }
0xbd: {  	[dreg:$0x2] =	wrdreg s24  }
0xbe: {  	[dreg:$0x3] =	wrdreg $0xA8000  }
0xbf: {  	[dreg:$0x4] =	wrdreg $0x9  }
0xc0: {  	_ =	task.clear_ibuf [dreg:s22], $0x5FFFF;
	_ =	strace $0x90000049  }
0xc1: {  	s29 =	simm.s32 $0x9;
	_ =	strace $0x8000004B  }
0xc2: {  	_ =	swait.ge [sflag:s29], $0x1  }
0xc3: {  	[sflag:s29] =	ssyncadd.s32 $0xFFFFFFFF  }
0xc4: {  	_ =	strace $0x9000004B  }
0xc5: {  	_ =	sfence  }
0xc6: {  	s30 =	sld [smem:$0x0];
	_ =	sdelay $0x2  }
0xc7: {  	s31 =	sshll.u32 s1, $0xD;
	s1 =	sshrl.u32 s1, $0x2  }
0xc8: {  	s4 =	sand.u32 $0x4000, s31;
	s1 =	sadd.s32 s1, s30  }
0xc9: {  	s0 =	sor.u32 s4, s0;
	s1 =	sshll.u32 s1, $0x11  }
0xca: {  	s0 =	sor.u32 s1, s0  }
0xcb: {  	s0 =	sadd.s32 $0x8F2B, s0  }
0xcc: {  	[sflag:s0] =	ssyncadd.remote.s32 $0x1  }
0xcd: {  	_ =	sfence.sel $0xFFFF  }
0xce: {  	[dreg:$0x0] =	wrdreg $0xFFFFFFFF;
	(pc) =	sbr.abs _section_cstart, $3  }
0xcf: {  	[dreg:$0x1] =	wrdreg $0xFFFFFFFF  }
0xd0: {  	_ =	task.clear_ibuf [dreg:s22], $0x2FFFF;
	_ =	strace $0x9FFFFFFF  }
0xd1: {  	(tm) =	ssettm $0x7FFFFFFF  }
tec
execute0_lowered:
.L_overlay_start_1:
0x0: {  	(tag) =	ssettag $0x1  }
0x1: {  	s4 =	rddreg [dreg:$0x0];
	s1 =	srdreg.scid  }
0x2: {  	s0 =	stileid.u32;
	s2 =	rddreg [dreg:$0x1]  }
0x3: {  	s3 =	simm.s32 $0x0;
	s21 =	simm.s32 $0x80;
	s22 =	simm.s32 $0x2800  }
0x4: {  	s23 =	simm.s32 $0x0;
	s5 =	sand.u32 $0x1, s1;
	s1 =	rddreg [dreg:$0x2]  }
0x5: {  	s6 =	sshll.u32 s0, $0x1;
	[smem:$0x7FF] =	sst s3;
	s15 =	smul.u32 $0x13C00, s0  }
0x6: {  	s8 =	smul.u32 $0x4F000, s0;
	s18 =	sadd.s32 $0x68000, s4;
	s6 =	sor.u32 s5, s6  }
0x7: {  	_ =	strace $0x8000004A;
	s7 =	ssub.s32 $0x2, s5;
	s16 =	smul.u32 $0x13C000, s5  }
0x8: {  	s6 =	smul.u32 $0x500, s6;
	s25 =	sshrl.u32 s7, $0x1;
	s9 =	sadd.s32 $0x10000, s15  }
0x9: {  	s28 =	sshrl.u32 s8, $0x2;
	s13 =	sadd.s32 $0x4000, s15;
	s17 =	sadd.s32 $0x8000, s15  }
0xa: {  	s20 =	sadd.s32 $0xC000, s15;
	s10 =	ssub.s32 s7, s25;
	s26 =	sadd.s32 s16, s9  }
0xb: {  	s5 =	sadd.s32 s28, s2;
	s11 =	sadd.s32 s16, s15;
	s14 =	sadd.s32 s16, s13  }
0xc: {  	s13 =	sadd.s32 s13, s2;
	s19 =	sadd.s32 s16, s17;
	s15 =	sadd.s32 s17, s2  }
0xd: {  	s31 =	sadd.s32 s16, s20;
	s17 =	sadd.s32 s20, s2;
	s20 =	simm.s32 $0x6800  }
0xe: {  	s6 =	sadd.s32 s6, s4;
	s29 =	sshrl.u32 s26, $0x3;
	s8 =	smax.u32 s10, $0x1  }
0xf: {  	s10 =	sadd.s32 $0x8000, s5;
	s12 =	sshrl.u32 s11, $0x3;
	s11 =	sadd.s32 $0xC000, s5  }
0x10: {  	s14 =	sshrl.u32 s14, $0x3;
	s30 =	sshrl.u32 s19, $0x3;
	s19 =	sshrl.u32 s31, $0x3  }
0x11: {  	s4 =	sadd.s32 $0x5000, s6;
	s6 =	sadd.s32 s9, s2;
	s7 =	sadd.s32 s18, s29  }
0x12: {  	s9 =	sadd.s32 $0x4000, s5;
	s12 =	sadd.s32 s18, s12;
	s14 =	sadd.s32 s18, s14  }
0x13: {  	v0 =	vimm.f32 $1.000000000e+00;
	v1 =	vimm.f32 $0.0e+00;
	s16 =	sadd.s32 s18, s30;
	s18 =	sadd.s32 s18, s19;
	s19 =	simm.s32 $0x1  }
.LBB2_1:
0x14: {  	[tilespmem:s3], [sflag:$0x1] =	stream.linear.gather [hbm4b:s4+s3], $0x2780, $0x38;
	[tilespmem:$0xCF80] =	vst v63  }
0x15: {  	_ =	swait.ge [sflag:s19], $0x2780  }
0x16: {  	[sflag:s19] =	ssyncset.done $0x0  }
0x17: {  	s24 =	simm.s32 $0x200;
	s25 =	simm.s32 $0x0;
	[sflag:s19] =	ssyncadd.s32 $0xFFFFD880  }
.LBB2_2:
0x18: {  	p0 =	sne.s32 s24, $0xFE00;
	[tilespmem:s25+$0x2800] =	vst v0;
	s26 =	smov.u32 s24;
	s24 =	sadd.s32 $0x200, s24  }
.Ltmp0:
0x19: {  	[tilespmem:s25+$0x6800] =	vst v1;
	(pc) =	sbr.rel @p0 .LBB2_2-.Ltmp0, $2  }
0x1a: {  	_ =	sdelay $0x2  }
0x1b: {  	s25 =	sshra.s32 s26, $0x2  }
0x1c: {  	[tilespmem:s25+$0x2800] =	vst v0  }
0x1d: {  	[tilespmem:s25+$0x6800] =	vst v1  }
0x1e: {  	[spmem:s5] =	stream.linear.scatter [tilespmem:s20], [sflag:$0x1], $0x4000, $0x38;
	[tilespmem:$0xCF80] =	vst v63  }
0x1f: {  	_ =	swait.ge [sflag:s19], $0x4000  }
0x20: {  	[sflag:s19] =	ssyncset.done $0x0  }
0x21: {  	[sflag:s19] =	ssyncadd.s32 $0xFFFFC000  }
0x22: {  	[spmem:s9] =	stream.linear.scatter [tilespmem:s20], [sflag:$0x1], $0x4000, $0x38;
	[tilespmem:$0xCF80] =	vst v63  }
0x23: {  	_ =	swait.ge [sflag:s19], $0x4000  }
0x24: {  	[sflag:s19] =	ssyncset.done $0x0  }
0x25: {  	[sflag:s19] =	ssyncadd.s32 $0xFFFFC000  }
0x26: {  	[spmem:s10] =	stream.linear.scatter [tilespmem:s20], [sflag:$0x1], $0x4000, $0x38;
	[tilespmem:$0xCF80] =	vst v63  }
0x27: {  	_ =	swait.ge [sflag:s19], $0x4000  }
0x28: {  	[sflag:s19] =	ssyncset.done $0x0  }
0x29: {  	[sflag:s19] =	ssyncadd.s32 $0xFFFFC000  }
0x2a: {  	[spmem:s11] =	stream.linear.scatter [tilespmem:s20], [sflag:$0x1], $0x4000, $0x38;
	[tilespmem:$0xCF80] =	vst v63  }
0x2b: {  	_ =	swait.ge [sflag:s19], $0x4000  }
0x2c: {  	[sflag:s19] =	ssyncset.done $0x0  }
0x2d: {  	[sflag:s19] =	ssyncadd.s32 $0xFFFFC000  }
0x2e: {  	[spmem:s6] =	stream.linear.scatter [tilespmem:s20], [sflag:$0x1], $0x3C00, $0x38;
	[tilespmem:$0xCF80] =	vst v63  }
0x2f: {  	_ =	swait.ge [sflag:s19], $0x3C00  }
0x30: {  	[sflag:s19] =	ssyncset.done $0x0  }
0x31: {  	[sflag:s19] =	ssyncadd.s32 $0xFFFFC400  }
0x32: {  	s24 =	simm.s32 $0x0;
	[bflag:$0x0] =	sbarrier.arrive $0xFFFF  }
0x33: {  	[spmem:s2] =	stream.indirect.scatter.add.f32 [tilespmem:s22], [sflag:$0x1], $0x10, s24, s21, $0xb8;
	[tilespmem:$0xCF80] =	vst v63  }
0x34: {  	_ =	swait.ge [sflag:s19], $0x800  }
0x35: {  	s24 =	simm.s32 $0x200;
	[sflag:s19] =	ssyncset.done $0x0  }
.LBB2_4:
0x36: {  	s25 =	sshra.s32 s24, $0x2;
	[sflag:s19] =	ssyncadd.s32 $0xFFFFF800;
	p0 =	sne.s32 s24, $0x9C00  }
0x37: {  	[spmem:s2] =	stream.indirect.scatter.add.f32 [tilespmem:s22], [sflag:$0x1], $0x10, s25, s21, $0xb8;
	[tilespmem:$0xCF80] =	vst v63  }
.Ltmp1:
0x38: {  	_ = 	snop;
	(pc) =	sbr.rel @p0 .LBB2_4-.Ltmp1, $4  }
0x39: {  	_ = 	snop  }
0x3a: {  	s24 =	sadd.s32 $0x200, s24  }
0x3b: {  	_ =	swait.ge [sflag:s19], $0x800  }
0x3c: {  	[sflag:s19] =	ssyncset.done $0x0  }
0x3d: {  	[sflag:s19] =	ssyncadd.s32 $0xFFFFF800  }
0x3e: {  	[bflag:$0x0] =	sbarrier.arrive $0xFFFF  }
0x3f: {  	[tilespmem:s20], [sflag:$0x1] =	stream.linear.gather [spmem:s5], $0x4000, $0x38;
	[tilespmem:$0xCF80] =	vst v63  }
0x40: {  	_ =	swait.ge [sflag:s19], $0x4000  }
0x41: {  	[sflag:s19] =	ssyncset.done $0x0  }
0x42: {  	[sflag:s19] =	ssyncadd.s32 $0xFFFFC000  }
0x43: {  	[hbm4b:s12+s3] =	stream.linear.scatter [tilespmem:s20], [sflag:$0x1], $0x4000, $0x38;
	[tilespmem:$0xCF80] =	vst v63  }
0x44: {  	_ =	swait.ge [sflag:s19], $0x4000  }
0x45: {  	[sflag:s19] =	ssyncset.done $0x0  }
0x46: {  	[sflag:s19] =	ssyncadd.s32 $0xFFFFC000  }
0x47: {  	[tilespmem:s20], [sflag:$0x1] =	stream.linear.gather [spmem:s13], $0x4000, $0x38;
	[tilespmem:$0xCF80] =	vst v63  }
0x48: {  	_ =	swait.ge [sflag:s19], $0x4000  }
0x49: {  	[sflag:s19] =	ssyncset.done $0x0  }
0x4a: {  	[sflag:s19] =	ssyncadd.s32 $0xFFFFC000  }
0x4b: {  	[hbm4b:s14+s3] =	stream.linear.scatter [tilespmem:s20], [sflag:$0x1], $0x4000, $0x38;
	[tilespmem:$0xCF80] =	vst v63  }
0x4c: {  	_ =	swait.ge [sflag:s19], $0x4000  }
0x4d: {  	[sflag:s19] =	ssyncset.done $0x0  }
0x4e: {  	[sflag:s19] =	ssyncadd.s32 $0xFFFFC000  }
0x4f: {  	[tilespmem:s20], [sflag:$0x1] =	stream.linear.gather [spmem:s15], $0x4000, $0x38;
	[tilespmem:$0xCF80] =	vst v63  }
0x50: {  	_ =	swait.ge [sflag:s19], $0x4000  }
0x51: {  	[sflag:s19] =	ssyncset.done $0x0  }
0x52: {  	[sflag:s19] =	ssyncadd.s32 $0xFFFFC000  }
0x53: {  	[hbm4b:s16+s3] =	stream.linear.scatter [tilespmem:s20], [sflag:$0x1], $0x4000, $0x38;
	[tilespmem:$0xCF80] =	vst v63  }
0x54: {  	_ =	swait.ge [sflag:s19], $0x4000  }
0x55: {  	[sflag:s19] =	ssyncset.done $0x0  }
0x56: {  	[sflag:s19] =	ssyncadd.s32 $0xFFFFC000  }
0x57: {  	[tilespmem:s20], [sflag:$0x1] =	stream.linear.gather [spmem:s17], $0x4000, $0x38;
	[tilespmem:$0xCF80] =	vst v63  }
0x58: {  	_ =	swait.ge [sflag:s19], $0x4000  }
0x59: {  	[sflag:s19] =	ssyncset.done $0x0  }
0x5a: {  	[sflag:s19] =	ssyncadd.s32 $0xFFFFC000  }
0x5b: {  	[hbm4b:s18+s3] =	stream.linear.scatter [tilespmem:s20], [sflag:$0x1], $0x4000, $0x38;
	[tilespmem:$0xCF80] =	vst v63  }
0x5c: {  	_ =	swait.ge [sflag:s19], $0x4000  }
0x5d: {  	[sflag:s19] =	ssyncset.done $0x0  }
0x5e: {  	[sflag:s19] =	ssyncadd.s32 $0xFFFFC000  }
0x5f: {  	[tilespmem:s20], [sflag:$0x1] =	stream.linear.gather [spmem:s6], $0x3C00, $0x38;
	[tilespmem:$0xCF80] =	vst v63  }
0x60: {  	s23 =	sadd.s32 $0x1, s23;
	_ =	swait.ge [sflag:s19], $0x3C00  }
0x61: {  	p0 =	sne.s32 s23, s8;
	[sflag:s19] =	ssyncset.done $0x0  }
.Ltmp2:
0x62: {  	[sflag:s19] =	ssyncadd.s32 $0xFFFFC400;
	(pc) =	sbr.rel @p0 .LBB2_1-.Ltmp2, $4  }
0x63: {  	[hbm4b:s7+s3] =	stream.linear.scatter [tilespmem:s20], [sflag:$0x1], $0x3C00, $0x38;
	[tilespmem:$0xCF80] =	vst v63  }
0x64: {  	_ =	swait.ge [sflag:s19], $0x3C00  }
0x65: {  	[sflag:s19] =	ssyncset.done $0x0  }
0x66: {  	[sflag:s19] =	ssyncadd.s32 $0xFFFFC400  }
0x67: {  	_ =	sfence.sel $0x180000  }
0x68: {  	[bflag:$0x0] =	sbarrier.arrive $0xFFFF  }
0x69: {  	p0 =	sne.s32 s0, $0x0;
	_ =	strace $0x9000004A  }
0x6a: {  	s0 =	sadd.s32 @!p0 $0x100000, s1;
	[bflag:$0x2] =	sbarrier.arrive $0xFFFF  }
0x6b: {  	[sflag:s0] =	ssyncadd.tile.s32 @!p0 $0x1;
	_ =	shalt  }
.Lfunc_end2:
_tile_overlayer_lowered:
.L_overlay_start_2:
0x6c: {  	(tag) =	ssettag $0x2  }
0x6d: {  	s0 =	rddreg [dreg:$0x0];
	s2 =	stileid.u32  }
0x6e: {  	s1 =	rddreg [dreg:$0x1];
	p0 =	sne.s32 s2, $0x0  }
0x6f: {  	s3 =	rddreg [dreg:$0x2];
	[bflag:$0x3] =	sbarrier.arrive $0xFFFF;
	s2 =	simm.s32 @!p0 $0x1C01  }
0x70: {  	[timem:s3], [sflag:s2] =	dma.local @!p0 [hbm:s0], s1  }
0x71: {  	s0 =	simm.s32 @!p0 $0x1  }
0x72: {  	_ =	swait.ge @!p0 [sflag:s0], s1  }
0x73: {  	s1 =	ssub.s32 @!p0 $0x0, s1;
	[sflag:s0] =	ssyncset.done @!p0 $0x0  }
0x74: {  	[sflag:s0] =	ssyncadd.s32 @!p0 s1  }
0x75: {  	[bflag:$0x3] =	sbarrier.arrive $0xFFFF  }
0x76: {  	_ =	shalt  }

// kernel: kernel.18.cloned.1.call-start
scs
__scs_entry_jumppad:
0x0: {  	(pc) =	sbr.rel $0x88, $3  }
0x1: {  	(tag) =	ssettag $0x0;
	lr =	simm.s32 $0x1  }
0x2: {  	[smem:$0x3F92] =	sst lr;
	_ =	strace $0xD0000000  }
0x3: {  	_ = 	snop  }
0x4: {  	_ = 	snop  }
0x5: {  	_ = 	snop  }
0x6: {  	_ = 	snop  }
0x7: {  	_ = 	snop  }
__scs_overlays_trampoline_lowered:
0x8: {  	[smem:$0x3FA1] =	sst s0  }
0x9: {  	[smem:$0x3FA2] =	sst s1  }
0xa: {  	[smem:$0x3FA3] =	sst s2  }
0xb: {  	[smem:$0x3FA4] =	sst s3  }
0xc: {  	[smem:$0x3FA5] =	sst s4  }
0xd: {  	[smem:$0x3FA6] =	sst s5  }
0xe: {  	[smem:$0x3FA7] =	sst s6  }
0xf: {  	[smem:$0x3FA8] =	sst s7  }
0x10: {  	[smem:$0x3FA9] =	sst s8  }
0x11: {  	[smem:$0x3FAA] =	sst s9;
	s0 =	simm.s32 @!p0 $0x0  }
0x12: {  	s1 =	sld [smem:$0x3F90];
	s0 =	simm.s32 @p0 $0x1  }
0x13: {  	[smem:$0x3FAB] =	sst s0;
	s0 =	simm.s32 @!p1 $0x0  }
0x14: {  	s2 =	sld [smem:$0x3F8F];
	s0 =	simm.s32 @p1 $0x1  }
0x15: {  	[smem:$0x3FAC] =	sst s0;
	s0 =	simm.s32 @!p2 $0x0  }
0x16: {  	s3 =	sld [smem:$0x3FDB];
	s0 =	simm.s32 @p2 $0x1  }
0x17: {  	s4 =	simm.s32 $0x1BF5;
	[smem:$0x3FAE] =	sst s0  }
0x18: {  	s0 =	sld [smem:$0x3F91];
	_ =	swait.ge [sflag:s4], $0x0  }
0x19: {  	s7 =	sld [smem:$0x3F92]  }
0x1a: {  	s8 =	sadd.s32 $0xFFFFE003, lr  }
0x1b: {  	s9 =	sadd.s32 $0xFFFFFEF7, lr;
	s5 =	simm.s32 $0xFFFFFFFF;
	p2 =	slt.u32 s8, $0xFFFFF086  }
0x1c: {  	p1 =	slt.u32 s9, $0xF7A;
	s5 =	simm.s32 @!p2 $0x0  }
0x1d: {  	s5 =	simm.s32 @p1 $0x1;
	p0 =	seq.s32 s7, s2  }
0x1e: {  	s7 =	smul.u32 @!p0 $0xF7A, s2;
	p2 =	seq.s32 @!p0 s5, $0x0  }
0x1f: {  	s9 =	smul.u32 $0xF7A, s1;
	s8 =	simm.s32 @!p0 $0x1BF5;
	p2 =	por !p2, p0  }
0x20: {  	[sflag:s8] =	ssyncset.s32 @!p0 $0xFFFFF086;
	s6 =	sadd.s32 @!p0 s3, s7;
	s7 =	simm.s32 @!p0 $0x108  }
0x21: {  	s3 =	sadd.s32 s3, s9;
	s6 =	sadd.s32 @!p0 $0x88, s6;
	s7 =	simm.s32 @p2 $0x1082  }
0x22: {  	[simem:s7], [sflag:s8] =	dma.local @!p0 [hbm:s6], $0xF7A  }
0x23: {  	s9 =	sor.u32 $0xD0000000, s2;
	s6 =	simm.s32 $0x108;
	_ =	swait.ge @!p0 [sflag:s8], $0x0  }
0x24: {  	s3 =	sadd.s32 $0x88, s3;
	s6 =	simm.s32 @!p1 $0x1082;
	[sflag:s4] =	ssyncset.s32 $0xFFFFF086  }
0x25: {  	[simem:s6], [sflag:s4] =	dma.local [hbm:s3], $0xF7A  }
0x26: {  	[smem:$0x3F92] =	sst s1;
	(tag) =	ssettag s2;
	_ =	strace s9  }
0x27: {  	s1 =	sld [smem:$0x3FA2]  }
0x28: {  	s2 =	sld [smem:$0x3FA3]  }
0x29: {  	s4 =	sld [smem:$0x3FA5]  }
0x2a: {  	p0 =	seq.s32 s5, $0x0;
	s5 =	sld [smem:$0x3FA6]  }
0x2b: {  	s6 =	sld [smem:$0x3FA7]  }
0x2c: {  	s7 =	sld [smem:$0x3FA8]  }
0x2d: {  	s3 =	simm.s32 $0x108;
	s8 =	sld [smem:$0x3FA9]  }
0x2e: {  	s3 =	simm.s32 @!p0 $0x1082;
	s9 =	sld [smem:$0x3FAA]  }
0x2f: {  	lr =	sadd.s32 s0, s3;
	s0 =	sld [smem:$0x3FA1]  }
0x30: {  	s3 =	sld [smem:$0x3FA4]  }
0x31: {  	[smem:$0x3FAD] =	sst s10  }
0x32: {  	s10 =	sld [smem:$0x3FAB];
	_ =	sdelay $0x3  }
0x33: {  	p0 =	seq.s32 s10, $0x1;
	s10 =	sld [smem:$0x3FAD];
	_ =	sdelay $0x3  }
0x34: {  	[smem:$0x3FAD] =	sst s10  }
0x35: {  	s10 =	sld [smem:$0x3FAC];
	_ =	sdelay $0x3  }
0x36: {  	p1 =	seq.s32 s10, $0x1;
	s10 =	sld [smem:$0x3FAD];
	_ =	sdelay $0x3  }
0x37: {  	[smem:$0x3FAD] =	sst s10  }
0x38: {  	s10 =	sld [smem:$0x3FAE]  }
0x39: {  	_ = 	snop;
	(pc) =	sbr.ind lr, $3  }
0x3a: {  	_ = 	snop  }
0x3b: {  	_ = 	snop  }
0x3c: {  	p2 =	seq.s32 s10, $0x1;
	s10 =	sld [smem:$0x3FAD]  }
0x3d: {  	_ =	shalt  }
0x3e: {  	_ =	shalt  }
0x3f: {  	_ =	shalt  }
0x40: {  	_ =	shalt  }
0x41: {  	_ =	shalt  }
0x42: {  	_ =	shalt  }
0x43: {  	_ =	shalt  }
0x44: {  	_ =	shalt  }
0x45: {  	_ =	shalt  }
0x46: {  	_ =	shalt  }
0x47: {  	_ =	shalt  }
0x48: {  	_ =	shalt  }
0x49: {  	_ =	shalt  }
0x4a: {  	_ =	shalt  }
0x4b: {  	_ =	shalt  }
0x4c: {  	_ =	shalt  }
0x4d: {  	_ =	shalt  }
0x4e: {  	_ =	shalt  }
0x4f: {  	_ =	shalt  }
0x50: {  	_ =	shalt  }
0x51: {  	_ =	shalt  }
0x52: {  	_ =	shalt  }
0x53: {  	_ =	shalt  }
0x54: {  	_ =	shalt  }
0x55: {  	_ =	shalt  }
0x56: {  	_ =	shalt  }
0x57: {  	_ =	shalt  }
0x58: {  	_ =	shalt  }
0x59: {  	_ =	shalt  }
0x5a: {  	_ =	shalt  }
0x5b: {  	_ =	shalt  }
0x5c: {  	_ =	shalt  }
0x5d: {  	_ =	shalt  }
0x5e: {  	_ =	shalt  }
0x5f: {  	_ =	shalt  }
0x60: {  	_ =	shalt  }
0x61: {  	_ =	shalt  }
0x62: {  	_ =	shalt  }
0x63: {  	_ =	shalt  }
0x64: {  	_ =	shalt  }
0x65: {  	_ =	shalt  }
0x66: {  	_ =	shalt  }
0x67: {  	_ =	shalt  }
0x68: {  	_ =	shalt  }
0x69: {  	_ =	shalt  }
0x6a: {  	_ =	shalt  }
0x6b: {  	_ =	shalt  }
0x6c: {  	_ =	shalt  }
0x6d: {  	_ =	shalt  }
0x6e: {  	_ =	shalt  }
0x6f: {  	_ =	shalt  }
0x70: {  	_ =	shalt  }
0x71: {  	_ =	shalt  }
0x72: {  	_ =	shalt  }
0x73: {  	_ =	shalt  }
0x74: {  	_ =	shalt  }
0x75: {  	_ =	shalt  }
0x76: {  	_ =	shalt  }
0x77: {  	_ =	shalt  }
0x78: {  	_ =	shalt  }
0x79: {  	_ =	shalt  }
0x7a: {  	_ =	shalt  }
0x7b: {  	_ =	shalt  }
0x7c: {  	_ =	shalt  }
0x7d: {  	_ =	shalt  }
0x7e: {  	_ =	shalt  }
0x7f: {  	_ =	shalt  }
0x80: {  	_ =	shalt  }
0x81: {  	_ =	shalt  }
0x82: {  	_ =	shalt  }
0x83: {  	_ =	shalt  }
0x84: {  	_ =	shalt  }
0x85: {  	_ =	shalt  }
0x86: {  	_ =	shalt  }
0x87: {  	_ =	shalt  }
.Lfunc_end0:
.L_simem_size_0:
called_computation.1_lowered:
.L_overlay_start_0:
0x88: {  	s2 =	sld [smem:$0x3FD9]  }
0x89: {  	s3 =	sld [smem:$0x3FFE];
	_ =	sdelay $0x1  }
0x8a: {  	s1 =	srdreg.scid  }
0x8b: {  	s0 =	sand.u32 $0x1, s1  }
0x8c: {  	s16 =	sshll.u32 s0, $0xA;
	s2 =	sadd.s32 s3, s2  }
0x8d: {  	s2 =	sadd.s32 s2, s16  }
0x8e: {  	[smem:$0x3FB9] =	sst s2  }
0x8f: {  	_ = 	snop  }
0x90: {  	(tm) =	ssettm $0x1  }
0x91: {  	s17 =	sld [smem:$0x3FFB];
	_ =	sdelay $0x3  }
0x92: {  	_ =	strace s17  }
0x93: {  	s2 =	sld [smem:$0x3FFC];
	_ =	sdelay $0x3  }
0x94: {  	_ =	strace s2  }
0x95: {  	s2 =	sld [smem:$0x3FFD];
	_ =	sdelay $0x3  }
0x96: {  	_ =	strace s2  }
0x97: {  	_ =	strace $0x8FFFFFFF  }
0x98: {  	s18 =	sld [smem:$0x3FDB];
	_ =	sdelay $0x1  }
0x99: {  	s19 =	simm.s32 $_scs_section_size  }
0x9a: {  	s4 =	simm.s32 $_size__tile_overlayer_lowered;
	s5 =	simm.s32 $_tile_overlayer_lowered  }
0x9b: {  	s22 =	simm.s32 $0x1BFF;
	s21 =	sshll.u32 s5, $0x1;
	s2 =	sadd.s32 s19, s18  }
0x9c: {  	s6 =	simm.s32 $0x0;
	s20 =	sshll.u32 s4, $0x1;
	s4 =	sadd.s32 s21, s2  }
0x9d: {  	[timem:s6], [sflag:s22] =	dma.local [hbm:s4], s20  }
0x9e: {  	_ =	swait.ge [sflag:s22], s20  }
0x9f: {  	s3 =	ssub.s32 $0x0, s20;
	[sflag:s22] =	ssyncset.done $0x0  }
0xa0: {  	[sflag:s22] =	ssyncadd.s32 s3;
	_ =	sdelay $0x1  }
0xa1: {  	s23 =	simm.s32 $0x1B8B  }
0xa2: {  	_ =	swait.ge [sflag:s23], $0x1  }
0xa3: {  	[sflag:s23] =	ssyncset.done $0x0  }
0xa4: {  	s25 =	simm.s32 $0x1B8E;
	s24 =	sld [smem:$0x3FFE];
	[sflag:s23] =	ssyncadd.s32 $0xFFFFFFFF  }
0xa5: {  	s26 =	simm.s32 $execute0_lowered;
	[smem:$0x3FD2] =	sst s25  }
0xa6: {  	s4 =	sshll.u32 s26, $0x1;
	_ =	strace $0x80000046;
	[dreg:$0x1] =	wrdreg $0xFFFFFFFF  }
0xa7: {  	s28 =	simm.s32 $_size_execute0_lowered;
	s2 =	sadd.s32 s2, s4;
	[dreg:$0x0] =	wrdreg $0x0  }
0xa8: {  	s4 =	sshll.u32 s28, $0x1;
	[dreg:$0x2] =	wrdreg s2  }
0xa9: {  	[dreg:$0x3] =	wrdreg s4  }
0xaa: {  	[dreg:$0x4] =	wrdreg $0xC0  }
0xab: {  	_ =	task [dreg:s6], $0x5FFFF  }
0xac: {  	[dreg:$0x1] =	wrdreg $0xFFFFFFFF  }
0xad: {  	[dreg:$0x0] =	wrdreg $0x60  }
0xae: {  	[dreg:$0x2] =	wrdreg s24  }
0xaf: {  	[dreg:$0x3] =	wrdreg $0xA8000  }
0xb0: {  	[dreg:$0x4] =	wrdreg $0xA  }
0xb1: {  	_ =	task.clear_ibuf [dreg:s6], $0x5FFFF;
	_ =	strace $0x90000046  }
0xb2: {  	s29 =	simm.s32 $0xA;
	_ =	strace $0x80000048  }
0xb3: {  	_ =	swait.ge [sflag:s29], $0x1  }
0xb4: {  	[sflag:s29] =	ssyncadd.s32 $0xFFFFFFFF  }
0xb5: {  	_ =	strace $0x90000048  }
0xb6: {  	_ =	sfence  }
0xb7: {  	s30 =	sld [smem:$0x0];
	_ =	sdelay $0x2  }
0xb8: {  	s31 =	sshll.u32 s1, $0xD;
	s1 =	sshrl.u32 s1, $0x2  }
0xb9: {  	s3 =	sand.u32 $0x4000, s31;
	s1 =	sadd.s32 s1, s30  }
0xba: {  	s0 =	sor.u32 s3, s0;
	s1 =	sshll.u32 s1, $0x11  }
0xbb: {  	s0 =	sor.u32 s1, s0  }
0xbc: {  	s0 =	sadd.s32 $0x8F2B, s0  }
0xbd: {  	[sflag:s0] =	ssyncadd.remote.s32 $0x1  }
0xbe: {  	_ =	sfence.sel $0xFFFF  }
0xbf: {  	[dreg:$0x0] =	wrdreg $0xFFFFFFFF;
	(pc) =	sbr.abs _section_cstart, $3  }
0xc0: {  	[dreg:$0x1] =	wrdreg $0xFFFFFFFF  }
0xc1: {  	_ =	task.clear_ibuf [dreg:s6], $0x2FFFF;
	_ =	strace $0x9FFFFFFF  }
0xc2: {  	(tm) =	ssettm $0x7FFFFFFF  }
0xc3: {  	_ =	shalt  }
tec
execute0_lowered:
.L_overlay_start_1:
0x0: {  	(tag) =	ssettag $0x1  }
0x1: {  	s4 =	rddreg [dreg:$0x0];
	s1 =	srdreg.scid  }
0x2: {  	s0 =	stileid.u32;
	s2 =	rddreg [dreg:$0x1]  }
0x3: {  	s3 =	simm.s32 $0x0;
	s21 =	simm.s32 $0x80;
	s22 =	simm.s32 $0x2800  }
0x4: {  	s23 =	simm.s32 $0x0;
	s5 =	sand.u32 $0x1, s1;
	s1 =	rddreg [dreg:$0x2]  }
0x5: {  	s6 =	sshll.u32 s0, $0x1;
	[smem:$0x7FF] =	sst s3;
	s15 =	smul.u32 $0x13C00, s0  }
0x6: {  	s8 =	smul.u32 $0x4F000, s0;
	s18 =	sadd.s32 $0x19000, s4;
	s6 =	sor.u32 s5, s6  }
0x7: {  	_ =	strace $0x80000047;
	s7 =	ssub.s32 $0x2, s5;
	s16 =	smul.u32 $0x13C000, s5  }
0x8: {  	s6 =	smul.u32 $0x500, s6;
	s25 =	sshrl.u32 s7, $0x1;
	s9 =	sadd.s32 $0x10000, s15  }
0x9: {  	s28 =	sshrl.u32 s8, $0x2;
	s13 =	sadd.s32 $0x4000, s15;
	s17 =	sadd.s32 $0x8000, s15  }
0xa: {  	s20 =	sadd.s32 $0xC000, s15;
	s10 =	ssub.s32 s7, s25;
	s26 =	sadd.s32 s16, s9  }
0xb: {  	s5 =	sadd.s32 s28, s2;
	s11 =	sadd.s32 s16, s15;
	s14 =	sadd.s32 s16, s13  }
0xc: {  	s13 =	sadd.s32 s13, s2;
	s19 =	sadd.s32 s16, s17;
	s15 =	sadd.s32 s17, s2  }
0xd: {  	s31 =	sadd.s32 s16, s20;
	s17 =	sadd.s32 s20, s2;
	s20 =	simm.s32 $0x6800  }
0xe: {  	s6 =	sadd.s32 s6, s4;
	s29 =	sshrl.u32 s26, $0x3;
	s8 =	smax.u32 s10, $0x1  }
0xf: {  	s10 =	sadd.s32 $0x8000, s5;
	s12 =	sshrl.u32 s11, $0x3;
	s11 =	sadd.s32 $0xC000, s5  }
0x10: {  	s14 =	sshrl.u32 s14, $0x3;
	s30 =	sshrl.u32 s19, $0x3;
	s19 =	sshrl.u32 s31, $0x3  }
0x11: {  	s4 =	sadd.s32 $0xF000, s6;
	s6 =	sadd.s32 s9, s2;
	s7 =	sadd.s32 s18, s29  }
0x12: {  	s9 =	sadd.s32 $0x4000, s5;
	s12 =	sadd.s32 s18, s12;
	s14 =	sadd.s32 s18, s14  }
0x13: {  	v0 =	vimm.f32 $1.000000000e+00;
	v1 =	vimm.f32 $0.0e+00;
	s16 =	sadd.s32 s18, s30;
	s18 =	sadd.s32 s18, s19;
	s19 =	simm.s32 $0x1  }
.LBB2_1:
0x14: {  	[tilespmem:s3], [sflag:$0x1] =	stream.linear.gather [hbm4b:s4+s3], $0x2780, $0x38;
	[tilespmem:$0xCF80] =	vst v63  }
0x15: {  	_ =	swait.ge [sflag:s19], $0x2780  }
0x16: {  	[sflag:s19] =	ssyncset.done $0x0  }
0x17: {  	s24 =	simm.s32 $0x200;
	s25 =	simm.s32 $0x0;
	[sflag:s19] =	ssyncadd.s32 $0xFFFFD880  }
.LBB2_2:
0x18: {  	p0 =	sne.s32 s24, $0xFE00;
	[tilespmem:s25+$0x2800] =	vst v0;
	s26 =	smov.u32 s24;
	s24 =	sadd.s32 $0x200, s24  }
.Ltmp0:
0x19: {  	[tilespmem:s25+$0x6800] =	vst v1;
	(pc) =	sbr.rel @p0 .LBB2_2-.Ltmp0, $2  }
0x1a: {  	_ =	sdelay $0x2  }
0x1b: {  	s25 =	sshra.s32 s26, $0x2  }
0x1c: {  	[tilespmem:s25+$0x2800] =	vst v0  }
0x1d: {  	[tilespmem:s25+$0x6800] =	vst v1  }
0x1e: {  	[spmem:s5] =	stream.linear.scatter [tilespmem:s20], [sflag:$0x1], $0x4000, $0x38;
	[tilespmem:$0xCF80] =	vst v63  }
0x1f: {  	_ =	swait.ge [sflag:s19], $0x4000  }
0x20: {  	[sflag:s19] =	ssyncset.done $0x0  }
0x21: {  	[sflag:s19] =	ssyncadd.s32 $0xFFFFC000  }
0x22: {  	[spmem:s9] =	stream.linear.scatter [tilespmem:s20], [sflag:$0x1], $0x4000, $0x38;
	[tilespmem:$0xCF80] =	vst v63  }
0x23: {  	_ =	swait.ge [sflag:s19], $0x4000  }
0x24: {  	[sflag:s19] =	ssyncset.done $0x0  }
0x25: {  	[sflag:s19] =	ssyncadd.s32 $0xFFFFC000  }
0x26: {  	[spmem:s10] =	stream.linear.scatter [tilespmem:s20], [sflag:$0x1], $0x4000, $0x38;
	[tilespmem:$0xCF80] =	vst v63  }
0x27: {  	_ =	swait.ge [sflag:s19], $0x4000  }
0x28: {  	[sflag:s19] =	ssyncset.done $0x0  }
0x29: {  	[sflag:s19] =	ssyncadd.s32 $0xFFFFC000  }
0x2a: {  	[spmem:s11] =	stream.linear.scatter [tilespmem:s20], [sflag:$0x1], $0x4000, $0x38;
	[tilespmem:$0xCF80] =	vst v63  }
0x2b: {  	_ =	swait.ge [sflag:s19], $0x4000  }
0x2c: {  	[sflag:s19] =	ssyncset.done $0x0  }
0x2d: {  	[sflag:s19] =	ssyncadd.s32 $0xFFFFC000  }
0x2e: {  	[spmem:s6] =	stream.linear.scatter [tilespmem:s20], [sflag:$0x1], $0x3C00, $0x38;
	[tilespmem:$0xCF80] =	vst v63  }
0x2f: {  	_ =	swait.ge [sflag:s19], $0x3C00  }
0x30: {  	[sflag:s19] =	ssyncset.done $0x0  }
0x31: {  	[sflag:s19] =	ssyncadd.s32 $0xFFFFC400  }
0x32: {  	s24 =	simm.s32 $0x0;
	[bflag:$0x0] =	sbarrier.arrive $0xFFFF  }
0x33: {  	[spmem:s2] =	stream.indirect.scatter.add.f32 [tilespmem:s22], [sflag:$0x1], $0x10, s24, s21, $0xb8;
	[tilespmem:$0xCF80] =	vst v63  }
0x34: {  	_ =	swait.ge [sflag:s19], $0x800  }
0x35: {  	s24 =	simm.s32 $0x200;
	[sflag:s19] =	ssyncset.done $0x0  }
.LBB2_4:
0x36: {  	s25 =	sshra.s32 s24, $0x2;
	[sflag:s19] =	ssyncadd.s32 $0xFFFFF800;
	p0 =	sne.s32 s24, $0x9C00  }
0x37: {  	[spmem:s2] =	stream.indirect.scatter.add.f32 [tilespmem:s22], [sflag:$0x1], $0x10, s25, s21, $0xb8;
	[tilespmem:$0xCF80] =	vst v63  }
.Ltmp1:
0x38: {  	_ = 	snop;
	(pc) =	sbr.rel @p0 .LBB2_4-.Ltmp1, $4  }
0x39: {  	_ = 	snop  }
0x3a: {  	s24 =	sadd.s32 $0x200, s24  }
0x3b: {  	_ =	swait.ge [sflag:s19], $0x800  }
0x3c: {  	[sflag:s19] =	ssyncset.done $0x0  }
0x3d: {  	[sflag:s19] =	ssyncadd.s32 $0xFFFFF800  }
0x3e: {  	[bflag:$0x0] =	sbarrier.arrive $0xFFFF  }
0x3f: {  	[tilespmem:s20], [sflag:$0x1] =	stream.linear.gather [spmem:s5], $0x4000, $0x38;
	[tilespmem:$0xCF80] =	vst v63  }
0x40: {  	_ =	swait.ge [sflag:s19], $0x4000  }
0x41: {  	[sflag:s19] =	ssyncset.done $0x0  }
0x42: {  	[sflag:s19] =	ssyncadd.s32 $0xFFFFC000  }
0x43: {  	[hbm4b:s12+s3] =	stream.linear.scatter [tilespmem:s20], [sflag:$0x1], $0x4000, $0x38;
	[tilespmem:$0xCF80] =	vst v63  }
0x44: {  	_ =	swait.ge [sflag:s19], $0x4000  }
0x45: {  	[sflag:s19] =	ssyncset.done $0x0  }
0x46: {  	[sflag:s19] =	ssyncadd.s32 $0xFFFFC000  }
0x47: {  	[tilespmem:s20], [sflag:$0x1] =	stream.linear.gather [spmem:s13], $0x4000, $0x38;
	[tilespmem:$0xCF80] =	vst v63  }
0x48: {  	_ =	swait.ge [sflag:s19], $0x4000  }
0x49: {  	[sflag:s19] =	ssyncset.done $0x0  }
0x4a: {  	[sflag:s19] =	ssyncadd.s32 $0xFFFFC000  }
0x4b: {  	[hbm4b:s14+s3] =	stream.linear.scatter [tilespmem:s20], [sflag:$0x1], $0x4000, $0x38;
	[tilespmem:$0xCF80] =	vst v63  }
0x4c: {  	_ =	swait.ge [sflag:s19], $0x4000  }
0x4d: {  	[sflag:s19] =	ssyncset.done $0x0  }
0x4e: {  	[sflag:s19] =	ssyncadd.s32 $0xFFFFC000  }
0x4f: {  	[tilespmem:s20], [sflag:$0x1] =	stream.linear.gather [spmem:s15], $0x4000, $0x38;
	[tilespmem:$0xCF80] =	vst v63  }
0x50: {  	_ =	swait.ge [sflag:s19], $0x4000  }
0x51: {  	[sflag:s19] =	ssyncset.done $0x0  }
0x52: {  	[sflag:s19] =	ssyncadd.s32 $0xFFFFC000  }
0x53: {  	[hbm4b:s16+s3] =	stream.linear.scatter [tilespmem:s20], [sflag:$0x1], $0x4000, $0x38;
	[tilespmem:$0xCF80] =	vst v63  }
0x54: {  	_ =	swait.ge [sflag:s19], $0x4000  }
0x55: {  	[sflag:s19] =	ssyncset.done $0x0  }
0x56: {  	[sflag:s19] =	ssyncadd.s32 $0xFFFFC000  }
0x57: {  	[tilespmem:s20], [sflag:$0x1] =	stream.linear.gather [spmem:s17], $0x4000, $0x38;
	[tilespmem:$0xCF80] =	vst v63  }
0x58: {  	_ =	swait.ge [sflag:s19], $0x4000  }
0x59: {  	[sflag:s19] =	ssyncset.done $0x0  }
0x5a: {  	[sflag:s19] =	ssyncadd.s32 $0xFFFFC000  }
0x5b: {  	[hbm4b:s18+s3] =	stream.linear.scatter [tilespmem:s20], [sflag:$0x1], $0x4000, $0x38;
	[tilespmem:$0xCF80] =	vst v63  }
0x5c: {  	_ =	swait.ge [sflag:s19], $0x4000  }
0x5d: {  	[sflag:s19] =	ssyncset.done $0x0  }
0x5e: {  	[sflag:s19] =	ssyncadd.s32 $0xFFFFC000  }
0x5f: {  	[tilespmem:s20], [sflag:$0x1] =	stream.linear.gather [spmem:s6], $0x3C00, $0x38;
	[tilespmem:$0xCF80] =	vst v63  }
0x60: {  	s23 =	sadd.s32 $0x1, s23;
	_ =	swait.ge [sflag:s19], $0x3C00  }
0x61: {  	p0 =	sne.s32 s23, s8;
	[sflag:s19] =	ssyncset.done $0x0  }
.Ltmp2:
0x62: {  	[sflag:s19] =	ssyncadd.s32 $0xFFFFC400;
	(pc) =	sbr.rel @p0 .LBB2_1-.Ltmp2, $4  }
0x63: {  	[hbm4b:s7+s3] =	stream.linear.scatter [tilespmem:s20], [sflag:$0x1], $0x3C00, $0x38;
	[tilespmem:$0xCF80] =	vst v63  }
0x64: {  	_ =	swait.ge [sflag:s19], $0x3C00  }
0x65: {  	[sflag:s19] =	ssyncset.done $0x0  }
0x66: {  	[sflag:s19] =	ssyncadd.s32 $0xFFFFC400  }
0x67: {  	_ =	sfence.sel $0x180000  }
0x68: {  	[bflag:$0x0] =	sbarrier.arrive $0xFFFF  }
0x69: {  	p0 =	sne.s32 s0, $0x0;
	_ =	strace $0x90000047  }
0x6a: {  	s0 =	sadd.s32 @!p0 $0x100000, s1;
	[bflag:$0x2] =	sbarrier.arrive $0xFFFF  }
0x6b: {  	[sflag:s0] =	ssyncadd.tile.s32 @!p0 $0x1;
	_ =	shalt  }
.Lfunc_end2:
_tile_overlayer_lowered:
.L_overlay_start_2:
0x6c: {  	(tag) =	ssettag $0x2  }
0x6d: {  	s0 =	rddreg [dreg:$0x0];
	s2 =	stileid.u32  }
0x6e: {  	s1 =	rddreg [dreg:$0x1];
	p0 =	sne.s32 s2, $0x0  }
0x6f: {  	s3 =	rddreg [dreg:$0x2];
	[bflag:$0x3] =	sbarrier.arrive $0xFFFF;
	s2 =	simm.s32 @!p0 $0x1C01  }
0x70: {  	[timem:s3], [sflag:s2] =	dma.local @!p0 [hbm:s0], s1  }
0x71: {  	s0 =	simm.s32 @!p0 $0x1  }
0x72: {  	_ =	swait.ge @!p0 [sflag:s0], s1  }
0x73: {  	s1 =	ssub.s32 @!p0 $0x0, s1;
	[sflag:s0] =	ssyncset.done @!p0 $0x0  }
0x74: {  	[sflag:s0] =	ssyncadd.s32 @!p0 s1  }
0x75: {  	[bflag:$0x3] =	sbarrier.arrive $0xFFFF  }
0x76: {  	_ =	shalt  }

// kernel: kernel.21.cloned.1.call-start
scs
__scs_entry_jumppad:
0x0: {  	(pc) =	sbr.rel $0x88, $3  }
0x1: {  	(tag) =	ssettag $0x0;
	lr =	simm.s32 $0x1  }
0x2: {  	[smem:$0x3F92] =	sst lr;
	_ =	strace $0xD0000000  }
0x3: {  	_ = 	snop  }
0x4: {  	_ = 	snop  }
0x5: {  	_ = 	snop  }
0x6: {  	_ = 	snop  }
0x7: {  	_ = 	snop  }
__scs_overlays_trampoline_lowered:
0x8: {  	[smem:$0x3FA1] =	sst s0  }
0x9: {  	[smem:$0x3FA2] =	sst s1  }
0xa: {  	[smem:$0x3FA3] =	sst s2  }
0xb: {  	[smem:$0x3FA4] =	sst s3  }
0xc: {  	[smem:$0x3FA5] =	sst s4  }
0xd: {  	[smem:$0x3FA6] =	sst s5  }
0xe: {  	[smem:$0x3FA7] =	sst s6  }
0xf: {  	[smem:$0x3FA8] =	sst s7  }
0x10: {  	[smem:$0x3FA9] =	sst s8  }
0x11: {  	[smem:$0x3FAA] =	sst s9;
	s0 =	simm.s32 @!p0 $0x0  }
0x12: {  	s1 =	sld [smem:$0x3F90];
	s0 =	simm.s32 @p0 $0x1  }
0x13: {  	[smem:$0x3FAB] =	sst s0;
	s0 =	simm.s32 @!p1 $0x0  }
0x14: {  	s2 =	sld [smem:$0x3F8F];
	s0 =	simm.s32 @p1 $0x1  }
0x15: {  	[smem:$0x3FAC] =	sst s0;
	s0 =	simm.s32 @!p2 $0x0  }
0x16: {  	s3 =	sld [smem:$0x3FDB];
	s0 =	simm.s32 @p2 $0x1  }
0x17: {  	s4 =	simm.s32 $0x1BF5;
	[smem:$0x3FAE] =	sst s0  }
0x18: {  	s0 =	sld [smem:$0x3F91];
	_ =	swait.ge [sflag:s4], $0x0  }
0x19: {  	s7 =	sld [smem:$0x3F92]  }
0x1a: {  	s8 =	sadd.s32 $0xFFFFE003, lr  }
0x1b: {  	s9 =	sadd.s32 $0xFFFFFEF7, lr;
	s5 =	simm.s32 $0xFFFFFFFF;
	p2 =	slt.u32 s8, $0xFFFFF086  }
0x1c: {  	p1 =	slt.u32 s9, $0xF7A;
	s5 =	simm.s32 @!p2 $0x0  }
0x1d: {  	s5 =	simm.s32 @p1 $0x1;
	p0 =	seq.s32 s7, s2  }
0x1e: {  	s7 =	smul.u32 @!p0 $0xF7A, s2;
	p2 =	seq.s32 @!p0 s5, $0x0  }
0x1f: {  	s9 =	smul.u32 $0xF7A, s1;
	s8 =	simm.s32 @!p0 $0x1BF5;
	p2 =	por !p2, p0  }
0x20: {  	[sflag:s8] =	ssyncset.s32 @!p0 $0xFFFFF086;
	s6 =	sadd.s32 @!p0 s3, s7;
	s7 =	simm.s32 @!p0 $0x108  }
0x21: {  	s3 =	sadd.s32 s3, s9;
	s6 =	sadd.s32 @!p0 $0x88, s6;
	s7 =	simm.s32 @p2 $0x1082  }
0x22: {  	[simem:s7], [sflag:s8] =	dma.local @!p0 [hbm:s6], $0xF7A  }
0x23: {  	s9 =	sor.u32 $0xD0000000, s2;
	s6 =	simm.s32 $0x108;
	_ =	swait.ge @!p0 [sflag:s8], $0x0  }
0x24: {  	s3 =	sadd.s32 $0x88, s3;
	s6 =	simm.s32 @!p1 $0x1082;
	[sflag:s4] =	ssyncset.s32 $0xFFFFF086  }
0x25: {  	[simem:s6], [sflag:s4] =	dma.local [hbm:s3], $0xF7A  }
0x26: {  	[smem:$0x3F92] =	sst s1;
	(tag) =	ssettag s2;
	_ =	strace s9  }
0x27: {  	s1 =	sld [smem:$0x3FA2]  }
0x28: {  	s2 =	sld [smem:$0x3FA3]  }
0x29: {  	s4 =	sld [smem:$0x3FA5]  }
0x2a: {  	p0 =	seq.s32 s5, $0x0;
	s5 =	sld [smem:$0x3FA6]  }
0x2b: {  	s6 =	sld [smem:$0x3FA7]  }
0x2c: {  	s7 =	sld [smem:$0x3FA8]  }
0x2d: {  	s3 =	simm.s32 $0x108;
	s8 =	sld [smem:$0x3FA9]  }
0x2e: {  	s3 =	simm.s32 @!p0 $0x1082;
	s9 =	sld [smem:$0x3FAA]  }
0x2f: {  	lr =	sadd.s32 s0, s3;
	s0 =	sld [smem:$0x3FA1]  }
0x30: {  	s3 =	sld [smem:$0x3FA4]  }
0x31: {  	[smem:$0x3FAD] =	sst s10  }
0x32: {  	s10 =	sld [smem:$0x3FAB];
	_ =	sdelay $0x3  }
0x33: {  	p0 =	seq.s32 s10, $0x1;
	s10 =	sld [smem:$0x3FAD];
	_ =	sdelay $0x3  }
0x34: {  	[smem:$0x3FAD] =	sst s10  }
0x35: {  	s10 =	sld [smem:$0x3FAC];
	_ =	sdelay $0x3  }
0x36: {  	p1 =	seq.s32 s10, $0x1;
	s10 =	sld [smem:$0x3FAD];
	_ =	sdelay $0x3  }
0x37: {  	[smem:$0x3FAD] =	sst s10  }
0x38: {  	s10 =	sld [smem:$0x3FAE]  }
0x39: {  	_ = 	snop;
	(pc) =	sbr.ind lr, $3  }
0x3a: {  	_ = 	snop  }
0x3b: {  	_ = 	snop  }
0x3c: {  	p2 =	seq.s32 s10, $0x1;
	s10 =	sld [smem:$0x3FAD]  }
0x3d: {  	_ =	shalt  }
0x3e: {  	_ =	shalt  }
0x3f: {  	_ =	shalt  }
0x40: {  	_ =	shalt  }
0x41: {  	_ =	shalt  }
0x42: {  	_ =	shalt  }
0x43: {  	_ =	shalt  }
0x44: {  	_ =	shalt  }
0x45: {  	_ =	shalt  }
0x46: {  	_ =	shalt  }
0x47: {  	_ =	shalt  }
0x48: {  	_ =	shalt  }
0x49: {  	_ =	shalt  }
0x4a: {  	_ =	shalt  }
0x4b: {  	_ =	shalt  }
0x4c: {  	_ =	shalt  }
0x4d: {  	_ =	shalt  }
0x4e: {  	_ =	shalt  }
0x4f: {  	_ =	shalt  }
0x50: {  	_ =	shalt  }
0x51: {  	_ =	shalt  }
0x52: {  	_ =	shalt  }
0x53: {  	_ =	shalt  }
0x54: {  	_ =	shalt  }
0x55: {  	_ =	shalt  }
0x56: {  	_ =	shalt  }
0x57: {  	_ =	shalt  }
0x58: {  	_ =	shalt  }
0x59: {  	_ =	shalt  }
0x5a: {  	_ =	shalt  }
0x5b: {  	_ =	shalt  }
0x5c: {  	_ =	shalt  }
0x5d: {  	_ =	shalt  }
0x5e: {  	_ =	shalt  }
0x5f: {  	_ =	shalt  }
0x60: {  	_ =	shalt  }
0x61: {  	_ =	shalt  }
0x62: {  	_ =	shalt  }
0x63: {  	_ =	shalt  }
0x64: {  	_ =	shalt  }
0x65: {  	_ =	shalt  }
0x66: {  	_ =	shalt  }
0x67: {  	_ =	shalt  }
0x68: {  	_ =	shalt  }
0x69: {  	_ =	shalt  }
0x6a: {  	_ =	shalt  }
0x6b: {  	_ =	shalt  }
0x6c: {  	_ =	shalt  }
0x6d: {  	_ =	shalt  }
0x6e: {  	_ =	shalt  }
0x6f: {  	_ =	shalt  }
0x70: {  	_ =	shalt  }
0x71: {  	_ =	shalt  }
0x72: {  	_ =	shalt  }
0x73: {  	_ =	shalt  }
0x74: {  	_ =	shalt  }
0x75: {  	_ =	shalt  }
0x76: {  	_ =	shalt  }
0x77: {  	_ =	shalt  }
0x78: {  	_ =	shalt  }
0x79: {  	_ =	shalt  }
0x7a: {  	_ =	shalt  }
0x7b: {  	_ =	shalt  }
0x7c: {  	_ =	shalt  }
0x7d: {  	_ =	shalt  }
0x7e: {  	_ =	shalt  }
0x7f: {  	_ =	shalt  }
0x80: {  	_ =	shalt  }
0x81: {  	_ =	shalt  }
0x82: {  	_ =	shalt  }
0x83: {  	_ =	shalt  }
0x84: {  	_ =	shalt  }
0x85: {  	_ =	shalt  }
0x86: {  	_ =	shalt  }
0x87: {  	_ =	shalt  }
.Lfunc_end0:
.L_simem_size_0:
called_computation.2_lowered:
.L_overlay_start_0:
0x88: {  	s2 =	sld [smem:$0x3FD9]  }
0x89: {  	s3 =	sld [smem:$0x3FFE];
	_ =	sdelay $0x1  }
0x8a: {  	s1 =	srdreg.scid  }
0x8b: {  	s0 =	sand.u32 $0x1, s1  }
0x8c: {  	s16 =	sshll.u32 s0, $0xA;
	s2 =	sadd.s32 s3, s2  }
0x8d: {  	s2 =	sadd.s32 s2, s16  }
0x8e: {  	[smem:$0x3FB9] =	sst s2  }
0x8f: {  	_ = 	snop  }
0x90: {  	(tm) =	ssettm $0x1  }
0x91: {  	s17 =	sld [smem:$0x3FFB];
	_ =	sdelay $0x3  }
0x92: {  	_ =	strace s17  }
0x93: {  	s2 =	sld [smem:$0x3FFC];
	_ =	sdelay $0x3  }
0x94: {  	_ =	strace s2  }
0x95: {  	s2 =	sld [smem:$0x3FFD];
	_ =	sdelay $0x3  }
0x96: {  	_ =	strace s2  }
0x97: {  	_ =	strace $0x8FFFFFFF  }
0x98: {  	s18 =	sld [smem:$0x3FDB];
	_ =	sdelay $0x1  }
0x99: {  	s19 =	simm.s32 $_scs_section_size  }
0x9a: {  	s4 =	simm.s32 $_size__tile_overlayer_lowered;
	s5 =	simm.s32 $_tile_overlayer_lowered  }
0x9b: {  	s22 =	simm.s32 $0x1BFF;
	s21 =	sshll.u32 s5, $0x1;
	s2 =	sadd.s32 s19, s18  }
0x9c: {  	s6 =	simm.s32 $0x0;
	s20 =	sshll.u32 s4, $0x1;
	s4 =	sadd.s32 s21, s2  }
0x9d: {  	[timem:s6], [sflag:s22] =	dma.local [hbm:s4], s20  }
0x9e: {  	_ =	swait.ge [sflag:s22], s20  }
0x9f: {  	s3 =	ssub.s32 $0x0, s20;
	[sflag:s22] =	ssyncset.done $0x0  }
0xa0: {  	[sflag:s22] =	ssyncadd.s32 s3;
	_ =	sdelay $0x1  }
0xa1: {  	s23 =	simm.s32 $0x1B8B  }
0xa2: {  	_ =	swait.ge [sflag:s23], $0x1  }
0xa3: {  	[sflag:s23] =	ssyncset.done $0x0  }
0xa4: {  	s25 =	simm.s32 $0x1B8E;
	s24 =	sld [smem:$0x3FFE];
	[sflag:s23] =	ssyncadd.s32 $0xFFFFFFFF  }
0xa5: {  	s26 =	simm.s32 $execute0_lowered;
	[smem:$0x3FD2] =	sst s25  }
0xa6: {  	s4 =	sshll.u32 s26, $0x1;
	_ =	strace $0x8000004C;
	[dreg:$0x1] =	wrdreg $0xFFFFFFFF  }
0xa7: {  	s28 =	simm.s32 $_size_execute0_lowered;
	s2 =	sadd.s32 s2, s4;
	[dreg:$0x0] =	wrdreg $0x0  }
0xa8: {  	s4 =	sshll.u32 s28, $0x1;
	[dreg:$0x2] =	wrdreg s2  }
0xa9: {  	[dreg:$0x3] =	wrdreg s4  }
0xaa: {  	[dreg:$0x4] =	wrdreg $0xC0  }
0xab: {  	_ =	task [dreg:s6], $0x5FFFF  }
0xac: {  	[dreg:$0x1] =	wrdreg $0xFFFFFFFF  }
0xad: {  	[dreg:$0x0] =	wrdreg $0x60  }
0xae: {  	[dreg:$0x2] =	wrdreg s24  }
0xaf: {  	[dreg:$0x3] =	wrdreg $0x90000  }
0xb0: {  	[dreg:$0x4] =	wrdreg $0x9  }
0xb1: {  	_ =	task.clear_ibuf [dreg:s6], $0x5FFFF;
	_ =	strace $0x9000004C  }
0xb2: {  	s29 =	simm.s32 $0x9;
	_ =	strace $0x8000004E  }
0xb3: {  	_ =	swait.ge [sflag:s29], $0x1  }
0xb4: {  	[sflag:s29] =	ssyncadd.s32 $0xFFFFFFFF  }
0xb5: {  	_ =	strace $0x9000004E  }
0xb6: {  	_ =	sfence  }
0xb7: {  	s30 =	sld [smem:$0x0];
	_ =	sdelay $0x2  }
0xb8: {  	s31 =	sshll.u32 s1, $0xD;
	s1 =	sshrl.u32 s1, $0x2  }
0xb9: {  	s3 =	sand.u32 $0x4000, s31;
	s1 =	sadd.s32 s1, s30  }
0xba: {  	s0 =	sor.u32 s3, s0;
	s1 =	sshll.u32 s1, $0x11  }
0xbb: {  	s0 =	sor.u32 s1, s0  }
0xbc: {  	s0 =	sadd.s32 $0x8F2B, s0  }
0xbd: {  	[sflag:s0] =	ssyncadd.remote.s32 $0x1  }
0xbe: {  	_ =	sfence.sel $0xFFFF  }
0xbf: {  	[dreg:$0x0] =	wrdreg $0xFFFFFFFF;
	(pc) =	sbr.abs _section_cstart, $3  }
0xc0: {  	[dreg:$0x1] =	wrdreg $0xFFFFFFFF  }
0xc1: {  	_ =	task.clear_ibuf [dreg:s6], $0x2FFFF;
	_ =	strace $0x9FFFFFFF  }
0xc2: {  	(tm) =	ssettm $0x7FFFFFFF  }
0xc3: {  	_ =	shalt  }
tec
execute0_lowered:
.L_overlay_start_1:
0x0: {  	(tag) =	ssettag $0x1  }
0x1: {  	s6 =	rddreg [dreg:$0x0];
	s1 =	srdreg.scid  }
0x2: {  	s0 =	stileid.u32;
	s2 =	rddreg [dreg:$0x1]  }
0x3: {  	s3 =	simm.s32 $0x0;
	s24 =	simm.s32 $0x5000;
	s25 =	simm.s32 $0x80  }
0x4: {  	s26 =	simm.s32 $0x1;
	s28 =	simm.s32 $0x0;
	s7 =	sand.u32 $0x1, s1  }
0x5: {  	s4 =	sshll.u32 s0, $0x1;
	[smem:$0x7FF] =	sst s3;
	s8 =	smul.u32 $0x4F000, s0  }
0x6: {  	s17 =	smul.u32 $0x13C00, s0;
	s21 =	sadd.s32 $0x37000, s6;
	s4 =	sor.u32 s7, s4  }
0x7: {  	_ =	strace $0x8000004D;
	s10 =	ssub.s32 $0x2, s7;
	s18 =	smul.u32 $0x13C000, s7  }
0x8: {  	s5 =	smul.u32 $0x500, s4;
	s4 =	sadd.s32 $0xF000, s6;
	s11 =	sshrl.u32 s10, $0x1  }
0x9: {  	s30 =	sadd.s32 $0x10000, s17;
	s8 =	sshrl.u32 s8, $0x2;
	s19 =	sadd.s32 $0x4000, s17  }
0xa: {  	s20 =	sadd.s32 $0x8000, s17;
	s22 =	sadd.s32 $0xC000, s17;
	s11 =	ssub.s32 s10, s11  }
0xb: {  	s12 =	sadd.s32 s18, s30;
	s8 =	sadd.s32 s8, s2;
	s15 =	sadd.s32 s18, s17  }
0xc: {  	s16 =	sadd.s32 s19, s2;
	s19 =	sadd.s32 s18, s19;
	s31 =	sadd.s32 s18, s20  }
0xd: {  	s23 =	sadd.s32 s18, s22;
	s18 =	sadd.s32 s20, s2;
	s20 =	sadd.s32 s22, s2  }
0xe: {  	s22 =	simm.s32 $0x2;
	s9 =	sadd.s32 s5, s6;
	s5 =	sadd.s32 $0x36800, s6  }
0xf: {  	s12 =	sshrl.u32 s12, $0x3;
	s11 =	smax.u32 s11, $0x1;
	s13 =	sadd.s32 $0x8000, s8  }
0x10: {  	s14 =	sadd.s32 $0xC000, s8;
	s15 =	sshrl.u32 s15, $0x3;
	s19 =	sshrl.u32 s19, $0x3  }
0x11: {  	s23 =	sshrl.u32 s23, $0x3;
	s6 =	sadd.s32 $0xB7000, s9;
	s7 =	sadd.s32 $0x5000, s9  }
0x12: {  	s9 =	sadd.s32 s30, s2;
	s10 =	sadd.s32 s21, s12;
	s12 =	sadd.s32 $0x4000, s8  }
0x13: {  	s15 =	sadd.s32 s21, s15;
	s17 =	sadd.s32 s21, s19;
	s19 =	sshrl.u32 s31, $0x3  }
0x14: {  	s19 =	sadd.s32 s21, s19;
	s21 =	sadd.s32 s21, s23;
	s23 =	simm.s32 $0x2800  }
.LBB2_1:
0x15: {  	[tilespmem:s3], [sflag:$0x2] =	stream.linear.gather [hbm4b:s6+s3], $0x2780, $0x38;
	[tilespmem:$0x1CC00] =	vst v63  }
0x16: {  	_ =	swait.ge [sflag:s22], $0x2780  }
0x17: {  	[sflag:s22] =	ssyncset.done $0x0  }
0x18: {  	[sflag:s22] =	ssyncadd.s32 $0xFFFFD880  }
0x19: {  	[tilespmem:s23], [sflag:$0x2] =	stream.linear.gather [hbm4b:s7+s3], $0x2780, $0x38;
	[tilespmem:$0x1CC00] =	vst v63  }
0x1a: {  	_ =	swait.ge [sflag:s22], $0x2780  }
0x1b: {  	[sflag:s22] =	ssyncset.done $0x0  }
0x1c: {  	[sflag:s22] =	ssyncadd.s32 $0xFFFFD880  }
0x1d: {  	[tilespmem:s24], [sflag:$0x2] =	stream.linear.gather [hbm4b:s5+s3], $0x4000, $0x38;
	[tilespmem:$0x1CC00] =	vst v63  }
0x1e: {  	_ =	swait.ge [sflag:s22], $0x4000  }
0x1f: {  	[sflag:s22] =	ssyncset.done $0x0  }
0x20: {  	[sflag:s22] =	ssyncadd.s32 $0xFFFFC000  }
0x21: {  	[spmem:s8] =	stream.linear.scatter [tilespmem:s24], [sflag:$0x2], $0x4000, $0x38;
	[tilespmem:$0x1CC00] =	vst v63  }
0x22: {  	_ =	swait.ge [sflag:s22], $0x4000  }
0x23: {  	[sflag:s22] =	ssyncset.done $0x0  }
0x24: {  	[sflag:s22] =	ssyncadd.s32 $0xFFFFC000  }
0x25: {  	[spmem:s12] =	stream.linear.scatter [tilespmem:s24], [sflag:$0x2], $0x4000, $0x38;
	[tilespmem:$0x1CC00] =	vst v63  }
0x26: {  	_ =	swait.ge [sflag:s22], $0x4000  }
0x27: {  	[sflag:s22] =	ssyncset.done $0x0  }
0x28: {  	[sflag:s22] =	ssyncadd.s32 $0xFFFFC000  }
0x29: {  	[spmem:s13] =	stream.linear.scatter [tilespmem:s24], [sflag:$0x2], $0x4000, $0x38;
	[tilespmem:$0x1CC00] =	vst v63  }
0x2a: {  	_ =	swait.ge [sflag:s22], $0x4000  }
0x2b: {  	[sflag:s22] =	ssyncset.done $0x0  }
0x2c: {  	[sflag:s22] =	ssyncadd.s32 $0xFFFFC000  }
0x2d: {  	[spmem:s14] =	stream.linear.scatter [tilespmem:s24], [sflag:$0x2], $0x4000, $0x38;
	[tilespmem:$0x1CC00] =	vst v63  }
0x2e: {  	_ =	swait.ge [sflag:s22], $0x4000  }
0x2f: {  	[sflag:s22] =	ssyncset.done $0x0  }
0x30: {  	[sflag:s22] =	ssyncadd.s32 $0xFFFFC000  }
0x31: {  	[spmem:s9] =	stream.linear.scatter [tilespmem:s24], [sflag:$0x2], $0x3C00, $0x38;
	[tilespmem:$0x1CC00] =	vst v63  }
0x32: {  	_ =	swait.ge [sflag:s22], $0x3C00  }
0x33: {  	[sflag:s22] =	ssyncset.done $0x0  }
0x34: {  	[sflag:s22] =	ssyncadd.s32 $0xFFFFC400  }
0x35: {  	s29 =	simm.s32 $0x0;
	[bflag:$0x0] =	sbarrier.arrive $0xFFFF  }
0x36: {  	[tilespmem:s24], [sflag:$0x1] =	stream.indirect.gather [hbm4b:s4+s25], $0x80, s29, s25, $0xb8;
	[tilespmem:$0x1CC00] =	vst v63  }
0x37: {  	_ =	swait.ge [sflag:s26], $0x4000  }
0x38: {  	[sflag:s26] =	ssyncset.done $0x0  }
0x39: {  	s29 =	simm.s32 $0x2800;
	[sflag:s26] =	ssyncadd.s32 $0xFFFFC000  }
0x3a: {  	[spmem:s2] =	stream.indirect.scatter.add.f32 [tilespmem:s24], [sflag:$0x2], $0x80, s29, s25, $0xb8;
	[tilespmem:$0x1CC00] =	vst v63  }
0x3b: {  	_ =	swait.ge [sflag:s22], $0x4000  }
0x3c: {  	s30 =	simm.s32 $0x400;
	s29 =	simm.s32 $0x200;
	[sflag:s22] =	ssyncset.done $0x0  }
.LBB2_2:
0x3d: {  	s31 =	sshra.s32 s29, $0x2  }
0x3e: {  	[sflag:s22] =	ssyncadd.s32 $0xFFFFC000;
	s29 =	smov.u32 s30;
	s1 =	sadd.s32 $0x200, s30  }
0x3f: {  	[tilespmem:s24], [sflag:$0x1] =	stream.indirect.gather [hbm4b:s4+s25], $0x80, s31, s25, $0xb8;
	[tilespmem:$0x1CC00] =	vst v63  }
0x40: {  	p0 =	sne.s32 s30, $0x9C00;
	_ =	swait.ge [sflag:s26], $0x4000  }
.Ltmp0:
0x41: {  	[sflag:s26] =	ssyncset.done $0x0;
	(pc) =	sbr.rel @p0 .LBB2_2-.Ltmp0, $4  }
0x42: {  	s30 =	sadd.s32 $0x2800, s31;
	[sflag:s26] =	ssyncadd.s32 $0xFFFFC000  }
0x43: {  	[spmem:s2] =	stream.indirect.scatter.add.f32 [tilespmem:s24], [sflag:$0x2], $0x80, s30, s25, $0xb8;
	[tilespmem:$0x1CC00] =	vst v63  }
0x44: {  	_ =	swait.ge [sflag:s22], $0x4000  }
0x45: {  	s30 =	smov.u32 s1;
	[sflag:s22] =	ssyncset.done $0x0  }
0x46: {  	s1 =	sshra.s32 s29, $0x2;
	[sflag:s22] =	ssyncadd.s32 $0xFFFFC000  }
0x47: {  	[tilespmem:s24], [sflag:$0x1] =	stream.indirect.gather [hbm4b:s4+s25], $0x80, s1, s25, $0xb8;
	[tilespmem:$0x1CC00] =	vst v63  }
0x48: {  	_ =	swait.ge [sflag:s26], $0x4000  }
0x49: {  	[sflag:s26] =	ssyncset.done $0x0  }
0x4a: {  	s1 =	sadd.s32 $0x2800, s1;
	[sflag:s26] =	ssyncadd.s32 $0xFFFFC000  }
0x4b: {  	[spmem:s2] =	stream.indirect.scatter.add.f32 [tilespmem:s24], [sflag:$0x2], $0x80, s1, s25, $0xb8;
	[tilespmem:$0x1CC00] =	vst v63  }
0x4c: {  	_ =	swait.ge [sflag:s22], $0x4000  }
0x4d: {  	[sflag:s22] =	ssyncset.done $0x0  }
0x4e: {  	[sflag:s22] =	ssyncadd.s32 $0xFFFFC000  }
0x4f: {  	[bflag:$0x0] =	sbarrier.arrive $0xFFFF  }
0x50: {  	[tilespmem:s24], [sflag:$0x2] =	stream.linear.gather [spmem:s8], $0x4000, $0x38;
	[tilespmem:$0x1CC00] =	vst v63  }
0x51: {  	_ =	swait.ge [sflag:s22], $0x4000  }
0x52: {  	[sflag:s22] =	ssyncset.done $0x0  }
0x53: {  	[sflag:s22] =	ssyncadd.s32 $0xFFFFC000  }
0x54: {  	[hbm4b:s15+s3] =	stream.linear.scatter [tilespmem:s24], [sflag:$0x2], $0x4000, $0x38;
	[tilespmem:$0x1CC00] =	vst v63  }
0x55: {  	_ =	swait.ge [sflag:s22], $0x4000  }
0x56: {  	[sflag:s22] =	ssyncset.done $0x0  }
0x57: {  	[sflag:s22] =	ssyncadd.s32 $0xFFFFC000  }
0x58: {  	[tilespmem:s24], [sflag:$0x2] =	stream.linear.gather [spmem:s16], $0x4000, $0x38;
	[tilespmem:$0x1CC00] =	vst v63  }
0x59: {  	_ =	swait.ge [sflag:s22], $0x4000  }
0x5a: {  	[sflag:s22] =	ssyncset.done $0x0  }
0x5b: {  	[sflag:s22] =	ssyncadd.s32 $0xFFFFC000  }
0x5c: {  	[hbm4b:s17+s3] =	stream.linear.scatter [tilespmem:s24], [sflag:$0x2], $0x4000, $0x38;
	[tilespmem:$0x1CC00] =	vst v63  }
0x5d: {  	_ =	swait.ge [sflag:s22], $0x4000  }
0x5e: {  	[sflag:s22] =	ssyncset.done $0x0  }
0x5f: {  	[sflag:s22] =	ssyncadd.s32 $0xFFFFC000  }
0x60: {  	[tilespmem:s24], [sflag:$0x2] =	stream.linear.gather [spmem:s18], $0x4000, $0x38;
	[tilespmem:$0x1CC00] =	vst v63  }
0x61: {  	_ =	swait.ge [sflag:s22], $0x4000  }
0x62: {  	[sflag:s22] =	ssyncset.done $0x0  }
0x63: {  	[sflag:s22] =	ssyncadd.s32 $0xFFFFC000  }
0x64: {  	[hbm4b:s19+s3] =	stream.linear.scatter [tilespmem:s24], [sflag:$0x2], $0x4000, $0x38;
	[tilespmem:$0x1CC00] =	vst v63  }
0x65: {  	_ =	swait.ge [sflag:s22], $0x4000  }
0x66: {  	[sflag:s22] =	ssyncset.done $0x0  }
0x67: {  	[sflag:s22] =	ssyncadd.s32 $0xFFFFC000  }
0x68: {  	[tilespmem:s24], [sflag:$0x2] =	stream.linear.gather [spmem:s20], $0x4000, $0x38;
	[tilespmem:$0x1CC00] =	vst v63  }
0x69: {  	_ =	swait.ge [sflag:s22], $0x4000  }
0x6a: {  	[sflag:s22] =	ssyncset.done $0x0  }
0x6b: {  	[sflag:s22] =	ssyncadd.s32 $0xFFFFC000  }
0x6c: {  	[hbm4b:s21+s3] =	stream.linear.scatter [tilespmem:s24], [sflag:$0x2], $0x4000, $0x38;
	[tilespmem:$0x1CC00] =	vst v63  }
0x6d: {  	_ =	swait.ge [sflag:s22], $0x4000  }
0x6e: {  	[sflag:s22] =	ssyncset.done $0x0  }
0x6f: {  	[sflag:s22] =	ssyncadd.s32 $0xFFFFC000  }
0x70: {  	[tilespmem:s24], [sflag:$0x2] =	stream.linear.gather [spmem:s9], $0x3C00, $0x38;
	[tilespmem:$0x1CC00] =	vst v63  }
0x71: {  	s28 =	sadd.s32 $0x1, s28;
	_ =	swait.ge [sflag:s22], $0x3C00  }
0x72: {  	p0 =	sne.s32 s28, s11;
	[sflag:s22] =	ssyncset.done $0x0  }
.Ltmp1:
0x73: {  	[sflag:s22] =	ssyncadd.s32 $0xFFFFC400;
	(pc) =	sbr.rel @p0 .LBB2_1-.Ltmp1, $4  }
0x74: {  	[hbm4b:s10+s3] =	stream.linear.scatter [tilespmem:s24], [sflag:$0x2], $0x3C00, $0x38;
	[tilespmem:$0x1CC00] =	vst v63  }
0x75: {  	_ =	swait.ge [sflag:s22], $0x3C00  }
0x76: {  	[sflag:s22] =	ssyncset.done $0x0  }
0x77: {  	[sflag:s22] =	ssyncadd.s32 $0xFFFFC400  }
0x78: {  	_ =	sfence.sel $0x180000  }
0x79: {  	[bflag:$0x0] =	sbarrier.arrive $0xFFFF  }
0x7a: {  	_ =	strace $0x9000004D  }
0x7b: {  	[bflag:$0x2] =	sbarrier.arrive $0xFFFF  }
0x7c: {  	p0 =	sne.s32 s0, $0x0;
	s0 =	rddreg [dreg:$0x2]  }
0x7d: {  	s0 =	sadd.s32 @!p0 $0x100000, s0  }
0x7e: {  	[sflag:s0] =	ssyncadd.tile.s32 @!p0 $0x1;
	_ =	shalt  }
.Lfunc_end2:
_tile_overlayer_lowered:
.L_overlay_start_2:
0x7f: {  	(tag) =	ssettag $0x2  }
0x80: {  	s0 =	rddreg [dreg:$0x0];
	s2 =	stileid.u32  }
0x81: {  	s1 =	rddreg [dreg:$0x1];
	p0 =	sne.s32 s2, $0x0  }
0x82: {  	s3 =	rddreg [dreg:$0x2];
	[bflag:$0x3] =	sbarrier.arrive $0xFFFF;
	s2 =	simm.s32 @!p0 $0x1C02  }
0x83: {  	[timem:s3], [sflag:s2] =	dma.local @!p0 [hbm:s0], s1  }
0x84: {  	s0 =	simm.s32 @!p0 $0x2  }
0x85: {  	_ =	swait.ge @!p0 [sflag:s0], s1  }
0x86: {  	s1 =	ssub.s32 @!p0 $0x0, s1;
	[sflag:s0] =	ssyncset.done @!p0 $0x0  }
0x87: {  	[sflag:s0] =	ssyncadd.s32 @!p0 s1  }
0x88: {  	[bflag:$0x3] =	sbarrier.arrive $0xFFFF  }
0x89: {  	_ =	shalt  }

// kernel: kernel.24.cloned.1.call-start
scs
__scs_entry_jumppad:
0x0: {  	(pc) =	sbr.rel $0x88, $3  }
0x1: {  	(tag) =	ssettag $0x0;
	lr =	simm.s32 $0x1  }
0x2: {  	[smem:$0x3F92] =	sst lr;
	_ =	strace $0xD0000000  }
0x3: {  	_ = 	snop  }
0x4: {  	_ = 	snop  }
0x5: {  	_ = 	snop  }
0x6: {  	_ = 	snop  }
0x7: {  	_ = 	snop  }
__scs_overlays_trampoline_lowered:
0x8: {  	[smem:$0x3FA1] =	sst s0  }
0x9: {  	[smem:$0x3FA2] =	sst s1  }
0xa: {  	[smem:$0x3FA3] =	sst s2  }
0xb: {  	[smem:$0x3FA4] =	sst s3  }
0xc: {  	[smem:$0x3FA5] =	sst s4  }
0xd: {  	[smem:$0x3FA6] =	sst s5  }
0xe: {  	[smem:$0x3FA7] =	sst s6  }
0xf: {  	[smem:$0x3FA8] =	sst s7  }
0x10: {  	[smem:$0x3FA9] =	sst s8  }
0x11: {  	[smem:$0x3FAA] =	sst s9;
	s0 =	simm.s32 @!p0 $0x0  }
0x12: {  	s1 =	sld [smem:$0x3F90];
	s0 =	simm.s32 @p0 $0x1  }
0x13: {  	[smem:$0x3FAB] =	sst s0;
	s0 =	simm.s32 @!p1 $0x0  }
0x14: {  	s2 =	sld [smem:$0x3F8F];
	s0 =	simm.s32 @p1 $0x1  }
0x15: {  	[smem:$0x3FAC] =	sst s0;
	s0 =	simm.s32 @!p2 $0x0  }
0x16: {  	s3 =	sld [smem:$0x3FDB];
	s0 =	simm.s32 @p2 $0x1  }
0x17: {  	s4 =	simm.s32 $0x1BF5;
	[smem:$0x3FAE] =	sst s0  }
0x18: {  	s0 =	sld [smem:$0x3F91];
	_ =	swait.ge [sflag:s4], $0x0  }
0x19: {  	s7 =	sld [smem:$0x3F92]  }
0x1a: {  	s8 =	sadd.s32 $0xFFFFE003, lr  }
0x1b: {  	s9 =	sadd.s32 $0xFFFFFEF7, lr;
	s5 =	simm.s32 $0xFFFFFFFF;
	p2 =	slt.u32 s8, $0xFFFFF086  }
0x1c: {  	p1 =	slt.u32 s9, $0xF7A;
	s5 =	simm.s32 @!p2 $0x0  }
0x1d: {  	s5 =	simm.s32 @p1 $0x1;
	p0 =	seq.s32 s7, s2  }
0x1e: {  	s7 =	smul.u32 @!p0 $0xF7A, s2;
	p2 =	seq.s32 @!p0 s5, $0x0  }
0x1f: {  	s9 =	smul.u32 $0xF7A, s1;
	s8 =	simm.s32 @!p0 $0x1BF5;
	p2 =	por !p2, p0  }
0x20: {  	[sflag:s8] =	ssyncset.s32 @!p0 $0xFFFFF086;
	s6 =	sadd.s32 @!p0 s3, s7;
	s7 =	simm.s32 @!p0 $0x108  }
0x21: {  	s3 =	sadd.s32 s3, s9;
	s6 =	sadd.s32 @!p0 $0x88, s6;
	s7 =	simm.s32 @p2 $0x1082  }
0x22: {  	[simem:s7], [sflag:s8] =	dma.local @!p0 [hbm:s6], $0xF7A  }
0x23: {  	s9 =	sor.u32 $0xD0000000, s2;
	s6 =	simm.s32 $0x108;
	_ =	swait.ge @!p0 [sflag:s8], $0x0  }
0x24: {  	s3 =	sadd.s32 $0x88, s3;
	s6 =	simm.s32 @!p1 $0x1082;
	[sflag:s4] =	ssyncset.s32 $0xFFFFF086  }
0x25: {  	[simem:s6], [sflag:s4] =	dma.local [hbm:s3], $0xF7A  }
0x26: {  	[smem:$0x3F92] =	sst s1;
	(tag) =	ssettag s2;
	_ =	strace s9  }
0x27: {  	s1 =	sld [smem:$0x3FA2]  }
0x28: {  	s2 =	sld [smem:$0x3FA3]  }
0x29: {  	s4 =	sld [smem:$0x3FA5]  }
0x2a: {  	p0 =	seq.s32 s5, $0x0;
	s5 =	sld [smem:$0x3FA6]  }
0x2b: {  	s6 =	sld [smem:$0x3FA7]  }
0x2c: {  	s7 =	sld [smem:$0x3FA8]  }
0x2d: {  	s3 =	simm.s32 $0x108;
	s8 =	sld [smem:$0x3FA9]  }
0x2e: {  	s3 =	simm.s32 @!p0 $0x1082;
	s9 =	sld [smem:$0x3FAA]  }
0x2f: {  	lr =	sadd.s32 s0, s3;
	s0 =	sld [smem:$0x3FA1]  }
0x30: {  	s3 =	sld [smem:$0x3FA4]  }
0x31: {  	[smem:$0x3FAD] =	sst s10  }
0x32: {  	s10 =	sld [smem:$0x3FAB];
	_ =	sdelay $0x3  }
0x33: {  	p0 =	seq.s32 s10, $0x1;
	s10 =	sld [smem:$0x3FAD];
	_ =	sdelay $0x3  }
0x34: {  	[smem:$0x3FAD] =	sst s10  }
0x35: {  	s10 =	sld [smem:$0x3FAC];
	_ =	sdelay $0x3  }
0x36: {  	p1 =	seq.s32 s10, $0x1;
	s10 =	sld [smem:$0x3FAD];
	_ =	sdelay $0x3  }
0x37: {  	[smem:$0x3FAD] =	sst s10  }
0x38: {  	s10 =	sld [smem:$0x3FAE]  }
0x39: {  	_ = 	snop;
	(pc) =	sbr.ind lr, $3  }
0x3a: {  	_ = 	snop  }
0x3b: {  	_ = 	snop  }
0x3c: {  	p2 =	seq.s32 s10, $0x1;
	s10 =	sld [smem:$0x3FAD]  }
0x3d: {  	_ =	shalt  }
0x3e: {  	_ =	shalt  }
0x3f: {  	_ =	shalt  }
0x40: {  	_ =	shalt  }
0x41: {  	_ =	shalt  }
0x42: {  	_ =	shalt  }
0x43: {  	_ =	shalt  }
0x44: {  	_ =	shalt  }
0x45: {  	_ =	shalt  }
0x46: {  	_ =	shalt  }
0x47: {  	_ =	shalt  }
0x48: {  	_ =	shalt  }
0x49: {  	_ =	shalt  }
0x4a: {  	_ =	shalt  }
0x4b: {  	_ =	shalt  }
0x4c: {  	_ =	shalt  }
0x4d: {  	_ =	shalt  }
0x4e: {  	_ =	shalt  }
0x4f: {  	_ =	shalt  }
0x50: {  	_ =	shalt  }
0x51: {  	_ =	shalt  }
0x52: {  	_ =	shalt  }
0x53: {  	_ =	shalt  }
0x54: {  	_ =	shalt  }
0x55: {  	_ =	shalt  }
0x56: {  	_ =	shalt  }
0x57: {  	_ =	shalt  }
0x58: {  	_ =	shalt  }
0x59: {  	_ =	shalt  }
0x5a: {  	_ =	shalt  }
0x5b: {  	_ =	shalt  }
0x5c: {  	_ =	shalt  }
0x5d: {  	_ =	shalt  }
0x5e: {  	_ =	shalt  }
0x5f: {  	_ =	shalt  }
0x60: {  	_ =	shalt  }
0x61: {  	_ =	shalt  }
0x62: {  	_ =	shalt  }
0x63: {  	_ =	shalt  }
0x64: {  	_ =	shalt  }
0x65: {  	_ =	shalt  }
0x66: {  	_ =	shalt  }
0x67: {  	_ =	shalt  }
0x68: {  	_ =	shalt  }
0x69: {  	_ =	shalt  }
0x6a: {  	_ =	shalt  }
0x6b: {  	_ =	shalt  }
0x6c: {  	_ =	shalt  }
0x6d: {  	_ =	shalt  }
0x6e: {  	_ =	shalt  }
0x6f: {  	_ =	shalt  }
0x70: {  	_ =	shalt  }
0x71: {  	_ =	shalt  }
0x72: {  	_ =	shalt  }
0x73: {  	_ =	shalt  }
0x74: {  	_ =	shalt  }
0x75: {  	_ =	shalt  }
0x76: {  	_ =	shalt  }
0x77: {  	_ =	shalt  }
0x78: {  	_ =	shalt  }
0x79: {  	_ =	shalt  }
0x7a: {  	_ =	shalt  }
0x7b: {  	_ =	shalt  }
0x7c: {  	_ =	shalt  }
0x7d: {  	_ =	shalt  }
0x7e: {  	_ =	shalt  }
0x7f: {  	_ =	shalt  }
0x80: {  	_ =	shalt  }
0x81: {  	_ =	shalt  }
0x82: {  	_ =	shalt  }
0x83: {  	_ =	shalt  }
0x84: {  	_ =	shalt  }
0x85: {  	_ =	shalt  }
0x86: {  	_ =	shalt  }
0x87: {  	_ =	shalt  }
.Lfunc_end0:
.L_simem_size_0:
called_computation.3_lowered:
.L_overlay_start_0:
0x88: {  	s2 =	sld [smem:$0x3FD9]  }
0x89: {  	s3 =	sld [smem:$0x3FFE];
	_ =	sdelay $0x1  }
0x8a: {  	s1 =	srdreg.scid  }
0x8b: {  	s0 =	sand.u32 $0x1, s1  }
0x8c: {  	s16 =	sshll.u32 s0, $0xA;
	s2 =	sadd.s32 s3, s2  }
0x8d: {  	s2 =	sadd.s32 s2, s16  }
0x8e: {  	[smem:$0x3FB9] =	sst s2  }
0x8f: {  	_ = 	snop  }
0x90: {  	(tm) =	ssettm $0x1  }
0x91: {  	s17 =	sld [smem:$0x3FFB];
	_ =	sdelay $0x3  }
0x92: {  	_ =	strace s17  }
0x93: {  	s2 =	sld [smem:$0x3FFC];
	_ =	sdelay $0x3  }
0x94: {  	_ =	strace s2  }
0x95: {  	s2 =	sld [smem:$0x3FFD];
	_ =	sdelay $0x3  }
0x96: {  	_ =	strace s2  }
0x97: {  	_ =	strace $0x8FFFFFFF  }
0x98: {  	s18 =	sld [smem:$0x3FDB];
	_ =	sdelay $0x1  }
0x99: {  	s19 =	simm.s32 $_scs_section_size  }
0x9a: {  	s4 =	simm.s32 $_size__tile_overlayer_lowered;
	s5 =	simm.s32 $_tile_overlayer_lowered  }
0x9b: {  	s22 =	simm.s32 $0x1BFF;
	s21 =	sshll.u32 s5, $0x1;
	s2 =	sadd.s32 s19, s18  }
0x9c: {  	s6 =	simm.s32 $0x0;
	s20 =	sshll.u32 s4, $0x1;
	s4 =	sadd.s32 s21, s2  }
0x9d: {  	[timem:s6], [sflag:s22] =	dma.local [hbm:s4], s20  }
0x9e: {  	_ =	swait.ge [sflag:s22], s20  }
0x9f: {  	s3 =	ssub.s32 $0x0, s20;
	[sflag:s22] =	ssyncset.done $0x0  }
0xa0: {  	[sflag:s22] =	ssyncadd.s32 s3;
	_ =	sdelay $0x1  }
0xa1: {  	s23 =	simm.s32 $0x1B8B  }
0xa2: {  	_ =	swait.ge [sflag:s23], $0x1  }
0xa3: {  	[sflag:s23] =	ssyncset.done $0x0  }
0xa4: {  	s25 =	simm.s32 $0x1B8E;
	s24 =	sld [smem:$0x3FFE];
	[sflag:s23] =	ssyncadd.s32 $0xFFFFFFFF  }
0xa5: {  	s26 =	simm.s32 $execute0_lowered;
	[smem:$0x3FD2] =	sst s25  }
0xa6: {  	s4 =	sshll.u32 s26, $0x1;
	_ =	strace $0x8000004F;
	[dreg:$0x1] =	wrdreg $0xFFFFFFFF  }
0xa7: {  	s28 =	simm.s32 $_size_execute0_lowered;
	s2 =	sadd.s32 s2, s4;
	[dreg:$0x0] =	wrdreg $0x0  }
0xa8: {  	s4 =	sshll.u32 s28, $0x1;
	[dreg:$0x2] =	wrdreg s2  }
0xa9: {  	[dreg:$0x3] =	wrdreg s4  }
0xaa: {  	[dreg:$0x4] =	wrdreg $0xC0  }
0xab: {  	_ =	task [dreg:s6], $0x5FFFF  }
0xac: {  	[dreg:$0x1] =	wrdreg $0xFFFFFFFF  }
0xad: {  	[dreg:$0x0] =	wrdreg $0x60  }
0xae: {  	[dreg:$0x2] =	wrdreg s24  }
0xaf: {  	[dreg:$0x3] =	wrdreg $0x90000  }
0xb0: {  	[dreg:$0x4] =	wrdreg $0x9  }
0xb1: {  	_ =	task.clear_ibuf [dreg:s6], $0x5FFFF;
	_ =	strace $0x9000004F  }
0xb2: {  	s29 =	simm.s32 $0x9;
	_ =	strace $0x80000051  }
0xb3: {  	_ =	swait.ge [sflag:s29], $0x1  }
0xb4: {  	[sflag:s29] =	ssyncadd.s32 $0xFFFFFFFF  }
0xb5: {  	_ =	strace $0x90000051  }
0xb6: {  	_ =	sfence  }
0xb7: {  	s30 =	sld [smem:$0x0];
	_ =	sdelay $0x2  }
0xb8: {  	s31 =	sshll.u32 s1, $0xD;
	s1 =	sshrl.u32 s1, $0x2  }
0xb9: {  	s3 =	sand.u32 $0x4000, s31;
	s1 =	sadd.s32 s1, s30  }
0xba: {  	s0 =	sor.u32 s3, s0;
	s1 =	sshll.u32 s1, $0x11  }
0xbb: {  	s0 =	sor.u32 s1, s0  }
0xbc: {  	s0 =	sadd.s32 $0x8F2B, s0  }
0xbd: {  	[sflag:s0] =	ssyncadd.remote.s32 $0x1  }
0xbe: {  	_ =	sfence.sel $0xFFFF  }
0xbf: {  	[dreg:$0x0] =	wrdreg $0xFFFFFFFF;
	(pc) =	sbr.abs _section_cstart, $3  }
0xc0: {  	[dreg:$0x1] =	wrdreg $0xFFFFFFFF  }
0xc1: {  	_ =	task.clear_ibuf [dreg:s6], $0x2FFFF;
	_ =	strace $0x9FFFFFFF  }
0xc2: {  	(tm) =	ssettm $0x7FFFFFFF  }
0xc3: {  	_ =	shalt  }
tec
execute0_lowered:
.L_overlay_start_1:
0x0: {  	(tag) =	ssettag $0x1  }
0x1: {  	s6 =	rddreg [dreg:$0x0];
	s1 =	srdreg.scid  }
0x2: {  	s0 =	stileid.u32;
	s2 =	rddreg [dreg:$0x1]  }
0x3: {  	s3 =	simm.s32 $0x0;
	s24 =	simm.s32 $0x5000;
	s25 =	simm.s32 $0x80  }
0x4: {  	s26 =	simm.s32 $0x1;
	s28 =	simm.s32 $0x0;
	s7 =	sand.u32 $0x1, s1  }
0x5: {  	s4 =	sshll.u32 s0, $0x1;
	[smem:$0x7FF] =	sst s3;
	s8 =	smul.u32 $0x4F000, s0  }
0x6: {  	s17 =	smul.u32 $0x13C00, s0;
	s21 =	sadd.s32 $0x37000, s6;
	s4 =	sor.u32 s7, s4  }
0x7: {  	_ =	strace $0x80000050;
	s10 =	ssub.s32 $0x2, s7;
	s18 =	smul.u32 $0x13C000, s7  }
0x8: {  	s5 =	smul.u32 $0x500, s4;
	s4 =	sadd.s32 $0xF000, s6;
	s11 =	sshrl.u32 s10, $0x1  }
0x9: {  	s30 =	sadd.s32 $0x10000, s17;
	s8 =	sshrl.u32 s8, $0x2;
	s19 =	sadd.s32 $0x4000, s17  }
0xa: {  	s20 =	sadd.s32 $0x8000, s17;
	s22 =	sadd.s32 $0xC000, s17;
	s11 =	ssub.s32 s10, s11  }
0xb: {  	s12 =	sadd.s32 s18, s30;
	s8 =	sadd.s32 s8, s2;
	s15 =	sadd.s32 s18, s17  }
0xc: {  	s16 =	sadd.s32 s19, s2;
	s19 =	sadd.s32 s18, s19;
	s31 =	sadd.s32 s18, s20  }
0xd: {  	s23 =	sadd.s32 s18, s22;
	s18 =	sadd.s32 s20, s2;
	s20 =	sadd.s32 s22, s2  }
0xe: {  	s22 =	simm.s32 $0x2;
	s9 =	sadd.s32 s5, s6;
	s5 =	sadd.s32 $0x36800, s6  }
0xf: {  	s12 =	sshrl.u32 s12, $0x3;
	s11 =	smax.u32 s11, $0x1;
	s13 =	sadd.s32 $0x8000, s8  }
0x10: {  	s14 =	sadd.s32 $0xC000, s8;
	s15 =	sshrl.u32 s15, $0x3;
	s19 =	sshrl.u32 s19, $0x3  }
0x11: {  	s23 =	sshrl.u32 s23, $0x3;
	s6 =	sadd.s32 $0xB7000, s9;
	s7 =	sadd.s32 $0x5000, s9  }
0x12: {  	s9 =	sadd.s32 s30, s2;
	s10 =	sadd.s32 s21, s12;
	s12 =	sadd.s32 $0x4000, s8  }
0x13: {  	s15 =	sadd.s32 s21, s15;
	s17 =	sadd.s32 s21, s19;
	s19 =	sshrl.u32 s31, $0x3  }
0x14: {  	s19 =	sadd.s32 s21, s19;
	s21 =	sadd.s32 s21, s23;
	s23 =	simm.s32 $0x2800  }
.LBB2_1:
0x15: {  	[tilespmem:s3], [sflag:$0x2] =	stream.linear.gather [hbm4b:s6+s3], $0x2780, $0x38;
	[tilespmem:$0x1CC00] =	vst v63  }
0x16: {  	_ =	swait.ge [sflag:s22], $0x2780  }
0x17: {  	[sflag:s22] =	ssyncset.done $0x0  }
0x18: {  	[sflag:s22] =	ssyncadd.s32 $0xFFFFD880  }
0x19: {  	[tilespmem:s23], [sflag:$0x2] =	stream.linear.gather [hbm4b:s7+s3], $0x2780, $0x38;
	[tilespmem:$0x1CC00] =	vst v63  }
0x1a: {  	_ =	swait.ge [sflag:s22], $0x2780  }
0x1b: {  	[sflag:s22] =	ssyncset.done $0x0  }
0x1c: {  	[sflag:s22] =	ssyncadd.s32 $0xFFFFD880  }
0x1d: {  	[tilespmem:s24], [sflag:$0x2] =	stream.linear.gather [hbm4b:s5+s3], $0x4000, $0x38;
	[tilespmem:$0x1CC00] =	vst v63  }
0x1e: {  	_ =	swait.ge [sflag:s22], $0x4000  }
0x1f: {  	[sflag:s22] =	ssyncset.done $0x0  }
0x20: {  	[sflag:s22] =	ssyncadd.s32 $0xFFFFC000  }
0x21: {  	[spmem:s8] =	stream.linear.scatter [tilespmem:s24], [sflag:$0x2], $0x4000, $0x38;
	[tilespmem:$0x1CC00] =	vst v63  }
0x22: {  	_ =	swait.ge [sflag:s22], $0x4000  }
0x23: {  	[sflag:s22] =	ssyncset.done $0x0  }
0x24: {  	[sflag:s22] =	ssyncadd.s32 $0xFFFFC000  }
0x25: {  	[spmem:s12] =	stream.linear.scatter [tilespmem:s24], [sflag:$0x2], $0x4000, $0x38;
	[tilespmem:$0x1CC00] =	vst v63  }
0x26: {  	_ =	swait.ge [sflag:s22], $0x4000  }
0x27: {  	[sflag:s22] =	ssyncset.done $0x0  }
0x28: {  	[sflag:s22] =	ssyncadd.s32 $0xFFFFC000  }
0x29: {  	[spmem:s13] =	stream.linear.scatter [tilespmem:s24], [sflag:$0x2], $0x4000, $0x38;
	[tilespmem:$0x1CC00] =	vst v63  }
0x2a: {  	_ =	swait.ge [sflag:s22], $0x4000  }
0x2b: {  	[sflag:s22] =	ssyncset.done $0x0  }
0x2c: {  	[sflag:s22] =	ssyncadd.s32 $0xFFFFC000  }
0x2d: {  	[spmem:s14] =	stream.linear.scatter [tilespmem:s24], [sflag:$0x2], $0x4000, $0x38;
	[tilespmem:$0x1CC00] =	vst v63  }
0x2e: {  	_ =	swait.ge [sflag:s22], $0x4000  }
0x2f: {  	[sflag:s22] =	ssyncset.done $0x0  }
0x30: {  	[sflag:s22] =	ssyncadd.s32 $0xFFFFC000  }
0x31: {  	[spmem:s9] =	stream.linear.scatter [tilespmem:s24], [sflag:$0x2], $0x3C00, $0x38;
	[tilespmem:$0x1CC00] =	vst v63  }
0x32: {  	_ =	swait.ge [sflag:s22], $0x3C00  }
0x33: {  	[sflag:s22] =	ssyncset.done $0x0  }
0x34: {  	[sflag:s22] =	ssyncadd.s32 $0xFFFFC400  }
0x35: {  	s29 =	simm.s32 $0x0;
	[bflag:$0x0] =	sbarrier.arrive $0xFFFF  }
0x36: {  	[tilespmem:s24], [sflag:$0x1] =	stream.indirect.gather [hbm4b:s4+s25], $0x80, s29, s25, $0xb8;
	[tilespmem:$0x1CC00] =	vst v63  }
0x37: {  	_ =	swait.ge [sflag:s26], $0x4000  }
0x38: {  	[sflag:s26] =	ssyncset.done $0x0  }
0x39: {  	s29 =	simm.s32 $0x2800;
	[sflag:s26] =	ssyncadd.s32 $0xFFFFC000  }
0x3a: {  	[spmem:s2] =	stream.indirect.scatter.add.f32 [tilespmem:s24], [sflag:$0x2], $0x80, s29, s25, $0xb8;
	[tilespmem:$0x1CC00] =	vst v63  }
0x3b: {  	_ =	swait.ge [sflag:s22], $0x4000  }
0x3c: {  	s30 =	simm.s32 $0x400;
	s29 =	simm.s32 $0x200;
	[sflag:s22] =	ssyncset.done $0x0  }
.LBB2_2:
0x3d: {  	s31 =	sshra.s32 s29, $0x2  }
0x3e: {  	[sflag:s22] =	ssyncadd.s32 $0xFFFFC000;
	s29 =	smov.u32 s30;
	s1 =	sadd.s32 $0x200, s30  }
0x3f: {  	[tilespmem:s24], [sflag:$0x1] =	stream.indirect.gather [hbm4b:s4+s25], $0x80, s31, s25, $0xb8;
	[tilespmem:$0x1CC00] =	vst v63  }
0x40: {  	p0 =	sne.s32 s30, $0x9C00;
	_ =	swait.ge [sflag:s26], $0x4000  }
.Ltmp0:
0x41: {  	[sflag:s26] =	ssyncset.done $0x0;
	(pc) =	sbr.rel @p0 .LBB2_2-.Ltmp0, $4  }
0x42: {  	s30 =	sadd.s32 $0x2800, s31;
	[sflag:s26] =	ssyncadd.s32 $0xFFFFC000  }
0x43: {  	[spmem:s2] =	stream.indirect.scatter.add.f32 [tilespmem:s24], [sflag:$0x2], $0x80, s30, s25, $0xb8;
	[tilespmem:$0x1CC00] =	vst v63  }
0x44: {  	_ =	swait.ge [sflag:s22], $0x4000  }
0x45: {  	s30 =	smov.u32 s1;
	[sflag:s22] =	ssyncset.done $0x0  }
0x46: {  	s1 =	sshra.s32 s29, $0x2;
	[sflag:s22] =	ssyncadd.s32 $0xFFFFC000  }
0x47: {  	[tilespmem:s24], [sflag:$0x1] =	stream.indirect.gather [hbm4b:s4+s25], $0x80, s1, s25, $0xb8;
	[tilespmem:$0x1CC00] =	vst v63  }
0x48: {  	_ =	swait.ge [sflag:s26], $0x4000  }
0x49: {  	[sflag:s26] =	ssyncset.done $0x0  }
0x4a: {  	s1 =	sadd.s32 $0x2800, s1;
	[sflag:s26] =	ssyncadd.s32 $0xFFFFC000  }
0x4b: {  	[spmem:s2] =	stream.indirect.scatter.add.f32 [tilespmem:s24], [sflag:$0x2], $0x80, s1, s25, $0xb8;
	[tilespmem:$0x1CC00] =	vst v63  }
0x4c: {  	_ =	swait.ge [sflag:s22], $0x4000  }
0x4d: {  	[sflag:s22] =	ssyncset.done $0x0  }
0x4e: {  	[sflag:s22] =	ssyncadd.s32 $0xFFFFC000  }
0x4f: {  	[bflag:$0x0] =	sbarrier.arrive $0xFFFF  }
0x50: {  	[tilespmem:s24], [sflag:$0x2] =	stream.linear.gather [spmem:s8], $0x4000, $0x38;
	[tilespmem:$0x1CC00] =	vst v63  }
0x51: {  	_ =	swait.ge [sflag:s22], $0x4000  }
0x52: {  	[sflag:s22] =	ssyncset.done $0x0  }
0x53: {  	[sflag:s22] =	ssyncadd.s32 $0xFFFFC000  }
0x54: {  	[hbm4b:s15+s3] =	stream.linear.scatter [tilespmem:s24], [sflag:$0x2], $0x4000, $0x38;
	[tilespmem:$0x1CC00] =	vst v63  }
0x55: {  	_ =	swait.ge [sflag:s22], $0x4000  }
0x56: {  	[sflag:s22] =	ssyncset.done $0x0  }
0x57: {  	[sflag:s22] =	ssyncadd.s32 $0xFFFFC000  }
0x58: {  	[tilespmem:s24], [sflag:$0x2] =	stream.linear.gather [spmem:s16], $0x4000, $0x38;
	[tilespmem:$0x1CC00] =	vst v63  }
0x59: {  	_ =	swait.ge [sflag:s22], $0x4000  }
0x5a: {  	[sflag:s22] =	ssyncset.done $0x0  }
0x5b: {  	[sflag:s22] =	ssyncadd.s32 $0xFFFFC000  }
0x5c: {  	[hbm4b:s17+s3] =	stream.linear.scatter [tilespmem:s24], [sflag:$0x2], $0x4000, $0x38;
	[tilespmem:$0x1CC00] =	vst v63  }
0x5d: {  	_ =	swait.ge [sflag:s22], $0x4000  }
0x5e: {  	[sflag:s22] =	ssyncset.done $0x0  }
0x5f: {  	[sflag:s22] =	ssyncadd.s32 $0xFFFFC000  }
0x60: {  	[tilespmem:s24], [sflag:$0x2] =	stream.linear.gather [spmem:s18], $0x4000, $0x38;
	[tilespmem:$0x1CC00] =	vst v63  }
0x61: {  	_ =	swait.ge [sflag:s22], $0x4000  }
0x62: {  	[sflag:s22] =	ssyncset.done $0x0  }
0x63: {  	[sflag:s22] =	ssyncadd.s32 $0xFFFFC000  }
0x64: {  	[hbm4b:s19+s3] =	stream.linear.scatter [tilespmem:s24], [sflag:$0x2], $0x4000, $0x38;
	[tilespmem:$0x1CC00] =	vst v63  }
0x65: {  	_ =	swait.ge [sflag:s22], $0x4000  }
0x66: {  	[sflag:s22] =	ssyncset.done $0x0  }
0x67: {  	[sflag:s22] =	ssyncadd.s32 $0xFFFFC000  }
0x68: {  	[tilespmem:s24], [sflag:$0x2] =	stream.linear.gather [spmem:s20], $0x4000, $0x38;
	[tilespmem:$0x1CC00] =	vst v63  }
0x69: {  	_ =	swait.ge [sflag:s22], $0x4000  }
0x6a: {  	[sflag:s22] =	ssyncset.done $0x0  }
0x6b: {  	[sflag:s22] =	ssyncadd.s32 $0xFFFFC000  }
0x6c: {  	[hbm4b:s21+s3] =	stream.linear.scatter [tilespmem:s24], [sflag:$0x2], $0x4000, $0x38;
	[tilespmem:$0x1CC00] =	vst v63  }
0x6d: {  	_ =	swait.ge [sflag:s22], $0x4000  }
0x6e: {  	[sflag:s22] =	ssyncset.done $0x0  }
0x6f: {  	[sflag:s22] =	ssyncadd.s32 $0xFFFFC000  }
0x70: {  	[tilespmem:s24], [sflag:$0x2] =	stream.linear.gather [spmem:s9], $0x3C00, $0x38;
	[tilespmem:$0x1CC00] =	vst v63  }
0x71: {  	s28 =	sadd.s32 $0x1, s28;
	_ =	swait.ge [sflag:s22], $0x3C00  }
0x72: {  	p0 =	sne.s32 s28, s11;
	[sflag:s22] =	ssyncset.done $0x0  }
.Ltmp1:
0x73: {  	[sflag:s22] =	ssyncadd.s32 $0xFFFFC400;
	(pc) =	sbr.rel @p0 .LBB2_1-.Ltmp1, $4  }
0x74: {  	[hbm4b:s10+s3] =	stream.linear.scatter [tilespmem:s24], [sflag:$0x2], $0x3C00, $0x38;
	[tilespmem:$0x1CC00] =	vst v63  }
0x75: {  	_ =	swait.ge [sflag:s22], $0x3C00  }
0x76: {  	[sflag:s22] =	ssyncset.done $0x0  }
0x77: {  	[sflag:s22] =	ssyncadd.s32 $0xFFFFC400  }
0x78: {  	_ =	sfence.sel $0x180000  }
0x79: {  	[bflag:$0x0] =	sbarrier.arrive $0xFFFF  }
0x7a: {  	_ =	strace $0x90000050  }
0x7b: {  	[bflag:$0x2] =	sbarrier.arrive $0xFFFF  }
0x7c: {  	p0 =	sne.s32 s0, $0x0;
	s0 =	rddreg [dreg:$0x2]  }
0x7d: {  	s0 =	sadd.s32 @!p0 $0x100000, s0  }
0x7e: {  	[sflag:s0] =	ssyncadd.tile.s32 @!p0 $0x1;
	_ =	shalt  }
.Lfunc_end2:
_tile_overlayer_lowered:
.L_overlay_start_2:
0x7f: {  	(tag) =	ssettag $0x2  }
0x80: {  	s0 =	rddreg [dreg:$0x0];
	s2 =	stileid.u32  }
0x81: {  	s1 =	rddreg [dreg:$0x1];
	p0 =	sne.s32 s2, $0x0  }
0x82: {  	s3 =	rddreg [dreg:$0x2];
	[bflag:$0x3] =	sbarrier.arrive $0xFFFF;
	s2 =	simm.s32 @!p0 $0x1C02  }
0x83: {  	[timem:s3], [sflag:s2] =	dma.local @!p0 [hbm:s0], s1  }
0x84: {  	s0 =	simm.s32 @!p0 $0x2  }
0x85: {  	_ =	swait.ge @!p0 [sflag:s0], s1  }
0x86: {  	s1 =	ssub.s32 @!p0 $0x0, s1;
	[sflag:s0] =	ssyncset.done @!p0 $0x0  }
0x87: {  	[sflag:s0] =	ssyncadd.s32 @!p0 s1  }
0x88: {  	[bflag:$0x3] =	sbarrier.arrive $0xFFFF  }
0x89: {  	_ =	shalt  }

// kernel: kernel.27.cloned.1.call-start
scs
__scs_entry_jumppad:
0x0: {  	(pc) =	sbr.rel $0x88, $3  }
0x1: {  	(tag) =	ssettag $0x0;
	lr =	simm.s32 $0x1  }
0x2: {  	[smem:$0x3F92] =	sst lr;
	_ =	strace $0xD0000000  }
0x3: {  	_ = 	snop  }
0x4: {  	_ = 	snop  }
0x5: {  	_ = 	snop  }
0x6: {  	_ = 	snop  }
0x7: {  	_ = 	snop  }
__scs_overlays_trampoline_lowered:
0x8: {  	[smem:$0x3FA1] =	sst s0  }
0x9: {  	[smem:$0x3FA2] =	sst s1  }
0xa: {  	[smem:$0x3FA3] =	sst s2  }
0xb: {  	[smem:$0x3FA4] =	sst s3  }
0xc: {  	[smem:$0x3FA5] =	sst s4  }
0xd: {  	[smem:$0x3FA6] =	sst s5  }
0xe: {  	[smem:$0x3FA7] =	sst s6  }
0xf: {  	[smem:$0x3FA8] =	sst s7  }
0x10: {  	[smem:$0x3FA9] =	sst s8  }
0x11: {  	[smem:$0x3FAA] =	sst s9;
	s0 =	simm.s32 @!p0 $0x0  }
0x12: {  	s1 =	sld [smem:$0x3F90];
	s0 =	simm.s32 @p0 $0x1  }
0x13: {  	[smem:$0x3FAB] =	sst s0;
	s0 =	simm.s32 @!p1 $0x0  }
0x14: {  	s2 =	sld [smem:$0x3F8F];
	s0 =	simm.s32 @p1 $0x1  }
0x15: {  	[smem:$0x3FAC] =	sst s0;
	s0 =	simm.s32 @!p2 $0x0  }
0x16: {  	s3 =	sld [smem:$0x3FDB];
	s0 =	simm.s32 @p2 $0x1  }
0x17: {  	s4 =	simm.s32 $0x1BF5;
	[smem:$0x3FAE] =	sst s0  }
0x18: {  	s0 =	sld [smem:$0x3F91];
	_ =	swait.ge [sflag:s4], $0x0  }
0x19: {  	s7 =	sld [smem:$0x3F92]  }
0x1a: {  	s8 =	sadd.s32 $0xFFFFE003, lr  }
0x1b: {  	s9 =	sadd.s32 $0xFFFFFEF7, lr;
	s5 =	simm.s32 $0xFFFFFFFF;
	p2 =	slt.u32 s8, $0xFFFFF086  }
0x1c: {  	p1 =	slt.u32 s9, $0xF7A;
	s5 =	simm.s32 @!p2 $0x0  }
0x1d: {  	s5 =	simm.s32 @p1 $0x1;
	p0 =	seq.s32 s7, s2  }
0x1e: {  	s7 =	smul.u32 @!p0 $0xF7A, s2;
	p2 =	seq.s32 @!p0 s5, $0x0  }
0x1f: {  	s9 =	smul.u32 $0xF7A, s1;
	s8 =	simm.s32 @!p0 $0x1BF5;
	p2 =	por !p2, p0  }
0x20: {  	[sflag:s8] =	ssyncset.s32 @!p0 $0xFFFFF086;
	s6 =	sadd.s32 @!p0 s3, s7;
	s7 =	simm.s32 @!p0 $0x108  }
0x21: {  	s3 =	sadd.s32 s3, s9;
	s6 =	sadd.s32 @!p0 $0x88, s6;
	s7 =	simm.s32 @p2 $0x1082  }
0x22: {  	[simem:s7], [sflag:s8] =	dma.local @!p0 [hbm:s6], $0xF7A  }
0x23: {  	s9 =	sor.u32 $0xD0000000, s2;
	s6 =	simm.s32 $0x108;
	_ =	swait.ge @!p0 [sflag:s8], $0x0  }
0x24: {  	s3 =	sadd.s32 $0x88, s3;
	s6 =	simm.s32 @!p1 $0x1082;
	[sflag:s4] =	ssyncset.s32 $0xFFFFF086  }
0x25: {  	[simem:s6], [sflag:s4] =	dma.local [hbm:s3], $0xF7A  }
0x26: {  	[smem:$0x3F92] =	sst s1;
	(tag) =	ssettag s2;
	_ =	strace s9  }
0x27: {  	s1 =	sld [smem:$0x3FA2]  }
0x28: {  	s2 =	sld [smem:$0x3FA3]  }
0x29: {  	s4 =	sld [smem:$0x3FA5]  }
0x2a: {  	p0 =	seq.s32 s5, $0x0;
	s5 =	sld [smem:$0x3FA6]  }
0x2b: {  	s6 =	sld [smem:$0x3FA7]  }
0x2c: {  	s7 =	sld [smem:$0x3FA8]  }
0x2d: {  	s3 =	simm.s32 $0x108;
	s8 =	sld [smem:$0x3FA9]  }
0x2e: {  	s3 =	simm.s32 @!p0 $0x1082;
	s9 =	sld [smem:$0x3FAA]  }
0x2f: {  	lr =	sadd.s32 s0, s3;
	s0 =	sld [smem:$0x3FA1]  }
0x30: {  	s3 =	sld [smem:$0x3FA4]  }
0x31: {  	[smem:$0x3FAD] =	sst s10  }
0x32: {  	s10 =	sld [smem:$0x3FAB];
	_ =	sdelay $0x3  }
0x33: {  	p0 =	seq.s32 s10, $0x1;
	s10 =	sld [smem:$0x3FAD];
	_ =	sdelay $0x3  }
0x34: {  	[smem:$0x3FAD] =	sst s10  }
0x35: {  	s10 =	sld [smem:$0x3FAC];
	_ =	sdelay $0x3  }
0x36: {  	p1 =	seq.s32 s10, $0x1;
	s10 =	sld [smem:$0x3FAD];
	_ =	sdelay $0x3  }
0x37: {  	[smem:$0x3FAD] =	sst s10  }
0x38: {  	s10 =	sld [smem:$0x3FAE]  }
0x39: {  	_ = 	snop;
	(pc) =	sbr.ind lr, $3  }
0x3a: {  	_ = 	snop  }
0x3b: {  	_ = 	snop  }
0x3c: {  	p2 =	seq.s32 s10, $0x1;
	s10 =	sld [smem:$0x3FAD]  }
0x3d: {  	_ =	shalt  }
0x3e: {  	_ =	shalt  }
0x3f: {  	_ =	shalt  }
0x40: {  	_ =	shalt  }
0x41: {  	_ =	shalt  }
0x42: {  	_ =	shalt  }
0x43: {  	_ =	shalt  }
0x44: {  	_ =	shalt  }
0x45: {  	_ =	shalt  }
0x46: {  	_ =	shalt  }
0x47: {  	_ =	shalt  }
0x48: {  	_ =	shalt  }
0x49: {  	_ =	shalt  }
0x4a: {  	_ =	shalt  }
0x4b: {  	_ =	shalt  }
0x4c: {  	_ =	shalt  }
0x4d: {  	_ =	shalt  }
0x4e: {  	_ =	shalt  }
0x4f: {  	_ =	shalt  }
0x50: {  	_ =	shalt  }
0x51: {  	_ =	shalt  }
0x52: {  	_ =	shalt  }
0x53: {  	_ =	shalt  }
0x54: {  	_ =	shalt  }
0x55: {  	_ =	shalt  }
0x56: {  	_ =	shalt  }
0x57: {  	_ =	shalt  }
0x58: {  	_ =	shalt  }
0x59: {  	_ =	shalt  }
0x5a: {  	_ =	shalt  }
0x5b: {  	_ =	shalt  }
0x5c: {  	_ =	shalt  }
0x5d: {  	_ =	shalt  }
0x5e: {  	_ =	shalt  }
0x5f: {  	_ =	shalt  }
0x60: {  	_ =	shalt  }
0x61: {  	_ =	shalt  }
0x62: {  	_ =	shalt  }
0x63: {  	_ =	shalt  }
0x64: {  	_ =	shalt  }
0x65: {  	_ =	shalt  }
0x66: {  	_ =	shalt  }
0x67: {  	_ =	shalt  }
0x68: {  	_ =	shalt  }
0x69: {  	_ =	shalt  }
0x6a: {  	_ =	shalt  }
0x6b: {  	_ =	shalt  }
0x6c: {  	_ =	shalt  }
0x6d: {  	_ =	shalt  }
0x6e: {  	_ =	shalt  }
0x6f: {  	_ =	shalt  }
0x70: {  	_ =	shalt  }
0x71: {  	_ =	shalt  }
0x72: {  	_ =	shalt  }
0x73: {  	_ =	shalt  }
0x74: {  	_ =	shalt  }
0x75: {  	_ =	shalt  }
0x76: {  	_ =	shalt  }
0x77: {  	_ =	shalt  }
0x78: {  	_ =	shalt  }
0x79: {  	_ =	shalt  }
0x7a: {  	_ =	shalt  }
0x7b: {  	_ =	shalt  }
0x7c: {  	_ =	shalt  }
0x7d: {  	_ =	shalt  }
0x7e: {  	_ =	shalt  }
0x7f: {  	_ =	shalt  }
0x80: {  	_ =	shalt  }
0x81: {  	_ =	shalt  }
0x82: {  	_ =	shalt  }
0x83: {  	_ =	shalt  }
0x84: {  	_ =	shalt  }
0x85: {  	_ =	shalt  }
0x86: {  	_ =	shalt  }
0x87: {  	_ =	shalt  }
.Lfunc_end0:
.L_simem_size_0:
called_computation.4_lowered:
.L_overlay_start_0:
0x88: {  	s2 =	sld [smem:$0x3FD9]  }
0x89: {  	s3 =	sld [smem:$0x3FFE];
	_ =	sdelay $0x1  }
0x8a: {  	s1 =	srdreg.scid  }
0x8b: {  	s0 =	sand.u32 $0x1, s1  }
0x8c: {  	s16 =	sshll.u32 s0, $0xA;
	s2 =	sadd.s32 s3, s2  }
0x8d: {  	s2 =	sadd.s32 s2, s16  }
0x8e: {  	[smem:$0x3FB9] =	sst s2  }
0x8f: {  	_ = 	snop  }
0x90: {  	(tm) =	ssettm $0x1  }
0x91: {  	s17 =	sld [smem:$0x3FFB];
	_ =	sdelay $0x3  }
0x92: {  	_ =	strace s17  }
0x93: {  	s2 =	sld [smem:$0x3FFC];
	_ =	sdelay $0x3  }
0x94: {  	_ =	strace s2  }
0x95: {  	s2 =	sld [smem:$0x3FFD];
	_ =	sdelay $0x3  }
0x96: {  	_ =	strace s2  }
0x97: {  	_ =	strace $0x8FFFFFFF  }
0x98: {  	s18 =	sld [smem:$0x3FDB];
	_ =	sdelay $0x1  }
0x99: {  	s19 =	simm.s32 $_scs_section_size  }
0x9a: {  	s4 =	simm.s32 $_size__tile_overlayer_lowered;
	s5 =	simm.s32 $_tile_overlayer_lowered  }
0x9b: {  	s22 =	simm.s32 $0x1BFF;
	s21 =	sshll.u32 s5, $0x1;
	s2 =	sadd.s32 s19, s18  }
0x9c: {  	s6 =	simm.s32 $0x0;
	s20 =	sshll.u32 s4, $0x1;
	s4 =	sadd.s32 s21, s2  }
0x9d: {  	[timem:s6], [sflag:s22] =	dma.local [hbm:s4], s20  }
0x9e: {  	_ =	swait.ge [sflag:s22], s20  }
0x9f: {  	s3 =	ssub.s32 $0x0, s20;
	[sflag:s22] =	ssyncset.done $0x0  }
0xa0: {  	[sflag:s22] =	ssyncadd.s32 s3;
	_ =	sdelay $0x1  }
0xa1: {  	s23 =	simm.s32 $0x1B8B  }
0xa2: {  	_ =	swait.ge [sflag:s23], $0x1  }
0xa3: {  	[sflag:s23] =	ssyncset.done $0x0  }
0xa4: {  	s25 =	simm.s32 $0x1B8E;
	s24 =	sld [smem:$0x3FFE];
	[sflag:s23] =	ssyncadd.s32 $0xFFFFFFFF  }
0xa5: {  	s26 =	simm.s32 $execute0_lowered;
	[smem:$0x3FD2] =	sst s25  }
0xa6: {  	s4 =	sshll.u32 s26, $0x1;
	_ =	strace $0x80000052;
	[dreg:$0x1] =	wrdreg $0xFFFFFFFF  }
0xa7: {  	s28 =	simm.s32 $_size_execute0_lowered;
	s2 =	sadd.s32 s2, s4;
	[dreg:$0x0] =	wrdreg $0x0  }
0xa8: {  	s4 =	sshll.u32 s28, $0x1;
	[dreg:$0x2] =	wrdreg s2  }
0xa9: {  	[dreg:$0x3] =	wrdreg s4  }
0xaa: {  	[dreg:$0x4] =	wrdreg $0xC0  }
0xab: {  	_ =	task [dreg:s6], $0x5FFFF  }
0xac: {  	[dreg:$0x1] =	wrdreg $0xFFFFFFFF  }
0xad: {  	[dreg:$0x0] =	wrdreg $0x60  }
0xae: {  	[dreg:$0x2] =	wrdreg s24  }
0xaf: {  	[dreg:$0x3] =	wrdreg $0x90000  }
0xb0: {  	[dreg:$0x4] =	wrdreg $0x9  }
0xb1: {  	_ =	task.clear_ibuf [dreg:s6], $0x5FFFF;
	_ =	strace $0x90000052  }
0xb2: {  	s29 =	simm.s32 $0x9;
	_ =	strace $0x80000054  }
0xb3: {  	_ =	swait.ge [sflag:s29], $0x1  }
0xb4: {  	[sflag:s29] =	ssyncadd.s32 $0xFFFFFFFF  }
0xb5: {  	_ =	strace $0x90000054  }
0xb6: {  	_ =	sfence  }
0xb7: {  	s30 =	sld [smem:$0x0];
	_ =	sdelay $0x2  }
0xb8: {  	s31 =	sshll.u32 s1, $0xD;
	s1 =	sshrl.u32 s1, $0x2  }
0xb9: {  	s3 =	sand.u32 $0x4000, s31;
	s1 =	sadd.s32 s1, s30  }
0xba: {  	s0 =	sor.u32 s3, s0;
	s1 =	sshll.u32 s1, $0x11  }
0xbb: {  	s0 =	sor.u32 s1, s0  }
0xbc: {  	s0 =	sadd.s32 $0x8F2B, s0  }
0xbd: {  	[sflag:s0] =	ssyncadd.remote.s32 $0x1  }
0xbe: {  	_ =	sfence.sel $0xFFFF  }
0xbf: {  	[dreg:$0x0] =	wrdreg $0xFFFFFFFF;
	(pc) =	sbr.abs _section_cstart, $3  }
0xc0: {  	[dreg:$0x1] =	wrdreg $0xFFFFFFFF  }
0xc1: {  	_ =	task.clear_ibuf [dreg:s6], $0x2FFFF;
	_ =	strace $0x9FFFFFFF  }
0xc2: {  	(tm) =	ssettm $0x7FFFFFFF  }
0xc3: {  	_ =	shalt  }
tec
execute0_lowered:
.L_overlay_start_1:
0x0: {  	(tag) =	ssettag $0x1  }
0x1: {  	s6 =	rddreg [dreg:$0x0];
	s1 =	srdreg.scid  }
0x2: {  	s0 =	stileid.u32;
	s2 =	rddreg [dreg:$0x1]  }
0x3: {  	s3 =	simm.s32 $0x0;
	s24 =	simm.s32 $0x5000;
	s25 =	simm.s32 $0x80  }
0x4: {  	s26 =	simm.s32 $0x1;
	s28 =	simm.s32 $0x0;
	s7 =	sand.u32 $0x1, s1  }
0x5: {  	s4 =	sshll.u32 s0, $0x1;
	[smem:$0x7FF] =	sst s3;
	s8 =	smul.u32 $0x4F000, s0  }
0x6: {  	s17 =	smul.u32 $0x13C00, s0;
	s21 =	sadd.s32 $0x37000, s6;
	s4 =	sor.u32 s7, s4  }
0x7: {  	_ =	strace $0x80000053;
	s10 =	ssub.s32 $0x2, s7;
	s18 =	smul.u32 $0x13C000, s7  }
0x8: {  	s5 =	smul.u32 $0x500, s4;
	s4 =	sadd.s32 $0xF000, s6;
	s11 =	sshrl.u32 s10, $0x1  }
0x9: {  	s30 =	sadd.s32 $0x10000, s17;
	s8 =	sshrl.u32 s8, $0x2;
	s19 =	sadd.s32 $0x4000, s17  }
0xa: {  	s20 =	sadd.s32 $0x8000, s17;
	s22 =	sadd.s32 $0xC000, s17;
	s11 =	ssub.s32 s10, s11  }
0xb: {  	s12 =	sadd.s32 s18, s30;
	s8 =	sadd.s32 s8, s2;
	s15 =	sadd.s32 s18, s17  }
0xc: {  	s16 =	sadd.s32 s19, s2;
	s19 =	sadd.s32 s18, s19;
	s31 =	sadd.s32 s18, s20  }
0xd: {  	s23 =	sadd.s32 s18, s22;
	s18 =	sadd.s32 s20, s2;
	s20 =	sadd.s32 s22, s2  }
0xe: {  	s22 =	simm.s32 $0x2;
	s9 =	sadd.s32 s5, s6;
	s5 =	sadd.s32 $0x36800, s6  }
0xf: {  	s12 =	sshrl.u32 s12, $0x3;
	s11 =	smax.u32 s11, $0x1;
	s13 =	sadd.s32 $0x8000, s8  }
0x10: {  	s14 =	sadd.s32 $0xC000, s8;
	s15 =	sshrl.u32 s15, $0x3;
	s19 =	sshrl.u32 s19, $0x3  }
0x11: {  	s23 =	sshrl.u32 s23, $0x3;
	s6 =	sadd.s32 $0xB7000, s9;
	s7 =	sadd.s32 $0x5000, s9  }
0x12: {  	s9 =	sadd.s32 s30, s2;
	s10 =	sadd.s32 s21, s12;
	s12 =	sadd.s32 $0x4000, s8  }
0x13: {  	s15 =	sadd.s32 s21, s15;
	s17 =	sadd.s32 s21, s19;
	s19 =	sshrl.u32 s31, $0x3  }
0x14: {  	s19 =	sadd.s32 s21, s19;
	s21 =	sadd.s32 s21, s23;
	s23 =	simm.s32 $0x2800  }
.LBB2_1:
0x15: {  	[tilespmem:s3], [sflag:$0x2] =	stream.linear.gather [hbm4b:s6+s3], $0x2780, $0x38;
	[tilespmem:$0x1CC00] =	vst v63  }
0x16: {  	_ =	swait.ge [sflag:s22], $0x2780  }
0x17: {  	[sflag:s22] =	ssyncset.done $0x0  }
0x18: {  	[sflag:s22] =	ssyncadd.s32 $0xFFFFD880  }
0x19: {  	[tilespmem:s23], [sflag:$0x2] =	stream.linear.gather [hbm4b:s7+s3], $0x2780, $0x38;
	[tilespmem:$0x1CC00] =	vst v63  }
0x1a: {  	_ =	swait.ge [sflag:s22], $0x2780  }
0x1b: {  	[sflag:s22] =	ssyncset.done $0x0  }
0x1c: {  	[sflag:s22] =	ssyncadd.s32 $0xFFFFD880  }
0x1d: {  	[tilespmem:s24], [sflag:$0x2] =	stream.linear.gather [hbm4b:s5+s3], $0x4000, $0x38;
	[tilespmem:$0x1CC00] =	vst v63  }
0x1e: {  	_ =	swait.ge [sflag:s22], $0x4000  }
0x1f: {  	[sflag:s22] =	ssyncset.done $0x0  }
0x20: {  	[sflag:s22] =	ssyncadd.s32 $0xFFFFC000  }
0x21: {  	[spmem:s8] =	stream.linear.scatter [tilespmem:s24], [sflag:$0x2], $0x4000, $0x38;
	[tilespmem:$0x1CC00] =	vst v63  }
0x22: {  	_ =	swait.ge [sflag:s22], $0x4000  }
0x23: {  	[sflag:s22] =	ssyncset.done $0x0  }
0x24: {  	[sflag:s22] =	ssyncadd.s32 $0xFFFFC000  }
0x25: {  	[spmem:s12] =	stream.linear.scatter [tilespmem:s24], [sflag:$0x2], $0x4000, $0x38;
	[tilespmem:$0x1CC00] =	vst v63  }
0x26: {  	_ =	swait.ge [sflag:s22], $0x4000  }
0x27: {  	[sflag:s22] =	ssyncset.done $0x0  }
0x28: {  	[sflag:s22] =	ssyncadd.s32 $0xFFFFC000  }
0x29: {  	[spmem:s13] =	stream.linear.scatter [tilespmem:s24], [sflag:$0x2], $0x4000, $0x38;
	[tilespmem:$0x1CC00] =	vst v63  }
0x2a: {  	_ =	swait.ge [sflag:s22], $0x4000  }
0x2b: {  	[sflag:s22] =	ssyncset.done $0x0  }
0x2c: {  	[sflag:s22] =	ssyncadd.s32 $0xFFFFC000  }
0x2d: {  	[spmem:s14] =	stream.linear.scatter [tilespmem:s24], [sflag:$0x2], $0x4000, $0x38;
	[tilespmem:$0x1CC00] =	vst v63  }
0x2e: {  	_ =	swait.ge [sflag:s22], $0x4000  }
0x2f: {  	[sflag:s22] =	ssyncset.done $0x0  }
0x30: {  	[sflag:s22] =	ssyncadd.s32 $0xFFFFC000  }
0x31: {  	[spmem:s9] =	stream.linear.scatter [tilespmem:s24], [sflag:$0x2], $0x3C00, $0x38;
	[tilespmem:$0x1CC00] =	vst v63  }
0x32: {  	_ =	swait.ge [sflag:s22], $0x3C00  }
0x33: {  	[sflag:s22] =	ssyncset.done $0x0  }
0x34: {  	[sflag:s22] =	ssyncadd.s32 $0xFFFFC400  }
0x35: {  	s29 =	simm.s32 $0x0;
	[bflag:$0x0] =	sbarrier.arrive $0xFFFF  }
0x36: {  	[tilespmem:s24], [sflag:$0x1] =	stream.indirect.gather [hbm4b:s4+s25], $0x80, s29, s25, $0xb8;
	[tilespmem:$0x1CC00] =	vst v63  }
0x37: {  	_ =	swait.ge [sflag:s26], $0x4000  }
0x38: {  	[sflag:s26] =	ssyncset.done $0x0  }
0x39: {  	s29 =	simm.s32 $0x2800;
	[sflag:s26] =	ssyncadd.s32 $0xFFFFC000  }
0x3a: {  	[spmem:s2] =	stream.indirect.scatter.add.f32 [tilespmem:s24], [sflag:$0x2], $0x80, s29, s25, $0xb8;
	[tilespmem:$0x1CC00] =	vst v63  }
0x3b: {  	_ =	swait.ge [sflag:s22], $0x4000  }
0x3c: {  	s30 =	simm.s32 $0x400;
	s29 =	simm.s32 $0x200;
	[sflag:s22] =	ssyncset.done $0x0  }
.LBB2_2:
0x3d: {  	s31 =	sshra.s32 s29, $0x2  }
0x3e: {  	[sflag:s22] =	ssyncadd.s32 $0xFFFFC000;
	s29 =	smov.u32 s30;
	s1 =	sadd.s32 $0x200, s30  }
0x3f: {  	[tilespmem:s24], [sflag:$0x1] =	stream.indirect.gather [hbm4b:s4+s25], $0x80, s31, s25, $0xb8;
	[tilespmem:$0x1CC00] =	vst v63  }
0x40: {  	p0 =	sne.s32 s30, $0x9C00;
	_ =	swait.ge [sflag:s26], $0x4000  }
.Ltmp0:
0x41: {  	[sflag:s26] =	ssyncset.done $0x0;
	(pc) =	sbr.rel @p0 .LBB2_2-.Ltmp0, $4  }
0x42: {  	s30 =	sadd.s32 $0x2800, s31;
	[sflag:s26] =	ssyncadd.s32 $0xFFFFC000  }
0x43: {  	[spmem:s2] =	stream.indirect.scatter.add.f32 [tilespmem:s24], [sflag:$0x2], $0x80, s30, s25, $0xb8;
	[tilespmem:$0x1CC00] =	vst v63  }
0x44: {  	_ =	swait.ge [sflag:s22], $0x4000  }
0x45: {  	s30 =	smov.u32 s1;
	[sflag:s22] =	ssyncset.done $0x0  }
0x46: {  	s1 =	sshra.s32 s29, $0x2;
	[sflag:s22] =	ssyncadd.s32 $0xFFFFC000  }
0x47: {  	[tilespmem:s24], [sflag:$0x1] =	stream.indirect.gather [hbm4b:s4+s25], $0x80, s1, s25, $0xb8;
	[tilespmem:$0x1CC00] =	vst v63  }
0x48: {  	_ =	swait.ge [sflag:s26], $0x4000  }
0x49: {  	[sflag:s26] =	ssyncset.done $0x0  }
0x4a: {  	s1 =	sadd.s32 $0x2800, s1;
	[sflag:s26] =	ssyncadd.s32 $0xFFFFC000  }
0x4b: {  	[spmem:s2] =	stream.indirect.scatter.add.f32 [tilespmem:s24], [sflag:$0x2], $0x80, s1, s25, $0xb8;
	[tilespmem:$0x1CC00] =	vst v63  }
0x4c: {  	_ =	swait.ge [sflag:s22], $0x4000  }
0x4d: {  	[sflag:s22] =	ssyncset.done $0x0  }
0x4e: {  	[sflag:s22] =	ssyncadd.s32 $0xFFFFC000  }
0x4f: {  	[bflag:$0x0] =	sbarrier.arrive $0xFFFF  }
0x50: {  	[tilespmem:s24], [sflag:$0x2] =	stream.linear.gather [spmem:s8], $0x4000, $0x38;
	[tilespmem:$0x1CC00] =	vst v63  }
0x51: {  	_ =	swait.ge [sflag:s22], $0x4000  }
0x52: {  	[sflag:s22] =	ssyncset.done $0x0  }
0x53: {  	[sflag:s22] =	ssyncadd.s32 $0xFFFFC000  }
0x54: {  	[hbm4b:s15+s3] =	stream.linear.scatter [tilespmem:s24], [sflag:$0x2], $0x4000, $0x38;
	[tilespmem:$0x1CC00] =	vst v63  }
0x55: {  	_ =	swait.ge [sflag:s22], $0x4000  }
0x56: {  	[sflag:s22] =	ssyncset.done $0x0  }
0x57: {  	[sflag:s22] =	ssyncadd.s32 $0xFFFFC000  }
0x58: {  	[tilespmem:s24], [sflag:$0x2] =	stream.linear.gather [spmem:s16], $0x4000, $0x38;
	[tilespmem:$0x1CC00] =	vst v63  }
0x59: {  	_ =	swait.ge [sflag:s22], $0x4000  }
0x5a: {  	[sflag:s22] =	ssyncset.done $0x0  }
0x5b: {  	[sflag:s22] =	ssyncadd.s32 $0xFFFFC000  }
0x5c: {  	[hbm4b:s17+s3] =	stream.linear.scatter [tilespmem:s24], [sflag:$0x2], $0x4000, $0x38;
	[tilespmem:$0x1CC00] =	vst v63  }
0x5d: {  	_ =	swait.ge [sflag:s22], $0x4000  }
0x5e: {  	[sflag:s22] =	ssyncset.done $0x0  }
0x5f: {  	[sflag:s22] =	ssyncadd.s32 $0xFFFFC000  }
0x60: {  	[tilespmem:s24], [sflag:$0x2] =	stream.linear.gather [spmem:s18], $0x4000, $0x38;
	[tilespmem:$0x1CC00] =	vst v63  }
0x61: {  	_ =	swait.ge [sflag:s22], $0x4000  }
0x62: {  	[sflag:s22] =	ssyncset.done $0x0  }
0x63: {  	[sflag:s22] =	ssyncadd.s32 $0xFFFFC000  }
0x64: {  	[hbm4b:s19+s3] =	stream.linear.scatter [tilespmem:s24], [sflag:$0x2], $0x4000, $0x38;
	[tilespmem:$0x1CC00] =	vst v63  }
0x65: {  	_ =	swait.ge [sflag:s22], $0x4000  }
0x66: {  	[sflag:s22] =	ssyncset.done $0x0  }
0x67: {  	[sflag:s22] =	ssyncadd.s32 $0xFFFFC000  }
0x68: {  	[tilespmem:s24], [sflag:$0x2] =	stream.linear.gather [spmem:s20], $0x4000, $0x38;
	[tilespmem:$0x1CC00] =	vst v63  }
0x69: {  	_ =	swait.ge [sflag:s22], $0x4000  }
0x6a: {  	[sflag:s22] =	ssyncset.done $0x0  }
0x6b: {  	[sflag:s22] =	ssyncadd.s32 $0xFFFFC000  }
0x6c: {  	[hbm4b:s21+s3] =	stream.linear.scatter [tilespmem:s24], [sflag:$0x2], $0x4000, $0x38;
	[tilespmem:$0x1CC00] =	vst v63  }
0x6d: {  	_ =	swait.ge [sflag:s22], $0x4000  }
0x6e: {  	[sflag:s22] =	ssyncset.done $0x0  }
0x6f: {  	[sflag:s22] =	ssyncadd.s32 $0xFFFFC000  }
0x70: {  	[tilespmem:s24], [sflag:$0x2] =	stream.linear.gather [spmem:s9], $0x3C00, $0x38;
	[tilespmem:$0x1CC00] =	vst v63  }
0x71: {  	s28 =	sadd.s32 $0x1, s28;
	_ =	swait.ge [sflag:s22], $0x3C00  }
0x72: {  	p0 =	sne.s32 s28, s11;
	[sflag:s22] =	ssyncset.done $0x0  }
.Ltmp1:
0x73: {  	[sflag:s22] =	ssyncadd.s32 $0xFFFFC400;
	(pc) =	sbr.rel @p0 .LBB2_1-.Ltmp1, $4  }
0x74: {  	[hbm4b:s10+s3] =	stream.linear.scatter [tilespmem:s24], [sflag:$0x2], $0x3C00, $0x38;
	[tilespmem:$0x1CC00] =	vst v63  }
0x75: {  	_ =	swait.ge [sflag:s22], $0x3C00  }
0x76: {  	[sflag:s22] =	ssyncset.done $0x0  }
0x77: {  	[sflag:s22] =	ssyncadd.s32 $0xFFFFC400  }
0x78: {  	_ =	sfence.sel $0x180000  }
0x79: {  	[bflag:$0x0] =	sbarrier.arrive $0xFFFF  }
0x7a: {  	_ =	strace $0x90000053  }
0x7b: {  	[bflag:$0x2] =	sbarrier.arrive $0xFFFF  }
0x7c: {  	p0 =	sne.s32 s0, $0x0;
	s0 =	rddreg [dreg:$0x2]  }
0x7d: {  	s0 =	sadd.s32 @!p0 $0x100000, s0  }
0x7e: {  	[sflag:s0] =	ssyncadd.tile.s32 @!p0 $0x1;
	_ =	shalt  }
.Lfunc_end2:
_tile_overlayer_lowered:
.L_overlay_start_2:
0x7f: {  	(tag) =	ssettag $0x2  }
0x80: {  	s0 =	rddreg [dreg:$0x0];
	s2 =	stileid.u32  }
0x81: {  	s1 =	rddreg [dreg:$0x1];
	p0 =	sne.s32 s2, $0x0  }
0x82: {  	s3 =	rddreg [dreg:$0x2];
	[bflag:$0x3] =	sbarrier.arrive $0xFFFF;
	s2 =	simm.s32 @!p0 $0x1C02  }
0x83: {  	[timem:s3], [sflag:s2] =	dma.local @!p0 [hbm:s0], s1  }
0x84: {  	s0 =	simm.s32 @!p0 $0x2  }
0x85: {  	_ =	swait.ge @!p0 [sflag:s0], s1  }
0x86: {  	s1 =	ssub.s32 @!p0 $0x0, s1;
	[sflag:s0] =	ssyncset.done @!p0 $0x0  }
0x87: {  	[sflag:s0] =	ssyncadd.s32 @!p0 s1  }
0x88: {  	[bflag:$0x3] =	sbarrier.arrive $0xFFFF  }
0x89: {  	_ =	shalt  }

// kernel: kernel.30.cloned.1.call-start
scs
__scs_entry_jumppad:
0x0: {  	(pc) =	sbr.rel $0x88, $3  }
0x1: {  	(tag) =	ssettag $0x0;
	lr =	simm.s32 $0x1  }
0x2: {  	[smem:$0x3F92] =	sst lr;
	_ =	strace $0xD0000000  }
0x3: {  	_ = 	snop  }
0x4: {  	_ = 	snop  }
0x5: {  	_ = 	snop  }
0x6: {  	_ = 	snop  }
0x7: {  	_ = 	snop  }
__scs_overlays_trampoline_lowered:
0x8: {  	[smem:$0x3FA1] =	sst s0  }
0x9: {  	[smem:$0x3FA2] =	sst s1  }
0xa: {  	[smem:$0x3FA3] =	sst s2  }
0xb: {  	[smem:$0x3FA4] =	sst s3  }
0xc: {  	[smem:$0x3FA5] =	sst s4  }
0xd: {  	[smem:$0x3FA6] =	sst s5  }
0xe: {  	[smem:$0x3FA7] =	sst s6  }
0xf: {  	[smem:$0x3FA8] =	sst s7  }
0x10: {  	[smem:$0x3FA9] =	sst s8  }
0x11: {  	[smem:$0x3FAA] =	sst s9;
	s0 =	simm.s32 @!p0 $0x0  }
0x12: {  	s1 =	sld [smem:$0x3F90];
	s0 =	simm.s32 @p0 $0x1  }
0x13: {  	[smem:$0x3FAB] =	sst s0;
	s0 =	simm.s32 @!p1 $0x0  }
0x14: {  	s2 =	sld [smem:$0x3F8F];
	s0 =	simm.s32 @p1 $0x1  }
0x15: {  	[smem:$0x3FAC] =	sst s0;
	s0 =	simm.s32 @!p2 $0x0  }
0x16: {  	s3 =	sld [smem:$0x3FDB];
	s0 =	simm.s32 @p2 $0x1  }
0x17: {  	s4 =	simm.s32 $0x1BF5;
	[smem:$0x3FAE] =	sst s0  }
0x18: {  	s0 =	sld [smem:$0x3F91];
	_ =	swait.ge [sflag:s4], $0x0  }
0x19: {  	s7 =	sld [smem:$0x3F92]  }
0x1a: {  	s8 =	sadd.s32 $0xFFFFE003, lr  }
0x1b: {  	s9 =	sadd.s32 $0xFFFFFEF7, lr;
	s5 =	simm.s32 $0xFFFFFFFF;
	p2 =	slt.u32 s8, $0xFFFFF086  }
0x1c: {  	p1 =	slt.u32 s9, $0xF7A;
	s5 =	simm.s32 @!p2 $0x0  }
0x1d: {  	s5 =	simm.s32 @p1 $0x1;
	p0 =	seq.s32 s7, s2  }
0x1e: {  	s7 =	smul.u32 @!p0 $0xF7A, s2;
	p2 =	seq.s32 @!p0 s5, $0x0  }
0x1f: {  	s9 =	smul.u32 $0xF7A, s1;
	s8 =	simm.s32 @!p0 $0x1BF5;
	p2 =	por !p2, p0  }
0x20: {  	[sflag:s8] =	ssyncset.s32 @!p0 $0xFFFFF086;
	s6 =	sadd.s32 @!p0 s3, s7;
	s7 =	simm.s32 @!p0 $0x108  }
0x21: {  	s3 =	sadd.s32 s3, s9;
	s6 =	sadd.s32 @!p0 $0x88, s6;
	s7 =	simm.s32 @p2 $0x1082  }
0x22: {  	[simem:s7], [sflag:s8] =	dma.local @!p0 [hbm:s6], $0xF7A  }
0x23: {  	s9 =	sor.u32 $0xD0000000, s2;
	s6 =	simm.s32 $0x108;
	_ =	swait.ge @!p0 [sflag:s8], $0x0  }
0x24: {  	s3 =	sadd.s32 $0x88, s3;
	s6 =	simm.s32 @!p1 $0x1082;
	[sflag:s4] =	ssyncset.s32 $0xFFFFF086  }
0x25: {  	[simem:s6], [sflag:s4] =	dma.local [hbm:s3], $0xF7A  }
0x26: {  	[smem:$0x3F92] =	sst s1;
	(tag) =	ssettag s2;
	_ =	strace s9  }
0x27: {  	s1 =	sld [smem:$0x3FA2]  }
0x28: {  	s2 =	sld [smem:$0x3FA3]  }
0x29: {  	s4 =	sld [smem:$0x3FA5]  }
0x2a: {  	p0 =	seq.s32 s5, $0x0;
	s5 =	sld [smem:$0x3FA6]  }
0x2b: {  	s6 =	sld [smem:$0x3FA7]  }
0x2c: {  	s7 =	sld [smem:$0x3FA8]  }
0x2d: {  	s3 =	simm.s32 $0x108;
	s8 =	sld [smem:$0x3FA9]  }
0x2e: {  	s3 =	simm.s32 @!p0 $0x1082;
	s9 =	sld [smem:$0x3FAA]  }
0x2f: {  	lr =	sadd.s32 s0, s3;
	s0 =	sld [smem:$0x3FA1]  }
0x30: {  	s3 =	sld [smem:$0x3FA4]  }
0x31: {  	[smem:$0x3FAD] =	sst s10  }
0x32: {  	s10 =	sld [smem:$0x3FAB];
	_ =	sdelay $0x3  }
0x33: {  	p0 =	seq.s32 s10, $0x1;
	s10 =	sld [smem:$0x3FAD];
	_ =	sdelay $0x3  }
0x34: {  	[smem:$0x3FAD] =	sst s10  }
0x35: {  	s10 =	sld [smem:$0x3FAC];
	_ =	sdelay $0x3  }
0x36: {  	p1 =	seq.s32 s10, $0x1;
	s10 =	sld [smem:$0x3FAD];
	_ =	sdelay $0x3  }
0x37: {  	[smem:$0x3FAD] =	sst s10  }
0x38: {  	s10 =	sld [smem:$0x3FAE]  }
0x39: {  	_ = 	snop;
	(pc) =	sbr.ind lr, $3  }
0x3a: {  	_ = 	snop  }
0x3b: {  	_ = 	snop  }
0x3c: {  	p2 =	seq.s32 s10, $0x1;
	s10 =	sld [smem:$0x3FAD]  }
0x3d: {  	_ =	shalt  }
0x3e: {  	_ =	shalt  }
0x3f: {  	_ =	shalt  }
0x40: {  	_ =	shalt  }
0x41: {  	_ =	shalt  }
0x42: {  	_ =	shalt  }
0x43: {  	_ =	shalt  }
0x44: {  	_ =	shalt  }
0x45: {  	_ =	shalt  }
0x46: {  	_ =	shalt  }
0x47: {  	_ =	shalt  }
0x48: {  	_ =	shalt  }
0x49: {  	_ =	shalt  }
0x4a: {  	_ =	shalt  }
0x4b: {  	_ =	shalt  }
0x4c: {  	_ =	shalt  }
0x4d: {  	_ =	shalt  }
0x4e: {  	_ =	shalt  }
0x4f: {  	_ =	shalt  }
0x50: {  	_ =	shalt  }
0x51: {  	_ =	shalt  }
0x52: {  	_ =	shalt  }
0x53: {  	_ =	shalt  }
0x54: {  	_ =	shalt  }
0x55: {  	_ =	shalt  }
0x56: {  	_ =	shalt  }
0x57: {  	_ =	shalt  }
0x58: {  	_ =	shalt  }
0x59: {  	_ =	shalt  }
0x5a: {  	_ =	shalt  }
0x5b: {  	_ =	shalt  }
0x5c: {  	_ =	shalt  }
0x5d: {  	_ =	shalt  }
0x5e: {  	_ =	shalt  }
0x5f: {  	_ =	shalt  }
0x60: {  	_ =	shalt  }
0x61: {  	_ =	shalt  }
0x62: {  	_ =	shalt  }
0x63: {  	_ =	shalt  }
0x64: {  	_ =	shalt  }
0x65: {  	_ =	shalt  }
0x66: {  	_ =	shalt  }
0x67: {  	_ =	shalt  }
0x68: {  	_ =	shalt  }
0x69: {  	_ =	shalt  }
0x6a: {  	_ =	shalt  }
0x6b: {  	_ =	shalt  }
0x6c: {  	_ =	shalt  }
0x6d: {  	_ =	shalt  }
0x6e: {  	_ =	shalt  }
0x6f: {  	_ =	shalt  }
0x70: {  	_ =	shalt  }
0x71: {  	_ =	shalt  }
0x72: {  	_ =	shalt  }
0x73: {  	_ =	shalt  }
0x74: {  	_ =	shalt  }
0x75: {  	_ =	shalt  }
0x76: {  	_ =	shalt  }
0x77: {  	_ =	shalt  }
0x78: {  	_ =	shalt  }
0x79: {  	_ =	shalt  }
0x7a: {  	_ =	shalt  }
0x7b: {  	_ =	shalt  }
0x7c: {  	_ =	shalt  }
0x7d: {  	_ =	shalt  }
0x7e: {  	_ =	shalt  }
0x7f: {  	_ =	shalt  }
0x80: {  	_ =	shalt  }
0x81: {  	_ =	shalt  }
0x82: {  	_ =	shalt  }
0x83: {  	_ =	shalt  }
0x84: {  	_ =	shalt  }
0x85: {  	_ =	shalt  }
0x86: {  	_ =	shalt  }
0x87: {  	_ =	shalt  }
.Lfunc_end0:
.L_simem_size_0:
called_computation.5_lowered:
.L_overlay_start_0:
0x88: {  	s2 =	sld [smem:$0x3FD9]  }
0x89: {  	s3 =	sld [smem:$0x3FFE];
	_ =	sdelay $0x1  }
0x8a: {  	s1 =	srdreg.scid  }
0x8b: {  	s0 =	sand.u32 $0x1, s1  }
0x8c: {  	s16 =	sshll.u32 s0, $0xA;
	s2 =	sadd.s32 s3, s2  }
0x8d: {  	s2 =	sadd.s32 s2, s16  }
0x8e: {  	[smem:$0x3FB9] =	sst s2  }
0x8f: {  	_ = 	snop  }
0x90: {  	(tm) =	ssettm $0x1  }
0x91: {  	s17 =	sld [smem:$0x3FFB];
	_ =	sdelay $0x3  }
0x92: {  	_ =	strace s17  }
0x93: {  	s2 =	sld [smem:$0x3FFC];
	_ =	sdelay $0x3  }
0x94: {  	_ =	strace s2  }
0x95: {  	s2 =	sld [smem:$0x3FFD];
	_ =	sdelay $0x3  }
0x96: {  	_ =	strace s2  }
0x97: {  	_ =	strace $0x8FFFFFFF  }
0x98: {  	s18 =	sld [smem:$0x3FDB];
	_ =	sdelay $0x1  }
0x99: {  	s19 =	simm.s32 $_scs_section_size  }
0x9a: {  	s4 =	simm.s32 $_size__tile_overlayer_lowered;
	s5 =	simm.s32 $_tile_overlayer_lowered  }
0x9b: {  	s22 =	simm.s32 $0x1BFF;
	s21 =	sshll.u32 s5, $0x1;
	s2 =	sadd.s32 s19, s18  }
0x9c: {  	s6 =	simm.s32 $0x0;
	s20 =	sshll.u32 s4, $0x1;
	s4 =	sadd.s32 s21, s2  }
0x9d: {  	[timem:s6], [sflag:s22] =	dma.local [hbm:s4], s20  }
0x9e: {  	_ =	swait.ge [sflag:s22], s20  }
0x9f: {  	s3 =	ssub.s32 $0x0, s20;
	[sflag:s22] =	ssyncset.done $0x0  }
0xa0: {  	[sflag:s22] =	ssyncadd.s32 s3;
	_ =	sdelay $0x1  }
0xa1: {  	s23 =	simm.s32 $0x1B8B  }
0xa2: {  	_ =	swait.ge [sflag:s23], $0x1  }
0xa3: {  	[sflag:s23] =	ssyncset.done $0x0  }
0xa4: {  	s25 =	simm.s32 $0x1B8E;
	s24 =	sld [smem:$0x3FFE];
	[sflag:s23] =	ssyncadd.s32 $0xFFFFFFFF  }
0xa5: {  	s26 =	simm.s32 $execute0_lowered;
	[smem:$0x3FD2] =	sst s25  }
0xa6: {  	s4 =	sshll.u32 s26, $0x1;
	_ =	strace $0x80000055;
	[dreg:$0x1] =	wrdreg $0xFFFFFFFF  }
0xa7: {  	s28 =	simm.s32 $_size_execute0_lowered;
	s2 =	sadd.s32 s2, s4;
	[dreg:$0x0] =	wrdreg $0x0  }
0xa8: {  	s4 =	sshll.u32 s28, $0x1;
	[dreg:$0x2] =	wrdreg s2  }
0xa9: {  	[dreg:$0x3] =	wrdreg s4  }
0xaa: {  	[dreg:$0x4] =	wrdreg $0xC0  }
0xab: {  	_ =	task [dreg:s6], $0x5FFFF  }
0xac: {  	[dreg:$0x1] =	wrdreg $0xFFFFFFFF  }
0xad: {  	[dreg:$0x0] =	wrdreg $0x60  }
0xae: {  	[dreg:$0x2] =	wrdreg s24  }
0xaf: {  	[dreg:$0x3] =	wrdreg $0x90000  }
0xb0: {  	[dreg:$0x4] =	wrdreg $0x9  }
0xb1: {  	_ =	task.clear_ibuf [dreg:s6], $0x5FFFF;
	_ =	strace $0x90000055  }
0xb2: {  	s29 =	simm.s32 $0x9;
	_ =	strace $0x80000057  }
0xb3: {  	_ =	swait.ge [sflag:s29], $0x1  }
0xb4: {  	[sflag:s29] =	ssyncadd.s32 $0xFFFFFFFF  }
0xb5: {  	_ =	strace $0x90000057  }
0xb6: {  	_ =	sfence  }
0xb7: {  	s30 =	sld [smem:$0x0];
	_ =	sdelay $0x2  }
0xb8: {  	s31 =	sshll.u32 s1, $0xD;
	s1 =	sshrl.u32 s1, $0x2  }
0xb9: {  	s3 =	sand.u32 $0x4000, s31;
	s1 =	sadd.s32 s1, s30  }
0xba: {  	s0 =	sor.u32 s3, s0;
	s1 =	sshll.u32 s1, $0x11  }
0xbb: {  	s0 =	sor.u32 s1, s0  }
0xbc: {  	s0 =	sadd.s32 $0x8F2B, s0  }
0xbd: {  	[sflag:s0] =	ssyncadd.remote.s32 $0x1  }
0xbe: {  	_ =	sfence.sel $0xFFFF  }
0xbf: {  	[dreg:$0x0] =	wrdreg $0xFFFFFFFF;
	(pc) =	sbr.abs _section_cstart, $3  }
0xc0: {  	[dreg:$0x1] =	wrdreg $0xFFFFFFFF  }
0xc1: {  	_ =	task.clear_ibuf [dreg:s6], $0x2FFFF;
	_ =	strace $0x9FFFFFFF  }
0xc2: {  	(tm) =	ssettm $0x7FFFFFFF  }
0xc3: {  	_ =	shalt  }
tec
execute0_lowered:
.L_overlay_start_1:
0x0: {  	(tag) =	ssettag $0x1  }
0x1: {  	s6 =	rddreg [dreg:$0x0];
	s1 =	srdreg.scid  }
0x2: {  	s0 =	stileid.u32;
	s2 =	rddreg [dreg:$0x1]  }
0x3: {  	s3 =	simm.s32 $0x0;
	s24 =	simm.s32 $0x5000;
	s25 =	simm.s32 $0x80  }
0x4: {  	s26 =	simm.s32 $0x1;
	s28 =	simm.s32 $0x0;
	s7 =	sand.u32 $0x1, s1  }
0x5: {  	s4 =	sshll.u32 s0, $0x1;
	[smem:$0x7FF] =	sst s3;
	s8 =	smul.u32 $0x4F000, s0  }
0x6: {  	s17 =	smul.u32 $0x13C00, s0;
	s21 =	sadd.s32 $0x37000, s6;
	s4 =	sor.u32 s7, s4  }
0x7: {  	_ =	strace $0x80000056;
	s10 =	ssub.s32 $0x2, s7;
	s18 =	smul.u32 $0x13C000, s7  }
0x8: {  	s5 =	smul.u32 $0x500, s4;
	s4 =	sadd.s32 $0xF000, s6;
	s11 =	sshrl.u32 s10, $0x1  }
0x9: {  	s30 =	sadd.s32 $0x10000, s17;
	s8 =	sshrl.u32 s8, $0x2;
	s19 =	sadd.s32 $0x4000, s17  }
0xa: {  	s20 =	sadd.s32 $0x8000, s17;
	s22 =	sadd.s32 $0xC000, s17;
	s11 =	ssub.s32 s10, s11  }
0xb: {  	s12 =	sadd.s32 s18, s30;
	s8 =	sadd.s32 s8, s2;
	s15 =	sadd.s32 s18, s17  }
0xc: {  	s16 =	sadd.s32 s19, s2;
	s19 =	sadd.s32 s18, s19;
	s31 =	sadd.s32 s18, s20  }
0xd: {  	s23 =	sadd.s32 s18, s22;
	s18 =	sadd.s32 s20, s2;
	s20 =	sadd.s32 s22, s2  }
0xe: {  	s22 =	simm.s32 $0x2;
	s9 =	sadd.s32 s5, s6;
	s5 =	sadd.s32 $0x36800, s6  }
0xf: {  	s12 =	sshrl.u32 s12, $0x3;
	s11 =	smax.u32 s11, $0x1;
	s13 =	sadd.s32 $0x8000, s8  }
0x10: {  	s14 =	sadd.s32 $0xC000, s8;
	s15 =	sshrl.u32 s15, $0x3;
	s19 =	sshrl.u32 s19, $0x3  }
0x11: {  	s23 =	sshrl.u32 s23, $0x3;
	s6 =	sadd.s32 $0xB7000, s9;
	s7 =	sadd.s32 $0x5000, s9  }
0x12: {  	s9 =	sadd.s32 s30, s2;
	s10 =	sadd.s32 s21, s12;
	s12 =	sadd.s32 $0x4000, s8  }
0x13: {  	s15 =	sadd.s32 s21, s15;
	s17 =	sadd.s32 s21, s19;
	s19 =	sshrl.u32 s31, $0x3  }
0x14: {  	s19 =	sadd.s32 s21, s19;
	s21 =	sadd.s32 s21, s23;
	s23 =	simm.s32 $0x2800  }
.LBB2_1:
0x15: {  	[tilespmem:s3], [sflag:$0x2] =	stream.linear.gather [hbm4b:s6+s3], $0x2780, $0x38;
	[tilespmem:$0x1CC00] =	vst v63  }
0x16: {  	_ =	swait.ge [sflag:s22], $0x2780  }
0x17: {  	[sflag:s22] =	ssyncset.done $0x0  }
0x18: {  	[sflag:s22] =	ssyncadd.s32 $0xFFFFD880  }
0x19: {  	[tilespmem:s23], [sflag:$0x2] =	stream.linear.gather [hbm4b:s7+s3], $0x2780, $0x38;
	[tilespmem:$0x1CC00] =	vst v63  }
0x1a: {  	_ =	swait.ge [sflag:s22], $0x2780  }
0x1b: {  	[sflag:s22] =	ssyncset.done $0x0  }
0x1c: {  	[sflag:s22] =	ssyncadd.s32 $0xFFFFD880  }
0x1d: {  	[tilespmem:s24], [sflag:$0x2] =	stream.linear.gather [hbm4b:s5+s3], $0x4000, $0x38;
	[tilespmem:$0x1CC00] =	vst v63  }
0x1e: {  	_ =	swait.ge [sflag:s22], $0x4000  }
0x1f: {  	[sflag:s22] =	ssyncset.done $0x0  }
0x20: {  	[sflag:s22] =	ssyncadd.s32 $0xFFFFC000  }
0x21: {  	[spmem:s8] =	stream.linear.scatter [tilespmem:s24], [sflag:$0x2], $0x4000, $0x38;
	[tilespmem:$0x1CC00] =	vst v63  }
0x22: {  	_ =	swait.ge [sflag:s22], $0x4000  }
0x23: {  	[sflag:s22] =	ssyncset.done $0x0  }
0x24: {  	[sflag:s22] =	ssyncadd.s32 $0xFFFFC000  }
0x25: {  	[spmem:s12] =	stream.linear.scatter [tilespmem:s24], [sflag:$0x2], $0x4000, $0x38;
	[tilespmem:$0x1CC00] =	vst v63  }
0x26: {  	_ =	swait.ge [sflag:s22], $0x4000  }
0x27: {  	[sflag:s22] =	ssyncset.done $0x0  }
0x28: {  	[sflag:s22] =	ssyncadd.s32 $0xFFFFC000  }
0x29: {  	[spmem:s13] =	stream.linear.scatter [tilespmem:s24], [sflag:$0x2], $0x4000, $0x38;
	[tilespmem:$0x1CC00] =	vst v63  }
0x2a: {  	_ =	swait.ge [sflag:s22], $0x4000  }
0x2b: {  	[sflag:s22] =	ssyncset.done $0x0  }
0x2c: {  	[sflag:s22] =	ssyncadd.s32 $0xFFFFC000  }
0x2d: {  	[spmem:s14] =	stream.linear.scatter [tilespmem:s24], [sflag:$0x2], $0x4000, $0x38;
	[tilespmem:$0x1CC00] =	vst v63  }
0x2e: {  	_ =	swait.ge [sflag:s22], $0x4000  }
0x2f: {  	[sflag:s22] =	ssyncset.done $0x0  }
0x30: {  	[sflag:s22] =	ssyncadd.s32 $0xFFFFC000  }
0x31: {  	[spmem:s9] =	stream.linear.scatter [tilespmem:s24], [sflag:$0x2], $0x3C00, $0x38;
	[tilespmem:$0x1CC00] =	vst v63  }
0x32: {  	_ =	swait.ge [sflag:s22], $0x3C00  }
0x33: {  	[sflag:s22] =	ssyncset.done $0x0  }
0x34: {  	[sflag:s22] =	ssyncadd.s32 $0xFFFFC400  }
0x35: {  	s29 =	simm.s32 $0x0;
	[bflag:$0x0] =	sbarrier.arrive $0xFFFF  }
0x36: {  	[tilespmem:s24], [sflag:$0x1] =	stream.indirect.gather [hbm4b:s4+s25], $0x80, s29, s25, $0xb8;
	[tilespmem:$0x1CC00] =	vst v63  }
0x37: {  	_ =	swait.ge [sflag:s26], $0x4000  }
0x38: {  	[sflag:s26] =	ssyncset.done $0x0  }
0x39: {  	s29 =	simm.s32 $0x2800;
	[sflag:s26] =	ssyncadd.s32 $0xFFFFC000  }
0x3a: {  	[spmem:s2] =	stream.indirect.scatter.add.f32 [tilespmem:s24], [sflag:$0x2], $0x80, s29, s25, $0xb8;
	[tilespmem:$0x1CC00] =	vst v63  }
0x3b: {  	_ =	swait.ge [sflag:s22], $0x4000  }
0x3c: {  	s30 =	simm.s32 $0x400;
	s29 =	simm.s32 $0x200;
	[sflag:s22] =	ssyncset.done $0x0  }
.LBB2_2:
0x3d: {  	s31 =	sshra.s32 s29, $0x2  }
0x3e: {  	[sflag:s22] =	ssyncadd.s32 $0xFFFFC000;
	s29 =	smov.u32 s30;
	s1 =	sadd.s32 $0x200, s30  }
0x3f: {  	[tilespmem:s24], [sflag:$0x1] =	stream.indirect.gather [hbm4b:s4+s25], $0x80, s31, s25, $0xb8;
	[tilespmem:$0x1CC00] =	vst v63  }
0x40: {  	p0 =	sne.s32 s30, $0x9C00;
	_ =	swait.ge [sflag:s26], $0x4000  }
.Ltmp0:
0x41: {  	[sflag:s26] =	ssyncset.done $0x0;
	(pc) =	sbr.rel @p0 .LBB2_2-.Ltmp0, $4  }
0x42: {  	s30 =	sadd.s32 $0x2800, s31;
	[sflag:s26] =	ssyncadd.s32 $0xFFFFC000  }
0x43: {  	[spmem:s2] =	stream.indirect.scatter.add.f32 [tilespmem:s24], [sflag:$0x2], $0x80, s30, s25, $0xb8;
	[tilespmem:$0x1CC00] =	vst v63  }
0x44: {  	_ =	swait.ge [sflag:s22], $0x4000  }
0x45: {  	s30 =	smov.u32 s1;
	[sflag:s22] =	ssyncset.done $0x0  }
0x46: {  	s1 =	sshra.s32 s29, $0x2;
	[sflag:s22] =	ssyncadd.s32 $0xFFFFC000  }
0x47: {  	[tilespmem:s24], [sflag:$0x1] =	stream.indirect.gather [hbm4b:s4+s25], $0x80, s1, s25, $0xb8;
	[tilespmem:$0x1CC00] =	vst v63  }
0x48: {  	_ =	swait.ge [sflag:s26], $0x4000  }
0x49: {  	[sflag:s26] =	ssyncset.done $0x0  }
0x4a: {  	s1 =	sadd.s32 $0x2800, s1;
	[sflag:s26] =	ssyncadd.s32 $0xFFFFC000  }
0x4b: {  	[spmem:s2] =	stream.indirect.scatter.add.f32 [tilespmem:s24], [sflag:$0x2], $0x80, s1, s25, $0xb8;
	[tilespmem:$0x1CC00] =	vst v63  }
0x4c: {  	_ =	swait.ge [sflag:s22], $0x4000  }
0x4d: {  	[sflag:s22] =	ssyncset.done $0x0  }
0x4e: {  	[sflag:s22] =	ssyncadd.s32 $0xFFFFC000  }
0x4f: {  	[bflag:$0x0] =	sbarrier.arrive $0xFFFF  }
0x50: {  	[tilespmem:s24], [sflag:$0x2] =	stream.linear.gather [spmem:s8], $0x4000, $0x38;
	[tilespmem:$0x1CC00] =	vst v63  }
0x51: {  	_ =	swait.ge [sflag:s22], $0x4000  }
0x52: {  	[sflag:s22] =	ssyncset.done $0x0  }
0x53: {  	[sflag:s22] =	ssyncadd.s32 $0xFFFFC000  }
0x54: {  	[hbm4b:s15+s3] =	stream.linear.scatter [tilespmem:s24], [sflag:$0x2], $0x4000, $0x38;
	[tilespmem:$0x1CC00] =	vst v63  }
0x55: {  	_ =	swait.ge [sflag:s22], $0x4000  }
0x56: {  	[sflag:s22] =	ssyncset.done $0x0  }
0x57: {  	[sflag:s22] =	ssyncadd.s32 $0xFFFFC000  }
0x58: {  	[tilespmem:s24], [sflag:$0x2] =	stream.linear.gather [spmem:s16], $0x4000, $0x38;
	[tilespmem:$0x1CC00] =	vst v63  }
0x59: {  	_ =	swait.ge [sflag:s22], $0x4000  }
0x5a: {  	[sflag:s22] =	ssyncset.done $0x0  }
0x5b: {  	[sflag:s22] =	ssyncadd.s32 $0xFFFFC000  }
0x5c: {  	[hbm4b:s17+s3] =	stream.linear.scatter [tilespmem:s24], [sflag:$0x2], $0x4000, $0x38;
	[tilespmem:$0x1CC00] =	vst v63  }
0x5d: {  	_ =	swait.ge [sflag:s22], $0x4000  }
0x5e: {  	[sflag:s22] =	ssyncset.done $0x0  }
0x5f: {  	[sflag:s22] =	ssyncadd.s32 $0xFFFFC000  }
0x60: {  	[tilespmem:s24], [sflag:$0x2] =	stream.linear.gather [spmem:s18], $0x4000, $0x38;
	[tilespmem:$0x1CC00] =	vst v63  }
0x61: {  	_ =	swait.ge [sflag:s22], $0x4000  }
0x62: {  	[sflag:s22] =	ssyncset.done $0x0  }
0x63: {  	[sflag:s22] =	ssyncadd.s32 $0xFFFFC000  }
0x64: {  	[hbm4b:s19+s3] =	stream.linear.scatter [tilespmem:s24], [sflag:$0x2], $0x4000, $0x38;
	[tilespmem:$0x1CC00] =	vst v63  }
0x65: {  	_ =	swait.ge [sflag:s22], $0x4000  }
0x66: {  	[sflag:s22] =	ssyncset.done $0x0  }
0x67: {  	[sflag:s22] =	ssyncadd.s32 $0xFFFFC000  }
0x68: {  	[tilespmem:s24], [sflag:$0x2] =	stream.linear.gather [spmem:s20], $0x4000, $0x38;
	[tilespmem:$0x1CC00] =	vst v63  }
0x69: {  	_ =	swait.ge [sflag:s22], $0x4000  }
0x6a: {  	[sflag:s22] =	ssyncset.done $0x0  }
0x6b: {  	[sflag:s22] =	ssyncadd.s32 $0xFFFFC000  }
0x6c: {  	[hbm4b:s21+s3] =	stream.linear.scatter [tilespmem:s24], [sflag:$0x2], $0x4000, $0x38;
	[tilespmem:$0x1CC00] =	vst v63  }
0x6d: {  	_ =	swait.ge [sflag:s22], $0x4000  }
0x6e: {  	[sflag:s22] =	ssyncset.done $0x0  }
0x6f: {  	[sflag:s22] =	ssyncadd.s32 $0xFFFFC000  }
0x70: {  	[tilespmem:s24], [sflag:$0x2] =	stream.linear.gather [spmem:s9], $0x3C00, $0x38;
	[tilespmem:$0x1CC00] =	vst v63  }
0x71: {  	s28 =	sadd.s32 $0x1, s28;
	_ =	swait.ge [sflag:s22], $0x3C00  }
0x72: {  	p0 =	sne.s32 s28, s11;
	[sflag:s22] =	ssyncset.done $0x0  }
.Ltmp1:
0x73: {  	[sflag:s22] =	ssyncadd.s32 $0xFFFFC400;
	(pc) =	sbr.rel @p0 .LBB2_1-.Ltmp1, $4  }
0x74: {  	[hbm4b:s10+s3] =	stream.linear.scatter [tilespmem:s24], [sflag:$0x2], $0x3C00, $0x38;
	[tilespmem:$0x1CC00] =	vst v63  }
0x75: {  	_ =	swait.ge [sflag:s22], $0x3C00  }
0x76: {  	[sflag:s22] =	ssyncset.done $0x0  }
0x77: {  	[sflag:s22] =	ssyncadd.s32 $0xFFFFC400  }
0x78: {  	_ =	sfence.sel $0x180000  }
0x79: {  	[bflag:$0x0] =	sbarrier.arrive $0xFFFF  }
0x7a: {  	_ =	strace $0x90000056  }
0x7b: {  	[bflag:$0x2] =	sbarrier.arrive $0xFFFF  }
0x7c: {  	p0 =	sne.s32 s0, $0x0;
	s0 =	rddreg [dreg:$0x2]  }
0x7d: {  	s0 =	sadd.s32 @!p0 $0x100000, s0  }
0x7e: {  	[sflag:s0] =	ssyncadd.tile.s32 @!p0 $0x1;
	_ =	shalt  }
.Lfunc_end2:
_tile_overlayer_lowered:
.L_overlay_start_2:
0x7f: {  	(tag) =	ssettag $0x2  }
0x80: {  	s0 =	rddreg [dreg:$0x0];
	s2 =	stileid.u32  }
0x81: {  	s1 =	rddreg [dreg:$0x1];
	p0 =	sne.s32 s2, $0x0  }
0x82: {  	s3 =	rddreg [dreg:$0x2];
	[bflag:$0x3] =	sbarrier.arrive $0xFFFF;
	s2 =	simm.s32 @!p0 $0x1C02  }
0x83: {  	[timem:s3], [sflag:s2] =	dma.local @!p0 [hbm:s0], s1  }
0x84: {  	s0 =	simm.s32 @!p0 $0x2  }
0x85: {  	_ =	swait.ge @!p0 [sflag:s0], s1  }
0x86: {  	s1 =	ssub.s32 @!p0 $0x0, s1;
	[sflag:s0] =	ssyncset.done @!p0 $0x0  }
0x87: {  	[sflag:s0] =	ssyncadd.s32 @!p0 s1  }
0x88: {  	[bflag:$0x3] =	sbarrier.arrive $0xFFFF  }
0x89: {  	_ =	shalt  }

// kernel: kernel.33.cloned.1.call-start
scs
__scs_entry_jumppad:
0x0: {  	(pc) =	sbr.rel $0x88, $3  }
0x1: {  	(tag) =	ssettag $0x0;
	lr =	simm.s32 $0x1  }
0x2: {  	[smem:$0x3F92] =	sst lr;
	_ =	strace $0xD0000000  }
0x3: {  	_ = 	snop  }
0x4: {  	_ = 	snop  }
0x5: {  	_ = 	snop  }
0x6: {  	_ = 	snop  }
0x7: {  	_ = 	snop  }
__scs_overlays_trampoline_lowered:
0x8: {  	[smem:$0x3FA1] =	sst s0  }
0x9: {  	[smem:$0x3FA2] =	sst s1  }
0xa: {  	[smem:$0x3FA3] =	sst s2  }
0xb: {  	[smem:$0x3FA4] =	sst s3  }
0xc: {  	[smem:$0x3FA5] =	sst s4  }
0xd: {  	[smem:$0x3FA6] =	sst s5  }
0xe: {  	[smem:$0x3FA7] =	sst s6  }
0xf: {  	[smem:$0x3FA8] =	sst s7  }
0x10: {  	[smem:$0x3FA9] =	sst s8  }
0x11: {  	[smem:$0x3FAA] =	sst s9;
	s0 =	simm.s32 @!p0 $0x0  }
0x12: {  	s1 =	sld [smem:$0x3F90];
	s0 =	simm.s32 @p0 $0x1  }
0x13: {  	[smem:$0x3FAB] =	sst s0;
	s0 =	simm.s32 @!p1 $0x0  }
0x14: {  	s2 =	sld [smem:$0x3F8F];
	s0 =	simm.s32 @p1 $0x1  }
0x15: {  	[smem:$0x3FAC] =	sst s0;
	s0 =	simm.s32 @!p2 $0x0  }
0x16: {  	s3 =	sld [smem:$0x3FDB];
	s0 =	simm.s32 @p2 $0x1  }
0x17: {  	s4 =	simm.s32 $0x1BF5;
	[smem:$0x3FAE] =	sst s0  }
0x18: {  	s0 =	sld [smem:$0x3F91];
	_ =	swait.ge [sflag:s4], $0x0  }
0x19: {  	s7 =	sld [smem:$0x3F92]  }
0x1a: {  	s8 =	sadd.s32 $0xFFFFE003, lr  }
0x1b: {  	s9 =	sadd.s32 $0xFFFFFEF7, lr;
	s5 =	simm.s32 $0xFFFFFFFF;
	p2 =	slt.u32 s8, $0xFFFFF086  }
0x1c: {  	p1 =	slt.u32 s9, $0xF7A;
	s5 =	simm.s32 @!p2 $0x0  }
0x1d: {  	s5 =	simm.s32 @p1 $0x1;
	p0 =	seq.s32 s7, s2  }
0x1e: {  	s7 =	smul.u32 @!p0 $0xF7A, s2;
	p2 =	seq.s32 @!p0 s5, $0x0  }
0x1f: {  	s9 =	smul.u32 $0xF7A, s1;
	s8 =	simm.s32 @!p0 $0x1BF5;
	p2 =	por !p2, p0  }
0x20: {  	[sflag:s8] =	ssyncset.s32 @!p0 $0xFFFFF086;
	s6 =	sadd.s32 @!p0 s3, s7;
	s7 =	simm.s32 @!p0 $0x108  }
0x21: {  	s3 =	sadd.s32 s3, s9;
	s6 =	sadd.s32 @!p0 $0x88, s6;
	s7 =	simm.s32 @p2 $0x1082  }
0x22: {  	[simem:s7], [sflag:s8] =	dma.local @!p0 [hbm:s6], $0xF7A  }
0x23: {  	s9 =	sor.u32 $0xD0000000, s2;
	s6 =	simm.s32 $0x108;
	_ =	swait.ge @!p0 [sflag:s8], $0x0  }
0x24: {  	s3 =	sadd.s32 $0x88, s3;
	s6 =	simm.s32 @!p1 $0x1082;
	[sflag:s4] =	ssyncset.s32 $0xFFFFF086  }
0x25: {  	[simem:s6], [sflag:s4] =	dma.local [hbm:s3], $0xF7A  }
0x26: {  	[smem:$0x3F92] =	sst s1;
	(tag) =	ssettag s2;
	_ =	strace s9  }
0x27: {  	s1 =	sld [smem:$0x3FA2]  }
0x28: {  	s2 =	sld [smem:$0x3FA3]  }
0x29: {  	s4 =	sld [smem:$0x3FA5]  }
0x2a: {  	p0 =	seq.s32 s5, $0x0;
	s5 =	sld [smem:$0x3FA6]  }
0x2b: {  	s6 =	sld [smem:$0x3FA7]  }
0x2c: {  	s7 =	sld [smem:$0x3FA8]  }
0x2d: {  	s3 =	simm.s32 $0x108;
	s8 =	sld [smem:$0x3FA9]  }
0x2e: {  	s3 =	simm.s32 @!p0 $0x1082;
	s9 =	sld [smem:$0x3FAA]  }
0x2f: {  	lr =	sadd.s32 s0, s3;
	s0 =	sld [smem:$0x3FA1]  }
0x30: {  	s3 =	sld [smem:$0x3FA4]  }
0x31: {  	[smem:$0x3FAD] =	sst s10  }
0x32: {  	s10 =	sld [smem:$0x3FAB];
	_ =	sdelay $0x3  }
0x33: {  	p0 =	seq.s32 s10, $0x1;
	s10 =	sld [smem:$0x3FAD];
	_ =	sdelay $0x3  }
0x34: {  	[smem:$0x3FAD] =	sst s10  }
0x35: {  	s10 =	sld [smem:$0x3FAC];
	_ =	sdelay $0x3  }
0x36: {  	p1 =	seq.s32 s10, $0x1;
	s10 =	sld [smem:$0x3FAD];
	_ =	sdelay $0x3  }
0x37: {  	[smem:$0x3FAD] =	sst s10  }
0x38: {  	s10 =	sld [smem:$0x3FAE]  }
0x39: {  	_ = 	snop;
	(pc) =	sbr.ind lr, $3  }
0x3a: {  	_ = 	snop  }
0x3b: {  	_ = 	snop  }
0x3c: {  	p2 =	seq.s32 s10, $0x1;
	s10 =	sld [smem:$0x3FAD]  }
0x3d: {  	_ =	shalt  }
0x3e: {  	_ =	shalt  }
0x3f: {  	_ =	shalt  }
0x40: {  	_ =	shalt  }
0x41: {  	_ =	shalt  }
0x42: {  	_ =	shalt  }
0x43: {  	_ =	shalt  }
0x44: {  	_ =	shalt  }
0x45: {  	_ =	shalt  }
0x46: {  	_ =	shalt  }
0x47: {  	_ =	shalt  }
0x48: {  	_ =	shalt  }
0x49: {  	_ =	shalt  }
0x4a: {  	_ =	shalt  }
0x4b: {  	_ =	shalt  }
0x4c: {  	_ =	shalt  }
0x4d: {  	_ =	shalt  }
0x4e: {  	_ =	shalt  }
0x4f: {  	_ =	shalt  }
0x50: {  	_ =	shalt  }
0x51: {  	_ =	shalt  }
0x52: {  	_ =	shalt  }
0x53: {  	_ =	shalt  }
0x54: {  	_ =	shalt  }
0x55: {  	_ =	shalt  }
0x56: {  	_ =	shalt  }
0x57: {  	_ =	shalt  }
0x58: {  	_ =	shalt  }
0x59: {  	_ =	shalt  }
0x5a: {  	_ =	shalt  }
0x5b: {  	_ =	shalt  }
0x5c: {  	_ =	shalt  }
0x5d: {  	_ =	shalt  }
0x5e: {  	_ =	shalt  }
0x5f: {  	_ =	shalt  }
0x60: {  	_ =	shalt  }
0x61: {  	_ =	shalt  }
0x62: {  	_ =	shalt  }
0x63: {  	_ =	shalt  }
0x64: {  	_ =	shalt  }
0x65: {  	_ =	shalt  }
0x66: {  	_ =	shalt  }
0x67: {  	_ =	shalt  }
0x68: {  	_ =	shalt  }
0x69: {  	_ =	shalt  }
0x6a: {  	_ =	shalt  }
0x6b: {  	_ =	shalt  }
0x6c: {  	_ =	shalt  }
0x6d: {  	_ =	shalt  }
0x6e: {  	_ =	shalt  }
0x6f: {  	_ =	shalt  }
0x70: {  	_ =	shalt  }
0x71: {  	_ =	shalt  }
0x72: {  	_ =	shalt  }
0x73: {  	_ =	shalt  }
0x74: {  	_ =	shalt  }
0x75: {  	_ =	shalt  }
0x76: {  	_ =	shalt  }
0x77: {  	_ =	shalt  }
0x78: {  	_ =	shalt  }
0x79: {  	_ =	shalt  }
0x7a: {  	_ =	shalt  }
0x7b: {  	_ =	shalt  }
0x7c: {  	_ =	shalt  }
0x7d: {  	_ =	shalt  }
0x7e: {  	_ =	shalt  }
0x7f: {  	_ =	shalt  }
0x80: {  	_ =	shalt  }
0x81: {  	_ =	shalt  }
0x82: {  	_ =	shalt  }
0x83: {  	_ =	shalt  }
0x84: {  	_ =	shalt  }
0x85: {  	_ =	shalt  }
0x86: {  	_ =	shalt  }
0x87: {  	_ =	shalt  }
.Lfunc_end0:
.L_simem_size_0:
called_computation.6_lowered:
.L_overlay_start_0:
0x88: {  	s2 =	sld [smem:$0x3FD9]  }
0x89: {  	s3 =	sld [smem:$0x3FFE];
	_ =	sdelay $0x1  }
0x8a: {  	s1 =	srdreg.scid  }
0x8b: {  	s0 =	sand.u32 $0x1, s1  }
0x8c: {  	s16 =	sshll.u32 s0, $0xA;
	s2 =	sadd.s32 s3, s2  }
0x8d: {  	s2 =	sadd.s32 s2, s16  }
0x8e: {  	[smem:$0x3FB9] =	sst s2  }
0x8f: {  	_ = 	snop  }
0x90: {  	(tm) =	ssettm $0x1  }
0x91: {  	s17 =	sld [smem:$0x3FFB];
	_ =	sdelay $0x3  }
0x92: {  	_ =	strace s17  }
0x93: {  	s2 =	sld [smem:$0x3FFC];
	_ =	sdelay $0x3  }
0x94: {  	_ =	strace s2  }
0x95: {  	s2 =	sld [smem:$0x3FFD];
	_ =	sdelay $0x3  }
0x96: {  	_ =	strace s2  }
0x97: {  	_ =	strace $0x8FFFFFFF  }
0x98: {  	s18 =	sld [smem:$0x3FDB];
	_ =	sdelay $0x1  }
0x99: {  	s19 =	simm.s32 $_scs_section_size  }
0x9a: {  	s4 =	simm.s32 $_size__tile_overlayer_lowered;
	s5 =	simm.s32 $_tile_overlayer_lowered  }
0x9b: {  	s22 =	simm.s32 $0x1BFF;
	s21 =	sshll.u32 s5, $0x1;
	s2 =	sadd.s32 s19, s18  }
0x9c: {  	s6 =	simm.s32 $0x0;
	s20 =	sshll.u32 s4, $0x1;
	s4 =	sadd.s32 s21, s2  }
0x9d: {  	[timem:s6], [sflag:s22] =	dma.local [hbm:s4], s20  }
0x9e: {  	_ =	swait.ge [sflag:s22], s20  }
0x9f: {  	s3 =	ssub.s32 $0x0, s20;
	[sflag:s22] =	ssyncset.done $0x0  }
0xa0: {  	[sflag:s22] =	ssyncadd.s32 s3;
	_ =	sdelay $0x1  }
0xa1: {  	s23 =	simm.s32 $0x1B8B  }
0xa2: {  	_ =	swait.ge [sflag:s23], $0x1  }
0xa3: {  	[sflag:s23] =	ssyncset.done $0x0  }
0xa4: {  	s25 =	simm.s32 $0x1B8E;
	s24 =	sld [smem:$0x3FFE];
	[sflag:s23] =	ssyncadd.s32 $0xFFFFFFFF  }
0xa5: {  	s26 =	simm.s32 $execute0_lowered;
	[smem:$0x3FD2] =	sst s25  }
0xa6: {  	s4 =	sshll.u32 s26, $0x1;
	_ =	strace $0x80000058;
	[dreg:$0x1] =	wrdreg $0xFFFFFFFF  }
0xa7: {  	s28 =	simm.s32 $_size_execute0_lowered;
	s2 =	sadd.s32 s2, s4;
	[dreg:$0x0] =	wrdreg $0x0  }
0xa8: {  	s4 =	sshll.u32 s28, $0x1;
	[dreg:$0x2] =	wrdreg s2  }
0xa9: {  	[dreg:$0x3] =	wrdreg s4  }
0xaa: {  	[dreg:$0x4] =	wrdreg $0xC0  }
0xab: {  	_ =	task [dreg:s6], $0x5FFFF  }
0xac: {  	[dreg:$0x1] =	wrdreg $0xFFFFFFFF  }
0xad: {  	[dreg:$0x0] =	wrdreg $0x60  }
0xae: {  	[dreg:$0x2] =	wrdreg s24  }
0xaf: {  	[dreg:$0x3] =	wrdreg $0x90000  }
0xb0: {  	[dreg:$0x4] =	wrdreg $0x9  }
0xb1: {  	_ =	task.clear_ibuf [dreg:s6], $0x5FFFF;
	_ =	strace $0x90000058  }
0xb2: {  	s29 =	simm.s32 $0x9;
	_ =	strace $0x8000005A  }
0xb3: {  	_ =	swait.ge [sflag:s29], $0x1  }
0xb4: {  	[sflag:s29] =	ssyncadd.s32 $0xFFFFFFFF  }
0xb5: {  	_ =	strace $0x9000005A  }
0xb6: {  	_ =	sfence  }
0xb7: {  	s30 =	sld [smem:$0x0];
	_ =	sdelay $0x2  }
0xb8: {  	s31 =	sshll.u32 s1, $0xD;
	s1 =	sshrl.u32 s1, $0x2  }
0xb9: {  	s3 =	sand.u32 $0x4000, s31;
	s1 =	sadd.s32 s1, s30  }
0xba: {  	s0 =	sor.u32 s3, s0;
	s1 =	sshll.u32 s1, $0x11  }
0xbb: {  	s0 =	sor.u32 s1, s0  }
0xbc: {  	s0 =	sadd.s32 $0x8F2B, s0  }
0xbd: {  	[sflag:s0] =	ssyncadd.remote.s32 $0x1  }
0xbe: {  	_ =	sfence.sel $0xFFFF  }
0xbf: {  	[dreg:$0x0] =	wrdreg $0xFFFFFFFF;
	(pc) =	sbr.abs _section_cstart, $3  }
0xc0: {  	[dreg:$0x1] =	wrdreg $0xFFFFFFFF  }
0xc1: {  	_ =	task.clear_ibuf [dreg:s6], $0x2FFFF;
	_ =	strace $0x9FFFFFFF  }
0xc2: {  	(tm) =	ssettm $0x7FFFFFFF  }
0xc3: {  	_ =	shalt  }
tec
execute0_lowered:
.L_overlay_start_1:
0x0: {  	(tag) =	ssettag $0x1  }
0x1: {  	s6 =	rddreg [dreg:$0x0];
	s1 =	srdreg.scid  }
0x2: {  	s0 =	stileid.u32;
	s2 =	rddreg [dreg:$0x1]  }
0x3: {  	s3 =	simm.s32 $0x0;
	s24 =	simm.s32 $0x5000;
	s25 =	simm.s32 $0x80  }
0x4: {  	s26 =	simm.s32 $0x1;
	s28 =	simm.s32 $0x0;
	s7 =	sand.u32 $0x1, s1  }
0x5: {  	s4 =	sshll.u32 s0, $0x1;
	[smem:$0x7FF] =	sst s3;
	s8 =	smul.u32 $0x4F000, s0  }
0x6: {  	s17 =	smul.u32 $0x13C00, s0;
	s21 =	sadd.s32 $0x37000, s6;
	s4 =	sor.u32 s7, s4  }
0x7: {  	_ =	strace $0x80000059;
	s10 =	ssub.s32 $0x2, s7;
	s18 =	smul.u32 $0x13C000, s7  }
0x8: {  	s5 =	smul.u32 $0x500, s4;
	s4 =	sadd.s32 $0xF000, s6;
	s11 =	sshrl.u32 s10, $0x1  }
0x9: {  	s30 =	sadd.s32 $0x10000, s17;
	s8 =	sshrl.u32 s8, $0x2;
	s19 =	sadd.s32 $0x4000, s17  }
0xa: {  	s20 =	sadd.s32 $0x8000, s17;
	s22 =	sadd.s32 $0xC000, s17;
	s11 =	ssub.s32 s10, s11  }
0xb: {  	s12 =	sadd.s32 s18, s30;
	s8 =	sadd.s32 s8, s2;
	s15 =	sadd.s32 s18, s17  }
0xc: {  	s16 =	sadd.s32 s19, s2;
	s19 =	sadd.s32 s18, s19;
	s31 =	sadd.s32 s18, s20  }
0xd: {  	s23 =	sadd.s32 s18, s22;
	s18 =	sadd.s32 s20, s2;
	s20 =	sadd.s32 s22, s2  }
0xe: {  	s22 =	simm.s32 $0x2;
	s9 =	sadd.s32 s5, s6;
	s5 =	sadd.s32 $0x36800, s6  }
0xf: {  	s12 =	sshrl.u32 s12, $0x3;
	s11 =	smax.u32 s11, $0x1;
	s13 =	sadd.s32 $0x8000, s8  }
0x10: {  	s14 =	sadd.s32 $0xC000, s8;
	s15 =	sshrl.u32 s15, $0x3;
	s19 =	sshrl.u32 s19, $0x3  }
0x11: {  	s23 =	sshrl.u32 s23, $0x3;
	s6 =	sadd.s32 $0xB7000, s9;
	s7 =	sadd.s32 $0x5000, s9  }
0x12: {  	s9 =	sadd.s32 s30, s2;
	s10 =	sadd.s32 s21, s12;
	s12 =	sadd.s32 $0x4000, s8  }
0x13: {  	s15 =	sadd.s32 s21, s15;
	s17 =	sadd.s32 s21, s19;
	s19 =	sshrl.u32 s31, $0x3  }
0x14: {  	s19 =	sadd.s32 s21, s19;
	s21 =	sadd.s32 s21, s23;
	s23 =	simm.s32 $0x2800  }
.LBB2_1:
0x15: {  	[tilespmem:s3], [sflag:$0x2] =	stream.linear.gather [hbm4b:s6+s3], $0x2780, $0x38;
	[tilespmem:$0x1CC00] =	vst v63  }
0x16: {  	_ =	swait.ge [sflag:s22], $0x2780  }
0x17: {  	[sflag:s22] =	ssyncset.done $0x0  }
0x18: {  	[sflag:s22] =	ssyncadd.s32 $0xFFFFD880  }
0x19: {  	[tilespmem:s23], [sflag:$0x2] =	stream.linear.gather [hbm4b:s7+s3], $0x2780, $0x38;
	[tilespmem:$0x1CC00] =	vst v63  }
0x1a: {  	_ =	swait.ge [sflag:s22], $0x2780  }
0x1b: {  	[sflag:s22] =	ssyncset.done $0x0  }
0x1c: {  	[sflag:s22] =	ssyncadd.s32 $0xFFFFD880  }
0x1d: {  	[tilespmem:s24], [sflag:$0x2] =	stream.linear.gather [hbm4b:s5+s3], $0x4000, $0x38;
	[tilespmem:$0x1CC00] =	vst v63  }
0x1e: {  	_ =	swait.ge [sflag:s22], $0x4000  }
0x1f: {  	[sflag:s22] =	ssyncset.done $0x0  }
0x20: {  	[sflag:s22] =	ssyncadd.s32 $0xFFFFC000  }
0x21: {  	[spmem:s8] =	stream.linear.scatter [tilespmem:s24], [sflag:$0x2], $0x4000, $0x38;
	[tilespmem:$0x1CC00] =	vst v63  }
0x22: {  	_ =	swait.ge [sflag:s22], $0x4000  }
0x23: {  	[sflag:s22] =	ssyncset.done $0x0  }
0x24: {  	[sflag:s22] =	ssyncadd.s32 $0xFFFFC000  }
0x25: {  	[spmem:s12] =	stream.linear.scatter [tilespmem:s24], [sflag:$0x2], $0x4000, $0x38;
	[tilespmem:$0x1CC00] =	vst v63  }
0x26: {  	_ =	swait.ge [sflag:s22], $0x4000  }
0x27: {  	[sflag:s22] =	ssyncset.done $0x0  }
0x28: {  	[sflag:s22] =	ssyncadd.s32 $0xFFFFC000  }
0x29: {  	[spmem:s13] =	stream.linear.scatter [tilespmem:s24], [sflag:$0x2], $0x4000, $0x38;
	[tilespmem:$0x1CC00] =	vst v63  }
0x2a: {  	_ =	swait.ge [sflag:s22], $0x4000  }
0x2b: {  	[sflag:s22] =	ssyncset.done $0x0  }
0x2c: {  	[sflag:s22] =	ssyncadd.s32 $0xFFFFC000  }
0x2d: {  	[spmem:s14] =	stream.linear.scatter [tilespmem:s24], [sflag:$0x2], $0x4000, $0x38;
	[tilespmem:$0x1CC00] =	vst v63  }
0x2e: {  	_ =	swait.ge [sflag:s22], $0x4000  }
0x2f: {  	[sflag:s22] =	ssyncset.done $0x0  }
0x30: {  	[sflag:s22] =	ssyncadd.s32 $0xFFFFC000  }
0x31: {  	[spmem:s9] =	stream.linear.scatter [tilespmem:s24], [sflag:$0x2], $0x3C00, $0x38;
	[tilespmem:$0x1CC00] =	vst v63  }
0x32: {  	_ =	swait.ge [sflag:s22], $0x3C00  }
0x33: {  	[sflag:s22] =	ssyncset.done $0x0  }
0x34: {  	[sflag:s22] =	ssyncadd.s32 $0xFFFFC400  }
0x35: {  	s29 =	simm.s32 $0x0;
	[bflag:$0x0] =	sbarrier.arrive $0xFFFF  }
0x36: {  	[tilespmem:s24], [sflag:$0x1] =	stream.indirect.gather [hbm4b:s4+s25], $0x80, s29, s25, $0xb8;
	[tilespmem:$0x1CC00] =	vst v63  }
0x37: {  	_ =	swait.ge [sflag:s26], $0x4000  }
0x38: {  	[sflag:s26] =	ssyncset.done $0x0  }
0x39: {  	s29 =	simm.s32 $0x2800;
	[sflag:s26] =	ssyncadd.s32 $0xFFFFC000  }
0x3a: {  	[spmem:s2] =	stream.indirect.scatter.add.f32 [tilespmem:s24], [sflag:$0x2], $0x80, s29, s25, $0xb8;
	[tilespmem:$0x1CC00] =	vst v63  }
0x3b: {  	_ =	swait.ge [sflag:s22], $0x4000  }
0x3c: {  	s30 =	simm.s32 $0x400;
	s29 =	simm.s32 $0x200;
	[sflag:s22] =	ssyncset.done $0x0  }
.LBB2_2:
0x3d: {  	s31 =	sshra.s32 s29, $0x2  }
0x3e: {  	[sflag:s22] =	ssyncadd.s32 $0xFFFFC000;
	s29 =	smov.u32 s30;
	s1 =	sadd.s32 $0x200, s30  }
0x3f: {  	[tilespmem:s24], [sflag:$0x1] =	stream.indirect.gather [hbm4b:s4+s25], $0x80, s31, s25, $0xb8;
	[tilespmem:$0x1CC00] =	vst v63  }
0x40: {  	p0 =	sne.s32 s30, $0x9C00;
	_ =	swait.ge [sflag:s26], $0x4000  }
.Ltmp0:
0x41: {  	[sflag:s26] =	ssyncset.done $0x0;
	(pc) =	sbr.rel @p0 .LBB2_2-.Ltmp0, $4  }
0x42: {  	s30 =	sadd.s32 $0x2800, s31;
	[sflag:s26] =	ssyncadd.s32 $0xFFFFC000  }
0x43: {  	[spmem:s2] =	stream.indirect.scatter.add.f32 [tilespmem:s24], [sflag:$0x2], $0x80, s30, s25, $0xb8;
	[tilespmem:$0x1CC00] =	vst v63  }
0x44: {  	_ =	swait.ge [sflag:s22], $0x4000  }
0x45: {  	s30 =	smov.u32 s1;
	[sflag:s22] =	ssyncset.done $0x0  }
0x46: {  	s1 =	sshra.s32 s29, $0x2;
	[sflag:s22] =	ssyncadd.s32 $0xFFFFC000  }
0x47: {  	[tilespmem:s24], [sflag:$0x1] =	stream.indirect.gather [hbm4b:s4+s25], $0x80, s1, s25, $0xb8;
	[tilespmem:$0x1CC00] =	vst v63  }
0x48: {  	_ =	swait.ge [sflag:s26], $0x4000  }
0x49: {  	[sflag:s26] =	ssyncset.done $0x0  }
0x4a: {  	s1 =	sadd.s32 $0x2800, s1;
	[sflag:s26] =	ssyncadd.s32 $0xFFFFC000  }
0x4b: {  	[spmem:s2] =	stream.indirect.scatter.add.f32 [tilespmem:s24], [sflag:$0x2], $0x80, s1, s25, $0xb8;
	[tilespmem:$0x1CC00] =	vst v63  }
0x4c: {  	_ =	swait.ge [sflag:s22], $0x4000  }
0x4d: {  	[sflag:s22] =	ssyncset.done $0x0  }
0x4e: {  	[sflag:s22] =	ssyncadd.s32 $0xFFFFC000  }
0x4f: {  	[bflag:$0x0] =	sbarrier.arrive $0xFFFF  }
0x50: {  	[tilespmem:s24], [sflag:$0x2] =	stream.linear.gather [spmem:s8], $0x4000, $0x38;
	[tilespmem:$0x1CC00] =	vst v63  }
0x51: {  	_ =	swait.ge [sflag:s22], $0x4000  }
0x52: {  	[sflag:s22] =	ssyncset.done $0x0  }
0x53: {  	[sflag:s22] =	ssyncadd.s32 $0xFFFFC000  }
0x54: {  	[hbm4b:s15+s3] =	stream.linear.scatter [tilespmem:s24], [sflag:$0x2], $0x4000, $0x38;
	[tilespmem:$0x1CC00] =	vst v63  }
0x55: {  	_ =	swait.ge [sflag:s22], $0x4000  }
0x56: {  	[sflag:s22] =	ssyncset.done $0x0  }
0x57: {  	[sflag:s22] =	ssyncadd.s32 $0xFFFFC000  }
0x58: {  	[tilespmem:s24], [sflag:$0x2] =	stream.linear.gather [spmem:s16], $0x4000, $0x38;
	[tilespmem:$0x1CC00] =	vst v63  }
0x59: {  	_ =	swait.ge [sflag:s22], $0x4000  }
0x5a: {  	[sflag:s22] =	ssyncset.done $0x0  }
0x5b: {  	[sflag:s22] =	ssyncadd.s32 $0xFFFFC000  }
0x5c: {  	[hbm4b:s17+s3] =	stream.linear.scatter [tilespmem:s24], [sflag:$0x2], $0x4000, $0x38;
	[tilespmem:$0x1CC00] =	vst v63  }
0x5d: {  	_ =	swait.ge [sflag:s22], $0x4000  }
0x5e: {  	[sflag:s22] =	ssyncset.done $0x0  }
0x5f: {  	[sflag:s22] =	ssyncadd.s32 $0xFFFFC000  }
0x60: {  	[tilespmem:s24], [sflag:$0x2] =	stream.linear.gather [spmem:s18], $0x4000, $0x38;
	[tilespmem:$0x1CC00] =	vst v63  }
0x61: {  	_ =	swait.ge [sflag:s22], $0x4000  }
0x62: {  	[sflag:s22] =	ssyncset.done $0x0  }
0x63: {  	[sflag:s22] =	ssyncadd.s32 $0xFFFFC000  }
0x64: {  	[hbm4b:s19+s3] =	stream.linear.scatter [tilespmem:s24], [sflag:$0x2], $0x4000, $0x38;
	[tilespmem:$0x1CC00] =	vst v63  }
0x65: {  	_ =	swait.ge [sflag:s22], $0x4000  }
0x66: {  	[sflag:s22] =	ssyncset.done $0x0  }
0x67: {  	[sflag:s22] =	ssyncadd.s32 $0xFFFFC000  }
0x68: {  	[tilespmem:s24], [sflag:$0x2] =	stream.linear.gather [spmem:s20], $0x4000, $0x38;
	[tilespmem:$0x1CC00] =	vst v63  }
0x69: {  	_ =	swait.ge [sflag:s22], $0x4000  }
0x6a: {  	[sflag:s22] =	ssyncset.done $0x0  }
0x6b: {  	[sflag:s22] =	ssyncadd.s32 $0xFFFFC000  }
0x6c: {  	[hbm4b:s21+s3] =	stream.linear.scatter [tilespmem:s24], [sflag:$0x2], $0x4000, $0x38;
	[tilespmem:$0x1CC00] =	vst v63  }
0x6d: {  	_ =	swait.ge [sflag:s22], $0x4000  }
0x6e: {  	[sflag:s22] =	ssyncset.done $0x0  }
0x6f: {  	[sflag:s22] =	ssyncadd.s32 $0xFFFFC000  }
0x70: {  	[tilespmem:s24], [sflag:$0x2] =	stream.linear.gather [spmem:s9], $0x3C00, $0x38;
	[tilespmem:$0x1CC00] =	vst v63  }
0x71: {  	s28 =	sadd.s32 $0x1, s28;
	_ =	swait.ge [sflag:s22], $0x3C00  }
0x72: {  	p0 =	sne.s32 s28, s11;
	[sflag:s22] =	ssyncset.done $0x0  }
.Ltmp1:
0x73: {  	[sflag:s22] =	ssyncadd.s32 $0xFFFFC400;
	(pc) =	sbr.rel @p0 .LBB2_1-.Ltmp1, $4  }
0x74: {  	[hbm4b:s10+s3] =	stream.linear.scatter [tilespmem:s24], [sflag:$0x2], $0x3C00, $0x38;
	[tilespmem:$0x1CC00] =	vst v63  }
0x75: {  	_ =	swait.ge [sflag:s22], $0x3C00  }
0x76: {  	[sflag:s22] =	ssyncset.done $0x0  }
0x77: {  	[sflag:s22] =	ssyncadd.s32 $0xFFFFC400  }
0x78: {  	_ =	sfence.sel $0x180000  }
0x79: {  	[bflag:$0x0] =	sbarrier.arrive $0xFFFF  }
0x7a: {  	_ =	strace $0x90000059  }
0x7b: {  	[bflag:$0x2] =	sbarrier.arrive $0xFFFF  }
0x7c: {  	p0 =	sne.s32 s0, $0x0;
	s0 =	rddreg [dreg:$0x2]  }
0x7d: {  	s0 =	sadd.s32 @!p0 $0x100000, s0  }
0x7e: {  	[sflag:s0] =	ssyncadd.tile.s32 @!p0 $0x1;
	_ =	shalt  }
.Lfunc_end2:
_tile_overlayer_lowered:
.L_overlay_start_2:
0x7f: {  	(tag) =	ssettag $0x2  }
0x80: {  	s0 =	rddreg [dreg:$0x0];
	s2 =	stileid.u32  }
0x81: {  	s1 =	rddreg [dreg:$0x1];
	p0 =	sne.s32 s2, $0x0  }
0x82: {  	s3 =	rddreg [dreg:$0x2];
	[bflag:$0x3] =	sbarrier.arrive $0xFFFF;
	s2 =	simm.s32 @!p0 $0x1C02  }
0x83: {  	[timem:s3], [sflag:s2] =	dma.local @!p0 [hbm:s0], s1  }
0x84: {  	s0 =	simm.s32 @!p0 $0x2  }
0x85: {  	_ =	swait.ge @!p0 [sflag:s0], s1  }
0x86: {  	s1 =	ssub.s32 @!p0 $0x0, s1;
	[sflag:s0] =	ssyncset.done @!p0 $0x0  }
0x87: {  	[sflag:s0] =	ssyncadd.s32 @!p0 s1  }
0x88: {  	[bflag:$0x3] =	sbarrier.arrive $0xFFFF  }
0x89: {  	_ =	shalt  }

</sc_bundles>
